<compile_context>
chip_gen: v7x
topology: tpu7x:2x2x1
jax: 0.10.2.dev20260603
libtpu: 0.0.44.dev20260713+nightly
codegen_flags: <defaults>
</compile_context>

<pallas_src>
import functools

import jax
import jax.numpy as jnp
from jax import lax
from jax.experimental import pallas as pl
from jax.experimental.pallas import tpu as pltpu
from jax.experimental.pallas import tpu_sc as plsc

NC = 2
NS = 16
NW = NC * NS
LANES = 16
K = 32
C = 400
BW = 32768
Q = BW // 4


def _detile_body(x_ref, o_ref):
    x = x_ref[...]
    eye = jnp.eye(K, dtype=jnp.float32)
    parts = [
        lax.dot_general(x[:, m * Q:(m + 1) * Q], eye,
                        (((0,), (0,)), ((), ())),
                        preferred_element_type=jnp.float32)
        for m in range(4)
    ]
    o_ref[...] = jnp.concatenate(parts, axis=1)


def _detile(table):
    tt = table.T
    v = table.shape[0]
    grid = pl.cdiv(v, BW)
    out = pl.pallas_call(
        _detile_body,
        grid=(grid,),
        in_specs=[pl.BlockSpec((K, BW), lambda j: (0, j))],
        out_specs=pl.BlockSpec((Q, 128), lambda j: (j, 0)),
        out_shape=jax.ShapeDtypeStruct((grid * Q, 128), jnp.float32),
    )(tt)
    return out.reshape(grid * BW, K)


_QSHIFT = Q.bit_length() - 1


def _perm(i):
    return (
        jnp.bitwise_and(i, ~jnp.int32(BW - 1))
        | (jnp.bitwise_and(i, Q - 1) << 2)
        | (jnp.bitwise_and(i, BW - 1) >> _QSHIFT)
    )


def _fpmc_body(users_hbm, prev_hbm, items_hbm, bidx_hbm, ue_hbm, ie_hbm,
               pe_hbm, ne_hbm, ib_hbm, out_hbm,
               u_idx, p_idx, i_idx, b_idx, ui_v, ii_v, ip_v, ic_v, ib_v,
               out_v, isem0, isem1, gsem0, gsem1, osem0, osem1, *, n_per_w):
    nchunks = n_per_w // C
    wid = lax.axis_index("s") * NC + lax.axis_index("c")
    wbase = wid * n_per_w
    isems = (isem0, isem1)
    gsems = (gsem0, gsem1)
    osems = (osem0, osem1)

    def idx_copies(cur, slot):
        base = wbase + cur * C
        sem = isems[slot]
        return [
            pltpu.make_async_copy(users_hbm.at[pl.ds(base, C)], u_idx.at[slot], sem),
            pltpu.make_async_copy(prev_hbm.at[pl.ds(base, C)], p_idx.at[slot], sem),
            pltpu.make_async_copy(items_hbm.at[pl.ds(base, C)], i_idx.at[slot], sem),
            pltpu.make_async_copy(bidx_hbm.at[pl.ds(base, C)], b_idx.at[slot], sem),
        ]

    def gather_copies(slot):
        sem = gsems[slot]
        return [
            pltpu.make_async_copy(ue_hbm.at[u_idx.at[slot]], ui_v.at[slot], sem),
            pltpu.make_async_copy(ie_hbm.at[i_idx.at[slot]], ii_v.at[slot], sem),
            pltpu.make_async_copy(pe_hbm.at[p_idx.at[slot]], ip_v.at[slot], sem),
            pltpu.make_async_copy(ne_hbm.at[i_idx.at[slot]], ic_v.at[slot], sem),
            pltpu.make_async_copy(ib_hbm.at[b_idx.at[slot]], ib_v.at[slot], sem),
        ]

    def out_copy(cur, slot):
        base = wbase + cur * C
        return pltpu.make_async_copy(out_v.at[slot], out_hbm.at[pl.ds(base, C)],
                                     osems[slot])

    def compute(slot):
        lane = lax.iota(jnp.int32, LANES)
        uir = ui_v.at[slot]
        iir = ii_v.at[slot]
        ipr = ip_v.at[slot]
        icr = ic_v.at[slot]
        ibr = ib_v.at[slot]
        outr = out_v.at[slot]

        def group(g, carry):
            ri = lane + g * LANES
            acc = ibr[pl.ds(g * LANES, LANES)]
            for k in range(K):
                ck = jnp.bitwise_and(lane + k, K - 1)
                a = plsc.load_gather(uir, [ri, ck])
                b = plsc.load_gather(iir, [ri, ck])
                c = plsc.load_gather(ipr, [ri, ck])
                d = plsc.load_gather(icr, [ri, ck])
                acc = acc + a * b + c * d
            outr[pl.ds(g * LANES, LANES)] = acc
            return carry

        lax.fori_loop(0, C // LANES, group, 0)

    for cp in idx_copies(0, 0):
        cp.start()
    for cp in idx_copies(1, 1):
        cp.start()
    for cp in idx_copies(0, 0):
        cp.wait()
    for cp in gather_copies(0):
        cp.start()

    def chunk_pair(i, carry):
        for s in (0, 1):
            cur = 2 * i + s
            for cp in gather_copies(s):
                cp.wait()

            @pl.when(cur + 2 < nchunks)
            def _():
                for cp in idx_copies(cur + 2, s):
                    cp.start()

            @pl.when(cur + 1 < nchunks)
            def _():
                for cp in idx_copies(cur + 1, 1 - s):
                    cp.wait()
                for cp in gather_copies(1 - s):
                    cp.start()

            @pl.when(cur >= 2)
            def _():
                out_copy(cur - 2, s).wait()

            compute(s)
            out_copy(cur, s).start()
        return carry

    lax.fori_loop(0, nchunks // 2, chunk_pair, 0)
    out_copy(nchunks - 2, 0).wait()
    out_copy(nchunks - 1, 1).wait()


def kernel(users, prev, items, user_embs, item_embs, prev_embs, next_embs,
           item_bias):
    B, L = users.shape
    BL = B * L
    assert BL % (NW * C) == 0
    n_per_w = BL // NW

    ue = _detile(user_embs)
    ie = _detile(item_embs)
    pe = _detile(prev_embs)
    ne = _detile(next_embs)

    grid_kernel = functools.partial(
        pl.kernel,
        out_type=jax.ShapeDtypeStruct((BL,), jnp.float32),
        mesh=plsc.VectorSubcoreMesh(core_axis_name="c", subcore_axis_name="s"),
        scratch_types=[
            pltpu.VMEM((2, C), jnp.int32),
            pltpu.VMEM((2, C), jnp.int32),
            pltpu.VMEM((2, C), jnp.int32),
            pltpu.VMEM((2, C), jnp.int32),
            pltpu.VMEM((2, C, K), jnp.float32),
            pltpu.VMEM((2, C, K), jnp.float32),
            pltpu.VMEM((2, C, K), jnp.float32),
            pltpu.VMEM((2, C, K), jnp.float32),
            pltpu.VMEM((2, C), jnp.float32),
            pltpu.VMEM((2, C), jnp.float32),
            pltpu.SemaphoreType.DMA,
            pltpu.SemaphoreType.DMA,
            pltpu.SemaphoreType.DMA,
            pltpu.SemaphoreType.DMA,
            pltpu.SemaphoreType.DMA,
            pltpu.SemaphoreType.DMA,
        ],
        compiler_params=pltpu.CompilerParams(
            needs_layout_passes=False, use_tc_tiling_on_sc=False),
    )
    fpmc = grid_kernel(functools.partial(_fpmc_body, n_per_w=n_per_w))
    uf = _perm(users.reshape(BL))
    pf = _perm(prev.reshape(BL))
    itf = _perm(items.reshape(BL))
    ibf = jnp.bitwise_and(items.reshape(BL), jnp.int32(0x7FFFFFFF))
    out = fpmc(uf, pf, itf, ibf, ue, ie, pe, ne, item_bias.reshape(-1))
    out2d = out.reshape(B, L)
    return jnp.where(users >= 0, out2d, jnp.float32(0.0))

# --- scband reference (transcript-rebuilt; emitter-appended) ---
"""Pipeline reference for scband-fpmc-74440373175114 (READ-ONLY COPY).

The authoritative reference and input builder live on the scoring server;
editing this copy changes nothing except your own understanding.
"""

import jax, jax.numpy as jnp
import numpy as np

M = 1000000  # num users
N = 1000000  # num items
K = 32       # embedding dim
B = 16384    # batch
L = 50       # history length


def setup_inputs(seed: int = 0) -> dict:
    key = jax.random.key(seed)
    ks = jax.random.split(key, 8)
    # learned parameters (padding_idx=0 rows zeroed, matching torch.nn.Embedding(padding_idx=0))
    user_embs = (jax.random.normal(ks[0], (M + 1, K), dtype=jnp.float32) * 0.02).at[0].set(0.0)
    item_embs = (jax.random.normal(ks[1], (N + 1, K), dtype=jnp.float32) * 0.02).at[0].set(0.0)
    prev_embs = (jax.random.normal(ks[2], (N + 1, K), dtype=jnp.float32) * 0.02).at[0].set(0.0)
    next_embs = (jax.random.normal(ks[3], (N + 1, K), dtype=jnp.float32) * 0.02).at[0].set(0.0)
    item_bias = (jax.random.normal(ks[4], (N + 1, 1), dtype=jnp.float32) * 0.02).at[0].set(0.0)
    # forward args
    users = jax.random.randint(ks[5], (B, L), 0, M).astype(jnp.int32)
    prev = jax.random.randint(ks[6], (B, L), 0, N).astype(jnp.int32)
    items = jax.random.randint(ks[7], (B, L), 0, N).astype(jnp.int32)
    return {
        "users": users,
        "prev": prev,
        "items": items,
        "user_embs": user_embs,
        "item_embs": item_embs,
        "prev_embs": prev_embs,
        "next_embs": next_embs,
        "item_bias": item_bias,
    }


def reference(users, prev, items, user_embs, item_embs, prev_embs, next_embs, item_bias):
    # FPMC.forward
    ui = jnp.take(user_embs, users, axis=0)   # [B, L, K]
    ii = jnp.take(item_embs, items, axis=0)   # [B, L, K]
    ip = jnp.take(prev_embs, prev, axis=0)    # [B, L, K]
    ic = jnp.take(next_embs, items, axis=0)   # [B, L, K]
    ib = jnp.take(item_bias, items, axis=0).squeeze(-1)  # [B, L] (torch .squeeze() on [B,L,1])
    return (ui * ii).sum(-1) + (ip * ic).sum(-1) + ib

if __name__ == "__main__":
    import jax
    _d = setup_inputs()
    print(jax.jit(kernel)(*tuple(_d.values())))

</pallas_src>

<mosaic_0001>
#map = affine_map<(d0, d1) -> (0)>
#map1 = affine_map<(d0, d1) -> (0, 0)>
module attributes {stable_mosaic.version = 14 : i64} {
  func.func @_fpmc_body(%arg0: i32, %arg1: i32, %arg2: memref<819200xi32, #tpu.memory_space<hbm>>, %arg3: memref<819200xi32, #tpu.memory_space<hbm>>, %arg4: memref<819200xi32, #tpu.memory_space<hbm>>, %arg5: memref<819200xi32, #tpu.memory_space<hbm>>, %arg6: memref<1015808x32xf32, #tpu.memory_space<hbm>>, %arg7: memref<1015808x32xf32, #tpu.memory_space<hbm>>, %arg8: memref<1015808x32xf32, #tpu.memory_space<hbm>>, %arg9: memref<1015808x32xf32, #tpu.memory_space<hbm>>, %arg10: memref<1000001xf32, #tpu.memory_space<hbm>>, %arg11: memref<819200xf32, #tpu.memory_space<hbm>>, %arg12: memref<2x400xi32, #tpu.memory_space<vmem>>, %arg13: memref<2x400xi32, #tpu.memory_space<vmem>>, %arg14: memref<2x400xi32, #tpu.memory_space<vmem>>, %arg15: memref<2x400xi32, #tpu.memory_space<vmem>>, %arg16: memref<2x400x32xf32, #tpu.memory_space<vmem>>, %arg17: memref<2x400x32xf32, #tpu.memory_space<vmem>>, %arg18: memref<2x400x32xf32, #tpu.memory_space<vmem>>, %arg19: memref<2x400x32xf32, #tpu.memory_space<vmem>>, %arg20: memref<2x400xf32, #tpu.memory_space<vmem>>, %arg21: memref<2x400xf32, #tpu.memory_space<vmem>>, %arg22: memref<!tpu.dma_semaphore, #tpu.memory_space<semaphore_mem>>, %arg23: memref<!tpu.dma_semaphore, #tpu.memory_space<semaphore_mem>>, %arg24: memref<!tpu.dma_semaphore, #tpu.memory_space<semaphore_mem>>, %arg25: memref<!tpu.dma_semaphore, #tpu.memory_space<semaphore_mem>>, %arg26: memref<!tpu.dma_semaphore, #tpu.memory_space<semaphore_mem>>, %arg27: memref<!tpu.dma_semaphore, #tpu.memory_space<semaphore_mem>>) attributes {dimension_semantics = [#tpu.dimension_semantics<core_parallel>, #tpu.dimension_semantics<subcore_parallel>], iteration_bounds = array<i64: 2, 16>, scalar_prefetch = 0 : i64, scratch_operands = 16 : i64, tpu.core_type = #tpu.core_type<sc_vector_subcore>, window_params = [{transform_indices = #map}, {transform_indices = #map}, {transform_indices = #map}, {transform_indices = #map}, {transform_indices = #map1}, {transform_indices = #map1}, {transform_indices = #map1}, {transform_indices = #map1}, {transform_indices = #map}, {transform_indices = #map}]} {
    %mul3A = arith.constant 2 : i32
    %mul3A_0 = arith.muli %arg1, %mul3A : i32
    %add3A = arith.addi %mul3A_0, %arg0 : i32
    %mul3A_1 = arith.constant 25600 : i32
    %mul3A_2 = arith.muli %add3A, %mul3A_1 : i32
    %add3A_3 = arith.constant 0 : i32
    %add3A_4 = arith.addi %mul3A_2, %add3A_3 : i32
    %dma_start3A = arith.constant 0 : i32
    %dma_start3A_5 = arith.constant 0 : i32
    %dma_start3A_6 = tpu.memref_slice %arg12[%dma_start3A, %dma_start3A_5] : memref<2x400xi32, #tpu.memory_space<vmem>> -> memref<1x400xi32, #tpu.memory_space<vmem>>
    %dma_start3A_7 = tpu.memref_squeeze %dma_start3A_6 : memref<1x400xi32, #tpu.memory_space<vmem>> -> memref<400xi32, #tpu.memory_space<vmem>>
    %dma_start3A_8 = tpu.memref_slice %arg2[%add3A_4] : memref<819200xi32, #tpu.memory_space<hbm>> -> memref<400xi32, #tpu.memory_space<hbm>>
    %dma_start3A_9 = arith.constant 0 : i32
    %dma_start3A_10 = tpu.memref_slice %arg12[%dma_start3A, %dma_start3A_9] : memref<2x400xi32, #tpu.memory_space<vmem>> -> memref<1x400xi32, #tpu.memory_space<vmem>>
    %dma_start3A_11 = tpu.memref_squeeze %dma_start3A_10 : memref<1x400xi32, #tpu.memory_space<vmem>> -> memref<400xi32, #tpu.memory_space<vmem>>
    %dma_start3A_12 = tpu.memref_slice %arg2[%add3A_4] : memref<819200xi32, #tpu.memory_space<hbm>> -> memref<400xi32, #tpu.memory_space<hbm>>
    tpu.enqueue_dma source(%dma_start3A_12 : memref<400xi32, #tpu.memory_space<hbm>>) target(%dma_start3A_11 : memref<400xi32, #tpu.memory_space<vmem>>) target_semaphore(%arg22 : memref<!tpu.dma_semaphore, #tpu.memory_space<semaphore_mem>>)
    %dma_start3A_13 = arith.constant 0 : i32
    %dma_start3A_14 = arith.constant 0 : i32
    %dma_start3A_15 = tpu.memref_slice %arg13[%dma_start3A_13, %dma_start3A_14] : memref<2x400xi32, #tpu.memory_space<vmem>> -> memref<1x400xi32, #tpu.memory_space<vmem>>
    %dma_start3A_16 = tpu.memref_squeeze %dma_start3A_15 : memref<1x400xi32, #tpu.memory_space<vmem>> -> memref<400xi32, #tpu.memory_space<vmem>>
    %dma_start3A_17 = tpu.memref_slice %arg3[%add3A_4] : memref<819200xi32, #tpu.memory_space<hbm>> -> memref<400xi32, #tpu.memory_space<hbm>>
    %dma_start3A_18 = arith.constant 0 : i32
    %dma_start3A_19 = tpu.memref_slice %arg13[%dma_start3A_13, %dma_start3A_18] : memref<2x400xi32, #tpu.memory_space<vmem>> -> memref<1x400xi32, #tpu.memory_space<vmem>>
    %dma_start3A_20 = tpu.memref_squeeze %dma_start3A_19 : memref<1x400xi32, #tpu.memory_space<vmem>> -> memref<400xi32, #tpu.memory_space<vmem>>
    %dma_start3A_21 = tpu.memref_slice %arg3[%add3A_4] : memref<819200xi32, #tpu.memory_space<hbm>> -> memref<400xi32, #tpu.memory_space<hbm>>
    tpu.enqueue_dma source(%dma_start3A_21 : memref<400xi32, #tpu.memory_space<hbm>>) target(%dma_start3A_20 : memref<400xi32, #tpu.memory_space<vmem>>) target_semaphore(%arg22 : memref<!tpu.dma_semaphore, #tpu.memory_space<semaphore_mem>>)
    %dma_start3A_22 = arith.constant 0 : i32
    %dma_start3A_23 = arith.constant 0 : i32
    %dma_start3A_24 = tpu.memref_slice %arg14[%dma_start3A_22, %dma_start3A_23] : memref<2x400xi32, #tpu.memory_space<vmem>> -> memref<1x400xi32, #tpu.memory_space<vmem>>
    %dma_start3A_25 = tpu.memref_squeeze %dma_start3A_24 : memref<1x400xi32, #tpu.memory_space<vmem>> -> memref<400xi32, #tpu.memory_space<vmem>>
    %dma_start3A_26 = tpu.memref_slice %arg4[%add3A_4] : memref<819200xi32, #tpu.memory_space<hbm>> -> memref<400xi32, #tpu.memory_space<hbm>>
    %dma_start3A_27 = arith.constant 0 : i32
    %dma_start3A_28 = tpu.memref_slice %arg14[%dma_start3A_22, %dma_start3A_27] : memref<2x400xi32, #tpu.memory_space<vmem>> -> memref<1x400xi32, #tpu.memory_space<vmem>>
    %dma_start3A_29 = tpu.memref_squeeze %dma_start3A_28 : memref<1x400xi32, #tpu.memory_space<vmem>> -> memref<400xi32, #tpu.memory_space<vmem>>
    %dma_start3A_30 = tpu.memref_slice %arg4[%add3A_4] : memref<819200xi32, #tpu.memory_space<hbm>> -> memref<400xi32, #tpu.memory_space<hbm>>
    tpu.enqueue_dma source(%dma_start3A_30 : memref<400xi32, #tpu.memory_space<hbm>>) target(%dma_start3A_29 : memref<400xi32, #tpu.memory_space<vmem>>) target_semaphore(%arg22 : memref<!tpu.dma_semaphore, #tpu.memory_space<semaphore_mem>>)
    %dma_start3A_31 = arith.constant 0 : i32
    %dma_start3A_32 = arith.constant 0 : i32
    %dma_start3A_33 = tpu.memref_slice %arg15[%dma_start3A_31, %dma_start3A_32] : memref<2x400xi32, #tpu.memory_space<vmem>> -> memref<1x400xi32, #tpu.memory_space<vmem>>
    %dma_start3A_34 = tpu.memref_squeeze %dma_start3A_33 : memref<1x400xi32, #tpu.memory_space<vmem>> -> memref<400xi32, #tpu.memory_space<vmem>>
    %dma_start3A_35 = tpu.memref_slice %arg5[%add3A_4] : memref<819200xi32, #tpu.memory_space<hbm>> -> memref<400xi32, #tpu.memory_space<hbm>>
    %dma_start3A_36 = arith.constant 0 : i32
    %dma_start3A_37 = tpu.memref_slice %arg15[%dma_start3A_31, %dma_start3A_36] : memref<2x400xi32, #tpu.memory_space<vmem>> -> memref<1x400xi32, #tpu.memory_space<vmem>>
    %dma_start3A_38 = tpu.memref_squeeze %dma_start3A_37 : memref<1x400xi32, #tpu.memory_space<vmem>> -> memref<400xi32, #tpu.memory_space<vmem>>
    %dma_start3A_39 = tpu.memref_slice %arg5[%add3A_4] : memref<819200xi32, #tpu.memory_space<hbm>> -> memref<400xi32, #tpu.memory_space<hbm>>
    tpu.enqueue_dma source(%dma_start3A_39 : memref<400xi32, #tpu.memory_space<hbm>>) target(%dma_start3A_38 : memref<400xi32, #tpu.memory_space<vmem>>) target_semaphore(%arg22 : memref<!tpu.dma_semaphore, #tpu.memory_space<semaphore_mem>>)
    %add3A_40 = arith.constant 400 : i32
    %add3A_41 = arith.addi %mul3A_2, %add3A_40 : i32
    %dma_start3A_42 = arith.constant 1 : i32
    %dma_start3A_43 = arith.constant 0 : i32
    %dma_start3A_44 = tpu.memref_slice %arg12[%dma_start3A_42, %dma_start3A_43] : memref<2x400xi32, #tpu.memory_space<vmem>> -> memref<1x400xi32, #tpu.memory_space<vmem>>
    %dma_start3A_45 = tpu.memref_squeeze %dma_start3A_44 : memref<1x400xi32, #tpu.memory_space<vmem>> -> memref<400xi32, #tpu.memory_space<vmem>>
    %dma_start3A_46 = tpu.memref_slice %arg2[%add3A_41] : memref<819200xi32, #tpu.memory_space<hbm>> -> memref<400xi32, #tpu.memory_space<hbm>>
    %dma_start3A_47 = arith.constant 0 : i32
    %dma_start3A_48 = tpu.memref_slice %arg12[%dma_start3A_42, %dma_start3A_47] : memref<2x400xi32, #tpu.memory_space<vmem>> -> memref<1x400xi32, #tpu.memory_space<vmem>>
    %dma_start3A_49 = tpu.memref_squeeze %dma_start3A_48 : memref<1x400xi32, #tpu.memory_space<vmem>> -> memref<400xi32, #tpu.memory_space<vmem>>
    %dma_start3A_50 = tpu.memref_slice %arg2[%add3A_41] : memref<819200xi32, #tpu.memory_space<hbm>> -> memref<400xi32, #tpu.memory_space<hbm>>
    tpu.enqueue_dma source(%dma_start3A_50 : memref<400xi32, #tpu.memory_space<hbm>>) target(%dma_start3A_49 : memref<400xi32, #tpu.memory_space<vmem>>) target_semaphore(%arg23 : memref<!tpu.dma_semaphore, #tpu.memory_space<semaphore_mem>>)
    %dma_start3A_51 = arith.constant 1 : i32
    %dma_start3A_52 = arith.constant 0 : i32
    %dma_start3A_53 = tpu.memref_slice %arg13[%dma_start3A_51, %dma_start3A_52] : memref<2x400xi32, #tpu.memory_space<vmem>> -> memref<1x400xi32, #tpu.memory_space<vmem>>
    %dma_start3A_54 = tpu.memref_squeeze %dma_start3A_53 : memref<1x400xi32, #tpu.memory_space<vmem>> -> memref<400xi32, #tpu.memory_space<vmem>>
    %dma_start3A_55 = tpu.memref_slice %arg3[%add3A_41] : memref<819200xi32, #tpu.memory_space<hbm>> -> memref<400xi32, #tpu.memory_space<hbm>>
    %dma_start3A_56 = arith.constant 0 : i32
    %dma_start3A_57 = tpu.memref_slice %arg13[%dma_start3A_51, %dma_start3A_56] : memref<2x400xi32, #tpu.memory_space<vmem>> -> memref<1x400xi32, #tpu.memory_space<vmem>>
    %dma_start3A_58 = tpu.memref_squeeze %dma_start3A_57 : memref<1x400xi32, #tpu.memory_space<vmem>> -> memref<400xi32, #tpu.memory_space<vmem>>
    %dma_start3A_59 = tpu.memref_slice %arg3[%add3A_41] : memref<819200xi32, #tpu.memory_space<hbm>> -> memref<400xi32, #tpu.memory_space<hbm>>
    tpu.enqueue_dma source(%dma_start3A_59 : memref<400xi32, #tpu.memory_space<hbm>>) target(%dma_start3A_58 : memref<400xi32, #tpu.memory_space<vmem>>) target_semaphore(%arg23 : memref<!tpu.dma_semaphore, #tpu.memory_space<semaphore_mem>>)
    %dma_start3A_60 = arith.constant 1 : i32
    %dma_start3A_61 = arith.constant 0 : i32
    %dma_start3A_62 = tpu.memref_slice %arg14[%dma_start3A_60, %dma_start3A_61] : memref<2x400xi32, #tpu.memory_space<vmem>> -> memref<1x400xi32, #tpu.memory_space<vmem>>
    %dma_start3A_63 = tpu.memref_squeeze %dma_start3A_62 : memref<1x400xi32, #tpu.memory_space<vmem>> -> memref<400xi32, #tpu.memory_space<vmem>>
    %dma_start3A_64 = tpu.memref_slice %arg4[%add3A_41] : memref<819200xi32, #tpu.memory_space<hbm>> -> memref<400xi32, #tpu.memory_space<hbm>>
    %dma_start3A_65 = arith.constant 0 : i32
    %dma_start3A_66 = tpu.memref_slice %arg14[%dma_start3A_60, %dma_start3A_65] : memref<2x400xi32, #tpu.memory_space<vmem>> -> memref<1x400xi32, #tpu.memory_space<vmem>>
    %dma_start3A_67 = tpu.memref_squeeze %dma_start3A_66 : memref<1x400xi32, #tpu.memory_space<vmem>> -> memref<400xi32, #tpu.memory_space<vmem>>
    %dma_start3A_68 = tpu.memref_slice %arg4[%add3A_41] : memref<819200xi32, #tpu.memory_space<hbm>> -> memref<400xi32, #tpu.memory_space<hbm>>
    tpu.enqueue_dma source(%dma_start3A_68 : memref<400xi32, #tpu.memory_space<hbm>>) target(%dma_start3A_67 : memref<400xi32, #tpu.memory_space<vmem>>) target_semaphore(%arg23 : memref<!tpu.dma_semaphore, #tpu.memory_space<semaphore_mem>>)
    %dma_start3A_69 = arith.constant 1 : i32
    %dma_start3A_70 = arith.constant 0 : i32
    %dma_start3A_71 = tpu.memref_slice %arg15[%dma_start3A_69, %dma_start3A_70] : memref<2x400xi32, #tpu.memory_space<vmem>> -> memref<1x400xi32, #tpu.memory_space<vmem>>
    %dma_start3A_72 = tpu.memref_squeeze %dma_start3A_71 : memref<1x400xi32, #tpu.memory_space<vmem>> -> memref<400xi32, #tpu.memory_space<vmem>>
    %dma_start3A_73 = tpu.memref_slice %arg5[%add3A_41] : memref<819200xi32, #tpu.memory_space<hbm>> -> memref<400xi32, #tpu.memory_space<hbm>>
    %dma_start3A_74 = arith.constant 0 : i32
    %dma_start3A_75 = tpu.memref_slice %arg15[%dma_start3A_69, %dma_start3A_74] : memref<2x400xi32, #tpu.memory_space<vmem>> -> memref<1x400xi32, #tpu.memory_space<vmem>>
    %dma_start3A_76 = tpu.memref_squeeze %dma_start3A_75 : memref<1x400xi32, #tpu.memory_space<vmem>> -> memref<400xi32, #tpu.memory_space<vmem>>
    %dma_start3A_77 = tpu.memref_slice %arg5[%add3A_41] : memref<819200xi32, #tpu.memory_space<hbm>> -> memref<400xi32, #tpu.memory_space<hbm>>
    tpu.enqueue_dma source(%dma_start3A_77 : memref<400xi32, #tpu.memory_space<hbm>>) target(%dma_start3A_76 : memref<400xi32, #tpu.memory_space<vmem>>) target_semaphore(%arg23 : memref<!tpu.dma_semaphore, #tpu.memory_space<semaphore_mem>>)
    %add3A_78 = arith.constant 0 : i32
    %add3A_79 = arith.addi %mul3A_2, %add3A_78 : i32
    %dma_wait3A = arith.constant 0 : i32
    %dma_wait3A_80 = arith.constant 0 : i32
    %dma_wait3A_81 = tpu.memref_slice %arg12[%dma_wait3A, %dma_wait3A_80] : memref<2x400xi32, #tpu.memory_space<vmem>> -> memref<1x400xi32, #tpu.memory_space<vmem>>
    %dma_wait3A_82 = tpu.memref_squeeze %dma_wait3A_81 : memref<1x400xi32, #tpu.memory_space<vmem>> -> memref<400xi32, #tpu.memory_space<vmem>>
    %dma_wait3A_83 = tpu.memref_slice %arg2[%add3A_79] : memref<819200xi32, #tpu.memory_space<hbm>> -> memref<400xi32, #tpu.memory_space<hbm>>
    %dma_wait3A_84 = arith.constant 0 : i32
    %dma_wait3A_85 = tpu.memref_slice %arg12[%dma_wait3A, %dma_wait3A_84] : memref<2x400xi32, #tpu.memory_space<vmem>> -> memref<1x400xi32, #tpu.memory_space<vmem>>
    %dma_wait3A_86 = tpu.memref_squeeze %dma_wait3A_85 : memref<1x400xi32, #tpu.memory_space<vmem>> -> memref<400xi32, #tpu.memory_space<vmem>>
    %dma_wait3A_87 = tpu.memref_slice %arg2[%add3A_79] : memref<819200xi32, #tpu.memory_space<hbm>> -> memref<400xi32, #tpu.memory_space<hbm>>
    tpu.wait_dma2 semaphore(%arg22 : memref<!tpu.dma_semaphore, #tpu.memory_space<semaphore_mem>>) src(%dma_wait3A_87 : memref<400xi32, #tpu.memory_space<hbm>>) dst(%dma_wait3A_86 : memref<400xi32, #tpu.memory_space<vmem>>)
    %dma_wait3A_88 = arith.constant 0 : i32
    %dma_wait3A_89 = arith.constant 0 : i32
    %dma_wait3A_90 = tpu.memref_slice %arg13[%dma_wait3A_88, %dma_wait3A_89] : memref<2x400xi32, #tpu.memory_space<vmem>> -> memref<1x400xi32, #tpu.memory_space<vmem>>
    %dma_wait3A_91 = tpu.memref_squeeze %dma_wait3A_90 : memref<1x400xi32, #tpu.memory_space<vmem>> -> memref<400xi32, #tpu.memory_space<vmem>>
    %dma_wait3A_92 = tpu.memref_slice %arg3[%add3A_79] : memref<819200xi32, #tpu.memory_space<hbm>> -> memref<400xi32, #tpu.memory_space<hbm>>
    %dma_wait3A_93 = arith.constant 0 : i32
    %dma_wait3A_94 = tpu.memref_slice %arg13[%dma_wait3A_88, %dma_wait3A_93] : memref<2x400xi32, #tpu.memory_space<vmem>> -> memref<1x400xi32, #tpu.memory_space<vmem>>
    %dma_wait3A_95 = tpu.memref_squeeze %dma_wait3A_94 : memref<1x400xi32, #tpu.memory_space<vmem>> -> memref<400xi32, #tpu.memory_space<vmem>>
    %dma_wait3A_96 = tpu.memref_slice %arg3[%add3A_79] : memref<819200xi32, #tpu.memory_space<hbm>> -> memref<400xi32, #tpu.memory_space<hbm>>
    tpu.wait_dma2 semaphore(%arg22 : memref<!tpu.dma_semaphore, #tpu.memory_space<semaphore_mem>>) src(%dma_wait3A_96 : memref<400xi32, #tpu.memory_space<hbm>>) dst(%dma_wait3A_95 : memref<400xi32, #tpu.memory_space<vmem>>)
    %dma_wait3A_97 = arith.constant 0 : i32
    %dma_wait3A_98 = arith.constant 0 : i32
    %dma_wait3A_99 = tpu.memref_slice %arg14[%dma_wait3A_97, %dma_wait3A_98] : memref<2x400xi32, #tpu.memory_space<vmem>> -> memref<1x400xi32, #tpu.memory_space<vmem>>
    %dma_wait3A_100 = tpu.memref_squeeze %dma_wait3A_99 : memref<1x400xi32, #tpu.memory_space<vmem>> -> memref<400xi32, #tpu.memory_space<vmem>>
    %dma_wait3A_101 = tpu.memref_slice %arg4[%add3A_79] : memref<819200xi32, #tpu.memory_space<hbm>> -> memref<400xi32, #tpu.memory_space<hbm>>
    %dma_wait3A_102 = arith.constant 0 : i32
    %dma_wait3A_103 = tpu.memref_slice %arg14[%dma_wait3A_97, %dma_wait3A_102] : memref<2x400xi32, #tpu.memory_space<vmem>> -> memref<1x400xi32, #tpu.memory_space<vmem>>
    %dma_wait3A_104 = tpu.memref_squeeze %dma_wait3A_103 : memref<1x400xi32, #tpu.memory_space<vmem>> -> memref<400xi32, #tpu.memory_space<vmem>>
    %dma_wait3A_105 = tpu.memref_slice %arg4[%add3A_79] : memref<819200xi32, #tpu.memory_space<hbm>> -> memref<400xi32, #tpu.memory_space<hbm>>
    tpu.wait_dma2 semaphore(%arg22 : memref<!tpu.dma_semaphore, #tpu.memory_space<semaphore_mem>>) src(%dma_wait3A_105 : memref<400xi32, #tpu.memory_space<hbm>>) dst(%dma_wait3A_104 : memref<400xi32, #tpu.memory_space<vmem>>)
    %dma_wait3A_106 = arith.constant 0 : i32
    %dma_wait3A_107 = arith.constant 0 : i32
    %dma_wait3A_108 = tpu.memref_slice %arg15[%dma_wait3A_106, %dma_wait3A_107] : memref<2x400xi32, #tpu.memory_space<vmem>> -> memref<1x400xi32, #tpu.memory_space<vmem>>
    %dma_wait3A_109 = tpu.memref_squeeze %dma_wait3A_108 : memref<1x400xi32, #tpu.memory_space<vmem>> -> memref<400xi32, #tpu.memory_space<vmem>>
    %dma_wait3A_110 = tpu.memref_slice %arg5[%add3A_79] : memref<819200xi32, #tpu.memory_space<hbm>> -> memref<400xi32, #tpu.memory_space<hbm>>
    %dma_wait3A_111 = arith.constant 0 : i32
    %dma_wait3A_112 = tpu.memref_slice %arg15[%dma_wait3A_106, %dma_wait3A_111] : memref<2x400xi32, #tpu.memory_space<vmem>> -> memref<1x400xi32, #tpu.memory_space<vmem>>
    %dma_wait3A_113 = tpu.memref_squeeze %dma_wait3A_112 : memref<1x400xi32, #tpu.memory_space<vmem>> -> memref<400xi32, #tpu.memory_space<vmem>>
    %dma_wait3A_114 = tpu.memref_slice %arg5[%add3A_79] : memref<819200xi32, #tpu.memory_space<hbm>> -> memref<400xi32, #tpu.memory_space<hbm>>
    tpu.wait_dma2 semaphore(%arg22 : memref<!tpu.dma_semaphore, #tpu.memory_space<semaphore_mem>>) src(%dma_wait3A_114 : memref<400xi32, #tpu.memory_space<hbm>>) dst(%dma_wait3A_113 : memref<400xi32, #tpu.memory_space<vmem>>)
    %dma_start3A_115 = arith.constant 0 : i32
    %dma_start3A_116 = arith.constant 0 : i32
    %dma_start3A_117 = arith.constant 0 : i32
    %dma_start3A_118 = arith.constant 0 : i32
    %dma_start3A_119 = tpu.memref_slice %arg16[%dma_start3A_116, %dma_start3A_117, %dma_start3A_118] : memref<2x400x32xf32, #tpu.memory_space<vmem>> -> memref<1x400x32xf32, #tpu.memory_space<vmem>>
    %dma_start3A_120 = tpu.memref_squeeze %dma_start3A_119 : memref<1x400x32xf32, #tpu.memory_space<vmem>> -> memref<400x32xf32, #tpu.memory_space<vmem>>
    %dma_start3A_121 = arith.constant 0 : i32
    %dma_start3A_122 = tpu.memref_slice %arg12[%dma_start3A_115, %dma_start3A_121] : memref<2x400xi32, #tpu.memory_space<vmem>> -> memref<1x400xi32, #tpu.memory_space<vmem>>
    %dma_start3A_123 = tpu.memref_squeeze %dma_start3A_122 : memref<1x400xi32, #tpu.memory_space<vmem>> -> memref<400xi32, #tpu.memory_space<vmem>>
    %dma_start3A_124 = arith.constant 0 : i32
    %dma_start3A_125 = arith.constant 0 : i32
    %dma_start3A_126 = tpu.memref_slice %arg6[%dma_start3A_124, %dma_start3A_125] : memref<1015808x32xf32, #tpu.memory_space<hbm>> -> memref<1015808x32xf32, #tpu.memory_space<hbm>>
    tpu.enqueue_indirect_dma source(%dma_start3A_126 : memref<1015808x32xf32, #tpu.memory_space<hbm>>) target(%dma_start3A_120 : memref<400x32xf32, #tpu.memory_space<vmem>>) offsets(%dma_start3A_123 : memref<400xi32, #tpu.memory_space<vmem>>) semaphore(%arg24 : memref<!tpu.dma_semaphore, #tpu.memory_space<semaphore_mem>>)
    %dma_start3A_127 = arith.constant 0 : i32
    %dma_start3A_128 = arith.constant 0 : i32
    %dma_start3A_129 = arith.constant 0 : i32
    %dma_start3A_130 = arith.constant 0 : i32
    %dma_start3A_131 = tpu.memref_slice %arg17[%dma_start3A_128, %dma_start3A_129, %dma_start3A_130] : memref<2x400x32xf32, #tpu.memory_space<vmem>> -> memref<1x400x32xf32, #tpu.memory_space<vmem>>
    %dma_start3A_132 = tpu.memref_squeeze %dma_start3A_131 : memref<1x400x32xf32, #tpu.memory_space<vmem>> -> memref<400x32xf32, #tpu.memory_space<vmem>>
    %dma_start3A_133 = arith.constant 0 : i32
    %dma_start3A_134 = tpu.memref_slice %arg14[%dma_start3A_127, %dma_start3A_133] : memref<2x400xi32, #tpu.memory_space<vmem>> -> memref<1x400xi32, #tpu.memory_space<vmem>>
    %dma_start3A_135 = tpu.memref_squeeze %dma_start3A_134 : memref<1x400xi32, #tpu.memory_space<vmem>> -> memref<400xi32, #tpu.memory_space<vmem>>
    %dma_start3A_136 = arith.constant 0 : i32
    %dma_start3A_137 = arith.constant 0 : i32
    %dma_start3A_138 = tpu.memref_slice %arg7[%dma_start3A_136, %dma_start3A_137] : memref<1015808x32xf32, #tpu.memory_space<hbm>> -> memref<1015808x32xf32, #tpu.memory_space<hbm>>
    tpu.enqueue_indirect_dma source(%dma_start3A_138 : memref<1015808x32xf32, #tpu.memory_space<hbm>>) target(%dma_start3A_132 : memref<400x32xf32, #tpu.memory_space<vmem>>) offsets(%dma_start3A_135 : memref<400xi32, #tpu.memory_space<vmem>>) semaphore(%arg24 : memref<!tpu.dma_semaphore, #tpu.memory_space<semaphore_mem>>)
    %dma_start3A_139 = arith.constant 0 : i32
    %dma_start3A_140 = arith.constant 0 : i32
    %dma_start3A_141 = arith.constant 0 : i32
    %dma_start3A_142 = arith.constant 0 : i32
    %dma_start3A_143 = tpu.memref_slice %arg18[%dma_start3A_140, %dma_start3A_141, %dma_start3A_142] : memref<2x400x32xf32, #tpu.memory_space<vmem>> -> memref<1x400x32xf32, #tpu.memory_space<vmem>>
    %dma_start3A_144 = tpu.memref_squeeze %dma_start3A_143 : memref<1x400x32xf32, #tpu.memory_space<vmem>> -> memref<400x32xf32, #tpu.memory_space<vmem>>
    %dma_start3A_145 = arith.constant 0 : i32
    %dma_start3A_146 = tpu.memref_slice %arg13[%dma_start3A_139, %dma_start3A_145] : memref<2x400xi32, #tpu.memory_space<vmem>> -> memref<1x400xi32, #tpu.memory_space<vmem>>
    %dma_start3A_147 = tpu.memref_squeeze %dma_start3A_146 : memref<1x400xi32, #tpu.memory_space<vmem>> -> memref<400xi32, #tpu.memory_space<vmem>>
    %dma_start3A_148 = arith.constant 0 : i32
    %dma_start3A_149 = arith.constant 0 : i32
    %dma_start3A_150 = tpu.memref_slice %arg8[%dma_start3A_148, %dma_start3A_149] : memref<1015808x32xf32, #tpu.memory_space<hbm>> -> memref<1015808x32xf32, #tpu.memory_space<hbm>>
    tpu.enqueue_indirect_dma source(%dma_start3A_150 : memref<1015808x32xf32, #tpu.memory_space<hbm>>) target(%dma_start3A_144 : memref<400x32xf32, #tpu.memory_space<vmem>>) offsets(%dma_start3A_147 : memref<400xi32, #tpu.memory_space<vmem>>) semaphore(%arg24 : memref<!tpu.dma_semaphore, #tpu.memory_space<semaphore_mem>>)
    %dma_start3A_151 = arith.constant 0 : i32
    %dma_start3A_152 = arith.constant 0 : i32
    %dma_start3A_153 = arith.constant 0 : i32
    %dma_start3A_154 = arith.constant 0 : i32
    %dma_start3A_155 = tpu.memref_slice %arg19[%dma_start3A_152, %dma_start3A_153, %dma_start3A_154] : memref<2x400x32xf32, #tpu.memory_space<vmem>> -> memref<1x400x32xf32, #tpu.memory_space<vmem>>
    %dma_start3A_156 = tpu.memref_squeeze %dma_start3A_155 : memref<1x400x32xf32, #tpu.memory_space<vmem>> -> memref<400x32xf32, #tpu.memory_space<vmem>>
    %dma_start3A_157 = arith.constant 0 : i32
    %dma_start3A_158 = tpu.memref_slice %arg14[%dma_start3A_151, %dma_start3A_157] : memref<2x400xi32, #tpu.memory_space<vmem>> -> memref<1x400xi32, #tpu.memory_space<vmem>>
    %dma_start3A_159 = tpu.memref_squeeze %dma_start3A_158 : memref<1x400xi32, #tpu.memory_space<vmem>> -> memref<400xi32, #tpu.memory_space<vmem>>
    %dma_start3A_160 = arith.constant 0 : i32
    %dma_start3A_161 = arith.constant 0 : i32
    %dma_start3A_162 = tpu.memref_slice %arg9[%dma_start3A_160, %dma_start3A_161] : memref<1015808x32xf32, #tpu.memory_space<hbm>> -> memref<1015808x32xf32, #tpu.memory_space<hbm>>
    tpu.enqueue_indirect_dma source(%dma_start3A_162 : memref<1015808x32xf32, #tpu.memory_space<hbm>>) target(%dma_start3A_156 : memref<400x32xf32, #tpu.memory_space<vmem>>) offsets(%dma_start3A_159 : memref<400xi32, #tpu.memory_space<vmem>>) semaphore(%arg24 : memref<!tpu.dma_semaphore, #tpu.memory_space<semaphore_mem>>)
    %dma_start3A_163 = arith.constant 0 : i32
    %dma_start3A_164 = arith.constant 0 : i32
    %dma_start3A_165 = arith.constant 0 : i32
    %dma_start3A_166 = tpu.memref_slice %arg20[%dma_start3A_164, %dma_start3A_165] : memref<2x400xf32, #tpu.memory_space<vmem>> -> memref<1x400xf32, #tpu.memory_space<vmem>>
    %dma_start3A_167 = tpu.memref_squeeze %dma_start3A_166 : memref<1x400xf32, #tpu.memory_space<vmem>> -> memref<400xf32, #tpu.memory_space<vmem>>
    %dma_start3A_168 = arith.constant 0 : i32
    %dma_start3A_169 = tpu.memref_slice %arg15[%dma_start3A_163, %dma_start3A_168] : memref<2x400xi32, #tpu.memory_space<vmem>> -> memref<1x400xi32, #tpu.memory_space<vmem>>
    %dma_start3A_170 = tpu.memref_squeeze %dma_start3A_169 : memref<1x400xi32, #tpu.memory_space<vmem>> -> memref<400xi32, #tpu.memory_space<vmem>>
    %dma_start3A_171 = arith.constant 0 : i32
    %dma_start3A_172 = tpu.memref_slice %arg10[%dma_start3A_171] : memref<1000001xf32, #tpu.memory_space<hbm>> -> memref<1000001xf32, #tpu.memory_space<hbm>>
    tpu.enqueue_indirect_dma source(%dma_start3A_172 : memref<1000001xf32, #tpu.memory_space<hbm>>) target(%dma_start3A_167 : memref<400xf32, #tpu.memory_space<vmem>>) offsets(%dma_start3A_170 : memref<400xi32, #tpu.memory_space<vmem>>) semaphore(%arg24 : memref<!tpu.dma_semaphore, #tpu.memory_space<semaphore_mem>>)
    %scan3A = arith.constant 0 : i32
    %scan3A_173 = arith.constant 0 : i32
    %scan3A_174 = arith.constant 32 : i32
    %scan3A_175 = arith.addi %scan3A_173, %scan3A_174 : i32
    %scan3A_176 = arith.constant 1 : i32
    scf.for %scan3A_200 = %scan3A_173 to %scan3A_175 step %scan3A_176  : i32 {
      %mul3A_201 = arith.constant 2 : i32
      %mul3A_202 = arith.muli %mul3A_201, %scan3A_200 : i32
      %add3A_203 = arith.constant 0 : i32
      %add3A_204 = arith.addi %mul3A_202, %add3A_203 : i32
      %dma_wait3A_205 = arith.constant 0 : i32
      %dma_wait3A_206 = arith.constant 0 : i32
      %dma_wait3A_207 = arith.constant 0 : i32
      %dma_wait3A_208 = arith.constant 0 : i32
      %dma_wait3A_209 = tpu.memref_slice %arg16[%dma_wait3A_206, %dma_wait3A_207, %dma_wait3A_208] : memref<2x400x32xf32, #tpu.memory_space<vmem>> -> memref<1x400x32xf32, #tpu.memory_space<vmem>>
      %dma_wait3A_210 = tpu.memref_squeeze %dma_wait3A_209 : memref<1x400x32xf32, #tpu.memory_space<vmem>> -> memref<400x32xf32, #tpu.memory_space<vmem>>
      %dma_wait3A_211 = arith.constant 0 : i32
      %dma_wait3A_212 = tpu.memref_slice %arg12[%dma_wait3A_205, %dma_wait3A_211] : memref<2x400xi32, #tpu.memory_space<vmem>> -> memref<1x400xi32, #tpu.memory_space<vmem>>
      %dma_wait3A_213 = tpu.memref_squeeze %dma_wait3A_212 : memref<1x400xi32, #tpu.memory_space<vmem>> -> memref<400xi32, #tpu.memory_space<vmem>>
      %dma_wait3A_214 = arith.constant 0 : i32
      %dma_wait3A_215 = arith.constant 0 : i32
      %dma_wait3A_216 = tpu.memref_slice %arg6[%dma_wait3A_214, %dma_wait3A_215] : memref<1015808x32xf32, #tpu.memory_space<hbm>> -> memref<1015808x32xf32, #tpu.memory_space<hbm>>
      tpu.wait_indirect_dma semaphore(%arg24 : memref<!tpu.dma_semaphore, #tpu.memory_space<semaphore_mem>>) src(%dma_wait3A_216 : memref<1015808x32xf32, #tpu.memory_space<hbm>>) dst(%dma_wait3A_210 : memref<400x32xf32, #tpu.memory_space<vmem>>)
      %dma_wait3A_217 = arith.constant 0 : i32
      %dma_wait3A_218 = arith.constant 0 : i32
      %dma_wait3A_219 = arith.constant 0 : i32
      %dma_wait3A_220 = arith.constant 0 : i32
      %dma_wait3A_221 = tpu.memref_slice %arg17[%dma_wait3A_218, %dma_wait3A_219, %dma_wait3A_220] : memref<2x400x32xf32, #tpu.memory_space<vmem>> -> memref<1x400x32xf32, #tpu.memory_space<vmem>>
      %dma_wait3A_222 = tpu.memref_squeeze %dma_wait3A_221 : memref<1x400x32xf32, #tpu.memory_space<vmem>> -> memref<400x32xf32, #tpu.memory_space<vmem>>
      %dma_wait3A_223 = arith.constant 0 : i32
      %dma_wait3A_224 = tpu.memref_slice %arg14[%dma_wait3A_217, %dma_wait3A_223] : memref<2x400xi32, #tpu.memory_space<vmem>> -> memref<1x400xi32, #tpu.memory_space<vmem>>
      %dma_wait3A_225 = tpu.memref_squeeze %dma_wait3A_224 : memref<1x400xi32, #tpu.memory_space<vmem>> -> memref<400xi32, #tpu.memory_space<vmem>>
      %dma_wait3A_226 = arith.constant 0 : i32
      %dma_wait3A_227 = arith.constant 0 : i32
      %dma_wait3A_228 = tpu.memref_slice %arg7[%dma_wait3A_226, %dma_wait3A_227] : memref<1015808x32xf32, #tpu.memory_space<hbm>> -> memref<1015808x32xf32, #tpu.memory_space<hbm>>
      tpu.wait_indirect_dma semaphore(%arg24 : memref<!tpu.dma_semaphore, #tpu.memory_space<semaphore_mem>>) src(%dma_wait3A_228 : memref<1015808x32xf32, #tpu.memory_space<hbm>>) dst(%dma_wait3A_222 : memref<400x32xf32, #tpu.memory_space<vmem>>)
      %dma_wait3A_229 = arith.constant 0 : i32
      %dma_wait3A_230 = arith.constant 0 : i32
      %dma_wait3A_231 = arith.constant 0 : i32
      %dma_wait3A_232 = arith.constant 0 : i32
      %dma_wait3A_233 = tpu.memref_slice %arg18[%dma_wait3A_230, %dma_wait3A_231, %dma_wait3A_232] : memref<2x400x32xf32, #tpu.memory_space<vmem>> -> memref<1x400x32xf32, #tpu.memory_space<vmem>>
      %dma_wait3A_234 = tpu.memref_squeeze %dma_wait3A_233 : memref<1x400x32xf32, #tpu.memory_space<vmem>> -> memref<400x32xf32, #tpu.memory_space<vmem>>
      %dma_wait3A_235 = arith.constant 0 : i32
      %dma_wait3A_236 = tpu.memref_slice %arg13[%dma_wait3A_229, %dma_wait3A_235] : memref<2x400xi32, #tpu.memory_space<vmem>> -> memref<1x400xi32, #tpu.memory_space<vmem>>
      %dma_wait3A_237 = tpu.memref_squeeze %dma_wait3A_236 : memref<1x400xi32, #tpu.memory_space<vmem>> -> memref<400xi32, #tpu.memory_space<vmem>>
      %dma_wait3A_238 = arith.constant 0 : i32
      %dma_wait3A_239 = arith.constant 0 : i32
      %dma_wait3A_240 = tpu.memref_slice %arg8[%dma_wait3A_238, %dma_wait3A_239] : memref<1015808x32xf32, #tpu.memory_space<hbm>> -> memref<1015808x32xf32, #tpu.memory_space<hbm>>
      tpu.wait_indirect_dma semaphore(%arg24 : memref<!tpu.dma_semaphore, #tpu.memory_space<semaphore_mem>>) src(%dma_wait3A_240 : memref<1015808x32xf32, #tpu.memory_space<hbm>>) dst(%dma_wait3A_234 : memref<400x32xf32, #tpu.memory_space<vmem>>)
      %dma_wait3A_241 = arith.constant 0 : i32
      %dma_wait3A_242 = arith.constant 0 : i32
      %dma_wait3A_243 = arith.constant 0 : i32
      %dma_wait3A_244 = arith.constant 0 : i32
      %dma_wait3A_245 = tpu.memref_slice %arg19[%dma_wait3A_242, %dma_wait3A_243, %dma_wait3A_244] : memref<2x400x32xf32, #tpu.memory_space<vmem>> -> memref<1x400x32xf32, #tpu.memory_space<vmem>>
      %dma_wait3A_246 = tpu.memref_squeeze %dma_wait3A_245 : memref<1x400x32xf32, #tpu.memory_space<vmem>> -> memref<400x32xf32, #tpu.memory_space<vmem>>
      %dma_wait3A_247 = arith.constant 0 : i32
      %dma_wait3A_248 = tpu.memref_slice %arg14[%dma_wait3A_241, %dma_wait3A_247] : memref<2x400xi32, #tpu.memory_space<vmem>> -> memref<1x400xi32, #tpu.memory_space<vmem>>
      %dma_wait3A_249 = tpu.memref_squeeze %dma_wait3A_248 : memref<1x400xi32, #tpu.memory_space<vmem>> -> memref<400xi32, #tpu.memory_space<vmem>>
      %dma_wait3A_250 = arith.constant 0 : i32
      %dma_wait3A_251 = arith.constant 0 : i32
      %dma_wait3A_252 = tpu.memref_slice %arg9[%dma_wait3A_250, %dma_wait3A_251] : memref<1015808x32xf32, #tpu.memory_space<hbm>> -> memref<1015808x32xf32, #tpu.memory_space<hbm>>
      tpu.wait_indirect_dma semaphore(%arg24 : memref<!tpu.dma_semaphore, #tpu.memory_space<semaphore_mem>>) src(%dma_wait3A_252 : memref<1015808x32xf32, #tpu.memory_space<hbm>>) dst(%dma_wait3A_246 : memref<400x32xf32, #tpu.memory_space<vmem>>)
      %dma_wait3A_253 = arith.constant 0 : i32
      %dma_wait3A_254 = arith.constant 0 : i32
      %dma_wait3A_255 = arith.constant 0 : i32
      %dma_wait3A_256 = tpu.memref_slice %arg20[%dma_wait3A_254, %dma_wait3A_255] : memref<2x400xf32, #tpu.memory_space<vmem>> -> memref<1x400xf32, #tpu.memory_space<vmem>>
      %dma_wait3A_257 = tpu.memref_squeeze %dma_wait3A_256 : memref<1x400xf32, #tpu.memory_space<vmem>> -> memref<400xf32, #tpu.memory_space<vmem>>
      %dma_wait3A_258 = arith.constant 0 : i32
      %dma_wait3A_259 = tpu.memref_slice %arg15[%dma_wait3A_253, %dma_wait3A_258] : memref<2x400xi32, #tpu.memory_space<vmem>> -> memref<1x400xi32, #tpu.memory_space<vmem>>
      %dma_wait3A_260 = tpu.memref_squeeze %dma_wait3A_259 : memref<1x400xi32, #tpu.memory_space<vmem>> -> memref<400xi32, #tpu.memory_space<vmem>>
      %dma_wait3A_261 = arith.constant 0 : i32
      %dma_wait3A_262 = tpu.memref_slice %arg10[%dma_wait3A_261] : memref<1000001xf32, #tpu.memory_space<hbm>> -> memref<1000001xf32, #tpu.memory_space<hbm>>
      tpu.wait_indirect_dma semaphore(%arg24 : memref<!tpu.dma_semaphore, #tpu.memory_space<semaphore_mem>>) src(%dma_wait3A_262 : memref<1000001xf32, #tpu.memory_space<hbm>>) dst(%dma_wait3A_257 : memref<400xf32, #tpu.memory_space<vmem>>)
      %add3A_263 = arith.constant 2 : i32
      %add3A_264 = arith.addi %add3A_204, %add3A_263 : i32
      %lt3A = arith.constant 64 : i32
      %lt3A_265 = arith.cmpi slt, %add3A_264, %lt3A : i32
      %convert_element_type3A = arith.extui %lt3A_265 : i1 to i32
      %cond3A = arith.constant 0 : i32
      %cond3A_266 = arith.cmpi ne, %convert_element_type3A, %cond3A : i32
      scf.if %cond3A_266 {
        %add3A_408 = arith.constant 2 : i32
        %add3A_409 = arith.addi %add3A_204, %add3A_408 : i32
        %mul3A_410 = arith.constant 400 : i32
        %mul3A_411 = arith.muli %add3A_409, %mul3A_410 : i32
        %add3A_412 = arith.addi %mul3A_2, %mul3A_411 : i32
        %dma_start3A_413 = arith.constant 0 : i32
        %dma_start3A_414 = arith.constant 0 : i32
        %dma_start3A_415 = tpu.memref_slice %arg12[%dma_start3A_413, %dma_start3A_414] : memref<2x400xi32, #tpu.memory_space<vmem>> -> memref<1x400xi32, #tpu.memory_space<vmem>>
        %dma_start3A_416 = tpu.memref_squeeze %dma_start3A_415 : memref<1x400xi32, #tpu.memory_space<vmem>> -> memref<400xi32, #tpu.memory_space<vmem>>
        %dma_start3A_417 = tpu.memref_slice %arg2[%add3A_412] : memref<819200xi32, #tpu.memory_space<hbm>> -> memref<400xi32, #tpu.memory_space<hbm>>
        %dma_start3A_418 = arith.constant 0 : i32
        %dma_start3A_419 = tpu.memref_slice %arg12[%dma_start3A_413, %dma_start3A_418] : memref<2x400xi32, #tpu.memory_space<vmem>> -> memref<1x400xi32, #tpu.memory_space<vmem>>
        %dma_start3A_420 = tpu.memref_squeeze %dma_start3A_419 : memref<1x400xi32, #tpu.memory_space<vmem>> -> memref<400xi32, #tpu.memory_space<vmem>>
        %dma_start3A_421 = tpu.memref_slice %arg2[%add3A_412] : memref<819200xi32, #tpu.memory_space<hbm>> -> memref<400xi32, #tpu.memory_space<hbm>>
        tpu.enqueue_dma source(%dma_start3A_421 : memref<400xi32, #tpu.memory_space<hbm>>) target(%dma_start3A_420 : memref<400xi32, #tpu.memory_space<vmem>>) target_semaphore(%arg22 : memref<!tpu.dma_semaphore, #tpu.memory_space<semaphore_mem>>)
        %dma_start3A_422 = arith.constant 0 : i32
        %dma_start3A_423 = arith.constant 0 : i32
        %dma_start3A_424 = tpu.memref_slice %arg13[%dma_start3A_422, %dma_start3A_423] : memref<2x400xi32, #tpu.memory_space<vmem>> -> memref<1x400xi32, #tpu.memory_space<vmem>>
        %dma_start3A_425 = tpu.memref_squeeze %dma_start3A_424 : memref<1x400xi32, #tpu.memory_space<vmem>> -> memref<400xi32, #tpu.memory_space<vmem>>
        %dma_start3A_426 = tpu.memref_slice %arg3[%add3A_412] : memref<819200xi32, #tpu.memory_space<hbm>> -> memref<400xi32, #tpu.memory_space<hbm>>
        %dma_start3A_427 = arith.constant 0 : i32
        %dma_start3A_428 = tpu.memref_slice %arg13[%dma_start3A_422, %dma_start3A_427] : memref<2x400xi32, #tpu.memory_space<vmem>> -> memref<1x400xi32, #tpu.memory_space<vmem>>
        %dma_start3A_429 = tpu.memref_squeeze %dma_start3A_428 : memref<1x400xi32, #tpu.memory_space<vmem>> -> memref<400xi32, #tpu.memory_space<vmem>>
        %dma_start3A_430 = tpu.memref_slice %arg3[%add3A_412] : memref<819200xi32, #tpu.memory_space<hbm>> -> memref<400xi32, #tpu.memory_space<hbm>>
        tpu.enqueue_dma source(%dma_start3A_430 : memref<400xi32, #tpu.memory_space<hbm>>) target(%dma_start3A_429 : memref<400xi32, #tpu.memory_space<vmem>>) target_semaphore(%arg22 : memref<!tpu.dma_semaphore, #tpu.memory_space<semaphore_mem>>)
        %dma_start3A_431 = arith.constant 0 : i32
        %dma_start3A_432 = arith.constant 0 : i32
        %dma_start3A_433 = tpu.memref_slice %arg14[%dma_start3A_431, %dma_start3A_432] : memref<2x400xi32, #tpu.memory_space<vmem>> -> memref<1x400xi32, #tpu.memory_space<vmem>>
        %dma_start3A_434 = tpu.memref_squeeze %dma_start3A_433 : memref<1x400xi32, #tpu.memory_space<vmem>> -> memref<400xi32, #tpu.memory_space<vmem>>
        %dma_start3A_435 = tpu.memref_slice %arg4[%add3A_412] : memref<819200xi32, #tpu.memory_space<hbm>> -> memref<400xi32, #tpu.memory_space<hbm>>
        %dma_start3A_436 = arith.constant 0 : i32
        %dma_start3A_437 = tpu.memref_slice %arg14[%dma_start3A_431, %dma_start3A_436] : memref<2x400xi32, #tpu.memory_space<vmem>> -> memref<1x400xi32, #tpu.memory_space<vmem>>
        %dma_start3A_438 = tpu.memref_squeeze %dma_start3A_437 : memref<1x400xi32, #tpu.memory_space<vmem>> -> memref<400xi32, #tpu.memory_space<vmem>>
        %dma_start3A_439 = tpu.memref_slice %arg4[%add3A_412] : memref<819200xi32, #tpu.memory_space<hbm>> -> memref<400xi32, #tpu.memory_space<hbm>>
        tpu.enqueue_dma source(%dma_start3A_439 : memref<400xi32, #tpu.memory_space<hbm>>) target(%dma_start3A_438 : memref<400xi32, #tpu.memory_space<vmem>>) target_semaphore(%arg22 : memref<!tpu.dma_semaphore, #tpu.memory_space<semaphore_mem>>)
        %dma_start3A_440 = arith.constant 0 : i32
        %dma_start3A_441 = arith.constant 0 : i32
        %dma_start3A_442 = tpu.memref_slice %arg15[%dma_start3A_440, %dma_start3A_441] : memref<2x400xi32, #tpu.memory_space<vmem>> -> memref<1x400xi32, #tpu.memory_space<vmem>>
        %dma_start3A_443 = tpu.memref_squeeze %dma_start3A_442 : memref<1x400xi32, #tpu.memory_space<vmem>> -> memref<400xi32, #tpu.memory_space<vmem>>
        %dma_start3A_444 = tpu.memref_slice %arg5[%add3A_412] : memref<819200xi32, #tpu.memory_space<hbm>> -> memref<400xi32, #tpu.memory_space<hbm>>
        %dma_start3A_445 = arith.constant 0 : i32
        %dma_start3A_446 = tpu.memref_slice %arg15[%dma_start3A_440, %dma_start3A_445] : memref<2x400xi32, #tpu.memory_space<vmem>> -> memref<1x400xi32, #tpu.memory_space<vmem>>
        %dma_start3A_447 = tpu.memref_squeeze %dma_start3A_446 : memref<1x400xi32, #tpu.memory_space<vmem>> -> memref<400xi32, #tpu.memory_space<vmem>>
        %dma_start3A_448 = tpu.memref_slice %arg5[%add3A_412] : memref<819200xi32, #tpu.memory_space<hbm>> -> memref<400xi32, #tpu.memory_space<hbm>>
        tpu.enqueue_dma source(%dma_start3A_448 : memref<400xi32, #tpu.memory_space<hbm>>) target(%dma_start3A_447 : memref<400xi32, #tpu.memory_space<vmem>>) target_semaphore(%arg22 : memref<!tpu.dma_semaphore, #tpu.memory_space<semaphore_mem>>)
      } else {
      }
      %add3A_267 = arith.constant 1 : i32
      %add3A_268 = arith.addi %add3A_204, %add3A_267 : i32
      %lt3A_269 = arith.constant 64 : i32
      %lt3A_270 = arith.cmpi slt, %add3A_268, %lt3A_269 : i32
      %convert_element_type3A_271 = arith.extui %lt3A_270 : i1 to i32
      %cond3A_272 = arith.constant 0 : i32
      %cond3A_273 = arith.cmpi ne, %convert_element_type3A_271, %cond3A_272 : i32
      scf.if %cond3A_273 {
        %add3A_408 = arith.constant 1 : i32
        %add3A_409 = arith.addi %add3A_204, %add3A_408 : i32
        %mul3A_410 = arith.constant 400 : i32
        %mul3A_411 = arith.muli %add3A_409, %mul3A_410 : i32
        %add3A_412 = arith.addi %mul3A_2, %mul3A_411 : i32
        %dma_wait3A_413 = arith.constant 1 : i32
        %dma_wait3A_414 = arith.constant 0 : i32
        %dma_wait3A_415 = tpu.memref_slice %arg12[%dma_wait3A_413, %dma_wait3A_414] : memref<2x400xi32, #tpu.memory_space<vmem>> -> memref<1x400xi32, #tpu.memory_space<vmem>>
        %dma_wait3A_416 = tpu.memref_squeeze %dma_wait3A_415 : memref<1x400xi32, #tpu.memory_space<vmem>> -> memref<400xi32, #tpu.memory_space<vmem>>
        %dma_wait3A_417 = tpu.memref_slice %arg2[%add3A_412] : memref<819200xi32, #tpu.memory_space<hbm>> -> memref<400xi32, #tpu.memory_space<hbm>>
        %dma_wait3A_418 = arith.constant 0 : i32
        %dma_wait3A_419 = tpu.memref_slice %arg12[%dma_wait3A_413, %dma_wait3A_418] : memref<2x400xi32, #tpu.memory_space<vmem>> -> memref<1x400xi32, #tpu.memory_space<vmem>>
        %dma_wait3A_420 = tpu.memref_squeeze %dma_wait3A_419 : memref<1x400xi32, #tpu.memory_space<vmem>> -> memref<400xi32, #tpu.memory_space<vmem>>
        %dma_wait3A_421 = tpu.memref_slice %arg2[%add3A_412] : memref<819200xi32, #tpu.memory_space<hbm>> -> memref<400xi32, #tpu.memory_space<hbm>>
        tpu.wait_dma2 semaphore(%arg23 : memref<!tpu.dma_semaphore, #tpu.memory_space<semaphore_mem>>) src(%dma_wait3A_421 : memref<400xi32, #tpu.memory_space<hbm>>) dst(%dma_wait3A_420 : memref<400xi32, #tpu.memory_space<vmem>>)
        %dma_wait3A_422 = arith.constant 1 : i32
        %dma_wait3A_423 = arith.constant 0 : i32
        %dma_wait3A_424 = tpu.memref_slice %arg13[%dma_wait3A_422, %dma_wait3A_423] : memref<2x400xi32, #tpu.memory_space<vmem>> -> memref<1x400xi32, #tpu.memory_space<vmem>>
        %dma_wait3A_425 = tpu.memref_squeeze %dma_wait3A_424 : memref<1x400xi32, #tpu.memory_space<vmem>> -> memref<400xi32, #tpu.memory_space<vmem>>
        %dma_wait3A_426 = tpu.memref_slice %arg3[%add3A_412] : memref<819200xi32, #tpu.memory_space<hbm>> -> memref<400xi32, #tpu.memory_space<hbm>>
        %dma_wait3A_427 = arith.constant 0 : i32
        %dma_wait3A_428 = tpu.memref_slice %arg13[%dma_wait3A_422, %dma_wait3A_427] : memref<2x400xi32, #tpu.memory_space<vmem>> -> memref<1x400xi32, #tpu.memory_space<vmem>>
        %dma_wait3A_429 = tpu.memref_squeeze %dma_wait3A_428 : memref<1x400xi32, #tpu.memory_space<vmem>> -> memref<400xi32, #tpu.memory_space<vmem>>
        %dma_wait3A_430 = tpu.memref_slice %arg3[%add3A_412] : memref<819200xi32, #tpu.memory_space<hbm>> -> memref<400xi32, #tpu.memory_space<hbm>>
        tpu.wait_dma2 semaphore(%arg23 : memref<!tpu.dma_semaphore, #tpu.memory_space<semaphore_mem>>) src(%dma_wait3A_430 : memref<400xi32, #tpu.memory_space<hbm>>) dst(%dma_wait3A_429 : memref<400xi32, #tpu.memory_space<vmem>>)
        %dma_wait3A_431 = arith.constant 1 : i32
        %dma_wait3A_432 = arith.constant 0 : i32
        %dma_wait3A_433 = tpu.memref_slice %arg14[%dma_wait3A_431, %dma_wait3A_432] : memref<2x400xi32, #tpu.memory_space<vmem>> -> memref<1x400xi32, #tpu.memory_space<vmem>>
        %dma_wait3A_434 = tpu.memref_squeeze %dma_wait3A_433 : memref<1x400xi32, #tpu.memory_space<vmem>> -> memref<400xi32, #tpu.memory_space<vmem>>
        %dma_wait3A_435 = tpu.memref_slice %arg4[%add3A_412] : memref<819200xi32, #tpu.memory_space<hbm>> -> memref<400xi32, #tpu.memory_space<hbm>>
        %dma_wait3A_436 = arith.constant 0 : i32
        %dma_wait3A_437 = tpu.memref_slice %arg14[%dma_wait3A_431, %dma_wait3A_436] : memref<2x400xi32, #tpu.memory_space<vmem>> -> memref<1x400xi32, #tpu.memory_space<vmem>>
        %dma_wait3A_438 = tpu.memref_squeeze %dma_wait3A_437 : memref<1x400xi32, #tpu.memory_space<vmem>> -> memref<400xi32, #tpu.memory_space<vmem>>
        %dma_wait3A_439 = tpu.memref_slice %arg4[%add3A_412] : memref<819200xi32, #tpu.memory_space<hbm>> -> memref<400xi32, #tpu.memory_space<hbm>>
        tpu.wait_dma2 semaphore(%arg23 : memref<!tpu.dma_semaphore, #tpu.memory_space<semaphore_mem>>) src(%dma_wait3A_439 : memref<400xi32, #tpu.memory_space<hbm>>) dst(%dma_wait3A_438 : memref<400xi32, #tpu.memory_space<vmem>>)
        %dma_wait3A_440 = arith.constant 1 : i32
        %dma_wait3A_441 = arith.constant 0 : i32
        %dma_wait3A_442 = tpu.memref_slice %arg15[%dma_wait3A_440, %dma_wait3A_441] : memref<2x400xi32, #tpu.memory_space<vmem>> -> memref<1x400xi32, #tpu.memory_space<vmem>>
        %dma_wait3A_443 = tpu.memref_squeeze %dma_wait3A_442 : memref<1x400xi32, #tpu.memory_space<vmem>> -> memref<400xi32, #tpu.memory_space<vmem>>
        %dma_wait3A_444 = tpu.memref_slice %arg5[%add3A_412] : memref<819200xi32, #tpu.memory_space<hbm>> -> memref<400xi32, #tpu.memory_space<hbm>>
        %dma_wait3A_445 = arith.constant 0 : i32
        %dma_wait3A_446 = tpu.memref_slice %arg15[%dma_wait3A_440, %dma_wait3A_445] : memref<2x400xi32, #tpu.memory_space<vmem>> -> memref<1x400xi32, #tpu.memory_space<vmem>>
        %dma_wait3A_447 = tpu.memref_squeeze %dma_wait3A_446 : memref<1x400xi32, #tpu.memory_space<vmem>> -> memref<400xi32, #tpu.memory_space<vmem>>
        %dma_wait3A_448 = tpu.memref_slice %arg5[%add3A_412] : memref<819200xi32, #tpu.memory_space<hbm>> -> memref<400xi32, #tpu.memory_space<hbm>>
        tpu.wait_dma2 semaphore(%arg23 : memref<!tpu.dma_semaphore, #tpu.memory_space<semaphore_mem>>) src(%dma_wait3A_448 : memref<400xi32, #tpu.memory_space<hbm>>) dst(%dma_wait3A_447 : memref<400xi32, #tpu.memory_space<vmem>>)
        %dma_start3A_449 = arith.constant 1 : i32
        %dma_start3A_450 = arith.constant 1 : i32
        %dma_start3A_451 = arith.constant 0 : i32
        %dma_start3A_452 = arith.constant 0 : i32
        %dma_start3A_453 = tpu.memref_slice %arg16[%dma_start3A_450, %dma_start3A_451, %dma_start3A_452] : memref<2x400x32xf32, #tpu.memory_space<vmem>> -> memref<1x400x32xf32, #tpu.memory_space<vmem>>
        %dma_start3A_454 = tpu.memref_squeeze %dma_start3A_453 : memref<1x400x32xf32, #tpu.memory_space<vmem>> -> memref<400x32xf32, #tpu.memory_space<vmem>>
        %dma_start3A_455 = arith.constant 0 : i32
        %dma_start3A_456 = tpu.memref_slice %arg12[%dma_start3A_449, %dma_start3A_455] : memref<2x400xi32, #tpu.memory_space<vmem>> -> memref<1x400xi32, #tpu.memory_space<vmem>>
        %dma_start3A_457 = tpu.memref_squeeze %dma_start3A_456 : memref<1x400xi32, #tpu.memory_space<vmem>> -> memref<400xi32, #tpu.memory_space<vmem>>
        %dma_start3A_458 = arith.constant 0 : i32
        %dma_start3A_459 = arith.constant 0 : i32
        %dma_start3A_460 = tpu.memref_slice %arg6[%dma_start3A_458, %dma_start3A_459] : memref<1015808x32xf32, #tpu.memory_space<hbm>> -> memref<1015808x32xf32, #tpu.memory_space<hbm>>
        tpu.enqueue_indirect_dma source(%dma_start3A_460 : memref<1015808x32xf32, #tpu.memory_space<hbm>>) target(%dma_start3A_454 : memref<400x32xf32, #tpu.memory_space<vmem>>) offsets(%dma_start3A_457 : memref<400xi32, #tpu.memory_space<vmem>>) semaphore(%arg25 : memref<!tpu.dma_semaphore, #tpu.memory_space<semaphore_mem>>)
        %dma_start3A_461 = arith.constant 1 : i32
        %dma_start3A_462 = arith.constant 1 : i32
        %dma_start3A_463 = arith.constant 0 : i32
        %dma_start3A_464 = arith.constant 0 : i32
        %dma_start3A_465 = tpu.memref_slice %arg17[%dma_start3A_462, %dma_start3A_463, %dma_start3A_464] : memref<2x400x32xf32, #tpu.memory_space<vmem>> -> memref<1x400x32xf32, #tpu.memory_space<vmem>>
        %dma_start3A_466 = tpu.memref_squeeze %dma_start3A_465 : memref<1x400x32xf32, #tpu.memory_space<vmem>> -> memref<400x32xf32, #tpu.memory_space<vmem>>
        %dma_start3A_467 = arith.constant 0 : i32
        %dma_start3A_468 = tpu.memref_slice %arg14[%dma_start3A_461, %dma_start3A_467] : memref<2x400xi32, #tpu.memory_space<vmem>> -> memref<1x400xi32, #tpu.memory_space<vmem>>
        %dma_start3A_469 = tpu.memref_squeeze %dma_start3A_468 : memref<1x400xi32, #tpu.memory_space<vmem>> -> memref<400xi32, #tpu.memory_space<vmem>>
        %dma_start3A_470 = arith.constant 0 : i32
        %dma_start3A_471 = arith.constant 0 : i32
        %dma_start3A_472 = tpu.memref_slice %arg7[%dma_start3A_470, %dma_start3A_471] : memref<1015808x32xf32, #tpu.memory_space<hbm>> -> memref<1015808x32xf32, #tpu.memory_space<hbm>>
        tpu.enqueue_indirect_dma source(%dma_start3A_472 : memref<1015808x32xf32, #tpu.memory_space<hbm>>) target(%dma_start3A_466 : memref<400x32xf32, #tpu.memory_space<vmem>>) offsets(%dma_start3A_469 : memref<400xi32, #tpu.memory_space<vmem>>) semaphore(%arg25 : memref<!tpu.dma_semaphore, #tpu.memory_space<semaphore_mem>>)
        %dma_start3A_473 = arith.constant 1 : i32
        %dma_start3A_474 = arith.constant 1 : i32
        %dma_start3A_475 = arith.constant 0 : i32
        %dma_start3A_476 = arith.constant 0 : i32
        %dma_start3A_477 = tpu.memref_slice %arg18[%dma_start3A_474, %dma_start3A_475, %dma_start3A_476] : memref<2x400x32xf32, #tpu.memory_space<vmem>> -> memref<1x400x32xf32, #tpu.memory_space<vmem>>
        %dma_start3A_478 = tpu.memref_squeeze %dma_start3A_477 : memref<1x400x32xf32, #tpu.memory_space<vmem>> -> memref<400x32xf32, #tpu.memory_space<vmem>>
        %dma_start3A_479 = arith.constant 0 : i32
        %dma_start3A_480 = tpu.memref_slice %arg13[%dma_start3A_473, %dma_start3A_479] : memref<2x400xi32, #tpu.memory_space<vmem>> -> memref<1x400xi32, #tpu.memory_space<vmem>>
        %dma_start3A_481 = tpu.memref_squeeze %dma_start3A_480 : memref<1x400xi32, #tpu.memory_space<vmem>> -> memref<400xi32, #tpu.memory_space<vmem>>
        %dma_start3A_482 = arith.constant 0 : i32
        %dma_start3A_483 = arith.constant 0 : i32
        %dma_start3A_484 = tpu.memref_slice %arg8[%dma_start3A_482, %dma_start3A_483] : memref<1015808x32xf32, #tpu.memory_space<hbm>> -> memref<1015808x32xf32, #tpu.memory_space<hbm>>
        tpu.enqueue_indirect_dma source(%dma_start3A_484 : memref<1015808x32xf32, #tpu.memory_space<hbm>>) target(%dma_start3A_478 : memref<400x32xf32, #tpu.memory_space<vmem>>) offsets(%dma_start3A_481 : memref<400xi32, #tpu.memory_space<vmem>>) semaphore(%arg25 : memref<!tpu.dma_semaphore, #tpu.memory_space<semaphore_mem>>)
        %dma_start3A_485 = arith.constant 1 : i32
        %dma_start3A_486 = arith.constant 1 : i32
        %dma_start3A_487 = arith.constant 0 : i32
        %dma_start3A_488 = arith.constant 0 : i32
        %dma_start3A_489 = tpu.memref_slice %arg19[%dma_start3A_486, %dma_start3A_487, %dma_start3A_488] : memref<2x400x32xf32, #tpu.memory_space<vmem>> -> memref<1x400x32xf32, #tpu.memory_space<vmem>>
        %dma_start3A_490 = tpu.memref_squeeze %dma_start3A_489 : memref<1x400x32xf32, #tpu.memory_space<vmem>> -> memref<400x32xf32, #tpu.memory_space<vmem>>
        %dma_start3A_491 = arith.constant 0 : i32
        %dma_start3A_492 = tpu.memref_slice %arg14[%dma_start3A_485, %dma_start3A_491] : memref<2x400xi32, #tpu.memory_space<vmem>> -> memref<1x400xi32, #tpu.memory_space<vmem>>
        %dma_start3A_493 = tpu.memref_squeeze %dma_start3A_492 : memref<1x400xi32, #tpu.memory_space<vmem>> -> memref<400xi32, #tpu.memory_space<vmem>>
        %dma_start3A_494 = arith.constant 0 : i32
        %dma_start3A_495 = arith.constant 0 : i32
        %dma_start3A_496 = tpu.memref_slice %arg9[%dma_start3A_494, %dma_start3A_495] : memref<1015808x32xf32, #tpu.memory_space<hbm>> -> memref<1015808x32xf32, #tpu.memory_space<hbm>>
        tpu.enqueue_indirect_dma source(%dma_start3A_496 : memref<1015808x32xf32, #tpu.memory_space<hbm>>) target(%dma_start3A_490 : memref<400x32xf32, #tpu.memory_space<vmem>>) offsets(%dma_start3A_493 : memref<400xi32, #tpu.memory_space<vmem>>) semaphore(%arg25 : memref<!tpu.dma_semaphore, #tpu.memory_space<semaphore_mem>>)
        %dma_start3A_497 = arith.constant 1 : i32
        %dma_start3A_498 = arith.constant 1 : i32
        %dma_start3A_499 = arith.constant 0 : i32
        %dma_start3A_500 = tpu.memref_slice %arg20[%dma_start3A_498, %dma_start3A_499] : memref<2x400xf32, #tpu.memory_space<vmem>> -> memref<1x400xf32, #tpu.memory_space<vmem>>
        %dma_start3A_501 = tpu.memref_squeeze %dma_start3A_500 : memref<1x400xf32, #tpu.memory_space<vmem>> -> memref<400xf32, #tpu.memory_space<vmem>>
        %dma_start3A_502 = arith.constant 0 : i32
        %dma_start3A_503 = tpu.memref_slice %arg15[%dma_start3A_497, %dma_start3A_502] : memref<2x400xi32, #tpu.memory_space<vmem>> -> memref<1x400xi32, #tpu.memory_space<vmem>>
        %dma_start3A_504 = tpu.memref_squeeze %dma_start3A_503 : memref<1x400xi32, #tpu.memory_space<vmem>> -> memref<400xi32, #tpu.memory_space<vmem>>
        %dma_start3A_505 = arith.constant 0 : i32
        %dma_start3A_506 = tpu.memref_slice %arg10[%dma_start3A_505] : memref<1000001xf32, #tpu.memory_space<hbm>> -> memref<1000001xf32, #tpu.memory_space<hbm>>
        tpu.enqueue_indirect_dma source(%dma_start3A_506 : memref<1000001xf32, #tpu.memory_space<hbm>>) target(%dma_start3A_501 : memref<400xf32, #tpu.memory_space<vmem>>) offsets(%dma_start3A_504 : memref<400xi32, #tpu.memory_space<vmem>>) semaphore(%arg25 : memref<!tpu.dma_semaphore, #tpu.memory_space<semaphore_mem>>)
      } else {
      }
      %ge3A = arith.constant 2 : i32
      %ge3A_274 = arith.cmpi sge, %add3A_204, %ge3A : i32
      %convert_element_type3A_275 = arith.extui %ge3A_274 : i1 to i32
      %cond3A_276 = arith.constant 0 : i32
      %cond3A_277 = arith.cmpi ne, %convert_element_type3A_275, %cond3A_276 : i32
      scf.if %cond3A_277 {
        %sub3A = arith.constant 2 : i32
        %sub3A_408 = arith.subi %add3A_204, %sub3A : i32
        %mul3A_409 = arith.constant 400 : i32
        %mul3A_410 = arith.muli %sub3A_408, %mul3A_409 : i32
        %add3A_411 = arith.addi %mul3A_2, %mul3A_410 : i32
        %dma_wait3A_412 = arith.constant 0 : i32
        %dma_wait3A_413 = arith.constant 0 : i32
        %dma_wait3A_414 = tpu.memref_slice %arg21[%dma_wait3A_412, %dma_wait3A_413] : memref<2x400xf32, #tpu.memory_space<vmem>> -> memref<1x400xf32, #tpu.memory_space<vmem>>
        %dma_wait3A_415 = tpu.memref_squeeze %dma_wait3A_414 : memref<1x400xf32, #tpu.memory_space<vmem>> -> memref<400xf32, #tpu.memory_space<vmem>>
        %dma_wait3A_416 = tpu.memref_slice %arg11[%add3A_411] : memref<819200xf32, #tpu.memory_space<hbm>> -> memref<400xf32, #tpu.memory_space<hbm>>
        %dma_wait3A_417 = tpu.memref_slice %arg11[%add3A_411] : memref<819200xf32, #tpu.memory_space<hbm>> -> memref<400xf32, #tpu.memory_space<hbm>>
        %dma_wait3A_418 = arith.constant 0 : i32
        %dma_wait3A_419 = tpu.memref_slice %arg21[%dma_wait3A_412, %dma_wait3A_418] : memref<2x400xf32, #tpu.memory_space<vmem>> -> memref<1x400xf32, #tpu.memory_space<vmem>>
        %dma_wait3A_420 = tpu.memref_squeeze %dma_wait3A_419 : memref<1x400xf32, #tpu.memory_space<vmem>> -> memref<400xf32, #tpu.memory_space<vmem>>
        tpu.wait_dma2 semaphore(%arg26 : memref<!tpu.dma_semaphore, #tpu.memory_space<semaphore_mem>>) src(%dma_wait3A_420 : memref<400xf32, #tpu.memory_space<vmem>>) dst(%dma_wait3A_417 : memref<400xf32, #tpu.memory_space<hbm>>)
      } else {
      }
      %iota3A = tpu.iota {dimensions = array<i32: 0>} : vector<16xi32>
      %scan3A_278 = arith.constant 0 : i32
      %scan3A_279 = arith.constant 0 : i32
      %scan3A_280 = arith.constant 0 : i32
      %scan3A_281 = arith.constant 0 : i32
      %scan3A_282 = arith.constant 0 : i32
      %scan3A_283 = arith.constant 0 : i32
      %scan3A_284 = arith.constant 0 : i32
      %scan3A_285 = arith.constant 0 : i32
      %scan3A_286 = arith.constant 25 : i32
      %scan3A_287 = arith.addi %scan3A_285, %scan3A_286 : i32
      %scan3A_288 = arith.constant 1 : i32
      scf.for %scan3A_408 = %scan3A_285 to %scan3A_287 step %scan3A_288  : i32 {
        %mul3A_409 = arith.constant 16 : i32
        %mul3A_410 = arith.muli %scan3A_408, %mul3A_409 : i32
        %add3A_411 = vector.broadcast %mul3A_410 : i32 to vector<16xi32>
        %add3A_412 = arith.addi %iota3A, %add3A_411 : vector<16xi32>
        %mul3A_413 = arith.constant 16 : i32
        %mul3A_414 = arith.muli %scan3A_408, %mul3A_413 : i32
        %get3A = arith.constant 0 : i32
        %get3A_415 = tpu.memref_slice %arg20[%scan3A_279, %get3A] : memref<2x400xf32, #tpu.memory_space<vmem>> -> memref<1x400xf32, #tpu.memory_space<vmem>>
        %get3A_416 = tpu.memref_squeeze %get3A_415 : memref<1x400xf32, #tpu.memory_space<vmem>> -> memref<400xf32, #tpu.memory_space<vmem>>
        %get3A_417 = arith.index_cast %mul3A_414 : i32 to index
        %get3A_418 = tpu.vector_load %get3A_416[%get3A_417] {strides = array<i32>} : memref<400xf32, #tpu.memory_space<vmem>>, vector<16xf32>,
        %add3A_419 = arith.constant 0 : i32
        %add3A_420 = vector.broadcast %add3A_419 : i32 to vector<16xi32>
        %add3A_421 = arith.addi %iota3A, %add3A_420 : vector<16xi32>
        %and3A = arith.constant 31 : i32
        %and3A_422 = vector.broadcast %and3A : i32 to vector<16xi32>
        %and3A_423 = arith.andi %add3A_421, %and3A_422 : vector<16xi32>
        %gather3A = arith.constant 0 : i32
        %gather3A_424 = arith.constant 0 : i32
        %gather3A_425 = tpu.memref_slice %arg16[%scan3A_280, %gather3A, %gather3A_424] : memref<2x400x32xf32, #tpu.memory_space<vmem>> -> memref<1x400x32xf32, #tpu.memory_space<vmem>>
        %gather3A_426 = tpu.memref_squeeze %gather3A_425 : memref<1x400x32xf32, #tpu.memory_space<vmem>> -> memref<400x32xf32, #tpu.memory_space<vmem>>
        %gather3A_427 = tpu.vector_load_idx %gather3A_426[%add3A_412, %and3A_423] : memref<400x32xf32, #tpu.memory_space<vmem>>[vector<16xi32>, vector<16xi32>], vector<16xf32>,
        %gather3A_428 = arith.constant 0 : i32
        %gather3A_429 = arith.constant 0 : i32
        %gather3A_430 = tpu.memref_slice %arg17[%scan3A_281, %gather3A_428, %gather3A_429] : memref<2x400x32xf32, #tpu.memory_space<vmem>> -> memref<1x400x32xf32, #tpu.memory_space<vmem>>
        %gather3A_431 = tpu.memref_squeeze %gather3A_430 : memref<1x400x32xf32, #tpu.memory_space<vmem>> -> memref<400x32xf32, #tpu.memory_space<vmem>>
        %gather3A_432 = tpu.vector_load_idx %gather3A_431[%add3A_412, %and3A_423] : memref<400x32xf32, #tpu.memory_space<vmem>>[vector<16xi32>, vector<16xi32>], vector<16xf32>,
        %gather3A_433 = arith.constant 0 : i32
        %gather3A_434 = arith.constant 0 : i32
        %gather3A_435 = tpu.memref_slice %arg18[%scan3A_282, %gather3A_433, %gather3A_434] : memref<2x400x32xf32, #tpu.memory_space<vmem>> -> memref<1x400x32xf32, #tpu.memory_space<vmem>>
        %gather3A_436 = tpu.memref_squeeze %gather3A_435 : memref<1x400x32xf32, #tpu.memory_space<vmem>> -> memref<400x32xf32, #tpu.memory_space<vmem>>
        %gather3A_437 = tpu.vector_load_idx %gather3A_436[%add3A_412, %and3A_423] : memref<400x32xf32, #tpu.memory_space<vmem>>[vector<16xi32>, vector<16xi32>], vector<16xf32>,
        %gather3A_438 = arith.constant 0 : i32
        %gather3A_439 = arith.constant 0 : i32
        %gather3A_440 = tpu.memref_slice %arg19[%scan3A_283, %gather3A_438, %gather3A_439] : memref<2x400x32xf32, #tpu.memory_space<vmem>> -> memref<1x400x32xf32, #tpu.memory_space<vmem>>
        %gather3A_441 = tpu.memref_squeeze %gather3A_440 : memref<1x400x32xf32, #tpu.memory_space<vmem>> -> memref<400x32xf32, #tpu.memory_space<vmem>>
        %gather3A_442 = tpu.vector_load_idx %gather3A_441[%add3A_412, %and3A_423] : memref<400x32xf32, #tpu.memory_space<vmem>>[vector<16xi32>, vector<16xi32>], vector<16xf32>,
        %mul3A_443 = arith.mulf %gather3A_427, %gather3A_432 : vector<16xf32>
        %add3A_444 = arith.addf %get3A_418, %mul3A_443 : vector<16xf32>
        %mul3A_445 = arith.mulf %gather3A_437, %gather3A_442 : vector<16xf32>
        %add3A_446 = arith.addf %add3A_444, %mul3A_445 : vector<16xf32>
        %add3A_447 = arith.constant 1 : i32
        %add3A_448 = vector.broadcast %add3A_447 : i32 to vector<16xi32>
        %add3A_449 = arith.addi %iota3A, %add3A_448 : vector<16xi32>
        %and3A_450 = arith.constant 31 : i32
        %and3A_451 = vector.broadcast %and3A_450 : i32 to vector<16xi32>
        %and3A_452 = arith.andi %add3A_449, %and3A_451 : vector<16xi32>
        %gather3A_453 = arith.constant 0 : i32
        %gather3A_454 = arith.constant 0 : i32
        %gather3A_455 = tpu.memref_slice %arg16[%scan3A_280, %gather3A_453, %gather3A_454] : memref<2x400x32xf32, #tpu.memory_space<vmem>> -> memref<1x400x32xf32, #tpu.memory_space<vmem>>
        %gather3A_456 = tpu.memref_squeeze %gather3A_455 : memref<1x400x32xf32, #tpu.memory_space<vmem>> -> memref<400x32xf32, #tpu.memory_space<vmem>>
        %gather3A_457 = tpu.vector_load_idx %gather3A_456[%add3A_412, %and3A_452] : memref<400x32xf32, #tpu.memory_space<vmem>>[vector<16xi32>, vector<16xi32>], vector<16xf32>,
        %gather3A_458 = arith.constant 0 : i32
        %gather3A_459 = arith.constant 0 : i32
        %gather3A_460 = tpu.memref_slice %arg17[%scan3A_281, %gather3A_458, %gather3A_459] : memref<2x400x32xf32, #tpu.memory_space<vmem>> -> memref<1x400x32xf32, #tpu.memory_space<vmem>>
        %gather3A_461 = tpu.memref_squeeze %gather3A_460 : memref<1x400x32xf32, #tpu.memory_space<vmem>> -> memref<400x32xf32, #tpu.memory_space<vmem>>
        %gather3A_462 = tpu.vector_load_idx %gather3A_461[%add3A_412, %and3A_452] : memref<400x32xf32, #tpu.memory_space<vmem>>[vector<16xi32>, vector<16xi32>], vector<16xf32>,
        %gather3A_463 = arith.constant 0 : i32
        %gather3A_464 = arith.constant 0 : i32
        %gather3A_465 = tpu.memref_slice %arg18[%scan3A_282, %gather3A_463, %gather3A_464] : memref<2x400x32xf32, #tpu.memory_space<vmem>> -> memref<1x400x32xf32, #tpu.memory_space<vmem>>
        %gather3A_466 = tpu.memref_squeeze %gather3A_465 : memref<1x400x32xf32, #tpu.memory_space<vmem>> -> memref<400x32xf32, #tpu.memory_space<vmem>>
        %gather3A_467 = tpu.vector_load_idx %gather3A_466[%add3A_412, %and3A_452] : memref<400x32xf32, #tpu.memory_space<vmem>>[vector<16xi32>, vector<16xi32>], vector<16xf32>,
        %gather3A_468 = arith.constant 0 : i32
        %gather3A_469 = arith.constant 0 : i32
        %gather3A_470 = tpu.memref_slice %arg19[%scan3A_283, %gather3A_468, %gather3A_469] : memref<2x400x32xf32, #tpu.memory_space<vmem>> -> memref<1x400x32xf32, #tpu.memory_space<vmem>>
        %gather3A_471 = tpu.memref_squeeze %gather3A_470 : memref<1x400x32xf32, #tpu.memory_space<vmem>> -> memref<400x32xf32, #tpu.memory_space<vmem>>
        %gather3A_472 = tpu.vector_load_idx %gather3A_471[%add3A_412, %and3A_452] : memref<400x32xf32, #tpu.memory_space<vmem>>[vector<16xi32>, vector<16xi32>], vector<16xf32>,
        %mul3A_473 = arith.mulf %gather3A_457, %gather3A_462 : vector<16xf32>
        %add3A_474 = arith.addf %add3A_446, %mul3A_473 : vector<16xf32>
        %mul3A_475 = arith.mulf %gather3A_467, %gather3A_472 : vector<16xf32>
        %add3A_476 = arith.addf %add3A_474, %mul3A_475 : vector<16xf32>
        %add3A_477 = arith.constant 2 : i32
        %add3A_478 = vector.broadcast %add3A_477 : i32 to vector<16xi32>
        %add3A_479 = arith.addi %iota3A, %add3A_478 : vector<16xi32>
        %and3A_480 = arith.constant 31 : i32
        %and3A_481 = vector.broadcast %and3A_480 : i32 to vector<16xi32>
        %and3A_482 = arith.andi %add3A_479, %and3A_481 : vector<16xi32>
        %gather3A_483 = arith.constant 0 : i32
        %gather3A_484 = arith.constant 0 : i32
        %gather3A_485 = tpu.memref_slice %arg16[%scan3A_280, %gather3A_483, %gather3A_484] : memref<2x400x32xf32, #tpu.memory_space<vmem>> -> memref<1x400x32xf32, #tpu.memory_space<vmem>>
        %gather3A_486 = tpu.memref_squeeze %gather3A_485 : memref<1x400x32xf32, #tpu.memory_space<vmem>> -> memref<400x32xf32, #tpu.memory_space<vmem>>
        %gather3A_487 = tpu.vector_load_idx %gather3A_486[%add3A_412, %and3A_482] : memref<400x32xf32, #tpu.memory_space<vmem>>[vector<16xi32>, vector<16xi32>], vector<16xf32>,
        %gather3A_488 = arith.constant 0 : i32
        %gather3A_489 = arith.constant 0 : i32
        %gather3A_490 = tpu.memref_slice %arg17[%scan3A_281, %gather3A_488, %gather3A_489] : memref<2x400x32xf32, #tpu.memory_space<vmem>> -> memref<1x400x32xf32, #tpu.memory_space<vmem>>
        %gather3A_491 = tpu.memref_squeeze %gather3A_490 : memref<1x400x32xf32, #tpu.memory_space<vmem>> -> memref<400x32xf32, #tpu.memory_space<vmem>>
        %gather3A_492 = tpu.vector_load_idx %gather3A_491[%add3A_412, %and3A_482] : memref<400x32xf32, #tpu.memory_space<vmem>>[vector<16xi32>, vector<16xi32>], vector<16xf32>,
        %gather3A_493 = arith.constant 0 : i32
        %gather3A_494 = arith.constant 0 : i32
        %gather3A_495 = tpu.memref_slice %arg18[%scan3A_282, %gather3A_493, %gather3A_494] : memref<2x400x32xf32, #tpu.memory_space<vmem>> -> memref<1x400x32xf32, #tpu.memory_space<vmem>>
        %gather3A_496 = tpu.memref_squeeze %gather3A_495 : memref<1x400x32xf32, #tpu.memory_space<vmem>> -> memref<400x32xf32, #tpu.memory_space<vmem>>
        %gather3A_497 = tpu.vector_load_idx %gather3A_496[%add3A_412, %and3A_482] : memref<400x32xf32, #tpu.memory_space<vmem>>[vector<16xi32>, vector<16xi32>], vector<16xf32>,
        %gather3A_498 = arith.constant 0 : i32
        %gather3A_499 = arith.constant 0 : i32
        %gather3A_500 = tpu.memref_slice %arg19[%scan3A_283, %gather3A_498, %gather3A_499] : memref<2x400x32xf32, #tpu.memory_space<vmem>> -> memref<1x400x32xf32, #tpu.memory_space<vmem>>
        %gather3A_501 = tpu.memref_squeeze %gather3A_500 : memref<1x400x32xf32, #tpu.memory_space<vmem>> -> memref<400x32xf32, #tpu.memory_space<vmem>>
        %gather3A_502 = tpu.vector_load_idx %gather3A_501[%add3A_412, %and3A_482] : memref<400x32xf32, #tpu.memory_space<vmem>>[vector<16xi32>, vector<16xi32>], vector<16xf32>,
        %mul3A_503 = arith.mulf %gather3A_487, %gather3A_492 : vector<16xf32>
        %add3A_504 = arith.addf %add3A_476, %mul3A_503 : vector<16xf32>
        %mul3A_505 = arith.mulf %gather3A_497, %gather3A_502 : vector<16xf32>
        %add3A_506 = arith.addf %add3A_504, %mul3A_505 : vector<16xf32>
        %add3A_507 = arith.constant 3 : i32
        %add3A_508 = vector.broadcast %add3A_507 : i32 to vector<16xi32>
        %add3A_509 = arith.addi %iota3A, %add3A_508 : vector<16xi32>
        %and3A_510 = arith.constant 31 : i32
        %and3A_511 = vector.broadcast %and3A_510 : i32 to vector<16xi32>
        %and3A_512 = arith.andi %add3A_509, %and3A_511 : vector<16xi32>
        %gather3A_513 = arith.constant 0 : i32
        %gather3A_514 = arith.constant 0 : i32
        %gather3A_515 = tpu.memref_slice %arg16[%scan3A_280, %gather3A_513, %gather3A_514] : memref<2x400x32xf32, #tpu.memory_space<vmem>> -> memref<1x400x32xf32, #tpu.memory_space<vmem>>
        %gather3A_516 = tpu.memref_squeeze %gather3A_515 : memref<1x400x32xf32, #tpu.memory_space<vmem>> -> memref<400x32xf32, #tpu.memory_space<vmem>>
        %gather3A_517 = tpu.vector_load_idx %gather3A_516[%add3A_412, %and3A_512] : memref<400x32xf32, #tpu.memory_space<vmem>>[vector<16xi32>, vector<16xi32>], vector<16xf32>,
        %gather3A_518 = arith.constant 0 : i32
        %gather3A_519 = arith.constant 0 : i32
        %gather3A_520 = tpu.memref_slice %arg17[%scan3A_281, %gather3A_518, %gather3A_519] : memref<2x400x32xf32, #tpu.memory_space<vmem>> -> memref<1x400x32xf32, #tpu.memory_space<vmem>>
        %gather3A_521 = tpu.memref_squeeze %gather3A_520 : memref<1x400x32xf32, #tpu.memory_space<vmem>> -> memref<400x32xf32, #tpu.memory_space<vmem>>
        %gather3A_522 = tpu.vector_load_idx %gather3A_521[%add3A_412, %and3A_512] : memref<400x32xf32, #tpu.memory_space<vmem>>[vector<16xi32>, vector<16xi32>], vector<16xf32>,
        %gather3A_523 = arith.constant 0 : i32
        %gather3A_524 = arith.constant 0 : i32
        %gather3A_525 = tpu.memref_slice %arg18[%scan3A_282, %gather3A_523, %gather3A_524] : memref<2x400x32xf32, #tpu.memory_space<vmem>> -> memref<1x400x32xf32, #tpu.memory_space<vmem>>
        %gather3A_526 = tpu.memref_squeeze %gather3A_525 : memref<1x400x32xf32, #tpu.memory_space<vmem>> -> memref<400x32xf32, #tpu.memory_space<vmem>>
        %gather3A_527 = tpu.vector_load_idx %gather3A_526[%add3A_412, %and3A_512] : memref<400x32xf32, #tpu.memory_space<vmem>>[vector<16xi32>, vector<16xi32>], vector<16xf32>,
        %gather3A_528 = arith.constant 0 : i32
        %gather3A_529 = arith.constant 0 : i32
        %gather3A_530 = tpu.memref_slice %arg19[%scan3A_283, %gather3A_528, %gather3A_529] : memref<2x400x32xf32, #tpu.memory_space<vmem>> -> memref<1x400x32xf32, #tpu.memory_space<vmem>>
        %gather3A_531 = tpu.memref_squeeze %gather3A_530 : memref<1x400x32xf32, #tpu.memory_space<vmem>> -> memref<400x32xf32, #tpu.memory_space<vmem>>
        %gather3A_532 = tpu.vector_load_idx %gather3A_531[%add3A_412, %and3A_512] : memref<400x32xf32, #tpu.memory_space<vmem>>[vector<16xi32>, vector<16xi32>], vector<16xf32>,
        %mul3A_533 = arith.mulf %gather3A_517, %gather3A_522 : vector<16xf32>
        %add3A_534 = arith.addf %add3A_506, %mul3A_533 : vector<16xf32>
        %mul3A_535 = arith.mulf %gather3A_527, %gather3A_532 : vector<16xf32>
        %add3A_536 = arith.addf %add3A_534, %mul3A_535 : vector<16xf32>
        %add3A_537 = arith.constant 4 : i32
        %add3A_538 = vector.broadcast %add3A_537 : i32 to vector<16xi32>
        %add3A_539 = arith.addi %iota3A, %add3A_538 : vector<16xi32>
        %and3A_540 = arith.constant 31 : i32
        %and3A_541 = vector.broadcast %and3A_540 : i32 to vector<16xi32>
        %and3A_542 = arith.andi %add3A_539, %and3A_541 : vector<16xi32>
        %gather3A_543 = arith.constant 0 : i32
        %gather3A_544 = arith.constant 0 : i32
        %gather3A_545 = tpu.memref_slice %arg16[%scan3A_280, %gather3A_543, %gather3A_544] : memref<2x400x32xf32, #tpu.memory_space<vmem>> -> memref<1x400x32xf32, #tpu.memory_space<vmem>>
        %gather3A_546 = tpu.memref_squeeze %gather3A_545 : memref<1x400x32xf32, #tpu.memory_space<vmem>> -> memref<400x32xf32, #tpu.memory_space<vmem>>
        %gather3A_547 = tpu.vector_load_idx %gather3A_546[%add3A_412, %and3A_542] : memref<400x32xf32, #tpu.memory_space<vmem>>[vector<16xi32>, vector<16xi32>], vector<16xf32>,
        %gather3A_548 = arith.constant 0 : i32
        %gather3A_549 = arith.constant 0 : i32
        %gather3A_550 = tpu.memref_slice %arg17[%scan3A_281, %gather3A_548, %gather3A_549] : memref<2x400x32xf32, #tpu.memory_space<vmem>> -> memref<1x400x32xf32, #tpu.memory_space<vmem>>
        %gather3A_551 = tpu.memref_squeeze %gather3A_550 : memref<1x400x32xf32, #tpu.memory_space<vmem>> -> memref<400x32xf32, #tpu.memory_space<vmem>>
        %gather3A_552 = tpu.vector_load_idx %gather3A_551[%add3A_412, %and3A_542] : memref<400x32xf32, #tpu.memory_space<vmem>>[vector<16xi32>, vector<16xi32>], vector<16xf32>,
        %gather3A_553 = arith.constant 0 : i32
        %gather3A_554 = arith.constant 0 : i32
        %gather3A_555 = tpu.memref_slice %arg18[%scan3A_282, %gather3A_553, %gather3A_554] : memref<2x400x32xf32, #tpu.memory_space<vmem>> -> memref<1x400x32xf32, #tpu.memory_space<vmem>>
        %gather3A_556 = tpu.memref_squeeze %gather3A_555 : memref<1x400x32xf32, #tpu.memory_space<vmem>> -> memref<400x32xf32, #tpu.memory_space<vmem>>
        %gather3A_557 = tpu.vector_load_idx %gather3A_556[%add3A_412, %and3A_542] : memref<400x32xf32, #tpu.memory_space<vmem>>[vector<16xi32>, vector<16xi32>], vector<16xf32>,
        %gather3A_558 = arith.constant 0 : i32
        %gather3A_559 = arith.constant 0 : i32
        %gather3A_560 = tpu.memref_slice %arg19[%scan3A_283, %gather3A_558, %gather3A_559] : memref<2x400x32xf32, #tpu.memory_space<vmem>> -> memref<1x400x32xf32, #tpu.memory_space<vmem>>
        %gather3A_561 = tpu.memref_squeeze %gather3A_560 : memref<1x400x32xf32, #tpu.memory_space<vmem>> -> memref<400x32xf32, #tpu.memory_space<vmem>>
        %gather3A_562 = tpu.vector_load_idx %gather3A_561[%add3A_412, %and3A_542] : memref<400x32xf32, #tpu.memory_space<vmem>>[vector<16xi32>, vector<16xi32>], vector<16xf32>,
        %mul3A_563 = arith.mulf %gather3A_547, %gather3A_552 : vector<16xf32>
        %add3A_564 = arith.addf %add3A_536, %mul3A_563 : vector<16xf32>
        %mul3A_565 = arith.mulf %gather3A_557, %gather3A_562 : vector<16xf32>
        %add3A_566 = arith.addf %add3A_564, %mul3A_565 : vector<16xf32>
        %add3A_567 = arith.constant 5 : i32
        %add3A_568 = vector.broadcast %add3A_567 : i32 to vector<16xi32>
        %add3A_569 = arith.addi %iota3A, %add3A_568 : vector<16xi32>
        %and3A_570 = arith.constant 31 : i32
        %and3A_571 = vector.broadcast %and3A_570 : i32 to vector<16xi32>
        %and3A_572 = arith.andi %add3A_569, %and3A_571 : vector<16xi32>
        %gather3A_573 = arith.constant 0 : i32
        %gather3A_574 = arith.constant 0 : i32
        %gather3A_575 = tpu.memref_slice %arg16[%scan3A_280, %gather3A_573, %gather3A_574] : memref<2x400x32xf32, #tpu.memory_space<vmem>> -> memref<1x400x32xf32, #tpu.memory_space<vmem>>
        %gather3A_576 = tpu.memref_squeeze %gather3A_575 : memref<1x400x32xf32, #tpu.memory_space<vmem>> -> memref<400x32xf32, #tpu.memory_space<vmem>>
        %gather3A_577 = tpu.vector_load_idx %gather3A_576[%add3A_412, %and3A_572] : memref<400x32xf32, #tpu.memory_space<vmem>>[vector<16xi32>, vector<16xi32>], vector<16xf32>,
        %gather3A_578 = arith.constant 0 : i32
        %gather3A_579 = arith.constant 0 : i32
        %gather3A_580 = tpu.memref_slice %arg17[%scan3A_281, %gather3A_578, %gather3A_579] : memref<2x400x32xf32, #tpu.memory_space<vmem>> -> memref<1x400x32xf32, #tpu.memory_space<vmem>>
        %gather3A_581 = tpu.memref_squeeze %gather3A_580 : memref<1x400x32xf32, #tpu.memory_space<vmem>> -> memref<400x32xf32, #tpu.memory_space<vmem>>
        %gather3A_582 = tpu.vector_load_idx %gather3A_581[%add3A_412, %and3A_572] : memref<400x32xf32, #tpu.memory_space<vmem>>[vector<16xi32>, vector<16xi32>], vector<16xf32>,
        %gather3A_583 = arith.constant 0 : i32
        %gather3A_584 = arith.constant 0 : i32
        %gather3A_585 = tpu.memref_slice %arg18[%scan3A_282, %gather3A_583, %gather3A_584] : memref<2x400x32xf32, #tpu.memory_space<vmem>> -> memref<1x400x32xf32, #tpu.memory_space<vmem>>
        %gather3A_586 = tpu.memref_squeeze %gather3A_585 : memref<1x400x32xf32, #tpu.memory_space<vmem>> -> memref<400x32xf32, #tpu.memory_space<vmem>>
        %gather3A_587 = tpu.vector_load_idx %gather3A_586[%add3A_412, %and3A_572] : memref<400x32xf32, #tpu.memory_space<vmem>>[vector<16xi32>, vector<16xi32>], vector<16xf32>,
        %gather3A_588 = arith.constant 0 : i32
        %gather3A_589 = arith.constant 0 : i32
        %gather3A_590 = tpu.memref_slice %arg19[%scan3A_283, %gather3A_588, %gather3A_589] : memref<2x400x32xf32, #tpu.memory_space<vmem>> -> memref<1x400x32xf32, #tpu.memory_space<vmem>>
        %gather3A_591 = tpu.memref_squeeze %gather3A_590 : memref<1x400x32xf32, #tpu.memory_space<vmem>> -> memref<400x32xf32, #tpu.memory_space<vmem>>
        %gather3A_592 = tpu.vector_load_idx %gather3A_591[%add3A_412, %and3A_572] : memref<400x32xf32, #tpu.memory_space<vmem>>[vector<16xi32>, vector<16xi32>], vector<16xf32>,
        %mul3A_593 = arith.mulf %gather3A_577, %gather3A_582 : vector<16xf32>
        %add3A_594 = arith.addf %add3A_566, %mul3A_593 : vector<16xf32>
        %mul3A_595 = arith.mulf %gather3A_587, %gather3A_592 : vector<16xf32>
        %add3A_596 = arith.addf %add3A_594, %mul3A_595 : vector<16xf32>
        %add3A_597 = arith.constant 6 : i32
        %add3A_598 = vector.broadcast %add3A_597 : i32 to vector<16xi32>
        %add3A_599 = arith.addi %iota3A, %add3A_598 : vector<16xi32>
        %and3A_600 = arith.constant 31 : i32
        %and3A_601 = vector.broadcast %and3A_600 : i32 to vector<16xi32>
        %and3A_602 = arith.andi %add3A_599, %and3A_601 : vector<16xi32>
        %gather3A_603 = arith.constant 0 : i32
        %gather3A_604 = arith.constant 0 : i32
        %gather3A_605 = tpu.memref_slice %arg16[%scan3A_280, %gather3A_603, %gather3A_604] : memref<2x400x32xf32, #tpu.memory_space<vmem>> -> memref<1x400x32xf32, #tpu.memory_space<vmem>>
        %gather3A_606 = tpu.memref_squeeze %gather3A_605 : memref<1x400x32xf32, #tpu.memory_space<vmem>> -> memref<400x32xf32, #tpu.memory_space<vmem>>
        %gather3A_607 = tpu.vector_load_idx %gather3A_606[%add3A_412, %and3A_602] : memref<400x32xf32, #tpu.memory_space<vmem>>[vector<16xi32>, vector<16xi32>], vector<16xf32>,
        %gather3A_608 = arith.constant 0 : i32
        %gather3A_609 = arith.constant 0 : i32
        %gather3A_610 = tpu.memref_slice %arg17[%scan3A_281, %gather3A_608, %gather3A_609] : memref<2x400x32xf32, #tpu.memory_space<vmem>> -> memref<1x400x32xf32, #tpu.memory_space<vmem>>
        %gather3A_611 = tpu.memref_squeeze %gather3A_610 : memref<1x400x32xf32, #tpu.memory_space<vmem>> -> memref<400x32xf32, #tpu.memory_space<vmem>>
        %gather3A_612 = tpu.vector_load_idx %gather3A_611[%add3A_412, %and3A_602] : memref<400x32xf32, #tpu.memory_space<vmem>>[vector<16xi32>, vector<16xi32>], vector<16xf32>,
        %gather3A_613 = arith.constant 0 : i32
        %gather3A_614 = arith.constant 0 : i32
        %gather3A_615 = tpu.memref_slice %arg18[%scan3A_282, %gather3A_613, %gather3A_614] : memref<2x400x32xf32, #tpu.memory_space<vmem>> -> memref<1x400x32xf32, #tpu.memory_space<vmem>>
        %gather3A_616 = tpu.memref_squeeze %gather3A_615 : memref<1x400x32xf32, #tpu.memory_space<vmem>> -> memref<400x32xf32, #tpu.memory_space<vmem>>
        %gather3A_617 = tpu.vector_load_idx %gather3A_616[%add3A_412, %and3A_602] : memref<400x32xf32, #tpu.memory_space<vmem>>[vector<16xi32>, vector<16xi32>], vector<16xf32>,
        %gather3A_618 = arith.constant 0 : i32
        %gather3A_619 = arith.constant 0 : i32
        %gather3A_620 = tpu.memref_slice %arg19[%scan3A_283, %gather3A_618, %gather3A_619] : memref<2x400x32xf32, #tpu.memory_space<vmem>> -> memref<1x400x32xf32, #tpu.memory_space<vmem>>
        %gather3A_621 = tpu.memref_squeeze %gather3A_620 : memref<1x400x32xf32, #tpu.memory_space<vmem>> -> memref<400x32xf32, #tpu.memory_space<vmem>>
        %gather3A_622 = tpu.vector_load_idx %gather3A_621[%add3A_412, %and3A_602] : memref<400x32xf32, #tpu.memory_space<vmem>>[vector<16xi32>, vector<16xi32>], vector<16xf32>,
        %mul3A_623 = arith.mulf %gather3A_607, %gather3A_612 : vector<16xf32>
        %add3A_624 = arith.addf %add3A_596, %mul3A_623 : vector<16xf32>
        %mul3A_625 = arith.mulf %gather3A_617, %gather3A_622 : vector<16xf32>
        %add3A_626 = arith.addf %add3A_624, %mul3A_625 : vector<16xf32>
        %add3A_627 = arith.constant 7 : i32
        %add3A_628 = vector.broadcast %add3A_627 : i32 to vector<16xi32>
        %add3A_629 = arith.addi %iota3A, %add3A_628 : vector<16xi32>
        %and3A_630 = arith.constant 31 : i32
        %and3A_631 = vector.broadcast %and3A_630 : i32 to vector<16xi32>
        %and3A_632 = arith.andi %add3A_629, %and3A_631 : vector<16xi32>
        %gather3A_633 = arith.constant 0 : i32
        %gather3A_634 = arith.constant 0 : i32
        %gather3A_635 = tpu.memref_slice %arg16[%scan3A_280, %gather3A_633, %gather3A_634] : memref<2x400x32xf32, #tpu.memory_space<vmem>> -> memref<1x400x32xf32, #tpu.memory_space<vmem>>
        %gather3A_636 = tpu.memref_squeeze %gather3A_635 : memref<1x400x32xf32, #tpu.memory_space<vmem>> -> memref<400x32xf32, #tpu.memory_space<vmem>>
        %gather3A_637 = tpu.vector_load_idx %gather3A_636[%add3A_412, %and3A_632] : memref<400x32xf32, #tpu.memory_space<vmem>>[vector<16xi32>, vector<16xi32>], vector<16xf32>,
        %gather3A_638 = arith.constant 0 : i32
        %gather3A_639 = arith.constant 0 : i32
        %gather3A_640 = tpu.memref_slice %arg17[%scan3A_281, %gather3A_638, %gather3A_639] : memref<2x400x32xf32, #tpu.memory_space<vmem>> -> memref<1x400x32xf32, #tpu.memory_space<vmem>>
        %gather3A_641 = tpu.memref_squeeze %gather3A_640 : memref<1x400x32xf32, #tpu.memory_space<vmem>> -> memref<400x32xf32, #tpu.memory_space<vmem>>
        %gather3A_642 = tpu.vector_load_idx %gather3A_641[%add3A_412, %and3A_632] : memref<400x32xf32, #tpu.memory_space<vmem>>[vector<16xi32>, vector<16xi32>], vector<16xf32>,
        %gather3A_643 = arith.constant 0 : i32
        %gather3A_644 = arith.constant 0 : i32
        %gather3A_645 = tpu.memref_slice %arg18[%scan3A_282, %gather3A_643, %gather3A_644] : memref<2x400x32xf32, #tpu.memory_space<vmem>> -> memref<1x400x32xf32, #tpu.memory_space<vmem>>
        %gather3A_646 = tpu.memref_squeeze %gather3A_645 : memref<1x400x32xf32, #tpu.memory_space<vmem>> -> memref<400x32xf32, #tpu.memory_space<vmem>>
        %gather3A_647 = tpu.vector_load_idx %gather3A_646[%add3A_412, %and3A_632] : memref<400x32xf32, #tpu.memory_space<vmem>>[vector<16xi32>, vector<16xi32>], vector<16xf32>,
        %gather3A_648 = arith.constant 0 : i32
        %gather3A_649 = arith.constant 0 : i32
        %gather3A_650 = tpu.memref_slice %arg19[%scan3A_283, %gather3A_648, %gather3A_649] : memref<2x400x32xf32, #tpu.memory_space<vmem>> -> memref<1x400x32xf32, #tpu.memory_space<vmem>>
        %gather3A_651 = tpu.memref_squeeze %gather3A_650 : memref<1x400x32xf32, #tpu.memory_space<vmem>> -> memref<400x32xf32, #tpu.memory_space<vmem>>
        %gather3A_652 = tpu.vector_load_idx %gather3A_651[%add3A_412, %and3A_632] : memref<400x32xf32, #tpu.memory_space<vmem>>[vector<16xi32>, vector<16xi32>], vector<16xf32>,
        %mul3A_653 = arith.mulf %gather3A_637, %gather3A_642 : vector<16xf32>
        %add3A_654 = arith.addf %add3A_626, %mul3A_653 : vector<16xf32>
        %mul3A_655 = arith.mulf %gather3A_647, %gather3A_652 : vector<16xf32>
        %add3A_656 = arith.addf %add3A_654, %mul3A_655 : vector<16xf32>
        %add3A_657 = arith.constant 8 : i32
        %add3A_658 = vector.broadcast %add3A_657 : i32 to vector<16xi32>
        %add3A_659 = arith.addi %iota3A, %add3A_658 : vector<16xi32>
        %and3A_660 = arith.constant 31 : i32
        %and3A_661 = vector.broadcast %and3A_660 : i32 to vector<16xi32>
        %and3A_662 = arith.andi %add3A_659, %and3A_661 : vector<16xi32>
        %gather3A_663 = arith.constant 0 : i32
        %gather3A_664 = arith.constant 0 : i32
        %gather3A_665 = tpu.memref_slice %arg16[%scan3A_280, %gather3A_663, %gather3A_664] : memref<2x400x32xf32, #tpu.memory_space<vmem>> -> memref<1x400x32xf32, #tpu.memory_space<vmem>>
        %gather3A_666 = tpu.memref_squeeze %gather3A_665 : memref<1x400x32xf32, #tpu.memory_space<vmem>> -> memref<400x32xf32, #tpu.memory_space<vmem>>
        %gather3A_667 = tpu.vector_load_idx %gather3A_666[%add3A_412, %and3A_662] : memref<400x32xf32, #tpu.memory_space<vmem>>[vector<16xi32>, vector<16xi32>], vector<16xf32>,
        %gather3A_668 = arith.constant 0 : i32
        %gather3A_669 = arith.constant 0 : i32
        %gather3A_670 = tpu.memref_slice %arg17[%scan3A_281, %gather3A_668, %gather3A_669] : memref<2x400x32xf32, #tpu.memory_space<vmem>> -> memref<1x400x32xf32, #tpu.memory_space<vmem>>
        %gather3A_671 = tpu.memref_squeeze %gather3A_670 : memref<1x400x32xf32, #tpu.memory_space<vmem>> -> memref<400x32xf32, #tpu.memory_space<vmem>>
        %gather3A_672 = tpu.vector_load_idx %gather3A_671[%add3A_412, %and3A_662] : memref<400x32xf32, #tpu.memory_space<vmem>>[vector<16xi32>, vector<16xi32>], vector<16xf32>,
        %gather3A_673 = arith.constant 0 : i32
        %gather3A_674 = arith.constant 0 : i32
        %gather3A_675 = tpu.memref_slice %arg18[%scan3A_282, %gather3A_673, %gather3A_674] : memref<2x400x32xf32, #tpu.memory_space<vmem>> -> memref<1x400x32xf32, #tpu.memory_space<vmem>>
        %gather3A_676 = tpu.memref_squeeze %gather3A_675 : memref<1x400x32xf32, #tpu.memory_space<vmem>> -> memref<400x32xf32, #tpu.memory_space<vmem>>
        %gather3A_677 = tpu.vector_load_idx %gather3A_676[%add3A_412, %and3A_662] : memref<400x32xf32, #tpu.memory_space<vmem>>[vector<16xi32>, vector<16xi32>], vector<16xf32>,
        %gather3A_678 = arith.constant 0 : i32
        %gather3A_679 = arith.constant 0 : i32
        %gather3A_680 = tpu.memref_slice %arg19[%scan3A_283, %gather3A_678, %gather3A_679] : memref<2x400x32xf32, #tpu.memory_space<vmem>> -> memref<1x400x32xf32, #tpu.memory_space<vmem>>
        %gather3A_681 = tpu.memref_squeeze %gather3A_680 : memref<1x400x32xf32, #tpu.memory_space<vmem>> -> memref<400x32xf32, #tpu.memory_space<vmem>>
        %gather3A_682 = tpu.vector_load_idx %gather3A_681[%add3A_412, %and3A_662] : memref<400x32xf32, #tpu.memory_space<vmem>>[vector<16xi32>, vector<16xi32>], vector<16xf32>,
        %mul3A_683 = arith.mulf %gather3A_667, %gather3A_672 : vector<16xf32>
        %add3A_684 = arith.addf %add3A_656, %mul3A_683 : vector<16xf32>
        %mul3A_685 = arith.mulf %gather3A_677, %gather3A_682 : vector<16xf32>
        %add3A_686 = arith.addf %add3A_684, %mul3A_685 : vector<16xf32>
        %add3A_687 = arith.constant 9 : i32
        %add3A_688 = vector.broadcast %add3A_687 : i32 to vector<16xi32>
        %add3A_689 = arith.addi %iota3A, %add3A_688 : vector<16xi32>
        %and3A_690 = arith.constant 31 : i32
        %and3A_691 = vector.broadcast %and3A_690 : i32 to vector<16xi32>
        %and3A_692 = arith.andi %add3A_689, %and3A_691 : vector<16xi32>
        %gather3A_693 = arith.constant 0 : i32
        %gather3A_694 = arith.constant 0 : i32
        %gather3A_695 = tpu.memref_slice %arg16[%scan3A_280, %gather3A_693, %gather3A_694] : memref<2x400x32xf32, #tpu.memory_space<vmem>> -> memref<1x400x32xf32, #tpu.memory_space<vmem>>
        %gather3A_696 = tpu.memref_squeeze %gather3A_695 : memref<1x400x32xf32, #tpu.memory_space<vmem>> -> memref<400x32xf32, #tpu.memory_space<vmem>>
        %gather3A_697 = tpu.vector_load_idx %gather3A_696[%add3A_412, %and3A_692] : memref<400x32xf32, #tpu.memory_space<vmem>>[vector<16xi32>, vector<16xi32>], vector<16xf32>,
        %gather3A_698 = arith.constant 0 : i32
        %gather3A_699 = arith.constant 0 : i32
        %gather3A_700 = tpu.memref_slice %arg17[%scan3A_281, %gather3A_698, %gather3A_699] : memref<2x400x32xf32, #tpu.memory_space<vmem>> -> memref<1x400x32xf32, #tpu.memory_space<vmem>>
        %gather3A_701 = tpu.memref_squeeze %gather3A_700 : memref<1x400x32xf32, #tpu.memory_space<vmem>> -> memref<400x32xf32, #tpu.memory_space<vmem>>
        %gather3A_702 = tpu.vector_load_idx %gather3A_701[%add3A_412, %and3A_692] : memref<400x32xf32, #tpu.memory_space<vmem>>[vector<16xi32>, vector<16xi32>], vector<16xf32>,
        %gather3A_703 = arith.constant 0 : i32
        %gather3A_704 = arith.constant 0 : i32
        %gather3A_705 = tpu.memref_slice %arg18[%scan3A_282, %gather3A_703, %gather3A_704] : memref<2x400x32xf32, #tpu.memory_space<vmem>> -> memref<1x400x32xf32, #tpu.memory_space<vmem>>
        %gather3A_706 = tpu.memref_squeeze %gather3A_705 : memref<1x400x32xf32, #tpu.memory_space<vmem>> -> memref<400x32xf32, #tpu.memory_space<vmem>>
        %gather3A_707 = tpu.vector_load_idx %gather3A_706[%add3A_412, %and3A_692] : memref<400x32xf32, #tpu.memory_space<vmem>>[vector<16xi32>, vector<16xi32>], vector<16xf32>,
        %gather3A_708 = arith.constant 0 : i32
        %gather3A_709 = arith.constant 0 : i32
        %gather3A_710 = tpu.memref_slice %arg19[%scan3A_283, %gather3A_708, %gather3A_709] : memref<2x400x32xf32, #tpu.memory_space<vmem>> -> memref<1x400x32xf32, #tpu.memory_space<vmem>>
        %gather3A_711 = tpu.memref_squeeze %gather3A_710 : memref<1x400x32xf32, #tpu.memory_space<vmem>> -> memref<400x32xf32, #tpu.memory_space<vmem>>
        %gather3A_712 = tpu.vector_load_idx %gather3A_711[%add3A_412, %and3A_692] : memref<400x32xf32, #tpu.memory_space<vmem>>[vector<16xi32>, vector<16xi32>], vector<16xf32>,
        %mul3A_713 = arith.mulf %gather3A_697, %gather3A_702 : vector<16xf32>
        %add3A_714 = arith.addf %add3A_686, %mul3A_713 : vector<16xf32>
        %mul3A_715 = arith.mulf %gather3A_707, %gather3A_712 : vector<16xf32>
        %add3A_716 = arith.addf %add3A_714, %mul3A_715 : vector<16xf32>
        %add3A_717 = arith.constant 10 : i32
        %add3A_718 = vector.broadcast %add3A_717 : i32 to vector<16xi32>
        %add3A_719 = arith.addi %iota3A, %add3A_718 : vector<16xi32>
        %and3A_720 = arith.constant 31 : i32
        %and3A_721 = vector.broadcast %and3A_720 : i32 to vector<16xi32>
        %and3A_722 = arith.andi %add3A_719, %and3A_721 : vector<16xi32>
        %gather3A_723 = arith.constant 0 : i32
        %gather3A_724 = arith.constant 0 : i32
        %gather3A_725 = tpu.memref_slice %arg16[%scan3A_280, %gather3A_723, %gather3A_724] : memref<2x400x32xf32, #tpu.memory_space<vmem>> -> memref<1x400x32xf32, #tpu.memory_space<vmem>>
        %gather3A_726 = tpu.memref_squeeze %gather3A_725 : memref<1x400x32xf32, #tpu.memory_space<vmem>> -> memref<400x32xf32, #tpu.memory_space<vmem>>
        %gather3A_727 = tpu.vector_load_idx %gather3A_726[%add3A_412, %and3A_722] : memref<400x32xf32, #tpu.memory_space<vmem>>[vector<16xi32>, vector<16xi32>], vector<16xf32>,
        %gather3A_728 = arith.constant 0 : i32
        %gather3A_729 = arith.constant 0 : i32
        %gather3A_730 = tpu.memref_slice %arg17[%scan3A_281, %gather3A_728, %gather3A_729] : memref<2x400x32xf32, #tpu.memory_space<vmem>> -> memref<1x400x32xf32, #tpu.memory_space<vmem>>
        %gather3A_731 = tpu.memref_squeeze %gather3A_730 : memref<1x400x32xf32, #tpu.memory_space<vmem>> -> memref<400x32xf32, #tpu.memory_space<vmem>>
        %gather3A_732 = tpu.vector_load_idx %gather3A_731[%add3A_412, %and3A_722] : memref<400x32xf32, #tpu.memory_space<vmem>>[vector<16xi32>, vector<16xi32>], vector<16xf32>,
        %gather3A_733 = arith.constant 0 : i32
        %gather3A_734 = arith.constant 0 : i32
        %gather3A_735 = tpu.memref_slice %arg18[%scan3A_282, %gather3A_733, %gather3A_734] : memref<2x400x32xf32, #tpu.memory_space<vmem>> -> memref<1x400x32xf32, #tpu.memory_space<vmem>>
        %gather3A_736 = tpu.memref_squeeze %gather3A_735 : memref<1x400x32xf32, #tpu.memory_space<vmem>> -> memref<400x32xf32, #tpu.memory_space<vmem>>
        %gather3A_737 = tpu.vector_load_idx %gather3A_736[%add3A_412, %and3A_722] : memref<400x32xf32, #tpu.memory_space<vmem>>[vector<16xi32>, vector<16xi32>], vector<16xf32>,
        %gather3A_738 = arith.constant 0 : i32
        %gather3A_739 = arith.constant 0 : i32
        %gather3A_740 = tpu.memref_slice %arg19[%scan3A_283, %gather3A_738, %gather3A_739] : memref<2x400x32xf32, #tpu.memory_space<vmem>> -> memref<1x400x32xf32, #tpu.memory_space<vmem>>
        %gather3A_741 = tpu.memref_squeeze %gather3A_740 : memref<1x400x32xf32, #tpu.memory_space<vmem>> -> memref<400x32xf32, #tpu.memory_space<vmem>>
        %gather3A_742 = tpu.vector_load_idx %gather3A_741[%add3A_412, %and3A_722] : memref<400x32xf32, #tpu.memory_space<vmem>>[vector<16xi32>, vector<16xi32>], vector<16xf32>,
        %mul3A_743 = arith.mulf %gather3A_727, %gather3A_732 : vector<16xf32>
        %add3A_744 = arith.addf %add3A_716, %mul3A_743 : vector<16xf32>
        %mul3A_745 = arith.mulf %gather3A_737, %gather3A_742 : vector<16xf32>
        %add3A_746 = arith.addf %add3A_744, %mul3A_745 : vector<16xf32>
        %add3A_747 = arith.constant 11 : i32
        %add3A_748 = vector.broadcast %add3A_747 : i32 to vector<16xi32>
        %add3A_749 = arith.addi %iota3A, %add3A_748 : vector<16xi32>
        %and3A_750 = arith.constant 31 : i32
        %and3A_751 = vector.broadcast %and3A_750 : i32 to vector<16xi32>
        %and3A_752 = arith.andi %add3A_749, %and3A_751 : vector<16xi32>
        %gather3A_753 = arith.constant 0 : i32
        %gather3A_754 = arith.constant 0 : i32
        %gather3A_755 = tpu.memref_slice %arg16[%scan3A_280, %gather3A_753, %gather3A_754] : memref<2x400x32xf32, #tpu.memory_space<vmem>> -> memref<1x400x32xf32, #tpu.memory_space<vmem>>
        %gather3A_756 = tpu.memref_squeeze %gather3A_755 : memref<1x400x32xf32, #tpu.memory_space<vmem>> -> memref<400x32xf32, #tpu.memory_space<vmem>>
        %gather3A_757 = tpu.vector_load_idx %gather3A_756[%add3A_412, %and3A_752] : memref<400x32xf32, #tpu.memory_space<vmem>>[vector<16xi32>, vector<16xi32>], vector<16xf32>,
        %gather3A_758 = arith.constant 0 : i32
        %gather3A_759 = arith.constant 0 : i32
        %gather3A_760 = tpu.memref_slice %arg17[%scan3A_281, %gather3A_758, %gather3A_759] : memref<2x400x32xf32, #tpu.memory_space<vmem>> -> memref<1x400x32xf32, #tpu.memory_space<vmem>>
        %gather3A_761 = tpu.memref_squeeze %gather3A_760 : memref<1x400x32xf32, #tpu.memory_space<vmem>> -> memref<400x32xf32, #tpu.memory_space<vmem>>
        %gather3A_762 = tpu.vector_load_idx %gather3A_761[%add3A_412, %and3A_752] : memref<400x32xf32, #tpu.memory_space<vmem>>[vector<16xi32>, vector<16xi32>], vector<16xf32>,
        %gather3A_763 = arith.constant 0 : i32
        %gather3A_764 = arith.constant 0 : i32
        %gather3A_765 = tpu.memref_slice %arg18[%scan3A_282, %gather3A_763, %gather3A_764] : memref<2x400x32xf32, #tpu.memory_space<vmem>> -> memref<1x400x32xf32, #tpu.memory_space<vmem>>
        %gather3A_766 = tpu.memref_squeeze %gather3A_765 : memref<1x400x32xf32, #tpu.memory_space<vmem>> -> memref<400x32xf32, #tpu.memory_space<vmem>>
        %gather3A_767 = tpu.vector_load_idx %gather3A_766[%add3A_412, %and3A_752] : memref<400x32xf32, #tpu.memory_space<vmem>>[vector<16xi32>, vector<16xi32>], vector<16xf32>,
        %gather3A_768 = arith.constant 0 : i32
        %gather3A_769 = arith.constant 0 : i32
        %gather3A_770 = tpu.memref_slice %arg19[%scan3A_283, %gather3A_768, %gather3A_769] : memref<2x400x32xf32, #tpu.memory_space<vmem>> -> memref<1x400x32xf32, #tpu.memory_space<vmem>>
        %gather3A_771 = tpu.memref_squeeze %gather3A_770 : memref<1x400x32xf32, #tpu.memory_space<vmem>> -> memref<400x32xf32, #tpu.memory_space<vmem>>
        %gather3A_772 = tpu.vector_load_idx %gather3A_771[%add3A_412, %and3A_752] : memref<400x32xf32, #tpu.memory_space<vmem>>[vector<16xi32>, vector<16xi32>], vector<16xf32>,
        %mul3A_773 = arith.mulf %gather3A_757, %gather3A_762 : vector<16xf32>
        %add3A_774 = arith.addf %add3A_746, %mul3A_773 : vector<16xf32>
        %mul3A_775 = arith.mulf %gather3A_767, %gather3A_772 : vector<16xf32>
        %add3A_776 = arith.addf %add3A_774, %mul3A_775 : vector<16xf32>
        %add3A_777 = arith.constant 12 : i32
        %add3A_778 = vector.broadcast %add3A_777 : i32 to vector<16xi32>
        %add3A_779 = arith.addi %iota3A, %add3A_778 : vector<16xi32>
        %and3A_780 = arith.constant 31 : i32
        %and3A_781 = vector.broadcast %and3A_780 : i32 to vector<16xi32>
        %and3A_782 = arith.andi %add3A_779, %and3A_781 : vector<16xi32>
        %gather3A_783 = arith.constant 0 : i32
        %gather3A_784 = arith.constant 0 : i32
        %gather3A_785 = tpu.memref_slice %arg16[%scan3A_280, %gather3A_783, %gather3A_784] : memref<2x400x32xf32, #tpu.memory_space<vmem>> -> memref<1x400x32xf32, #tpu.memory_space<vmem>>
        %gather3A_786 = tpu.memref_squeeze %gather3A_785 : memref<1x400x32xf32, #tpu.memory_space<vmem>> -> memref<400x32xf32, #tpu.memory_space<vmem>>
        %gather3A_787 = tpu.vector_load_idx %gather3A_786[%add3A_412, %and3A_782] : memref<400x32xf32, #tpu.memory_space<vmem>>[vector<16xi32>, vector<16xi32>], vector<16xf32>,
        %gather3A_788 = arith.constant 0 : i32
        %gather3A_789 = arith.constant 0 : i32
        %gather3A_790 = tpu.memref_slice %arg17[%scan3A_281, %gather3A_788, %gather3A_789] : memref<2x400x32xf32, #tpu.memory_space<vmem>> -> memref<1x400x32xf32, #tpu.memory_space<vmem>>
        %gather3A_791 = tpu.memref_squeeze %gather3A_790 : memref<1x400x32xf32, #tpu.memory_space<vmem>> -> memref<400x32xf32, #tpu.memory_space<vmem>>
        %gather3A_792 = tpu.vector_load_idx %gather3A_791[%add3A_412, %and3A_782] : memref<400x32xf32, #tpu.memory_space<vmem>>[vector<16xi32>, vector<16xi32>], vector<16xf32>,
        %gather3A_793 = arith.constant 0 : i32
        %gather3A_794 = arith.constant 0 : i32
        %gather3A_795 = tpu.memref_slice %arg18[%scan3A_282, %gather3A_793, %gather3A_794] : memref<2x400x32xf32, #tpu.memory_space<vmem>> -> memref<1x400x32xf32, #tpu.memory_space<vmem>>
        %gather3A_796 = tpu.memref_squeeze %gather3A_795 : memref<1x400x32xf32, #tpu.memory_space<vmem>> -> memref<400x32xf32, #tpu.memory_space<vmem>>
        %gather3A_797 = tpu.vector_load_idx %gather3A_796[%add3A_412, %and3A_782] : memref<400x32xf32, #tpu.memory_space<vmem>>[vector<16xi32>, vector<16xi32>], vector<16xf32>,
        %gather3A_798 = arith.constant 0 : i32
        %gather3A_799 = arith.constant 0 : i32
        %gather3A_800 = tpu.memref_slice %arg19[%scan3A_283, %gather3A_798, %gather3A_799] : memref<2x400x32xf32, #tpu.memory_space<vmem>> -> memref<1x400x32xf32, #tpu.memory_space<vmem>>
        %gather3A_801 = tpu.memref_squeeze %gather3A_800 : memref<1x400x32xf32, #tpu.memory_space<vmem>> -> memref<400x32xf32, #tpu.memory_space<vmem>>
        %gather3A_802 = tpu.vector_load_idx %gather3A_801[%add3A_412, %and3A_782] : memref<400x32xf32, #tpu.memory_space<vmem>>[vector<16xi32>, vector<16xi32>], vector<16xf32>,
        %mul3A_803 = arith.mulf %gather3A_787, %gather3A_792 : vector<16xf32>
        %add3A_804 = arith.addf %add3A_776, %mul3A_803 : vector<16xf32>
        %mul3A_805 = arith.mulf %gather3A_797, %gather3A_802 : vector<16xf32>
        %add3A_806 = arith.addf %add3A_804, %mul3A_805 : vector<16xf32>
        %add3A_807 = arith.constant 13 : i32
        %add3A_808 = vector.broadcast %add3A_807 : i32 to vector<16xi32>
        %add3A_809 = arith.addi %iota3A, %add3A_808 : vector<16xi32>
        %and3A_810 = arith.constant 31 : i32
        %and3A_811 = vector.broadcast %and3A_810 : i32 to vector<16xi32>
        %and3A_812 = arith.andi %add3A_809, %and3A_811 : vector<16xi32>
        %gather3A_813 = arith.constant 0 : i32
        %gather3A_814 = arith.constant 0 : i32
        %gather3A_815 = tpu.memref_slice %arg16[%scan3A_280, %gather3A_813, %gather3A_814] : memref<2x400x32xf32, #tpu.memory_space<vmem>> -> memref<1x400x32xf32, #tpu.memory_space<vmem>>
        %gather3A_816 = tpu.memref_squeeze %gather3A_815 : memref<1x400x32xf32, #tpu.memory_space<vmem>> -> memref<400x32xf32, #tpu.memory_space<vmem>>
        %gather3A_817 = tpu.vector_load_idx %gather3A_816[%add3A_412, %and3A_812] : memref<400x32xf32, #tpu.memory_space<vmem>>[vector<16xi32>, vector<16xi32>], vector<16xf32>,
        %gather3A_818 = arith.constant 0 : i32
        %gather3A_819 = arith.constant 0 : i32
        %gather3A_820 = tpu.memref_slice %arg17[%scan3A_281, %gather3A_818, %gather3A_819] : memref<2x400x32xf32, #tpu.memory_space<vmem>> -> memref<1x400x32xf32, #tpu.memory_space<vmem>>
        %gather3A_821 = tpu.memref_squeeze %gather3A_820 : memref<1x400x32xf32, #tpu.memory_space<vmem>> -> memref<400x32xf32, #tpu.memory_space<vmem>>
        %gather3A_822 = tpu.vector_load_idx %gather3A_821[%add3A_412, %and3A_812] : memref<400x32xf32, #tpu.memory_space<vmem>>[vector<16xi32>, vector<16xi32>], vector<16xf32>,
        %gather3A_823 = arith.constant 0 : i32
        %gather3A_824 = arith.constant 0 : i32
        %gather3A_825 = tpu.memref_slice %arg18[%scan3A_282, %gather3A_823, %gather3A_824] : memref<2x400x32xf32, #tpu.memory_space<vmem>> -> memref<1x400x32xf32, #tpu.memory_space<vmem>>
        %gather3A_826 = tpu.memref_squeeze %gather3A_825 : memref<1x400x32xf32, #tpu.memory_space<vmem>> -> memref<400x32xf32, #tpu.memory_space<vmem>>
        %gather3A_827 = tpu.vector_load_idx %gather3A_826[%add3A_412, %and3A_812] : memref<400x32xf32, #tpu.memory_space<vmem>>[vector<16xi32>, vector<16xi32>], vector<16xf32>,
        %gather3A_828 = arith.constant 0 : i32
        %gather3A_829 = arith.constant 0 : i32
        %gather3A_830 = tpu.memref_slice %arg19[%scan3A_283, %gather3A_828, %gather3A_829] : memref<2x400x32xf32, #tpu.memory_space<vmem>> -> memref<1x400x32xf32, #tpu.memory_space<vmem>>
        %gather3A_831 = tpu.memref_squeeze %gather3A_830 : memref<1x400x32xf32, #tpu.memory_space<vmem>> -> memref<400x32xf32, #tpu.memory_space<vmem>>
        %gather3A_832 = tpu.vector_load_idx %gather3A_831[%add3A_412, %and3A_812] : memref<400x32xf32, #tpu.memory_space<vmem>>[vector<16xi32>, vector<16xi32>], vector<16xf32>,
        %mul3A_833 = arith.mulf %gather3A_817, %gather3A_822 : vector<16xf32>
        %add3A_834 = arith.addf %add3A_806, %mul3A_833 : vector<16xf32>
        %mul3A_835 = arith.mulf %gather3A_827, %gather3A_832 : vector<16xf32>
        %add3A_836 = arith.addf %add3A_834, %mul3A_835 : vector<16xf32>
        %add3A_837 = arith.constant 14 : i32
        %add3A_838 = vector.broadcast %add3A_837 : i32 to vector<16xi32>
        %add3A_839 = arith.addi %iota3A, %add3A_838 : vector<16xi32>
        %and3A_840 = arith.constant 31 : i32
        %and3A_841 = vector.broadcast %and3A_840 : i32 to vector<16xi32>
        %and3A_842 = arith.andi %add3A_839, %and3A_841 : vector<16xi32>
        %gather3A_843 = arith.constant 0 : i32
        %gather3A_844 = arith.constant 0 : i32
        %gather3A_845 = tpu.memref_slice %arg16[%scan3A_280, %gather3A_843, %gather3A_844] : memref<2x400x32xf32, #tpu.memory_space<vmem>> -> memref<1x400x32xf32, #tpu.memory_space<vmem>>
        %gather3A_846 = tpu.memref_squeeze %gather3A_845 : memref<1x400x32xf32, #tpu.memory_space<vmem>> -> memref<400x32xf32, #tpu.memory_space<vmem>>
        %gather3A_847 = tpu.vector_load_idx %gather3A_846[%add3A_412, %and3A_842] : memref<400x32xf32, #tpu.memory_space<vmem>>[vector<16xi32>, vector<16xi32>], vector<16xf32>,
        %gather3A_848 = arith.constant 0 : i32
        %gather3A_849 = arith.constant 0 : i32
        %gather3A_850 = tpu.memref_slice %arg17[%scan3A_281, %gather3A_848, %gather3A_849] : memref<2x400x32xf32, #tpu.memory_space<vmem>> -> memref<1x400x32xf32, #tpu.memory_space<vmem>>
        %gather3A_851 = tpu.memref_squeeze %gather3A_850 : memref<1x400x32xf32, #tpu.memory_space<vmem>> -> memref<400x32xf32, #tpu.memory_space<vmem>>
        %gather3A_852 = tpu.vector_load_idx %gather3A_851[%add3A_412, %and3A_842] : memref<400x32xf32, #tpu.memory_space<vmem>>[vector<16xi32>, vector<16xi32>], vector<16xf32>,
        %gather3A_853 = arith.constant 0 : i32
        %gather3A_854 = arith.constant 0 : i32
        %gather3A_855 = tpu.memref_slice %arg18[%scan3A_282, %gather3A_853, %gather3A_854] : memref<2x400x32xf32, #tpu.memory_space<vmem>> -> memref<1x400x32xf32, #tpu.memory_space<vmem>>
        %gather3A_856 = tpu.memref_squeeze %gather3A_855 : memref<1x400x32xf32, #tpu.memory_space<vmem>> -> memref<400x32xf32, #tpu.memory_space<vmem>>
        %gather3A_857 = tpu.vector_load_idx %gather3A_856[%add3A_412, %and3A_842] : memref<400x32xf32, #tpu.memory_space<vmem>>[vector<16xi32>, vector<16xi32>], vector<16xf32>,
        %gather3A_858 = arith.constant 0 : i32
        %gather3A_859 = arith.constant 0 : i32
        %gather3A_860 = tpu.memref_slice %arg19[%scan3A_283, %gather3A_858, %gather3A_859] : memref<2x400x32xf32, #tpu.memory_space<vmem>> -> memref<1x400x32xf32, #tpu.memory_space<vmem>>
        %gather3A_861 = tpu.memref_squeeze %gather3A_860 : memref<1x400x32xf32, #tpu.memory_space<vmem>> -> memref<400x32xf32, #tpu.memory_space<vmem>>
        %gather3A_862 = tpu.vector_load_idx %gather3A_861[%add3A_412, %and3A_842] : memref<400x32xf32, #tpu.memory_space<vmem>>[vector<16xi32>, vector<16xi32>], vector<16xf32>,
        %mul3A_863 = arith.mulf %gather3A_847, %gather3A_852 : vector<16xf32>
        %add3A_864 = arith.addf %add3A_836, %mul3A_863 : vector<16xf32>
        %mul3A_865 = arith.mulf %gather3A_857, %gather3A_862 : vector<16xf32>
        %add3A_866 = arith.addf %add3A_864, %mul3A_865 : vector<16xf32>
        %add3A_867 = arith.constant 15 : i32
        %add3A_868 = vector.broadcast %add3A_867 : i32 to vector<16xi32>
        %add3A_869 = arith.addi %iota3A, %add3A_868 : vector<16xi32>
        %and3A_870 = arith.constant 31 : i32
        %and3A_871 = vector.broadcast %and3A_870 : i32 to vector<16xi32>
        %and3A_872 = arith.andi %add3A_869, %and3A_871 : vector<16xi32>
        %gather3A_873 = arith.constant 0 : i32
        %gather3A_874 = arith.constant 0 : i32
        %gather3A_875 = tpu.memref_slice %arg16[%scan3A_280, %gather3A_873, %gather3A_874] : memref<2x400x32xf32, #tpu.memory_space<vmem>> -> memref<1x400x32xf32, #tpu.memory_space<vmem>>
        %gather3A_876 = tpu.memref_squeeze %gather3A_875 : memref<1x400x32xf32, #tpu.memory_space<vmem>> -> memref<400x32xf32, #tpu.memory_space<vmem>>
        %gather3A_877 = tpu.vector_load_idx %gather3A_876[%add3A_412, %and3A_872] : memref<400x32xf32, #tpu.memory_space<vmem>>[vector<16xi32>, vector<16xi32>], vector<16xf32>,
        %gather3A_878 = arith.constant 0 : i32
        %gather3A_879 = arith.constant 0 : i32
        %gather3A_880 = tpu.memref_slice %arg17[%scan3A_281, %gather3A_878, %gather3A_879] : memref<2x400x32xf32, #tpu.memory_space<vmem>> -> memref<1x400x32xf32, #tpu.memory_space<vmem>>
        %gather3A_881 = tpu.memref_squeeze %gather3A_880 : memref<1x400x32xf32, #tpu.memory_space<vmem>> -> memref<400x32xf32, #tpu.memory_space<vmem>>
        %gather3A_882 = tpu.vector_load_idx %gather3A_881[%add3A_412, %and3A_872] : memref<400x32xf32, #tpu.memory_space<vmem>>[vector<16xi32>, vector<16xi32>], vector<16xf32>,
        %gather3A_883 = arith.constant 0 : i32
        %gather3A_884 = arith.constant 0 : i32
        %gather3A_885 = tpu.memref_slice %arg18[%scan3A_282, %gather3A_883, %gather3A_884] : memref<2x400x32xf32, #tpu.memory_space<vmem>> -> memref<1x400x32xf32, #tpu.memory_space<vmem>>
        %gather3A_886 = tpu.memref_squeeze %gather3A_885 : memref<1x400x32xf32, #tpu.memory_space<vmem>> -> memref<400x32xf32, #tpu.memory_space<vmem>>
        %gather3A_887 = tpu.vector_load_idx %gather3A_886[%add3A_412, %and3A_872] : memref<400x32xf32, #tpu.memory_space<vmem>>[vector<16xi32>, vector<16xi32>], vector<16xf32>,
        %gather3A_888 = arith.constant 0 : i32
        %gather3A_889 = arith.constant 0 : i32
        %gather3A_890 = tpu.memref_slice %arg19[%scan3A_283, %gather3A_888, %gather3A_889] : memref<2x400x32xf32, #tpu.memory_space<vmem>> -> memref<1x400x32xf32, #tpu.memory_space<vmem>>
        %gather3A_891 = tpu.memref_squeeze %gather3A_890 : memref<1x400x32xf32, #tpu.memory_space<vmem>> -> memref<400x32xf32, #tpu.memory_space<vmem>>
        %gather3A_892 = tpu.vector_load_idx %gather3A_891[%add3A_412, %and3A_872] : memref<400x32xf32, #tpu.memory_space<vmem>>[vector<16xi32>, vector<16xi32>], vector<16xf32>,
        %mul3A_893 = arith.mulf %gather3A_877, %gather3A_882 : vector<16xf32>
        %add3A_894 = arith.addf %add3A_866, %mul3A_893 : vector<16xf32>
        %mul3A_895 = arith.mulf %gather3A_887, %gather3A_892 : vector<16xf32>
        %add3A_896 = arith.addf %add3A_894, %mul3A_895 : vector<16xf32>
        %add3A_897 = arith.constant 16 : i32
        %add3A_898 = vector.broadcast %add3A_897 : i32 to vector<16xi32>
        %add3A_899 = arith.addi %iota3A, %add3A_898 : vector<16xi32>
        %and3A_900 = arith.constant 31 : i32
        %and3A_901 = vector.broadcast %and3A_900 : i32 to vector<16xi32>
        %and3A_902 = arith.andi %add3A_899, %and3A_901 : vector<16xi32>
        %gather3A_903 = arith.constant 0 : i32
        %gather3A_904 = arith.constant 0 : i32
        %gather3A_905 = tpu.memref_slice %arg16[%scan3A_280, %gather3A_903, %gather3A_904] : memref<2x400x32xf32, #tpu.memory_space<vmem>> -> memref<1x400x32xf32, #tpu.memory_space<vmem>>
        %gather3A_906 = tpu.memref_squeeze %gather3A_905 : memref<1x400x32xf32, #tpu.memory_space<vmem>> -> memref<400x32xf32, #tpu.memory_space<vmem>>
        %gather3A_907 = tpu.vector_load_idx %gather3A_906[%add3A_412, %and3A_902] : memref<400x32xf32, #tpu.memory_space<vmem>>[vector<16xi32>, vector<16xi32>], vector<16xf32>,
        %gather3A_908 = arith.constant 0 : i32
        %gather3A_909 = arith.constant 0 : i32
        %gather3A_910 = tpu.memref_slice %arg17[%scan3A_281, %gather3A_908, %gather3A_909] : memref<2x400x32xf32, #tpu.memory_space<vmem>> -> memref<1x400x32xf32, #tpu.memory_space<vmem>>
        %gather3A_911 = tpu.memref_squeeze %gather3A_910 : memref<1x400x32xf32, #tpu.memory_space<vmem>> -> memref<400x32xf32, #tpu.memory_space<vmem>>
        %gather3A_912 = tpu.vector_load_idx %gather3A_911[%add3A_412, %and3A_902] : memref<400x32xf32, #tpu.memory_space<vmem>>[vector<16xi32>, vector<16xi32>], vector<16xf32>,
        %gather3A_913 = arith.constant 0 : i32
        %gather3A_914 = arith.constant 0 : i32
        %gather3A_915 = tpu.memref_slice %arg18[%scan3A_282, %gather3A_913, %gather3A_914] : memref<2x400x32xf32, #tpu.memory_space<vmem>> -> memref<1x400x32xf32, #tpu.memory_space<vmem>>
        %gather3A_916 = tpu.memref_squeeze %gather3A_915 : memref<1x400x32xf32, #tpu.memory_space<vmem>> -> memref<400x32xf32, #tpu.memory_space<vmem>>
        %gather3A_917 = tpu.vector_load_idx %gather3A_916[%add3A_412, %and3A_902] : memref<400x32xf32, #tpu.memory_space<vmem>>[vector<16xi32>, vector<16xi32>], vector<16xf32>,
        %gather3A_918 = arith.constant 0 : i32
        %gather3A_919 = arith.constant 0 : i32
        %gather3A_920 = tpu.memref_slice %arg19[%scan3A_283, %gather3A_918, %gather3A_919] : memref<2x400x32xf32, #tpu.memory_space<vmem>> -> memref<1x400x32xf32, #tpu.memory_space<vmem>>
        %gather3A_921 = tpu.memref_squeeze %gather3A_920 : memref<1x400x32xf32, #tpu.memory_space<vmem>> -> memref<400x32xf32, #tpu.memory_space<vmem>>
        %gather3A_922 = tpu.vector_load_idx %gather3A_921[%add3A_412, %and3A_902] : memref<400x32xf32, #tpu.memory_space<vmem>>[vector<16xi32>, vector<16xi32>], vector<16xf32>,
        %mul3A_923 = arith.mulf %gather3A_907, %gather3A_912 : vector<16xf32>
        %add3A_924 = arith.addf %add3A_896, %mul3A_923 : vector<16xf32>
        %mul3A_925 = arith.mulf %gather3A_917, %gather3A_922 : vector<16xf32>
        %add3A_926 = arith.addf %add3A_924, %mul3A_925 : vector<16xf32>
        %add3A_927 = arith.constant 17 : i32
        %add3A_928 = vector.broadcast %add3A_927 : i32 to vector<16xi32>
        %add3A_929 = arith.addi %iota3A, %add3A_928 : vector<16xi32>
        %and3A_930 = arith.constant 31 : i32
        %and3A_931 = vector.broadcast %and3A_930 : i32 to vector<16xi32>
        %and3A_932 = arith.andi %add3A_929, %and3A_931 : vector<16xi32>
        %gather3A_933 = arith.constant 0 : i32
        %gather3A_934 = arith.constant 0 : i32
        %gather3A_935 = tpu.memref_slice %arg16[%scan3A_280, %gather3A_933, %gather3A_934] : memref<2x400x32xf32, #tpu.memory_space<vmem>> -> memref<1x400x32xf32, #tpu.memory_space<vmem>>
        %gather3A_936 = tpu.memref_squeeze %gather3A_935 : memref<1x400x32xf32, #tpu.memory_space<vmem>> -> memref<400x32xf32, #tpu.memory_space<vmem>>
        %gather3A_937 = tpu.vector_load_idx %gather3A_936[%add3A_412, %and3A_932] : memref<400x32xf32, #tpu.memory_space<vmem>>[vector<16xi32>, vector<16xi32>], vector<16xf32>,
        %gather3A_938 = arith.constant 0 : i32
        %gather3A_939 = arith.constant 0 : i32
        %gather3A_940 = tpu.memref_slice %arg17[%scan3A_281, %gather3A_938, %gather3A_939] : memref<2x400x32xf32, #tpu.memory_space<vmem>> -> memref<1x400x32xf32, #tpu.memory_space<vmem>>
        %gather3A_941 = tpu.memref_squeeze %gather3A_940 : memref<1x400x32xf32, #tpu.memory_space<vmem>> -> memref<400x32xf32, #tpu.memory_space<vmem>>
        %gather3A_942 = tpu.vector_load_idx %gather3A_941[%add3A_412, %and3A_932] : memref<400x32xf32, #tpu.memory_space<vmem>>[vector<16xi32>, vector<16xi32>], vector<16xf32>,
        %gather3A_943 = arith.constant 0 : i32
        %gather3A_944 = arith.constant 0 : i32
        %gather3A_945 = tpu.memref_slice %arg18[%scan3A_282, %gather3A_943, %gather3A_944] : memref<2x400x32xf32, #tpu.memory_space<vmem>> -> memref<1x400x32xf32, #tpu.memory_space<vmem>>
        %gather3A_946 = tpu.memref_squeeze %gather3A_945 : memref<1x400x32xf32, #tpu.memory_space<vmem>> -> memref<400x32xf32, #tpu.memory_space<vmem>>
        %gather3A_947 = tpu.vector_load_idx %gather3A_946[%add3A_412, %and3A_932] : memref<400x32xf32, #tpu.memory_space<vmem>>[vector<16xi32>, vector<16xi32>], vector<16xf32>,
        %gather3A_948 = arith.constant 0 : i32
        %gather3A_949 = arith.constant 0 : i32
        %gather3A_950 = tpu.memref_slice %arg19[%scan3A_283, %gather3A_948, %gather3A_949] : memref<2x400x32xf32, #tpu.memory_space<vmem>> -> memref<1x400x32xf32, #tpu.memory_space<vmem>>
        %gather3A_951 = tpu.memref_squeeze %gather3A_950 : memref<1x400x32xf32, #tpu.memory_space<vmem>> -> memref<400x32xf32, #tpu.memory_space<vmem>>
        %gather3A_952 = tpu.vector_load_idx %gather3A_951[%add3A_412, %and3A_932] : memref<400x32xf32, #tpu.memory_space<vmem>>[vector<16xi32>, vector<16xi32>], vector<16xf32>,
        %mul3A_953 = arith.mulf %gather3A_937, %gather3A_942 : vector<16xf32>
        %add3A_954 = arith.addf %add3A_926, %mul3A_953 : vector<16xf32>
        %mul3A_955 = arith.mulf %gather3A_947, %gather3A_952 : vector<16xf32>
        %add3A_956 = arith.addf %add3A_954, %mul3A_955 : vector<16xf32>
        %add3A_957 = arith.constant 18 : i32
        %add3A_958 = vector.broadcast %add3A_957 : i32 to vector<16xi32>
        %add3A_959 = arith.addi %iota3A, %add3A_958 : vector<16xi32>
        %and3A_960 = arith.constant 31 : i32
        %and3A_961 = vector.broadcast %and3A_960 : i32 to vector<16xi32>
        %and3A_962 = arith.andi %add3A_959, %and3A_961 : vector<16xi32>
        %gather3A_963 = arith.constant 0 : i32
        %gather3A_964 = arith.constant 0 : i32
        %gather3A_965 = tpu.memref_slice %arg16[%scan3A_280, %gather3A_963, %gather3A_964] : memref<2x400x32xf32, #tpu.memory_space<vmem>> -> memref<1x400x32xf32, #tpu.memory_space<vmem>>
        %gather3A_966 = tpu.memref_squeeze %gather3A_965 : memref<1x400x32xf32, #tpu.memory_space<vmem>> -> memref<400x32xf32, #tpu.memory_space<vmem>>
        %gather3A_967 = tpu.vector_load_idx %gather3A_966[%add3A_412, %and3A_962] : memref<400x32xf32, #tpu.memory_space<vmem>>[vector<16xi32>, vector<16xi32>], vector<16xf32>,
        %gather3A_968 = arith.constant 0 : i32
        %gather3A_969 = arith.constant 0 : i32
        %gather3A_970 = tpu.memref_slice %arg17[%scan3A_281, %gather3A_968, %gather3A_969] : memref<2x400x32xf32, #tpu.memory_space<vmem>> -> memref<1x400x32xf32, #tpu.memory_space<vmem>>
        %gather3A_971 = tpu.memref_squeeze %gather3A_970 : memref<1x400x32xf32, #tpu.memory_space<vmem>> -> memref<400x32xf32, #tpu.memory_space<vmem>>
        %gather3A_972 = tpu.vector_load_idx %gather3A_971[%add3A_412, %and3A_962] : memref<400x32xf32, #tpu.memory_space<vmem>>[vector<16xi32>, vector<16xi32>], vector<16xf32>,
        %gather3A_973 = arith.constant 0 : i32
        %gather3A_974 = arith.constant 0 : i32
        %gather3A_975 = tpu.memref_slice %arg18[%scan3A_282, %gather3A_973, %gather3A_974] : memref<2x400x32xf32, #tpu.memory_space<vmem>> -> memref<1x400x32xf32, #tpu.memory_space<vmem>>
        %gather3A_976 = tpu.memref_squeeze %gather3A_975 : memref<1x400x32xf32, #tpu.memory_space<vmem>> -> memref<400x32xf32, #tpu.memory_space<vmem>>
        %gather3A_977 = tpu.vector_load_idx %gather3A_976[%add3A_412, %and3A_962] : memref<400x32xf32, #tpu.memory_space<vmem>>[vector<16xi32>, vector<16xi32>], vector<16xf32>,
        %gather3A_978 = arith.constant 0 : i32
        %gather3A_979 = arith.constant 0 : i32
        %gather3A_980 = tpu.memref_slice %arg19[%scan3A_283, %gather3A_978, %gather3A_979] : memref<2x400x32xf32, #tpu.memory_space<vmem>> -> memref<1x400x32xf32, #tpu.memory_space<vmem>>
        %gather3A_981 = tpu.memref_squeeze %gather3A_980 : memref<1x400x32xf32, #tpu.memory_space<vmem>> -> memref<400x32xf32, #tpu.memory_space<vmem>>
        %gather3A_982 = tpu.vector_load_idx %gather3A_981[%add3A_412, %and3A_962] : memref<400x32xf32, #tpu.memory_space<vmem>>[vector<16xi32>, vector<16xi32>], vector<16xf32>,
        %mul3A_983 = arith.mulf %gather3A_967, %gather3A_972 : vector<16xf32>
        %add3A_984 = arith.addf %add3A_956, %mul3A_983 : vector<16xf32>
        %mul3A_985 = arith.mulf %gather3A_977, %gather3A_982 : vector<16xf32>
        %add3A_986 = arith.addf %add3A_984, %mul3A_985 : vector<16xf32>
        %add3A_987 = arith.constant 19 : i32
        %add3A_988 = vector.broadcast %add3A_987 : i32 to vector<16xi32>
        %add3A_989 = arith.addi %iota3A, %add3A_988 : vector<16xi32>
        %and3A_990 = arith.constant 31 : i32
        %and3A_991 = vector.broadcast %and3A_990 : i32 to vector<16xi32>
        %and3A_992 = arith.andi %add3A_989, %and3A_991 : vector<16xi32>
        %gather3A_993 = arith.constant 0 : i32
        %gather3A_994 = arith.constant 0 : i32
        %gather3A_995 = tpu.memref_slice %arg16[%scan3A_280, %gather3A_993, %gather3A_994] : memref<2x400x32xf32, #tpu.memory_space<vmem>> -> memref<1x400x32xf32, #tpu.memory_space<vmem>>
        %gather3A_996 = tpu.memref_squeeze %gather3A_995 : memref<1x400x32xf32, #tpu.memory_space<vmem>> -> memref<400x32xf32, #tpu.memory_space<vmem>>
        %gather3A_997 = tpu.vector_load_idx %gather3A_996[%add3A_412, %and3A_992] : memref<400x32xf32, #tpu.memory_space<vmem>>[vector<16xi32>, vector<16xi32>], vector<16xf32>,
        %gather3A_998 = arith.constant 0 : i32
        %gather3A_999 = arith.constant 0 : i32
        %gather3A_1000 = tpu.memref_slice %arg17[%scan3A_281, %gather3A_998, %gather3A_999] : memref<2x400x32xf32, #tpu.memory_space<vmem>> -> memref<1x400x32xf32, #tpu.memory_space<vmem>>
        %gather3A_1001 = tpu.memref_squeeze %gather3A_1000 : memref<1x400x32xf32, #tpu.memory_space<vmem>> -> memref<400x32xf32, #tpu.memory_space<vmem>>
        %gather3A_1002 = tpu.vector_load_idx %gather3A_1001[%add3A_412, %and3A_992] : memref<400x32xf32, #tpu.memory_space<vmem>>[vector<16xi32>, vector<16xi32>], vector<16xf32>,
        %gather3A_1003 = arith.constant 0 : i32
        %gather3A_1004 = arith.constant 0 : i32
        %gather3A_1005 = tpu.memref_slice %arg18[%scan3A_282, %gather3A_1003, %gather3A_1004] : memref<2x400x32xf32, #tpu.memory_space<vmem>> -> memref<1x400x32xf32, #tpu.memory_space<vmem>>
        %gather3A_1006 = tpu.memref_squeeze %gather3A_1005 : memref<1x400x32xf32, #tpu.memory_space<vmem>> -> memref<400x32xf32, #tpu.memory_space<vmem>>
        %gather3A_1007 = tpu.vector_load_idx %gather3A_1006[%add3A_412, %and3A_992] : memref<400x32xf32, #tpu.memory_space<vmem>>[vector<16xi32>, vector<16xi32>], vector<16xf32>,
        %gather3A_1008 = arith.constant 0 : i32
        %gather3A_1009 = arith.constant 0 : i32
        %gather3A_1010 = tpu.memref_slice %arg19[%scan3A_283, %gather3A_1008, %gather3A_1009] : memref<2x400x32xf32, #tpu.memory_space<vmem>> -> memref<1x400x32xf32, #tpu.memory_space<vmem>>
        %gather3A_1011 = tpu.memref_squeeze %gather3A_1010 : memref<1x400x32xf32, #tpu.memory_space<vmem>> -> memref<400x32xf32, #tpu.memory_space<vmem>>
        %gather3A_1012 = tpu.vector_load_idx %gather3A_1011[%add3A_412, %and3A_992] : memref<400x32xf32, #tpu.memory_space<vmem>>[vector<16xi32>, vector<16xi32>], vector<16xf32>,
        %mul3A_1013 = arith.mulf %gather3A_997, %gather3A_1002 : vector<16xf32>
        %add3A_1014 = arith.addf %add3A_986, %mul3A_1013 : vector<16xf32>
        %mul3A_1015 = arith.mulf %gather3A_1007, %gather3A_1012 : vector<16xf32>
        %add3A_1016 = arith.addf %add3A_1014, %mul3A_1015 : vector<16xf32>
        %add3A_1017 = arith.constant 20 : i32
        %add3A_1018 = vector.broadcast %add3A_1017 : i32 to vector<16xi32>
        %add3A_1019 = arith.addi %iota3A, %add3A_1018 : vector<16xi32>
        %and3A_1020 = arith.constant 31 : i32
        %and3A_1021 = vector.broadcast %and3A_1020 : i32 to vector<16xi32>
        %and3A_1022 = arith.andi %add3A_1019, %and3A_1021 : vector<16xi32>
        %gather3A_1023 = arith.constant 0 : i32
        %gather3A_1024 = arith.constant 0 : i32
        %gather3A_1025 = tpu.memref_slice %arg16[%scan3A_280, %gather3A_1023, %gather3A_1024] : memref<2x400x32xf32, #tpu.memory_space<vmem>> -> memref<1x400x32xf32, #tpu.memory_space<vmem>>
        %gather3A_1026 = tpu.memref_squeeze %gather3A_1025 : memref<1x400x32xf32, #tpu.memory_space<vmem>> -> memref<400x32xf32, #tpu.memory_space<vmem>>
        %gather3A_1027 = tpu.vector_load_idx %gather3A_1026[%add3A_412, %and3A_1022] : memref<400x32xf32, #tpu.memory_space<vmem>>[vector<16xi32>, vector<16xi32>], vector<16xf32>,
        %gather3A_1028 = arith.constant 0 : i32
        %gather3A_1029 = arith.constant 0 : i32
        %gather3A_1030 = tpu.memref_slice %arg17[%scan3A_281, %gather3A_1028, %gather3A_1029] : memref<2x400x32xf32, #tpu.memory_space<vmem>> -> memref<1x400x32xf32, #tpu.memory_space<vmem>>
        %gather3A_1031 = tpu.memref_squeeze %gather3A_1030 : memref<1x400x32xf32, #tpu.memory_space<vmem>> -> memref<400x32xf32, #tpu.memory_space<vmem>>
        %gather3A_1032 = tpu.vector_load_idx %gather3A_1031[%add3A_412, %and3A_1022] : memref<400x32xf32, #tpu.memory_space<vmem>>[vector<16xi32>, vector<16xi32>], vector<16xf32>,
        %gather3A_1033 = arith.constant 0 : i32
        %gather3A_1034 = arith.constant 0 : i32
        %gather3A_1035 = tpu.memref_slice %arg18[%scan3A_282, %gather3A_1033, %gather3A_1034] : memref<2x400x32xf32, #tpu.memory_space<vmem>> -> memref<1x400x32xf32, #tpu.memory_space<vmem>>
        %gather3A_1036 = tpu.memref_squeeze %gather3A_1035 : memref<1x400x32xf32, #tpu.memory_space<vmem>> -> memref<400x32xf32, #tpu.memory_space<vmem>>
        %gather3A_1037 = tpu.vector_load_idx %gather3A_1036[%add3A_412, %and3A_1022] : memref<400x32xf32, #tpu.memory_space<vmem>>[vector<16xi32>, vector<16xi32>], vector<16xf32>,
        %gather3A_1038 = arith.constant 0 : i32
        %gather3A_1039 = arith.constant 0 : i32
        %gather3A_1040 = tpu.memref_slice %arg19[%scan3A_283, %gather3A_1038, %gather3A_1039] : memref<2x400x32xf32, #tpu.memory_space<vmem>> -> memref<1x400x32xf32, #tpu.memory_space<vmem>>
        %gather3A_1041 = tpu.memref_squeeze %gather3A_1040 : memref<1x400x32xf32, #tpu.memory_space<vmem>> -> memref<400x32xf32, #tpu.memory_space<vmem>>
        %gather3A_1042 = tpu.vector_load_idx %gather3A_1041[%add3A_412, %and3A_1022] : memref<400x32xf32, #tpu.memory_space<vmem>>[vector<16xi32>, vector<16xi32>], vector<16xf32>,
        %mul3A_1043 = arith.mulf %gather3A_1027, %gather3A_1032 : vector<16xf32>
        %add3A_1044 = arith.addf %add3A_1016, %mul3A_1043 : vector<16xf32>
        %mul3A_1045 = arith.mulf %gather3A_1037, %gather3A_1042 : vector<16xf32>
        %add3A_1046 = arith.addf %add3A_1044, %mul3A_1045 : vector<16xf32>
        %add3A_1047 = arith.constant 21 : i32
        %add3A_1048 = vector.broadcast %add3A_1047 : i32 to vector<16xi32>
        %add3A_1049 = arith.addi %iota3A, %add3A_1048 : vector<16xi32>
        %and3A_1050 = arith.constant 31 : i32
        %and3A_1051 = vector.broadcast %and3A_1050 : i32 to vector<16xi32>
        %and3A_1052 = arith.andi %add3A_1049, %and3A_1051 : vector<16xi32>
        %gather3A_1053 = arith.constant 0 : i32
        %gather3A_1054 = arith.constant 0 : i32
        %gather3A_1055 = tpu.memref_slice %arg16[%scan3A_280, %gather3A_1053, %gather3A_1054] : memref<2x400x32xf32, #tpu.memory_space<vmem>> -> memref<1x400x32xf32, #tpu.memory_space<vmem>>
        %gather3A_1056 = tpu.memref_squeeze %gather3A_1055 : memref<1x400x32xf32, #tpu.memory_space<vmem>> -> memref<400x32xf32, #tpu.memory_space<vmem>>
        %gather3A_1057 = tpu.vector_load_idx %gather3A_1056[%add3A_412, %and3A_1052] : memref<400x32xf32, #tpu.memory_space<vmem>>[vector<16xi32>, vector<16xi32>], vector<16xf32>,
        %gather3A_1058 = arith.constant 0 : i32
        %gather3A_1059 = arith.constant 0 : i32
        %gather3A_1060 = tpu.memref_slice %arg17[%scan3A_281, %gather3A_1058, %gather3A_1059] : memref<2x400x32xf32, #tpu.memory_space<vmem>> -> memref<1x400x32xf32, #tpu.memory_space<vmem>>
        %gather3A_1061 = tpu.memref_squeeze %gather3A_1060 : memref<1x400x32xf32, #tpu.memory_space<vmem>> -> memref<400x32xf32, #tpu.memory_space<vmem>>
        %gather3A_1062 = tpu.vector_load_idx %gather3A_1061[%add3A_412, %and3A_1052] : memref<400x32xf32, #tpu.memory_space<vmem>>[vector<16xi32>, vector<16xi32>], vector<16xf32>,
        %gather3A_1063 = arith.constant 0 : i32
        %gather3A_1064 = arith.constant 0 : i32
        %gather3A_1065 = tpu.memref_slice %arg18[%scan3A_282, %gather3A_1063, %gather3A_1064] : memref<2x400x32xf32, #tpu.memory_space<vmem>> -> memref<1x400x32xf32, #tpu.memory_space<vmem>>
        %gather3A_1066 = tpu.memref_squeeze %gather3A_1065 : memref<1x400x32xf32, #tpu.memory_space<vmem>> -> memref<400x32xf32, #tpu.memory_space<vmem>>
        %gather3A_1067 = tpu.vector_load_idx %gather3A_1066[%add3A_412, %and3A_1052] : memref<400x32xf32, #tpu.memory_space<vmem>>[vector<16xi32>, vector<16xi32>], vector<16xf32>,
        %gather3A_1068 = arith.constant 0 : i32
        %gather3A_1069 = arith.constant 0 : i32
        %gather3A_1070 = tpu.memref_slice %arg19[%scan3A_283, %gather3A_1068, %gather3A_1069] : memref<2x400x32xf32, #tpu.memory_space<vmem>> -> memref<1x400x32xf32, #tpu.memory_space<vmem>>
        %gather3A_1071 = tpu.memref_squeeze %gather3A_1070 : memref<1x400x32xf32, #tpu.memory_space<vmem>> -> memref<400x32xf32, #tpu.memory_space<vmem>>
        %gather3A_1072 = tpu.vector_load_idx %gather3A_1071[%add3A_412, %and3A_1052] : memref<400x32xf32, #tpu.memory_space<vmem>>[vector<16xi32>, vector<16xi32>], vector<16xf32>,
        %mul3A_1073 = arith.mulf %gather3A_1057, %gather3A_1062 : vector<16xf32>
        %add3A_1074 = arith.addf %add3A_1046, %mul3A_1073 : vector<16xf32>
        %mul3A_1075 = arith.mulf %gather3A_1067, %gather3A_1072 : vector<16xf32>
        %add3A_1076 = arith.addf %add3A_1074, %mul3A_1075 : vector<16xf32>
        %add3A_1077 = arith.constant 22 : i32
        %add3A_1078 = vector.broadcast %add3A_1077 : i32 to vector<16xi32>
        %add3A_1079 = arith.addi %iota3A, %add3A_1078 : vector<16xi32>
        %and3A_1080 = arith.constant 31 : i32
        %and3A_1081 = vector.broadcast %and3A_1080 : i32 to vector<16xi32>
        %and3A_1082 = arith.andi %add3A_1079, %and3A_1081 : vector<16xi32>
        %gather3A_1083 = arith.constant 0 : i32
        %gather3A_1084 = arith.constant 0 : i32
        %gather3A_1085 = tpu.memref_slice %arg16[%scan3A_280, %gather3A_1083, %gather3A_1084] : memref<2x400x32xf32, #tpu.memory_space<vmem>> -> memref<1x400x32xf32, #tpu.memory_space<vmem>>
        %gather3A_1086 = tpu.memref_squeeze %gather3A_1085 : memref<1x400x32xf32, #tpu.memory_space<vmem>> -> memref<400x32xf32, #tpu.memory_space<vmem>>
        %gather3A_1087 = tpu.vector_load_idx %gather3A_1086[%add3A_412, %and3A_1082] : memref<400x32xf32, #tpu.memory_space<vmem>>[vector<16xi32>, vector<16xi32>], vector<16xf32>,
        %gather3A_1088 = arith.constant 0 : i32
        %gather3A_1089 = arith.constant 0 : i32
        %gather3A_1090 = tpu.memref_slice %arg17[%scan3A_281, %gather3A_1088, %gather3A_1089] : memref<2x400x32xf32, #tpu.memory_space<vmem>> -> memref<1x400x32xf32, #tpu.memory_space<vmem>>
        %gather3A_1091 = tpu.memref_squeeze %gather3A_1090 : memref<1x400x32xf32, #tpu.memory_space<vmem>> -> memref<400x32xf32, #tpu.memory_space<vmem>>
        %gather3A_1092 = tpu.vector_load_idx %gather3A_1091[%add3A_412, %and3A_1082] : memref<400x32xf32, #tpu.memory_space<vmem>>[vector<16xi32>, vector<16xi32>], vector<16xf32>,
        %gather3A_1093 = arith.constant 0 : i32
        %gather3A_1094 = arith.constant 0 : i32
        %gather3A_1095 = tpu.memref_slice %arg18[%scan3A_282, %gather3A_1093, %gather3A_1094] : memref<2x400x32xf32, #tpu.memory_space<vmem>> -> memref<1x400x32xf32, #tpu.memory_space<vmem>>
        %gather3A_1096 = tpu.memref_squeeze %gather3A_1095 : memref<1x400x32xf32, #tpu.memory_space<vmem>> -> memref<400x32xf32, #tpu.memory_space<vmem>>
        %gather3A_1097 = tpu.vector_load_idx %gather3A_1096[%add3A_412, %and3A_1082] : memref<400x32xf32, #tpu.memory_space<vmem>>[vector<16xi32>, vector<16xi32>], vector<16xf32>,
        %gather3A_1098 = arith.constant 0 : i32
        %gather3A_1099 = arith.constant 0 : i32
        %gather3A_1100 = tpu.memref_slice %arg19[%scan3A_283, %gather3A_1098, %gather3A_1099] : memref<2x400x32xf32, #tpu.memory_space<vmem>> -> memref<1x400x32xf32, #tpu.memory_space<vmem>>
        %gather3A_1101 = tpu.memref_squeeze %gather3A_1100 : memref<1x400x32xf32, #tpu.memory_space<vmem>> -> memref<400x32xf32, #tpu.memory_space<vmem>>
        %gather3A_1102 = tpu.vector_load_idx %gather3A_1101[%add3A_412, %and3A_1082] : memref<400x32xf32, #tpu.memory_space<vmem>>[vector<16xi32>, vector<16xi32>], vector<16xf32>,
        %mul3A_1103 = arith.mulf %gather3A_1087, %gather3A_1092 : vector<16xf32>
        %add3A_1104 = arith.addf %add3A_1076, %mul3A_1103 : vector<16xf32>
        %mul3A_1105 = arith.mulf %gather3A_1097, %gather3A_1102 : vector<16xf32>
        %add3A_1106 = arith.addf %add3A_1104, %mul3A_1105 : vector<16xf32>
        %add3A_1107 = arith.constant 23 : i32
        %add3A_1108 = vector.broadcast %add3A_1107 : i32 to vector<16xi32>
        %add3A_1109 = arith.addi %iota3A, %add3A_1108 : vector<16xi32>
        %and3A_1110 = arith.constant 31 : i32
        %and3A_1111 = vector.broadcast %and3A_1110 : i32 to vector<16xi32>
        %and3A_1112 = arith.andi %add3A_1109, %and3A_1111 : vector<16xi32>
        %gather3A_1113 = arith.constant 0 : i32
        %gather3A_1114 = arith.constant 0 : i32
        %gather3A_1115 = tpu.memref_slice %arg16[%scan3A_280, %gather3A_1113, %gather3A_1114] : memref<2x400x32xf32, #tpu.memory_space<vmem>> -> memref<1x400x32xf32, #tpu.memory_space<vmem>>
        %gather3A_1116 = tpu.memref_squeeze %gather3A_1115 : memref<1x400x32xf32, #tpu.memory_space<vmem>> -> memref<400x32xf32, #tpu.memory_space<vmem>>
        %gather3A_1117 = tpu.vector_load_idx %gather3A_1116[%add3A_412, %and3A_1112] : memref<400x32xf32, #tpu.memory_space<vmem>>[vector<16xi32>, vector<16xi32>], vector<16xf32>,
        %gather3A_1118 = arith.constant 0 : i32
        %gather3A_1119 = arith.constant 0 : i32
        %gather3A_1120 = tpu.memref_slice %arg17[%scan3A_281, %gather3A_1118, %gather3A_1119] : memref<2x400x32xf32, #tpu.memory_space<vmem>> -> memref<1x400x32xf32, #tpu.memory_space<vmem>>
        %gather3A_1121 = tpu.memref_squeeze %gather3A_1120 : memref<1x400x32xf32, #tpu.memory_space<vmem>> -> memref<400x32xf32, #tpu.memory_space<vmem>>
        %gather3A_1122 = tpu.vector_load_idx %gather3A_1121[%add3A_412, %and3A_1112] : memref<400x32xf32, #tpu.memory_space<vmem>>[vector<16xi32>, vector<16xi32>], vector<16xf32>,
        %gather3A_1123 = arith.constant 0 : i32
        %gather3A_1124 = arith.constant 0 : i32
        %gather3A_1125 = tpu.memref_slice %arg18[%scan3A_282, %gather3A_1123, %gather3A_1124] : memref<2x400x32xf32, #tpu.memory_space<vmem>> -> memref<1x400x32xf32, #tpu.memory_space<vmem>>
        %gather3A_1126 = tpu.memref_squeeze %gather3A_1125 : memref<1x400x32xf32, #tpu.memory_space<vmem>> -> memref<400x32xf32, #tpu.memory_space<vmem>>
        %gather3A_1127 = tpu.vector_load_idx %gather3A_1126[%add3A_412, %and3A_1112] : memref<400x32xf32, #tpu.memory_space<vmem>>[vector<16xi32>, vector<16xi32>], vector<16xf32>,
        %gather3A_1128 = arith.constant 0 : i32
        %gather3A_1129 = arith.constant 0 : i32
        %gather3A_1130 = tpu.memref_slice %arg19[%scan3A_283, %gather3A_1128, %gather3A_1129] : memref<2x400x32xf32, #tpu.memory_space<vmem>> -> memref<1x400x32xf32, #tpu.memory_space<vmem>>
        %gather3A_1131 = tpu.memref_squeeze %gather3A_1130 : memref<1x400x32xf32, #tpu.memory_space<vmem>> -> memref<400x32xf32, #tpu.memory_space<vmem>>
        %gather3A_1132 = tpu.vector_load_idx %gather3A_1131[%add3A_412, %and3A_1112] : memref<400x32xf32, #tpu.memory_space<vmem>>[vector<16xi32>, vector<16xi32>], vector<16xf32>,
        %mul3A_1133 = arith.mulf %gather3A_1117, %gather3A_1122 : vector<16xf32>
        %add3A_1134 = arith.addf %add3A_1106, %mul3A_1133 : vector<16xf32>
        %mul3A_1135 = arith.mulf %gather3A_1127, %gather3A_1132 : vector<16xf32>
        %add3A_1136 = arith.addf %add3A_1134, %mul3A_1135 : vector<16xf32>
        %add3A_1137 = arith.constant 24 : i32
        %add3A_1138 = vector.broadcast %add3A_1137 : i32 to vector<16xi32>
        %add3A_1139 = arith.addi %iota3A, %add3A_1138 : vector<16xi32>
        %and3A_1140 = arith.constant 31 : i32
        %and3A_1141 = vector.broadcast %and3A_1140 : i32 to vector<16xi32>
        %and3A_1142 = arith.andi %add3A_1139, %and3A_1141 : vector<16xi32>
        %gather3A_1143 = arith.constant 0 : i32
        %gather3A_1144 = arith.constant 0 : i32
        %gather3A_1145 = tpu.memref_slice %arg16[%scan3A_280, %gather3A_1143, %gather3A_1144] : memref<2x400x32xf32, #tpu.memory_space<vmem>> -> memref<1x400x32xf32, #tpu.memory_space<vmem>>
        %gather3A_1146 = tpu.memref_squeeze %gather3A_1145 : memref<1x400x32xf32, #tpu.memory_space<vmem>> -> memref<400x32xf32, #tpu.memory_space<vmem>>
        %gather3A_1147 = tpu.vector_load_idx %gather3A_1146[%add3A_412, %and3A_1142] : memref<400x32xf32, #tpu.memory_space<vmem>>[vector<16xi32>, vector<16xi32>], vector<16xf32>,
        %gather3A_1148 = arith.constant 0 : i32
        %gather3A_1149 = arith.constant 0 : i32
        %gather3A_1150 = tpu.memref_slice %arg17[%scan3A_281, %gather3A_1148, %gather3A_1149] : memref<2x400x32xf32, #tpu.memory_space<vmem>> -> memref<1x400x32xf32, #tpu.memory_space<vmem>>
        %gather3A_1151 = tpu.memref_squeeze %gather3A_1150 : memref<1x400x32xf32, #tpu.memory_space<vmem>> -> memref<400x32xf32, #tpu.memory_space<vmem>>
        %gather3A_1152 = tpu.vector_load_idx %gather3A_1151[%add3A_412, %and3A_1142] : memref<400x32xf32, #tpu.memory_space<vmem>>[vector<16xi32>, vector<16xi32>], vector<16xf32>,
        %gather3A_1153 = arith.constant 0 : i32
        %gather3A_1154 = arith.constant 0 : i32
        %gather3A_1155 = tpu.memref_slice %arg18[%scan3A_282, %gather3A_1153, %gather3A_1154] : memref<2x400x32xf32, #tpu.memory_space<vmem>> -> memref<1x400x32xf32, #tpu.memory_space<vmem>>
        %gather3A_1156 = tpu.memref_squeeze %gather3A_1155 : memref<1x400x32xf32, #tpu.memory_space<vmem>> -> memref<400x32xf32, #tpu.memory_space<vmem>>
        %gather3A_1157 = tpu.vector_load_idx %gather3A_1156[%add3A_412, %and3A_1142] : memref<400x32xf32, #tpu.memory_space<vmem>>[vector<16xi32>, vector<16xi32>], vector<16xf32>,
        %gather3A_1158 = arith.constant 0 : i32
        %gather3A_1159 = arith.constant 0 : i32
        %gather3A_1160 = tpu.memref_slice %arg19[%scan3A_283, %gather3A_1158, %gather3A_1159] : memref<2x400x32xf32, #tpu.memory_space<vmem>> -> memref<1x400x32xf32, #tpu.memory_space<vmem>>
        %gather3A_1161 = tpu.memref_squeeze %gather3A_1160 : memref<1x400x32xf32, #tpu.memory_space<vmem>> -> memref<400x32xf32, #tpu.memory_space<vmem>>
        %gather3A_1162 = tpu.vector_load_idx %gather3A_1161[%add3A_412, %and3A_1142] : memref<400x32xf32, #tpu.memory_space<vmem>>[vector<16xi32>, vector<16xi32>], vector<16xf32>,
        %mul3A_1163 = arith.mulf %gather3A_1147, %gather3A_1152 : vector<16xf32>
        %add3A_1164 = arith.addf %add3A_1136, %mul3A_1163 : vector<16xf32>
        %mul3A_1165 = arith.mulf %gather3A_1157, %gather3A_1162 : vector<16xf32>
        %add3A_1166 = arith.addf %add3A_1164, %mul3A_1165 : vector<16xf32>
        %add3A_1167 = arith.constant 25 : i32
        %add3A_1168 = vector.broadcast %add3A_1167 : i32 to vector<16xi32>
        %add3A_1169 = arith.addi %iota3A, %add3A_1168 : vector<16xi32>
        %and3A_1170 = arith.constant 31 : i32
        %and3A_1171 = vector.broadcast %and3A_1170 : i32 to vector<16xi32>
        %and3A_1172 = arith.andi %add3A_1169, %and3A_1171 : vector<16xi32>
        %gather3A_1173 = arith.constant 0 : i32
        %gather3A_1174 = arith.constant 0 : i32
        %gather3A_1175 = tpu.memref_slice %arg16[%scan3A_280, %gather3A_1173, %gather3A_1174] : memref<2x400x32xf32, #tpu.memory_space<vmem>> -> memref<1x400x32xf32, #tpu.memory_space<vmem>>
        %gather3A_1176 = tpu.memref_squeeze %gather3A_1175 : memref<1x400x32xf32, #tpu.memory_space<vmem>> -> memref<400x32xf32, #tpu.memory_space<vmem>>
        %gather3A_1177 = tpu.vector_load_idx %gather3A_1176[%add3A_412, %and3A_1172] : memref<400x32xf32, #tpu.memory_space<vmem>>[vector<16xi32>, vector<16xi32>], vector<16xf32>,
        %gather3A_1178 = arith.constant 0 : i32
        %gather3A_1179 = arith.constant 0 : i32
        %gather3A_1180 = tpu.memref_slice %arg17[%scan3A_281, %gather3A_1178, %gather3A_1179] : memref<2x400x32xf32, #tpu.memory_space<vmem>> -> memref<1x400x32xf32, #tpu.memory_space<vmem>>
        %gather3A_1181 = tpu.memref_squeeze %gather3A_1180 : memref<1x400x32xf32, #tpu.memory_space<vmem>> -> memref<400x32xf32, #tpu.memory_space<vmem>>
        %gather3A_1182 = tpu.vector_load_idx %gather3A_1181[%add3A_412, %and3A_1172] : memref<400x32xf32, #tpu.memory_space<vmem>>[vector<16xi32>, vector<16xi32>], vector<16xf32>,
        %gather3A_1183 = arith.constant 0 : i32
        %gather3A_1184 = arith.constant 0 : i32
        %gather3A_1185 = tpu.memref_slice %arg18[%scan3A_282, %gather3A_1183, %gather3A_1184] : memref<2x400x32xf32, #tpu.memory_space<vmem>> -> memref<1x400x32xf32, #tpu.memory_space<vmem>>
        %gather3A_1186 = tpu.memref_squeeze %gather3A_1185 : memref<1x400x32xf32, #tpu.memory_space<vmem>> -> memref<400x32xf32, #tpu.memory_space<vmem>>
        %gather3A_1187 = tpu.vector_load_idx %gather3A_1186[%add3A_412, %and3A_1172] : memref<400x32xf32, #tpu.memory_space<vmem>>[vector<16xi32>, vector<16xi32>], vector<16xf32>,
        %gather3A_1188 = arith.constant 0 : i32
        %gather3A_1189 = arith.constant 0 : i32
        %gather3A_1190 = tpu.memref_slice %arg19[%scan3A_283, %gather3A_1188, %gather3A_1189] : memref<2x400x32xf32, #tpu.memory_space<vmem>> -> memref<1x400x32xf32, #tpu.memory_space<vmem>>
        %gather3A_1191 = tpu.memref_squeeze %gather3A_1190 : memref<1x400x32xf32, #tpu.memory_space<vmem>> -> memref<400x32xf32, #tpu.memory_space<vmem>>
        %gather3A_1192 = tpu.vector_load_idx %gather3A_1191[%add3A_412, %and3A_1172] : memref<400x32xf32, #tpu.memory_space<vmem>>[vector<16xi32>, vector<16xi32>], vector<16xf32>,
        %mul3A_1193 = arith.mulf %gather3A_1177, %gather3A_1182 : vector<16xf32>
        %add3A_1194 = arith.addf %add3A_1166, %mul3A_1193 : vector<16xf32>
        %mul3A_1195 = arith.mulf %gather3A_1187, %gather3A_1192 : vector<16xf32>
        %add3A_1196 = arith.addf %add3A_1194, %mul3A_1195 : vector<16xf32>
        %add3A_1197 = arith.constant 26 : i32
        %add3A_1198 = vector.broadcast %add3A_1197 : i32 to vector<16xi32>
        %add3A_1199 = arith.addi %iota3A, %add3A_1198 : vector<16xi32>
        %and3A_1200 = arith.constant 31 : i32
        %and3A_1201 = vector.broadcast %and3A_1200 : i32 to vector<16xi32>
        %and3A_1202 = arith.andi %add3A_1199, %and3A_1201 : vector<16xi32>
        %gather3A_1203 = arith.constant 0 : i32
        %gather3A_1204 = arith.constant 0 : i32
        %gather3A_1205 = tpu.memref_slice %arg16[%scan3A_280, %gather3A_1203, %gather3A_1204] : memref<2x400x32xf32, #tpu.memory_space<vmem>> -> memref<1x400x32xf32, #tpu.memory_space<vmem>>
        %gather3A_1206 = tpu.memref_squeeze %gather3A_1205 : memref<1x400x32xf32, #tpu.memory_space<vmem>> -> memref<400x32xf32, #tpu.memory_space<vmem>>
        %gather3A_1207 = tpu.vector_load_idx %gather3A_1206[%add3A_412, %and3A_1202] : memref<400x32xf32, #tpu.memory_space<vmem>>[vector<16xi32>, vector<16xi32>], vector<16xf32>,
        %gather3A_1208 = arith.constant 0 : i32
        %gather3A_1209 = arith.constant 0 : i32
        %gather3A_1210 = tpu.memref_slice %arg17[%scan3A_281, %gather3A_1208, %gather3A_1209] : memref<2x400x32xf32, #tpu.memory_space<vmem>> -> memref<1x400x32xf32, #tpu.memory_space<vmem>>
        %gather3A_1211 = tpu.memref_squeeze %gather3A_1210 : memref<1x400x32xf32, #tpu.memory_space<vmem>> -> memref<400x32xf32, #tpu.memory_space<vmem>>
        %gather3A_1212 = tpu.vector_load_idx %gather3A_1211[%add3A_412, %and3A_1202] : memref<400x32xf32, #tpu.memory_space<vmem>>[vector<16xi32>, vector<16xi32>], vector<16xf32>,
        %gather3A_1213 = arith.constant 0 : i32
        %gather3A_1214 = arith.constant 0 : i32
        %gather3A_1215 = tpu.memref_slice %arg18[%scan3A_282, %gather3A_1213, %gather3A_1214] : memref<2x400x32xf32, #tpu.memory_space<vmem>> -> memref<1x400x32xf32, #tpu.memory_space<vmem>>
        %gather3A_1216 = tpu.memref_squeeze %gather3A_1215 : memref<1x400x32xf32, #tpu.memory_space<vmem>> -> memref<400x32xf32, #tpu.memory_space<vmem>>
        %gather3A_1217 = tpu.vector_load_idx %gather3A_1216[%add3A_412, %and3A_1202] : memref<400x32xf32, #tpu.memory_space<vmem>>[vector<16xi32>, vector<16xi32>], vector<16xf32>,
        %gather3A_1218 = arith.constant 0 : i32
        %gather3A_1219 = arith.constant 0 : i32
        %gather3A_1220 = tpu.memref_slice %arg19[%scan3A_283, %gather3A_1218, %gather3A_1219] : memref<2x400x32xf32, #tpu.memory_space<vmem>> -> memref<1x400x32xf32, #tpu.memory_space<vmem>>
        %gather3A_1221 = tpu.memref_squeeze %gather3A_1220 : memref<1x400x32xf32, #tpu.memory_space<vmem>> -> memref<400x32xf32, #tpu.memory_space<vmem>>
        %gather3A_1222 = tpu.vector_load_idx %gather3A_1221[%add3A_412, %and3A_1202] : memref<400x32xf32, #tpu.memory_space<vmem>>[vector<16xi32>, vector<16xi32>], vector<16xf32>,
        %mul3A_1223 = arith.mulf %gather3A_1207, %gather3A_1212 : vector<16xf32>
        %add3A_1224 = arith.addf %add3A_1196, %mul3A_1223 : vector<16xf32>
        %mul3A_1225 = arith.mulf %gather3A_1217, %gather3A_1222 : vector<16xf32>
        %add3A_1226 = arith.addf %add3A_1224, %mul3A_1225 : vector<16xf32>
        %add3A_1227 = arith.constant 27 : i32
        %add3A_1228 = vector.broadcast %add3A_1227 : i32 to vector<16xi32>
        %add3A_1229 = arith.addi %iota3A, %add3A_1228 : vector<16xi32>
        %and3A_1230 = arith.constant 31 : i32
        %and3A_1231 = vector.broadcast %and3A_1230 : i32 to vector<16xi32>
        %and3A_1232 = arith.andi %add3A_1229, %and3A_1231 : vector<16xi32>
        %gather3A_1233 = arith.constant 0 : i32
        %gather3A_1234 = arith.constant 0 : i32
        %gather3A_1235 = tpu.memref_slice %arg16[%scan3A_280, %gather3A_1233, %gather3A_1234] : memref<2x400x32xf32, #tpu.memory_space<vmem>> -> memref<1x400x32xf32, #tpu.memory_space<vmem>>
        %gather3A_1236 = tpu.memref_squeeze %gather3A_1235 : memref<1x400x32xf32, #tpu.memory_space<vmem>> -> memref<400x32xf32, #tpu.memory_space<vmem>>
        %gather3A_1237 = tpu.vector_load_idx %gather3A_1236[%add3A_412, %and3A_1232] : memref<400x32xf32, #tpu.memory_space<vmem>>[vector<16xi32>, vector<16xi32>], vector<16xf32>,
        %gather3A_1238 = arith.constant 0 : i32
        %gather3A_1239 = arith.constant 0 : i32
        %gather3A_1240 = tpu.memref_slice %arg17[%scan3A_281, %gather3A_1238, %gather3A_1239] : memref<2x400x32xf32, #tpu.memory_space<vmem>> -> memref<1x400x32xf32, #tpu.memory_space<vmem>>
        %gather3A_1241 = tpu.memref_squeeze %gather3A_1240 : memref<1x400x32xf32, #tpu.memory_space<vmem>> -> memref<400x32xf32, #tpu.memory_space<vmem>>
        %gather3A_1242 = tpu.vector_load_idx %gather3A_1241[%add3A_412, %and3A_1232] : memref<400x32xf32, #tpu.memory_space<vmem>>[vector<16xi32>, vector<16xi32>], vector<16xf32>,
        %gather3A_1243 = arith.constant 0 : i32
        %gather3A_1244 = arith.constant 0 : i32
        %gather3A_1245 = tpu.memref_slice %arg18[%scan3A_282, %gather3A_1243, %gather3A_1244] : memref<2x400x32xf32, #tpu.memory_space<vmem>> -> memref<1x400x32xf32, #tpu.memory_space<vmem>>
        %gather3A_1246 = tpu.memref_squeeze %gather3A_1245 : memref<1x400x32xf32, #tpu.memory_space<vmem>> -> memref<400x32xf32, #tpu.memory_space<vmem>>
        %gather3A_1247 = tpu.vector_load_idx %gather3A_1246[%add3A_412, %and3A_1232] : memref<400x32xf32, #tpu.memory_space<vmem>>[vector<16xi32>, vector<16xi32>], vector<16xf32>,
        %gather3A_1248 = arith.constant 0 : i32
        %gather3A_1249 = arith.constant 0 : i32
        %gather3A_1250 = tpu.memref_slice %arg19[%scan3A_283, %gather3A_1248, %gather3A_1249] : memref<2x400x32xf32, #tpu.memory_space<vmem>> -> memref<1x400x32xf32, #tpu.memory_space<vmem>>
        %gather3A_1251 = tpu.memref_squeeze %gather3A_1250 : memref<1x400x32xf32, #tpu.memory_space<vmem>> -> memref<400x32xf32, #tpu.memory_space<vmem>>
        %gather3A_1252 = tpu.vector_load_idx %gather3A_1251[%add3A_412, %and3A_1232] : memref<400x32xf32, #tpu.memory_space<vmem>>[vector<16xi32>, vector<16xi32>], vector<16xf32>,
        %mul3A_1253 = arith.mulf %gather3A_1237, %gather3A_1242 : vector<16xf32>
        %add3A_1254 = arith.addf %add3A_1226, %mul3A_1253 : vector<16xf32>
        %mul3A_1255 = arith.mulf %gather3A_1247, %gather3A_1252 : vector<16xf32>
        %add3A_1256 = arith.addf %add3A_1254, %mul3A_1255 : vector<16xf32>
        %add3A_1257 = arith.constant 28 : i32
        %add3A_1258 = vector.broadcast %add3A_1257 : i32 to vector<16xi32>
        %add3A_1259 = arith.addi %iota3A, %add3A_1258 : vector<16xi32>
        %and3A_1260 = arith.constant 31 : i32
        %and3A_1261 = vector.broadcast %and3A_1260 : i32 to vector<16xi32>
        %and3A_1262 = arith.andi %add3A_1259, %and3A_1261 : vector<16xi32>
        %gather3A_1263 = arith.constant 0 : i32
        %gather3A_1264 = arith.constant 0 : i32
        %gather3A_1265 = tpu.memref_slice %arg16[%scan3A_280, %gather3A_1263, %gather3A_1264] : memref<2x400x32xf32, #tpu.memory_space<vmem>> -> memref<1x400x32xf32, #tpu.memory_space<vmem>>
        %gather3A_1266 = tpu.memref_squeeze %gather3A_1265 : memref<1x400x32xf32, #tpu.memory_space<vmem>> -> memref<400x32xf32, #tpu.memory_space<vmem>>
        %gather3A_1267 = tpu.vector_load_idx %gather3A_1266[%add3A_412, %and3A_1262] : memref<400x32xf32, #tpu.memory_space<vmem>>[vector<16xi32>, vector<16xi32>], vector<16xf32>,
        %gather3A_1268 = arith.constant 0 : i32
        %gather3A_1269 = arith.constant 0 : i32
        %gather3A_1270 = tpu.memref_slice %arg17[%scan3A_281, %gather3A_1268, %gather3A_1269] : memref<2x400x32xf32, #tpu.memory_space<vmem>> -> memref<1x400x32xf32, #tpu.memory_space<vmem>>
        %gather3A_1271 = tpu.memref_squeeze %gather3A_1270 : memref<1x400x32xf32, #tpu.memory_space<vmem>> -> memref<400x32xf32, #tpu.memory_space<vmem>>
        %gather3A_1272 = tpu.vector_load_idx %gather3A_1271[%add3A_412, %and3A_1262] : memref<400x32xf32, #tpu.memory_space<vmem>>[vector<16xi32>, vector<16xi32>], vector<16xf32>,
        %gather3A_1273 = arith.constant 0 : i32
        %gather3A_1274 = arith.constant 0 : i32
        %gather3A_1275 = tpu.memref_slice %arg18[%scan3A_282, %gather3A_1273, %gather3A_1274] : memref<2x400x32xf32, #tpu.memory_space<vmem>> -> memref<1x400x32xf32, #tpu.memory_space<vmem>>
        %gather3A_1276 = tpu.memref_squeeze %gather3A_1275 : memref<1x400x32xf32, #tpu.memory_space<vmem>> -> memref<400x32xf32, #tpu.memory_space<vmem>>
        %gather3A_1277 = tpu.vector_load_idx %gather3A_1276[%add3A_412, %and3A_1262] : memref<400x32xf32, #tpu.memory_space<vmem>>[vector<16xi32>, vector<16xi32>], vector<16xf32>,
        %gather3A_1278 = arith.constant 0 : i32
        %gather3A_1279 = arith.constant 0 : i32
        %gather3A_1280 = tpu.memref_slice %arg19[%scan3A_283, %gather3A_1278, %gather3A_1279] : memref<2x400x32xf32, #tpu.memory_space<vmem>> -> memref<1x400x32xf32, #tpu.memory_space<vmem>>
        %gather3A_1281 = tpu.memref_squeeze %gather3A_1280 : memref<1x400x32xf32, #tpu.memory_space<vmem>> -> memref<400x32xf32, #tpu.memory_space<vmem>>
        %gather3A_1282 = tpu.vector_load_idx %gather3A_1281[%add3A_412, %and3A_1262] : memref<400x32xf32, #tpu.memory_space<vmem>>[vector<16xi32>, vector<16xi32>], vector<16xf32>,
        %mul3A_1283 = arith.mulf %gather3A_1267, %gather3A_1272 : vector<16xf32>
        %add3A_1284 = arith.addf %add3A_1256, %mul3A_1283 : vector<16xf32>
        %mul3A_1285 = arith.mulf %gather3A_1277, %gather3A_1282 : vector<16xf32>
        %add3A_1286 = arith.addf %add3A_1284, %mul3A_1285 : vector<16xf32>
        %add3A_1287 = arith.constant 29 : i32
        %add3A_1288 = vector.broadcast %add3A_1287 : i32 to vector<16xi32>
        %add3A_1289 = arith.addi %iota3A, %add3A_1288 : vector<16xi32>
        %and3A_1290 = arith.constant 31 : i32
        %and3A_1291 = vector.broadcast %and3A_1290 : i32 to vector<16xi32>
        %and3A_1292 = arith.andi %add3A_1289, %and3A_1291 : vector<16xi32>
        %gather3A_1293 = arith.constant 0 : i32
        %gather3A_1294 = arith.constant 0 : i32
        %gather3A_1295 = tpu.memref_slice %arg16[%scan3A_280, %gather3A_1293, %gather3A_1294] : memref<2x400x32xf32, #tpu.memory_space<vmem>> -> memref<1x400x32xf32, #tpu.memory_space<vmem>>
        %gather3A_1296 = tpu.memref_squeeze %gather3A_1295 : memref<1x400x32xf32, #tpu.memory_space<vmem>> -> memref<400x32xf32, #tpu.memory_space<vmem>>
        %gather3A_1297 = tpu.vector_load_idx %gather3A_1296[%add3A_412, %and3A_1292] : memref<400x32xf32, #tpu.memory_space<vmem>>[vector<16xi32>, vector<16xi32>], vector<16xf32>,
        %gather3A_1298 = arith.constant 0 : i32
        %gather3A_1299 = arith.constant 0 : i32
        %gather3A_1300 = tpu.memref_slice %arg17[%scan3A_281, %gather3A_1298, %gather3A_1299] : memref<2x400x32xf32, #tpu.memory_space<vmem>> -> memref<1x400x32xf32, #tpu.memory_space<vmem>>
        %gather3A_1301 = tpu.memref_squeeze %gather3A_1300 : memref<1x400x32xf32, #tpu.memory_space<vmem>> -> memref<400x32xf32, #tpu.memory_space<vmem>>
        %gather3A_1302 = tpu.vector_load_idx %gather3A_1301[%add3A_412, %and3A_1292] : memref<400x32xf32, #tpu.memory_space<vmem>>[vector<16xi32>, vector<16xi32>], vector<16xf32>,
        %gather3A_1303 = arith.constant 0 : i32
        %gather3A_1304 = arith.constant 0 : i32
        %gather3A_1305 = tpu.memref_slice %arg18[%scan3A_282, %gather3A_1303, %gather3A_1304] : memref<2x400x32xf32, #tpu.memory_space<vmem>> -> memref<1x400x32xf32, #tpu.memory_space<vmem>>
        %gather3A_1306 = tpu.memref_squeeze %gather3A_1305 : memref<1x400x32xf32, #tpu.memory_space<vmem>> -> memref<400x32xf32, #tpu.memory_space<vmem>>
        %gather3A_1307 = tpu.vector_load_idx %gather3A_1306[%add3A_412, %and3A_1292] : memref<400x32xf32, #tpu.memory_space<vmem>>[vector<16xi32>, vector<16xi32>], vector<16xf32>,
        %gather3A_1308 = arith.constant 0 : i32
        %gather3A_1309 = arith.constant 0 : i32
        %gather3A_1310 = tpu.memref_slice %arg19[%scan3A_283, %gather3A_1308, %gather3A_1309] : memref<2x400x32xf32, #tpu.memory_space<vmem>> -> memref<1x400x32xf32, #tpu.memory_space<vmem>>
        %gather3A_1311 = tpu.memref_squeeze %gather3A_1310 : memref<1x400x32xf32, #tpu.memory_space<vmem>> -> memref<400x32xf32, #tpu.memory_space<vmem>>
        %gather3A_1312 = tpu.vector_load_idx %gather3A_1311[%add3A_412, %and3A_1292] : memref<400x32xf32, #tpu.memory_space<vmem>>[vector<16xi32>, vector<16xi32>], vector<16xf32>,
        %mul3A_1313 = arith.mulf %gather3A_1297, %gather3A_1302 : vector<16xf32>
        %add3A_1314 = arith.addf %add3A_1286, %mul3A_1313 : vector<16xf32>
        %mul3A_1315 = arith.mulf %gather3A_1307, %gather3A_1312 : vector<16xf32>
        %add3A_1316 = arith.addf %add3A_1314, %mul3A_1315 : vector<16xf32>
        %add3A_1317 = arith.constant 30 : i32
        %add3A_1318 = vector.broadcast %add3A_1317 : i32 to vector<16xi32>
        %add3A_1319 = arith.addi %iota3A, %add3A_1318 : vector<16xi32>
        %and3A_1320 = arith.constant 31 : i32
        %and3A_1321 = vector.broadcast %and3A_1320 : i32 to vector<16xi32>
        %and3A_1322 = arith.andi %add3A_1319, %and3A_1321 : vector<16xi32>
        %gather3A_1323 = arith.constant 0 : i32
        %gather3A_1324 = arith.constant 0 : i32
        %gather3A_1325 = tpu.memref_slice %arg16[%scan3A_280, %gather3A_1323, %gather3A_1324] : memref<2x400x32xf32, #tpu.memory_space<vmem>> -> memref<1x400x32xf32, #tpu.memory_space<vmem>>
        %gather3A_1326 = tpu.memref_squeeze %gather3A_1325 : memref<1x400x32xf32, #tpu.memory_space<vmem>> -> memref<400x32xf32, #tpu.memory_space<vmem>>
        %gather3A_1327 = tpu.vector_load_idx %gather3A_1326[%add3A_412, %and3A_1322] : memref<400x32xf32, #tpu.memory_space<vmem>>[vector<16xi32>, vector<16xi32>], vector<16xf32>,
        %gather3A_1328 = arith.constant 0 : i32
        %gather3A_1329 = arith.constant 0 : i32
        %gather3A_1330 = tpu.memref_slice %arg17[%scan3A_281, %gather3A_1328, %gather3A_1329] : memref<2x400x32xf32, #tpu.memory_space<vmem>> -> memref<1x400x32xf32, #tpu.memory_space<vmem>>
        %gather3A_1331 = tpu.memref_squeeze %gather3A_1330 : memref<1x400x32xf32, #tpu.memory_space<vmem>> -> memref<400x32xf32, #tpu.memory_space<vmem>>
        %gather3A_1332 = tpu.vector_load_idx %gather3A_1331[%add3A_412, %and3A_1322] : memref<400x32xf32, #tpu.memory_space<vmem>>[vector<16xi32>, vector<16xi32>], vector<16xf32>,
        %gather3A_1333 = arith.constant 0 : i32
        %gather3A_1334 = arith.constant 0 : i32
        %gather3A_1335 = tpu.memref_slice %arg18[%scan3A_282, %gather3A_1333, %gather3A_1334] : memref<2x400x32xf32, #tpu.memory_space<vmem>> -> memref<1x400x32xf32, #tpu.memory_space<vmem>>
        %gather3A_1336 = tpu.memref_squeeze %gather3A_1335 : memref<1x400x32xf32, #tpu.memory_space<vmem>> -> memref<400x32xf32, #tpu.memory_space<vmem>>
        %gather3A_1337 = tpu.vector_load_idx %gather3A_1336[%add3A_412, %and3A_1322] : memref<400x32xf32, #tpu.memory_space<vmem>>[vector<16xi32>, vector<16xi32>], vector<16xf32>,
        %gather3A_1338 = arith.constant 0 : i32
        %gather3A_1339 = arith.constant 0 : i32
        %gather3A_1340 = tpu.memref_slice %arg19[%scan3A_283, %gather3A_1338, %gather3A_1339] : memref<2x400x32xf32, #tpu.memory_space<vmem>> -> memref<1x400x32xf32, #tpu.memory_space<vmem>>
        %gather3A_1341 = tpu.memref_squeeze %gather3A_1340 : memref<1x400x32xf32, #tpu.memory_space<vmem>> -> memref<400x32xf32, #tpu.memory_space<vmem>>
        %gather3A_1342 = tpu.vector_load_idx %gather3A_1341[%add3A_412, %and3A_1322] : memref<400x32xf32, #tpu.memory_space<vmem>>[vector<16xi32>, vector<16xi32>], vector<16xf32>,
        %mul3A_1343 = arith.mulf %gather3A_1327, %gather3A_1332 : vector<16xf32>
        %add3A_1344 = arith.addf %add3A_1316, %mul3A_1343 : vector<16xf32>
        %mul3A_1345 = arith.mulf %gather3A_1337, %gather3A_1342 : vector<16xf32>
        %add3A_1346 = arith.addf %add3A_1344, %mul3A_1345 : vector<16xf32>
        %add3A_1347 = arith.constant 31 : i32
        %add3A_1348 = vector.broadcast %add3A_1347 : i32 to vector<16xi32>
        %add3A_1349 = arith.addi %iota3A, %add3A_1348 : vector<16xi32>
        %and3A_1350 = arith.constant 31 : i32
        %and3A_1351 = vector.broadcast %and3A_1350 : i32 to vector<16xi32>
        %and3A_1352 = arith.andi %add3A_1349, %and3A_1351 : vector<16xi32>
        %gather3A_1353 = arith.constant 0 : i32
        %gather3A_1354 = arith.constant 0 : i32
        %gather3A_1355 = tpu.memref_slice %arg16[%scan3A_280, %gather3A_1353, %gather3A_1354] : memref<2x400x32xf32, #tpu.memory_space<vmem>> -> memref<1x400x32xf32, #tpu.memory_space<vmem>>
        %gather3A_1356 = tpu.memref_squeeze %gather3A_1355 : memref<1x400x32xf32, #tpu.memory_space<vmem>> -> memref<400x32xf32, #tpu.memory_space<vmem>>
        %gather3A_1357 = tpu.vector_load_idx %gather3A_1356[%add3A_412, %and3A_1352] : memref<400x32xf32, #tpu.memory_space<vmem>>[vector<16xi32>, vector<16xi32>], vector<16xf32>,
        %gather3A_1358 = arith.constant 0 : i32
        %gather3A_1359 = arith.constant 0 : i32
        %gather3A_1360 = tpu.memref_slice %arg17[%scan3A_281, %gather3A_1358, %gather3A_1359] : memref<2x400x32xf32, #tpu.memory_space<vmem>> -> memref<1x400x32xf32, #tpu.memory_space<vmem>>
        %gather3A_1361 = tpu.memref_squeeze %gather3A_1360 : memref<1x400x32xf32, #tpu.memory_space<vmem>> -> memref<400x32xf32, #tpu.memory_space<vmem>>
        %gather3A_1362 = tpu.vector_load_idx %gather3A_1361[%add3A_412, %and3A_1352] : memref<400x32xf32, #tpu.memory_space<vmem>>[vector<16xi32>, vector<16xi32>], vector<16xf32>,
        %gather3A_1363 = arith.constant 0 : i32
        %gather3A_1364 = arith.constant 0 : i32
        %gather3A_1365 = tpu.memref_slice %arg18[%scan3A_282, %gather3A_1363, %gather3A_1364] : memref<2x400x32xf32, #tpu.memory_space<vmem>> -> memref<1x400x32xf32, #tpu.memory_space<vmem>>
        %gather3A_1366 = tpu.memref_squeeze %gather3A_1365 : memref<1x400x32xf32, #tpu.memory_space<vmem>> -> memref<400x32xf32, #tpu.memory_space<vmem>>
        %gather3A_1367 = tpu.vector_load_idx %gather3A_1366[%add3A_412, %and3A_1352] : memref<400x32xf32, #tpu.memory_space<vmem>>[vector<16xi32>, vector<16xi32>], vector<16xf32>,
        %gather3A_1368 = arith.constant 0 : i32
        %gather3A_1369 = arith.constant 0 : i32
        %gather3A_1370 = tpu.memref_slice %arg19[%scan3A_283, %gather3A_1368, %gather3A_1369] : memref<2x400x32xf32, #tpu.memory_space<vmem>> -> memref<1x400x32xf32, #tpu.memory_space<vmem>>
        %gather3A_1371 = tpu.memref_squeeze %gather3A_1370 : memref<1x400x32xf32, #tpu.memory_space<vmem>> -> memref<400x32xf32, #tpu.memory_space<vmem>>
        %gather3A_1372 = tpu.vector_load_idx %gather3A_1371[%add3A_412, %and3A_1352] : memref<400x32xf32, #tpu.memory_space<vmem>>[vector<16xi32>, vector<16xi32>], vector<16xf32>,
        %mul3A_1373 = arith.mulf %gather3A_1357, %gather3A_1362 : vector<16xf32>
        %add3A_1374 = arith.addf %add3A_1346, %mul3A_1373 : vector<16xf32>
        %mul3A_1375 = arith.mulf %gather3A_1367, %gather3A_1372 : vector<16xf32>
        %add3A_1376 = arith.addf %add3A_1374, %mul3A_1375 : vector<16xf32>
        %mul3A_1377 = arith.constant 16 : i32
        %mul3A_1378 = arith.muli %scan3A_408, %mul3A_1377 : i32
        %swap3A = arith.constant 0 : i32
        %swap3A_1379 = tpu.memref_slice %arg21[%scan3A_284, %swap3A] : memref<2x400xf32, #tpu.memory_space<vmem>> -> memref<1x400xf32, #tpu.memory_space<vmem>>
        %swap3A_1380 = tpu.memref_squeeze %swap3A_1379 : memref<1x400xf32, #tpu.memory_space<vmem>> -> memref<400xf32, #tpu.memory_space<vmem>>
        %swap3A_1381 = arith.index_cast %mul3A_1378 : i32 to index
        %swap3A_1382 = tpu.vector_load %swap3A_1380[%swap3A_1381] {strides = array<i32>} : memref<400xf32, #tpu.memory_space<vmem>>, vector<16xf32>,
        tpu.vector_store %swap3A_1380[%swap3A_1381], %add3A_1376 {strides = array<i32>} : memref<400xf32, #tpu.memory_space<vmem>>, vector<16xf32>,
      }
      %scan3A_289 = arith.constant 25 : i32
      %mul3A_290 = arith.constant 400 : i32
      %mul3A_291 = arith.muli %add3A_204, %mul3A_290 : i32
      %add3A_292 = arith.addi %mul3A_2, %mul3A_291 : i32
      %dma_start3A_293 = arith.constant 0 : i32
      %dma_start3A_294 = arith.constant 0 : i32
      %dma_start3A_295 = tpu.memref_slice %arg21[%dma_start3A_293, %dma_start3A_294] : memref<2x400xf32, #tpu.memory_space<vmem>> -> memref<1x400xf32, #tpu.memory_space<vmem>>
      %dma_start3A_296 = tpu.memref_squeeze %dma_start3A_295 : memref<1x400xf32, #tpu.memory_space<vmem>> -> memref<400xf32, #tpu.memory_space<vmem>>
      %dma_start3A_297 = tpu.memref_slice %arg11[%add3A_292] : memref<819200xf32, #tpu.memory_space<hbm>> -> memref<400xf32, #tpu.memory_space<hbm>>
      %dma_start3A_298 = tpu.memref_slice %arg11[%add3A_292] : memref<819200xf32, #tpu.memory_space<hbm>> -> memref<400xf32, #tpu.memory_space<hbm>>
      %dma_start3A_299 = arith.constant 0 : i32
      %dma_start3A_300 = tpu.memref_slice %arg21[%dma_start3A_293, %dma_start3A_299] : memref<2x400xf32, #tpu.memory_space<vmem>> -> memref<1x400xf32, #tpu.memory_space<vmem>>
      %dma_start3A_301 = tpu.memref_squeeze %dma_start3A_300 : memref<1x400xf32, #tpu.memory_space<vmem>> -> memref<400xf32, #tpu.memory_space<vmem>>
      tpu.enqueue_dma source(%dma_start3A_301 : memref<400xf32, #tpu.memory_space<vmem>>) target(%dma_start3A_298 : memref<400xf32, #tpu.memory_space<hbm>>) target_semaphore(%arg26 : memref<!tpu.dma_semaphore, #tpu.memory_space<semaphore_mem>>)
      %mul3A_302 = arith.constant 2 : i32
      %mul3A_303 = arith.muli %mul3A_302, %scan3A_200 : i32
      %add3A_304 = arith.constant 1 : i32
      %add3A_305 = arith.addi %mul3A_303, %add3A_304 : i32
      %dma_wait3A_306 = arith.constant 1 : i32
      %dma_wait3A_307 = arith.constant 1 : i32
      %dma_wait3A_308 = arith.constant 0 : i32
      %dma_wait3A_309 = arith.constant 0 : i32
      %dma_wait3A_310 = tpu.memref_slice %arg16[%dma_wait3A_307, %dma_wait3A_308, %dma_wait3A_309] : memref<2x400x32xf32, #tpu.memory_space<vmem>> -> memref<1x400x32xf32, #tpu.memory_space<vmem>>
      %dma_wait3A_311 = tpu.memref_squeeze %dma_wait3A_310 : memref<1x400x32xf32, #tpu.memory_space<vmem>> -> memref<400x32xf32, #tpu.memory_space<vmem>>
      %dma_wait3A_312 = arith.constant 0 : i32
      %dma_wait3A_313 = tpu.memref_slice %arg12[%dma_wait3A_306, %dma_wait3A_312] : memref<2x400xi32, #tpu.memory_space<vmem>> -> memref<1x400xi32, #tpu.memory_space<vmem>>
      %dma_wait3A_314 = tpu.memref_squeeze %dma_wait3A_313 : memref<1x400xi32, #tpu.memory_space<vmem>> -> memref<400xi32, #tpu.memory_space<vmem>>
      %dma_wait3A_315 = arith.constant 0 : i32
      %dma_wait3A_316 = arith.constant 0 : i32
      %dma_wait3A_317 = tpu.memref_slice %arg6[%dma_wait3A_315, %dma_wait3A_316] : memref<1015808x32xf32, #tpu.memory_space<hbm>> -> memref<1015808x32xf32, #tpu.memory_space<hbm>>
      tpu.wait_indirect_dma semaphore(%arg25 : memref<!tpu.dma_semaphore, #tpu.memory_space<semaphore_mem>>) src(%dma_wait3A_317 : memref<1015808x32xf32, #tpu.memory_space<hbm>>) dst(%dma_wait3A_311 : memref<400x32xf32, #tpu.memory_space<vmem>>)
      %dma_wait3A_318 = arith.constant 1 : i32
      %dma_wait3A_319 = arith.constant 1 : i32
      %dma_wait3A_320 = arith.constant 0 : i32
      %dma_wait3A_321 = arith.constant 0 : i32
      %dma_wait3A_322 = tpu.memref_slice %arg17[%dma_wait3A_319, %dma_wait3A_320, %dma_wait3A_321] : memref<2x400x32xf32, #tpu.memory_space<vmem>> -> memref<1x400x32xf32, #tpu.memory_space<vmem>>
      %dma_wait3A_323 = tpu.memref_squeeze %dma_wait3A_322 : memref<1x400x32xf32, #tpu.memory_space<vmem>> -> memref<400x32xf32, #tpu.memory_space<vmem>>
      %dma_wait3A_324 = arith.constant 0 : i32
      %dma_wait3A_325 = tpu.memref_slice %arg14[%dma_wait3A_318, %dma_wait3A_324] : memref<2x400xi32, #tpu.memory_space<vmem>> -> memref<1x400xi32, #tpu.memory_space<vmem>>
      %dma_wait3A_326 = tpu.memref_squeeze %dma_wait3A_325 : memref<1x400xi32, #tpu.memory_space<vmem>> -> memref<400xi32, #tpu.memory_space<vmem>>
      %dma_wait3A_327 = arith.constant 0 : i32
      %dma_wait3A_328 = arith.constant 0 : i32
      %dma_wait3A_329 = tpu.memref_slice %arg7[%dma_wait3A_327, %dma_wait3A_328] : memref<1015808x32xf32, #tpu.memory_space<hbm>> -> memref<1015808x32xf32, #tpu.memory_space<hbm>>
      tpu.wait_indirect_dma semaphore(%arg25 : memref<!tpu.dma_semaphore, #tpu.memory_space<semaphore_mem>>) src(%dma_wait3A_329 : memref<1015808x32xf32, #tpu.memory_space<hbm>>) dst(%dma_wait3A_323 : memref<400x32xf32, #tpu.memory_space<vmem>>)
      %dma_wait3A_330 = arith.constant 1 : i32
      %dma_wait3A_331 = arith.constant 1 : i32
      %dma_wait3A_332 = arith.constant 0 : i32
      %dma_wait3A_333 = arith.constant 0 : i32
      %dma_wait3A_334 = tpu.memref_slice %arg18[%dma_wait3A_331, %dma_wait3A_332, %dma_wait3A_333] : memref<2x400x32xf32, #tpu.memory_space<vmem>> -> memref<1x400x32xf32, #tpu.memory_space<vmem>>
      %dma_wait3A_335 = tpu.memref_squeeze %dma_wait3A_334 : memref<1x400x32xf32, #tpu.memory_space<vmem>> -> memref<400x32xf32, #tpu.memory_space<vmem>>
      %dma_wait3A_336 = arith.constant 0 : i32
      %dma_wait3A_337 = tpu.memref_slice %arg13[%dma_wait3A_330, %dma_wait3A_336] : memref<2x400xi32, #tpu.memory_space<vmem>> -> memref<1x400xi32, #tpu.memory_space<vmem>>
      %dma_wait3A_338 = tpu.memref_squeeze %dma_wait3A_337 : memref<1x400xi32, #tpu.memory_space<vmem>> -> memref<400xi32, #tpu.memory_space<vmem>>
      %dma_wait3A_339 = arith.constant 0 : i32
      %dma_wait3A_340 = arith.constant 0 : i32
      %dma_wait3A_341 = tpu.memref_slice %arg8[%dma_wait3A_339, %dma_wait3A_340] : memref<1015808x32xf32, #tpu.memory_space<hbm>> -> memref<1015808x32xf32, #tpu.memory_space<hbm>>
      tpu.wait_indirect_dma semaphore(%arg25 : memref<!tpu.dma_semaphore, #tpu.memory_space<semaphore_mem>>) src(%dma_wait3A_341 : memref<1015808x32xf32, #tpu.memory_space<hbm>>) dst(%dma_wait3A_335 : memref<400x32xf32, #tpu.memory_space<vmem>>)
      %dma_wait3A_342 = arith.constant 1 : i32
      %dma_wait3A_343 = arith.constant 1 : i32
      %dma_wait3A_344 = arith.constant 0 : i32
      %dma_wait3A_345 = arith.constant 0 : i32
      %dma_wait3A_346 = tpu.memref_slice %arg19[%dma_wait3A_343, %dma_wait3A_344, %dma_wait3A_345] : memref<2x400x32xf32, #tpu.memory_space<vmem>> -> memref<1x400x32xf32, #tpu.memory_space<vmem>>
      %dma_wait3A_347 = tpu.memref_squeeze %dma_wait3A_346 : memref<1x400x32xf32, #tpu.memory_space<vmem>> -> memref<400x32xf32, #tpu.memory_space<vmem>>
      %dma_wait3A_348 = arith.constant 0 : i32
      %dma_wait3A_349 = tpu.memref_slice %arg14[%dma_wait3A_342, %dma_wait3A_348] : memref<2x400xi32, #tpu.memory_space<vmem>> -> memref<1x400xi32, #tpu.memory_space<vmem>>
      %dma_wait3A_350 = tpu.memref_squeeze %dma_wait3A_349 : memref<1x400xi32, #tpu.memory_space<vmem>> -> memref<400xi32, #tpu.memory_space<vmem>>
      %dma_wait3A_351 = arith.constant 0 : i32
      %dma_wait3A_352 = arith.constant 0 : i32
      %dma_wait3A_353 = tpu.memref_slice %arg9[%dma_wait3A_351, %dma_wait3A_352] : memref<1015808x32xf32, #tpu.memory_space<hbm>> -> memref<1015808x32xf32, #tpu.memory_space<hbm>>
      tpu.wait_indirect_dma semaphore(%arg25 : memref<!tpu.dma_semaphore, #tpu.memory_space<semaphore_mem>>) src(%dma_wait3A_353 : memref<1015808x32xf32, #tpu.memory_space<hbm>>) dst(%dma_wait3A_347 : memref<400x32xf32, #tpu.memory_space<vmem>>)
      %dma_wait3A_354 = arith.constant 1 : i32
      %dma_wait3A_355 = arith.constant 1 : i32
      %dma_wait3A_356 = arith.constant 0 : i32
      %dma_wait3A_357 = tpu.memref_slice %arg20[%dma_wait3A_355, %dma_wait3A_356] : memref<2x400xf32, #tpu.memory_space<vmem>> -> memref<1x400xf32, #tpu.memory_space<vmem>>
      %dma_wait3A_358 = tpu.memref_squeeze %dma_wait3A_357 : memref<1x400xf32, #tpu.memory_space<vmem>> -> memref<400xf32, #tpu.memory_space<vmem>>
      %dma_wait3A_359 = arith.constant 0 : i32
      %dma_wait3A_360 = tpu.memref_slice %arg15[%dma_wait3A_354, %dma_wait3A_359] : memref<2x400xi32, #tpu.memory_space<vmem>> -> memref<1x400xi32, #tpu.memory_space<vmem>>
      %dma_wait3A_361 = tpu.memref_squeeze %dma_wait3A_360 : memref<1x400xi32, #tpu.memory_space<vmem>> -> memref<400xi32, #tpu.memory_space<vmem>>
      %dma_wait3A_362 = arith.constant 0 : i32
      %dma_wait3A_363 = tpu.memref_slice %arg10[%dma_wait3A_362] : memref<1000001xf32, #tpu.memory_space<hbm>> -> memref<1000001xf32, #tpu.memory_space<hbm>>
      tpu.wait_indirect_dma semaphore(%arg25 : memref<!tpu.dma_semaphore, #tpu.memory_space<semaphore_mem>>) src(%dma_wait3A_363 : memref<1000001xf32, #tpu.memory_space<hbm>>) dst(%dma_wait3A_358 : memref<400xf32, #tpu.memory_space<vmem>>)
      %add3A_364 = arith.constant 2 : i32
      %add3A_365 = arith.addi %add3A_305, %add3A_364 : i32
      %lt3A_366 = arith.constant 64 : i32
      %lt3A_367 = arith.cmpi slt, %add3A_365, %lt3A_366 : i32
      %convert_element_type3A_368 = arith.extui %lt3A_367 : i1 to i32
      %cond3A_369 = arith.constant 0 : i32
      %cond3A_370 = arith.cmpi ne, %convert_element_type3A_368, %cond3A_369 : i32
      scf.if %cond3A_370 {
        %add3A_408 = arith.constant 2 : i32
        %add3A_409 = arith.addi %add3A_305, %add3A_408 : i32
        %mul3A_410 = arith.constant 400 : i32
        %mul3A_411 = arith.muli %add3A_409, %mul3A_410 : i32
        %add3A_412 = arith.addi %mul3A_2, %mul3A_411 : i32
        %dma_start3A_413 = arith.constant 1 : i32
        %dma_start3A_414 = arith.constant 0 : i32
        %dma_start3A_415 = tpu.memref_slice %arg12[%dma_start3A_413, %dma_start3A_414] : memref<2x400xi32, #tpu.memory_space<vmem>> -> memref<1x400xi32, #tpu.memory_space<vmem>>
        %dma_start3A_416 = tpu.memref_squeeze %dma_start3A_415 : memref<1x400xi32, #tpu.memory_space<vmem>> -> memref<400xi32, #tpu.memory_space<vmem>>
        %dma_start3A_417 = tpu.memref_slice %arg2[%add3A_412] : memref<819200xi32, #tpu.memory_space<hbm>> -> memref<400xi32, #tpu.memory_space<hbm>>
        %dma_start3A_418 = arith.constant 0 : i32
        %dma_start3A_419 = tpu.memref_slice %arg12[%dma_start3A_413, %dma_start3A_418] : memref<2x400xi32, #tpu.memory_space<vmem>> -> memref<1x400xi32, #tpu.memory_space<vmem>>
        %dma_start3A_420 = tpu.memref_squeeze %dma_start3A_419 : memref<1x400xi32, #tpu.memory_space<vmem>> -> memref<400xi32, #tpu.memory_space<vmem>>
        %dma_start3A_421 = tpu.memref_slice %arg2[%add3A_412] : memref<819200xi32, #tpu.memory_space<hbm>> -> memref<400xi32, #tpu.memory_space<hbm>>
        tpu.enqueue_dma source(%dma_start3A_421 : memref<400xi32, #tpu.memory_space<hbm>>) target(%dma_start3A_420 : memref<400xi32, #tpu.memory_space<vmem>>) target_semaphore(%arg23 : memref<!tpu.dma_semaphore, #tpu.memory_space<semaphore_mem>>)
        %dma_start3A_422 = arith.constant 1 : i32
        %dma_start3A_423 = arith.constant 0 : i32
        %dma_start3A_424 = tpu.memref_slice %arg13[%dma_start3A_422, %dma_start3A_423] : memref<2x400xi32, #tpu.memory_space<vmem>> -> memref<1x400xi32, #tpu.memory_space<vmem>>
        %dma_start3A_425 = tpu.memref_squeeze %dma_start3A_424 : memref<1x400xi32, #tpu.memory_space<vmem>> -> memref<400xi32, #tpu.memory_space<vmem>>
        %dma_start3A_426 = tpu.memref_slice %arg3[%add3A_412] : memref<819200xi32, #tpu.memory_space<hbm>> -> memref<400xi32, #tpu.memory_space<hbm>>
        %dma_start3A_427 = arith.constant 0 : i32
        %dma_start3A_428 = tpu.memref_slice %arg13[%dma_start3A_422, %dma_start3A_427] : memref<2x400xi32, #tpu.memory_space<vmem>> -> memref<1x400xi32, #tpu.memory_space<vmem>>
        %dma_start3A_429 = tpu.memref_squeeze %dma_start3A_428 : memref<1x400xi32, #tpu.memory_space<vmem>> -> memref<400xi32, #tpu.memory_space<vmem>>
        %dma_start3A_430 = tpu.memref_slice %arg3[%add3A_412] : memref<819200xi32, #tpu.memory_space<hbm>> -> memref<400xi32, #tpu.memory_space<hbm>>
        tpu.enqueue_dma source(%dma_start3A_430 : memref<400xi32, #tpu.memory_space<hbm>>) target(%dma_start3A_429 : memref<400xi32, #tpu.memory_space<vmem>>) target_semaphore(%arg23 : memref<!tpu.dma_semaphore, #tpu.memory_space<semaphore_mem>>)
        %dma_start3A_431 = arith.constant 1 : i32
        %dma_start3A_432 = arith.constant 0 : i32
        %dma_start3A_433 = tpu.memref_slice %arg14[%dma_start3A_431, %dma_start3A_432] : memref<2x400xi32, #tpu.memory_space<vmem>> -> memref<1x400xi32, #tpu.memory_space<vmem>>
        %dma_start3A_434 = tpu.memref_squeeze %dma_start3A_433 : memref<1x400xi32, #tpu.memory_space<vmem>> -> memref<400xi32, #tpu.memory_space<vmem>>
        %dma_start3A_435 = tpu.memref_slice %arg4[%add3A_412] : memref<819200xi32, #tpu.memory_space<hbm>> -> memref<400xi32, #tpu.memory_space<hbm>>
        %dma_start3A_436 = arith.constant 0 : i32
        %dma_start3A_437 = tpu.memref_slice %arg14[%dma_start3A_431, %dma_start3A_436] : memref<2x400xi32, #tpu.memory_space<vmem>> -> memref<1x400xi32, #tpu.memory_space<vmem>>
        %dma_start3A_438 = tpu.memref_squeeze %dma_start3A_437 : memref<1x400xi32, #tpu.memory_space<vmem>> -> memref<400xi32, #tpu.memory_space<vmem>>
        %dma_start3A_439 = tpu.memref_slice %arg4[%add3A_412] : memref<819200xi32, #tpu.memory_space<hbm>> -> memref<400xi32, #tpu.memory_space<hbm>>
        tpu.enqueue_dma source(%dma_start3A_439 : memref<400xi32, #tpu.memory_space<hbm>>) target(%dma_start3A_438 : memref<400xi32, #tpu.memory_space<vmem>>) target_semaphore(%arg23 : memref<!tpu.dma_semaphore, #tpu.memory_space<semaphore_mem>>)
        %dma_start3A_440 = arith.constant 1 : i32
        %dma_start3A_441 = arith.constant 0 : i32
        %dma_start3A_442 = tpu.memref_slice %arg15[%dma_start3A_440, %dma_start3A_441] : memref<2x400xi32, #tpu.memory_space<vmem>> -> memref<1x400xi32, #tpu.memory_space<vmem>>
        %dma_start3A_443 = tpu.memref_squeeze %dma_start3A_442 : memref<1x400xi32, #tpu.memory_space<vmem>> -> memref<400xi32, #tpu.memory_space<vmem>>
        %dma_start3A_444 = tpu.memref_slice %arg5[%add3A_412] : memref<819200xi32, #tpu.memory_space<hbm>> -> memref<400xi32, #tpu.memory_space<hbm>>
        %dma_start3A_445 = arith.constant 0 : i32
        %dma_start3A_446 = tpu.memref_slice %arg15[%dma_start3A_440, %dma_start3A_445] : memref<2x400xi32, #tpu.memory_space<vmem>> -> memref<1x400xi32, #tpu.memory_space<vmem>>
        %dma_start3A_447 = tpu.memref_squeeze %dma_start3A_446 : memref<1x400xi32, #tpu.memory_space<vmem>> -> memref<400xi32, #tpu.memory_space<vmem>>
        %dma_start3A_448 = tpu.memref_slice %arg5[%add3A_412] : memref<819200xi32, #tpu.memory_space<hbm>> -> memref<400xi32, #tpu.memory_space<hbm>>
        tpu.enqueue_dma source(%dma_start3A_448 : memref<400xi32, #tpu.memory_space<hbm>>) target(%dma_start3A_447 : memref<400xi32, #tpu.memory_space<vmem>>) target_semaphore(%arg23 : memref<!tpu.dma_semaphore, #tpu.memory_space<semaphore_mem>>)
      } else {
      }
      %add3A_371 = arith.constant 1 : i32
      %add3A_372 = arith.addi %add3A_305, %add3A_371 : i32
      %lt3A_373 = arith.constant 64 : i32
      %lt3A_374 = arith.cmpi slt, %add3A_372, %lt3A_373 : i32
      %convert_element_type3A_375 = arith.extui %lt3A_374 : i1 to i32
      %cond3A_376 = arith.constant 0 : i32
      %cond3A_377 = arith.cmpi ne, %convert_element_type3A_375, %cond3A_376 : i32
      scf.if %cond3A_377 {
        %add3A_408 = arith.constant 1 : i32
        %add3A_409 = arith.addi %add3A_305, %add3A_408 : i32
        %mul3A_410 = arith.constant 400 : i32
        %mul3A_411 = arith.muli %add3A_409, %mul3A_410 : i32
        %add3A_412 = arith.addi %mul3A_2, %mul3A_411 : i32
        %dma_wait3A_413 = arith.constant 0 : i32
        %dma_wait3A_414 = arith.constant 0 : i32
        %dma_wait3A_415 = tpu.memref_slice %arg12[%dma_wait3A_413, %dma_wait3A_414] : memref<2x400xi32, #tpu.memory_space<vmem>> -> memref<1x400xi32, #tpu.memory_space<vmem>>
        %dma_wait3A_416 = tpu.memref_squeeze %dma_wait3A_415 : memref<1x400xi32, #tpu.memory_space<vmem>> -> memref<400xi32, #tpu.memory_space<vmem>>
        %dma_wait3A_417 = tpu.memref_slice %arg2[%add3A_412] : memref<819200xi32, #tpu.memory_space<hbm>> -> memref<400xi32, #tpu.memory_space<hbm>>
        %dma_wait3A_418 = arith.constant 0 : i32
        %dma_wait3A_419 = tpu.memref_slice %arg12[%dma_wait3A_413, %dma_wait3A_418] : memref<2x400xi32, #tpu.memory_space<vmem>> -> memref<1x400xi32, #tpu.memory_space<vmem>>
        %dma_wait3A_420 = tpu.memref_squeeze %dma_wait3A_419 : memref<1x400xi32, #tpu.memory_space<vmem>> -> memref<400xi32, #tpu.memory_space<vmem>>
        %dma_wait3A_421 = tpu.memref_slice %arg2[%add3A_412] : memref<819200xi32, #tpu.memory_space<hbm>> -> memref<400xi32, #tpu.memory_space<hbm>>
        tpu.wait_dma2 semaphore(%arg22 : memref<!tpu.dma_semaphore, #tpu.memory_space<semaphore_mem>>) src(%dma_wait3A_421 : memref<400xi32, #tpu.memory_space<hbm>>) dst(%dma_wait3A_420 : memref<400xi32, #tpu.memory_space<vmem>>)
        %dma_wait3A_422 = arith.constant 0 : i32
        %dma_wait3A_423 = arith.constant 0 : i32
        %dma_wait3A_424 = tpu.memref_slice %arg13[%dma_wait3A_422, %dma_wait3A_423] : memref<2x400xi32, #tpu.memory_space<vmem>> -> memref<1x400xi32, #tpu.memory_space<vmem>>
        %dma_wait3A_425 = tpu.memref_squeeze %dma_wait3A_424 : memref<1x400xi32, #tpu.memory_space<vmem>> -> memref<400xi32, #tpu.memory_space<vmem>>
        %dma_wait3A_426 = tpu.memref_slice %arg3[%add3A_412] : memref<819200xi32, #tpu.memory_space<hbm>> -> memref<400xi32, #tpu.memory_space<hbm>>
        %dma_wait3A_427 = arith.constant 0 : i32
        %dma_wait3A_428 = tpu.memref_slice %arg13[%dma_wait3A_422, %dma_wait3A_427] : memref<2x400xi32, #tpu.memory_space<vmem>> -> memref<1x400xi32, #tpu.memory_space<vmem>>
        %dma_wait3A_429 = tpu.memref_squeeze %dma_wait3A_428 : memref<1x400xi32, #tpu.memory_space<vmem>> -> memref<400xi32, #tpu.memory_space<vmem>>
        %dma_wait3A_430 = tpu.memref_slice %arg3[%add3A_412] : memref<819200xi32, #tpu.memory_space<hbm>> -> memref<400xi32, #tpu.memory_space<hbm>>
        tpu.wait_dma2 semaphore(%arg22 : memref<!tpu.dma_semaphore, #tpu.memory_space<semaphore_mem>>) src(%dma_wait3A_430 : memref<400xi32, #tpu.memory_space<hbm>>) dst(%dma_wait3A_429 : memref<400xi32, #tpu.memory_space<vmem>>)
        %dma_wait3A_431 = arith.constant 0 : i32
        %dma_wait3A_432 = arith.constant 0 : i32
        %dma_wait3A_433 = tpu.memref_slice %arg14[%dma_wait3A_431, %dma_wait3A_432] : memref<2x400xi32, #tpu.memory_space<vmem>> -> memref<1x400xi32, #tpu.memory_space<vmem>>
        %dma_wait3A_434 = tpu.memref_squeeze %dma_wait3A_433 : memref<1x400xi32, #tpu.memory_space<vmem>> -> memref<400xi32, #tpu.memory_space<vmem>>
        %dma_wait3A_435 = tpu.memref_slice %arg4[%add3A_412] : memref<819200xi32, #tpu.memory_space<hbm>> -> memref<400xi32, #tpu.memory_space<hbm>>
        %dma_wait3A_436 = arith.constant 0 : i32
        %dma_wait3A_437 = tpu.memref_slice %arg14[%dma_wait3A_431, %dma_wait3A_436] : memref<2x400xi32, #tpu.memory_space<vmem>> -> memref<1x400xi32, #tpu.memory_space<vmem>>
        %dma_wait3A_438 = tpu.memref_squeeze %dma_wait3A_437 : memref<1x400xi32, #tpu.memory_space<vmem>> -> memref<400xi32, #tpu.memory_space<vmem>>
        %dma_wait3A_439 = tpu.memref_slice %arg4[%add3A_412] : memref<819200xi32, #tpu.memory_space<hbm>> -> memref<400xi32, #tpu.memory_space<hbm>>
        tpu.wait_dma2 semaphore(%arg22 : memref<!tpu.dma_semaphore, #tpu.memory_space<semaphore_mem>>) src(%dma_wait3A_439 : memref<400xi32, #tpu.memory_space<hbm>>) dst(%dma_wait3A_438 : memref<400xi32, #tpu.memory_space<vmem>>)
        %dma_wait3A_440 = arith.constant 0 : i32
        %dma_wait3A_441 = arith.constant 0 : i32
        %dma_wait3A_442 = tpu.memref_slice %arg15[%dma_wait3A_440, %dma_wait3A_441] : memref<2x400xi32, #tpu.memory_space<vmem>> -> memref<1x400xi32, #tpu.memory_space<vmem>>
        %dma_wait3A_443 = tpu.memref_squeeze %dma_wait3A_442 : memref<1x400xi32, #tpu.memory_space<vmem>> -> memref<400xi32, #tpu.memory_space<vmem>>
        %dma_wait3A_444 = tpu.memref_slice %arg5[%add3A_412] : memref<819200xi32, #tpu.memory_space<hbm>> -> memref<400xi32, #tpu.memory_space<hbm>>
        %dma_wait3A_445 = arith.constant 0 : i32
        %dma_wait3A_446 = tpu.memref_slice %arg15[%dma_wait3A_440, %dma_wait3A_445] : memref<2x400xi32, #tpu.memory_space<vmem>> -> memref<1x400xi32, #tpu.memory_space<vmem>>
        %dma_wait3A_447 = tpu.memref_squeeze %dma_wait3A_446 : memref<1x400xi32, #tpu.memory_space<vmem>> -> memref<400xi32, #tpu.memory_space<vmem>>
        %dma_wait3A_448 = tpu.memref_slice %arg5[%add3A_412] : memref<819200xi32, #tpu.memory_space<hbm>> -> memref<400xi32, #tpu.memory_space<hbm>>
        tpu.wait_dma2 semaphore(%arg22 : memref<!tpu.dma_semaphore, #tpu.memory_space<semaphore_mem>>) src(%dma_wait3A_448 : memref<400xi32, #tpu.memory_space<hbm>>) dst(%dma_wait3A_447 : memref<400xi32, #tpu.memory_space<vmem>>)
        %dma_start3A_449 = arith.constant 0 : i32
        %dma_start3A_450 = arith.constant 0 : i32
        %dma_start3A_451 = arith.constant 0 : i32
        %dma_start3A_452 = arith.constant 0 : i32
        %dma_start3A_453 = tpu.memref_slice %arg16[%dma_start3A_450, %dma_start3A_451, %dma_start3A_452] : memref<2x400x32xf32, #tpu.memory_space<vmem>> -> memref<1x400x32xf32, #tpu.memory_space<vmem>>
        %dma_start3A_454 = tpu.memref_squeeze %dma_start3A_453 : memref<1x400x32xf32, #tpu.memory_space<vmem>> -> memref<400x32xf32, #tpu.memory_space<vmem>>
        %dma_start3A_455 = arith.constant 0 : i32
        %dma_start3A_456 = tpu.memref_slice %arg12[%dma_start3A_449, %dma_start3A_455] : memref<2x400xi32, #tpu.memory_space<vmem>> -> memref<1x400xi32, #tpu.memory_space<vmem>>
        %dma_start3A_457 = tpu.memref_squeeze %dma_start3A_456 : memref<1x400xi32, #tpu.memory_space<vmem>> -> memref<400xi32, #tpu.memory_space<vmem>>
        %dma_start3A_458 = arith.constant 0 : i32
        %dma_start3A_459 = arith.constant 0 : i32
        %dma_start3A_460 = tpu.memref_slice %arg6[%dma_start3A_458, %dma_start3A_459] : memref<1015808x32xf32, #tpu.memory_space<hbm>> -> memref<1015808x32xf32, #tpu.memory_space<hbm>>
        tpu.enqueue_indirect_dma source(%dma_start3A_460 : memref<1015808x32xf32, #tpu.memory_space<hbm>>) target(%dma_start3A_454 : memref<400x32xf32, #tpu.memory_space<vmem>>) offsets(%dma_start3A_457 : memref<400xi32, #tpu.memory_space<vmem>>) semaphore(%arg24 : memref<!tpu.dma_semaphore, #tpu.memory_space<semaphore_mem>>)
        %dma_start3A_461 = arith.constant 0 : i32
        %dma_start3A_462 = arith.constant 0 : i32
        %dma_start3A_463 = arith.constant 0 : i32
        %dma_start3A_464 = arith.constant 0 : i32
        %dma_start3A_465 = tpu.memref_slice %arg17[%dma_start3A_462, %dma_start3A_463, %dma_start3A_464] : memref<2x400x32xf32, #tpu.memory_space<vmem>> -> memref<1x400x32xf32, #tpu.memory_space<vmem>>
        %dma_start3A_466 = tpu.memref_squeeze %dma_start3A_465 : memref<1x400x32xf32, #tpu.memory_space<vmem>> -> memref<400x32xf32, #tpu.memory_space<vmem>>
        %dma_start3A_467 = arith.constant 0 : i32
        %dma_start3A_468 = tpu.memref_slice %arg14[%dma_start3A_461, %dma_start3A_467] : memref<2x400xi32, #tpu.memory_space<vmem>> -> memref<1x400xi32, #tpu.memory_space<vmem>>
        %dma_start3A_469 = tpu.memref_squeeze %dma_start3A_468 : memref<1x400xi32, #tpu.memory_space<vmem>> -> memref<400xi32, #tpu.memory_space<vmem>>
        %dma_start3A_470 = arith.constant 0 : i32
        %dma_start3A_471 = arith.constant 0 : i32
        %dma_start3A_472 = tpu.memref_slice %arg7[%dma_start3A_470, %dma_start3A_471] : memref<1015808x32xf32, #tpu.memory_space<hbm>> -> memref<1015808x32xf32, #tpu.memory_space<hbm>>
        tpu.enqueue_indirect_dma source(%dma_start3A_472 : memref<1015808x32xf32, #tpu.memory_space<hbm>>) target(%dma_start3A_466 : memref<400x32xf32, #tpu.memory_space<vmem>>) offsets(%dma_start3A_469 : memref<400xi32, #tpu.memory_space<vmem>>) semaphore(%arg24 : memref<!tpu.dma_semaphore, #tpu.memory_space<semaphore_mem>>)
        %dma_start3A_473 = arith.constant 0 : i32
        %dma_start3A_474 = arith.constant 0 : i32
        %dma_start3A_475 = arith.constant 0 : i32
        %dma_start3A_476 = arith.constant 0 : i32
        %dma_start3A_477 = tpu.memref_slice %arg18[%dma_start3A_474, %dma_start3A_475, %dma_start3A_476] : memref<2x400x32xf32, #tpu.memory_space<vmem>> -> memref<1x400x32xf32, #tpu.memory_space<vmem>>
        %dma_start3A_478 = tpu.memref_squeeze %dma_start3A_477 : memref<1x400x32xf32, #tpu.memory_space<vmem>> -> memref<400x32xf32, #tpu.memory_space<vmem>>
        %dma_start3A_479 = arith.constant 0 : i32
        %dma_start3A_480 = tpu.memref_slice %arg13[%dma_start3A_473, %dma_start3A_479] : memref<2x400xi32, #tpu.memory_space<vmem>> -> memref<1x400xi32, #tpu.memory_space<vmem>>
        %dma_start3A_481 = tpu.memref_squeeze %dma_start3A_480 : memref<1x400xi32, #tpu.memory_space<vmem>> -> memref<400xi32, #tpu.memory_space<vmem>>
        %dma_start3A_482 = arith.constant 0 : i32
        %dma_start3A_483 = arith.constant 0 : i32
        %dma_start3A_484 = tpu.memref_slice %arg8[%dma_start3A_482, %dma_start3A_483] : memref<1015808x32xf32, #tpu.memory_space<hbm>> -> memref<1015808x32xf32, #tpu.memory_space<hbm>>
        tpu.enqueue_indirect_dma source(%dma_start3A_484 : memref<1015808x32xf32, #tpu.memory_space<hbm>>) target(%dma_start3A_478 : memref<400x32xf32, #tpu.memory_space<vmem>>) offsets(%dma_start3A_481 : memref<400xi32, #tpu.memory_space<vmem>>) semaphore(%arg24 : memref<!tpu.dma_semaphore, #tpu.memory_space<semaphore_mem>>)
        %dma_start3A_485 = arith.constant 0 : i32
        %dma_start3A_486 = arith.constant 0 : i32
        %dma_start3A_487 = arith.constant 0 : i32
        %dma_start3A_488 = arith.constant 0 : i32
        %dma_start3A_489 = tpu.memref_slice %arg19[%dma_start3A_486, %dma_start3A_487, %dma_start3A_488] : memref<2x400x32xf32, #tpu.memory_space<vmem>> -> memref<1x400x32xf32, #tpu.memory_space<vmem>>
        %dma_start3A_490 = tpu.memref_squeeze %dma_start3A_489 : memref<1x400x32xf32, #tpu.memory_space<vmem>> -> memref<400x32xf32, #tpu.memory_space<vmem>>
        %dma_start3A_491 = arith.constant 0 : i32
        %dma_start3A_492 = tpu.memref_slice %arg14[%dma_start3A_485, %dma_start3A_491] : memref<2x400xi32, #tpu.memory_space<vmem>> -> memref<1x400xi32, #tpu.memory_space<vmem>>
        %dma_start3A_493 = tpu.memref_squeeze %dma_start3A_492 : memref<1x400xi32, #tpu.memory_space<vmem>> -> memref<400xi32, #tpu.memory_space<vmem>>
        %dma_start3A_494 = arith.constant 0 : i32
        %dma_start3A_495 = arith.constant 0 : i32
        %dma_start3A_496 = tpu.memref_slice %arg9[%dma_start3A_494, %dma_start3A_495] : memref<1015808x32xf32, #tpu.memory_space<hbm>> -> memref<1015808x32xf32, #tpu.memory_space<hbm>>
        tpu.enqueue_indirect_dma source(%dma_start3A_496 : memref<1015808x32xf32, #tpu.memory_space<hbm>>) target(%dma_start3A_490 : memref<400x32xf32, #tpu.memory_space<vmem>>) offsets(%dma_start3A_493 : memref<400xi32, #tpu.memory_space<vmem>>) semaphore(%arg24 : memref<!tpu.dma_semaphore, #tpu.memory_space<semaphore_mem>>)
        %dma_start3A_497 = arith.constant 0 : i32
        %dma_start3A_498 = arith.constant 0 : i32
        %dma_start3A_499 = arith.constant 0 : i32
        %dma_start3A_500 = tpu.memref_slice %arg20[%dma_start3A_498, %dma_start3A_499] : memref<2x400xf32, #tpu.memory_space<vmem>> -> memref<1x400xf32, #tpu.memory_space<vmem>>
        %dma_start3A_501 = tpu.memref_squeeze %dma_start3A_500 : memref<1x400xf32, #tpu.memory_space<vmem>> -> memref<400xf32, #tpu.memory_space<vmem>>
        %dma_start3A_502 = arith.constant 0 : i32
        %dma_start3A_503 = tpu.memref_slice %arg15[%dma_start3A_497, %dma_start3A_502] : memref<2x400xi32, #tpu.memory_space<vmem>> -> memref<1x400xi32, #tpu.memory_space<vmem>>
        %dma_start3A_504 = tpu.memref_squeeze %dma_start3A_503 : memref<1x400xi32, #tpu.memory_space<vmem>> -> memref<400xi32, #tpu.memory_space<vmem>>
        %dma_start3A_505 = arith.constant 0 : i32
        %dma_start3A_506 = tpu.memref_slice %arg10[%dma_start3A_505] : memref<1000001xf32, #tpu.memory_space<hbm>> -> memref<1000001xf32, #tpu.memory_space<hbm>>
        tpu.enqueue_indirect_dma source(%dma_start3A_506 : memref<1000001xf32, #tpu.memory_space<hbm>>) target(%dma_start3A_501 : memref<400xf32, #tpu.memory_space<vmem>>) offsets(%dma_start3A_504 : memref<400xi32, #tpu.memory_space<vmem>>) semaphore(%arg24 : memref<!tpu.dma_semaphore, #tpu.memory_space<semaphore_mem>>)
      } else {
      }
      %ge3A_378 = arith.constant 2 : i32
      %ge3A_379 = arith.cmpi sge, %add3A_305, %ge3A_378 : i32
      %convert_element_type3A_380 = arith.extui %ge3A_379 : i1 to i32
      %cond3A_381 = arith.constant 0 : i32
      %cond3A_382 = arith.cmpi ne, %convert_element_type3A_380, %cond3A_381 : i32
      scf.if %cond3A_382 {
        %sub3A = arith.constant 2 : i32
        %sub3A_408 = arith.subi %add3A_305, %sub3A : i32
        %mul3A_409 = arith.constant 400 : i32
        %mul3A_410 = arith.muli %sub3A_408, %mul3A_409 : i32
        %add3A_411 = arith.addi %mul3A_2, %mul3A_410 : i32
        %dma_wait3A_412 = arith.constant 1 : i32
        %dma_wait3A_413 = arith.constant 0 : i32
        %dma_wait3A_414 = tpu.memref_slice %arg21[%dma_wait3A_412, %dma_wait3A_413] : memref<2x400xf32, #tpu.memory_space<vmem>> -> memref<1x400xf32, #tpu.memory_space<vmem>>
        %dma_wait3A_415 = tpu.memref_squeeze %dma_wait3A_414 : memref<1x400xf32, #tpu.memory_space<vmem>> -> memref<400xf32, #tpu.memory_space<vmem>>
        %dma_wait3A_416 = tpu.memref_slice %arg11[%add3A_411] : memref<819200xf32, #tpu.memory_space<hbm>> -> memref<400xf32, #tpu.memory_space<hbm>>
        %dma_wait3A_417 = tpu.memref_slice %arg11[%add3A_411] : memref<819200xf32, #tpu.memory_space<hbm>> -> memref<400xf32, #tpu.memory_space<hbm>>
        %dma_wait3A_418 = arith.constant 0 : i32
        %dma_wait3A_419 = tpu.memref_slice %arg21[%dma_wait3A_412, %dma_wait3A_418] : memref<2x400xf32, #tpu.memory_space<vmem>> -> memref<1x400xf32, #tpu.memory_space<vmem>>
        %dma_wait3A_420 = tpu.memref_squeeze %dma_wait3A_419 : memref<1x400xf32, #tpu.memory_space<vmem>> -> memref<400xf32, #tpu.memory_space<vmem>>
        tpu.wait_dma2 semaphore(%arg27 : memref<!tpu.dma_semaphore, #tpu.memory_space<semaphore_mem>>) src(%dma_wait3A_420 : memref<400xf32, #tpu.memory_space<vmem>>) dst(%dma_wait3A_417 : memref<400xf32, #tpu.memory_space<hbm>>)
      } else {
      }
      %iota3A_383 = tpu.iota {dimensions = array<i32: 0>} : vector<16xi32>
      %scan3A_384 = arith.constant 0 : i32
      %scan3A_385 = arith.constant 1 : i32
      %scan3A_386 = arith.constant 1 : i32
      %scan3A_387 = arith.constant 1 : i32
      %scan3A_388 = arith.constant 1 : i32
      %scan3A_389 = arith.constant 1 : i32
      %scan3A_390 = arith.constant 1 : i32
      %scan3A_391 = arith.constant 0 : i32
      %scan3A_392 = arith.constant 25 : i32
      %scan3A_393 = arith.addi %scan3A_391, %scan3A_392 : i32
      %scan3A_394 = arith.constant 1 : i32
      scf.for %scan3A_408 = %scan3A_391 to %scan3A_393 step %scan3A_394  : i32 {
        %mul3A_409 = arith.constant 16 : i32
        %mul3A_410 = arith.muli %scan3A_408, %mul3A_409 : i32
        %add3A_411 = vector.broadcast %mul3A_410 : i32 to vector<16xi32>
        %add3A_412 = arith.addi %iota3A_383, %add3A_411 : vector<16xi32>
        %mul3A_413 = arith.constant 16 : i32
        %mul3A_414 = arith.muli %scan3A_408, %mul3A_413 : i32
        %get3A = arith.constant 0 : i32
        %get3A_415 = tpu.memref_slice %arg20[%scan3A_385, %get3A] : memref<2x400xf32, #tpu.memory_space<vmem>> -> memref<1x400xf32, #tpu.memory_space<vmem>>
        %get3A_416 = tpu.memref_squeeze %get3A_415 : memref<1x400xf32, #tpu.memory_space<vmem>> -> memref<400xf32, #tpu.memory_space<vmem>>
        %get3A_417 = arith.index_cast %mul3A_414 : i32 to index
        %get3A_418 = tpu.vector_load %get3A_416[%get3A_417] {strides = array<i32>} : memref<400xf32, #tpu.memory_space<vmem>>, vector<16xf32>,
        %add3A_419 = arith.constant 0 : i32
        %add3A_420 = vector.broadcast %add3A_419 : i32 to vector<16xi32>
        %add3A_421 = arith.addi %iota3A_383, %add3A_420 : vector<16xi32>
        %and3A = arith.constant 31 : i32
        %and3A_422 = vector.broadcast %and3A : i32 to vector<16xi32>
        %and3A_423 = arith.andi %add3A_421, %and3A_422 : vector<16xi32>
        %gather3A = arith.constant 0 : i32
        %gather3A_424 = arith.constant 0 : i32
        %gather3A_425 = tpu.memref_slice %arg16[%scan3A_386, %gather3A, %gather3A_424] : memref<2x400x32xf32, #tpu.memory_space<vmem>> -> memref<1x400x32xf32, #tpu.memory_space<vmem>>
        %gather3A_426 = tpu.memref_squeeze %gather3A_425 : memref<1x400x32xf32, #tpu.memory_space<vmem>> -> memref<400x32xf32, #tpu.memory_space<vmem>>
        %gather3A_427 = tpu.vector_load_idx %gather3A_426[%add3A_412, %and3A_423] : memref<400x32xf32, #tpu.memory_space<vmem>>[vector<16xi32>, vector<16xi32>], vector<16xf32>,
        %gather3A_428 = arith.constant 0 : i32
        %gather3A_429 = arith.constant 0 : i32
        %gather3A_430 = tpu.memref_slice %arg17[%scan3A_387, %gather3A_428, %gather3A_429] : memref<2x400x32xf32, #tpu.memory_space<vmem>> -> memref<1x400x32xf32, #tpu.memory_space<vmem>>
        %gather3A_431 = tpu.memref_squeeze %gather3A_430 : memref<1x400x32xf32, #tpu.memory_space<vmem>> -> memref<400x32xf32, #tpu.memory_space<vmem>>
        %gather3A_432 = tpu.vector_load_idx %gather3A_431[%add3A_412, %and3A_423] : memref<400x32xf32, #tpu.memory_space<vmem>>[vector<16xi32>, vector<16xi32>], vector<16xf32>,
        %gather3A_433 = arith.constant 0 : i32
        %gather3A_434 = arith.constant 0 : i32
        %gather3A_435 = tpu.memref_slice %arg18[%scan3A_388, %gather3A_433, %gather3A_434] : memref<2x400x32xf32, #tpu.memory_space<vmem>> -> memref<1x400x32xf32, #tpu.memory_space<vmem>>
        %gather3A_436 = tpu.memref_squeeze %gather3A_435 : memref<1x400x32xf32, #tpu.memory_space<vmem>> -> memref<400x32xf32, #tpu.memory_space<vmem>>
        %gather3A_437 = tpu.vector_load_idx %gather3A_436[%add3A_412, %and3A_423] : memref<400x32xf32, #tpu.memory_space<vmem>>[vector<16xi32>, vector<16xi32>], vector<16xf32>,
        %gather3A_438 = arith.constant 0 : i32
        %gather3A_439 = arith.constant 0 : i32
        %gather3A_440 = tpu.memref_slice %arg19[%scan3A_389, %gather3A_438, %gather3A_439] : memref<2x400x32xf32, #tpu.memory_space<vmem>> -> memref<1x400x32xf32, #tpu.memory_space<vmem>>
        %gather3A_441 = tpu.memref_squeeze %gather3A_440 : memref<1x400x32xf32, #tpu.memory_space<vmem>> -> memref<400x32xf32, #tpu.memory_space<vmem>>
        %gather3A_442 = tpu.vector_load_idx %gather3A_441[%add3A_412, %and3A_423] : memref<400x32xf32, #tpu.memory_space<vmem>>[vector<16xi32>, vector<16xi32>], vector<16xf32>,
        %mul3A_443 = arith.mulf %gather3A_427, %gather3A_432 : vector<16xf32>
        %add3A_444 = arith.addf %get3A_418, %mul3A_443 : vector<16xf32>
        %mul3A_445 = arith.mulf %gather3A_437, %gather3A_442 : vector<16xf32>
        %add3A_446 = arith.addf %add3A_444, %mul3A_445 : vector<16xf32>
        %add3A_447 = arith.constant 1 : i32
        %add3A_448 = vector.broadcast %add3A_447 : i32 to vector<16xi32>
        %add3A_449 = arith.addi %iota3A_383, %add3A_448 : vector<16xi32>
        %and3A_450 = arith.constant 31 : i32
        %and3A_451 = vector.broadcast %and3A_450 : i32 to vector<16xi32>
        %and3A_452 = arith.andi %add3A_449, %and3A_451 : vector<16xi32>
        %gather3A_453 = arith.constant 0 : i32
        %gather3A_454 = arith.constant 0 : i32
        %gather3A_455 = tpu.memref_slice %arg16[%scan3A_386, %gather3A_453, %gather3A_454] : memref<2x400x32xf32, #tpu.memory_space<vmem>> -> memref<1x400x32xf32, #tpu.memory_space<vmem>>
        %gather3A_456 = tpu.memref_squeeze %gather3A_455 : memref<1x400x32xf32, #tpu.memory_space<vmem>> -> memref<400x32xf32, #tpu.memory_space<vmem>>
        %gather3A_457 = tpu.vector_load_idx %gather3A_456[%add3A_412, %and3A_452] : memref<400x32xf32, #tpu.memory_space<vmem>>[vector<16xi32>, vector<16xi32>], vector<16xf32>,
        %gather3A_458 = arith.constant 0 : i32
        %gather3A_459 = arith.constant 0 : i32
        %gather3A_460 = tpu.memref_slice %arg17[%scan3A_387, %gather3A_458, %gather3A_459] : memref<2x400x32xf32, #tpu.memory_space<vmem>> -> memref<1x400x32xf32, #tpu.memory_space<vmem>>
        %gather3A_461 = tpu.memref_squeeze %gather3A_460 : memref<1x400x32xf32, #tpu.memory_space<vmem>> -> memref<400x32xf32, #tpu.memory_space<vmem>>
        %gather3A_462 = tpu.vector_load_idx %gather3A_461[%add3A_412, %and3A_452] : memref<400x32xf32, #tpu.memory_space<vmem>>[vector<16xi32>, vector<16xi32>], vector<16xf32>,
        %gather3A_463 = arith.constant 0 : i32
        %gather3A_464 = arith.constant 0 : i32
        %gather3A_465 = tpu.memref_slice %arg18[%scan3A_388, %gather3A_463, %gather3A_464] : memref<2x400x32xf32, #tpu.memory_space<vmem>> -> memref<1x400x32xf32, #tpu.memory_space<vmem>>
        %gather3A_466 = tpu.memref_squeeze %gather3A_465 : memref<1x400x32xf32, #tpu.memory_space<vmem>> -> memref<400x32xf32, #tpu.memory_space<vmem>>
        %gather3A_467 = tpu.vector_load_idx %gather3A_466[%add3A_412, %and3A_452] : memref<400x32xf32, #tpu.memory_space<vmem>>[vector<16xi32>, vector<16xi32>], vector<16xf32>,
        %gather3A_468 = arith.constant 0 : i32
        %gather3A_469 = arith.constant 0 : i32
        %gather3A_470 = tpu.memref_slice %arg19[%scan3A_389, %gather3A_468, %gather3A_469] : memref<2x400x32xf32, #tpu.memory_space<vmem>> -> memref<1x400x32xf32, #tpu.memory_space<vmem>>
        %gather3A_471 = tpu.memref_squeeze %gather3A_470 : memref<1x400x32xf32, #tpu.memory_space<vmem>> -> memref<400x32xf32, #tpu.memory_space<vmem>>
        %gather3A_472 = tpu.vector_load_idx %gather3A_471[%add3A_412, %and3A_452] : memref<400x32xf32, #tpu.memory_space<vmem>>[vector<16xi32>, vector<16xi32>], vector<16xf32>,
        %mul3A_473 = arith.mulf %gather3A_457, %gather3A_462 : vector<16xf32>
        %add3A_474 = arith.addf %add3A_446, %mul3A_473 : vector<16xf32>
        %mul3A_475 = arith.mulf %gather3A_467, %gather3A_472 : vector<16xf32>
        %add3A_476 = arith.addf %add3A_474, %mul3A_475 : vector<16xf32>
        %add3A_477 = arith.constant 2 : i32
        %add3A_478 = vector.broadcast %add3A_477 : i32 to vector<16xi32>
        %add3A_479 = arith.addi %iota3A_383, %add3A_478 : vector<16xi32>
        %and3A_480 = arith.constant 31 : i32
        %and3A_481 = vector.broadcast %and3A_480 : i32 to vector<16xi32>
        %and3A_482 = arith.andi %add3A_479, %and3A_481 : vector<16xi32>
        %gather3A_483 = arith.constant 0 : i32
        %gather3A_484 = arith.constant 0 : i32
        %gather3A_485 = tpu.memref_slice %arg16[%scan3A_386, %gather3A_483, %gather3A_484] : memref<2x400x32xf32, #tpu.memory_space<vmem>> -> memref<1x400x32xf32, #tpu.memory_space<vmem>>
        %gather3A_486 = tpu.memref_squeeze %gather3A_485 : memref<1x400x32xf32, #tpu.memory_space<vmem>> -> memref<400x32xf32, #tpu.memory_space<vmem>>
        %gather3A_487 = tpu.vector_load_idx %gather3A_486[%add3A_412, %and3A_482] : memref<400x32xf32, #tpu.memory_space<vmem>>[vector<16xi32>, vector<16xi32>], vector<16xf32>,
        %gather3A_488 = arith.constant 0 : i32
        %gather3A_489 = arith.constant 0 : i32
        %gather3A_490 = tpu.memref_slice %arg17[%scan3A_387, %gather3A_488, %gather3A_489] : memref<2x400x32xf32, #tpu.memory_space<vmem>> -> memref<1x400x32xf32, #tpu.memory_space<vmem>>
        %gather3A_491 = tpu.memref_squeeze %gather3A_490 : memref<1x400x32xf32, #tpu.memory_space<vmem>> -> memref<400x32xf32, #tpu.memory_space<vmem>>
        %gather3A_492 = tpu.vector_load_idx %gather3A_491[%add3A_412, %and3A_482] : memref<400x32xf32, #tpu.memory_space<vmem>>[vector<16xi32>, vector<16xi32>], vector<16xf32>,
        %gather3A_493 = arith.constant 0 : i32
        %gather3A_494 = arith.constant 0 : i32
        %gather3A_495 = tpu.memref_slice %arg18[%scan3A_388, %gather3A_493, %gather3A_494] : memref<2x400x32xf32, #tpu.memory_space<vmem>> -> memref<1x400x32xf32, #tpu.memory_space<vmem>>
        %gather3A_496 = tpu.memref_squeeze %gather3A_495 : memref<1x400x32xf32, #tpu.memory_space<vmem>> -> memref<400x32xf32, #tpu.memory_space<vmem>>
        %gather3A_497 = tpu.vector_load_idx %gather3A_496[%add3A_412, %and3A_482] : memref<400x32xf32, #tpu.memory_space<vmem>>[vector<16xi32>, vector<16xi32>], vector<16xf32>,
        %gather3A_498 = arith.constant 0 : i32
        %gather3A_499 = arith.constant 0 : i32
        %gather3A_500 = tpu.memref_slice %arg19[%scan3A_389, %gather3A_498, %gather3A_499] : memref<2x400x32xf32, #tpu.memory_space<vmem>> -> memref<1x400x32xf32, #tpu.memory_space<vmem>>
        %gather3A_501 = tpu.memref_squeeze %gather3A_500 : memref<1x400x32xf32, #tpu.memory_space<vmem>> -> memref<400x32xf32, #tpu.memory_space<vmem>>
        %gather3A_502 = tpu.vector_load_idx %gather3A_501[%add3A_412, %and3A_482] : memref<400x32xf32, #tpu.memory_space<vmem>>[vector<16xi32>, vector<16xi32>], vector<16xf32>,
        %mul3A_503 = arith.mulf %gather3A_487, %gather3A_492 : vector<16xf32>
        %add3A_504 = arith.addf %add3A_476, %mul3A_503 : vector<16xf32>
        %mul3A_505 = arith.mulf %gather3A_497, %gather3A_502 : vector<16xf32>
        %add3A_506 = arith.addf %add3A_504, %mul3A_505 : vector<16xf32>
        %add3A_507 = arith.constant 3 : i32
        %add3A_508 = vector.broadcast %add3A_507 : i32 to vector<16xi32>
        %add3A_509 = arith.addi %iota3A_383, %add3A_508 : vector<16xi32>
        %and3A_510 = arith.constant 31 : i32
        %and3A_511 = vector.broadcast %and3A_510 : i32 to vector<16xi32>
        %and3A_512 = arith.andi %add3A_509, %and3A_511 : vector<16xi32>
        %gather3A_513 = arith.constant 0 : i32
        %gather3A_514 = arith.constant 0 : i32
        %gather3A_515 = tpu.memref_slice %arg16[%scan3A_386, %gather3A_513, %gather3A_514] : memref<2x400x32xf32, #tpu.memory_space<vmem>> -> memref<1x400x32xf32, #tpu.memory_space<vmem>>
        %gather3A_516 = tpu.memref_squeeze %gather3A_515 : memref<1x400x32xf32, #tpu.memory_space<vmem>> -> memref<400x32xf32, #tpu.memory_space<vmem>>
        %gather3A_517 = tpu.vector_load_idx %gather3A_516[%add3A_412, %and3A_512] : memref<400x32xf32, #tpu.memory_space<vmem>>[vector<16xi32>, vector<16xi32>], vector<16xf32>,
        %gather3A_518 = arith.constant 0 : i32
        %gather3A_519 = arith.constant 0 : i32
        %gather3A_520 = tpu.memref_slice %arg17[%scan3A_387, %gather3A_518, %gather3A_519] : memref<2x400x32xf32, #tpu.memory_space<vmem>> -> memref<1x400x32xf32, #tpu.memory_space<vmem>>
        %gather3A_521 = tpu.memref_squeeze %gather3A_520 : memref<1x400x32xf32, #tpu.memory_space<vmem>> -> memref<400x32xf32, #tpu.memory_space<vmem>>
        %gather3A_522 = tpu.vector_load_idx %gather3A_521[%add3A_412, %and3A_512] : memref<400x32xf32, #tpu.memory_space<vmem>>[vector<16xi32>, vector<16xi32>], vector<16xf32>,
        %gather3A_523 = arith.constant 0 : i32
        %gather3A_524 = arith.constant 0 : i32
        %gather3A_525 = tpu.memref_slice %arg18[%scan3A_388, %gather3A_523, %gather3A_524] : memref<2x400x32xf32, #tpu.memory_space<vmem>> -> memref<1x400x32xf32, #tpu.memory_space<vmem>>
        %gather3A_526 = tpu.memref_squeeze %gather3A_525 : memref<1x400x32xf32, #tpu.memory_space<vmem>> -> memref<400x32xf32, #tpu.memory_space<vmem>>
        %gather3A_527 = tpu.vector_load_idx %gather3A_526[%add3A_412, %and3A_512] : memref<400x32xf32, #tpu.memory_space<vmem>>[vector<16xi32>, vector<16xi32>], vector<16xf32>,
        %gather3A_528 = arith.constant 0 : i32
        %gather3A_529 = arith.constant 0 : i32
        %gather3A_530 = tpu.memref_slice %arg19[%scan3A_389, %gather3A_528, %gather3A_529] : memref<2x400x32xf32, #tpu.memory_space<vmem>> -> memref<1x400x32xf32, #tpu.memory_space<vmem>>
        %gather3A_531 = tpu.memref_squeeze %gather3A_530 : memref<1x400x32xf32, #tpu.memory_space<vmem>> -> memref<400x32xf32, #tpu.memory_space<vmem>>
        %gather3A_532 = tpu.vector_load_idx %gather3A_531[%add3A_412, %and3A_512] : memref<400x32xf32, #tpu.memory_space<vmem>>[vector<16xi32>, vector<16xi32>], vector<16xf32>,
        %mul3A_533 = arith.mulf %gather3A_517, %gather3A_522 : vector<16xf32>
        %add3A_534 = arith.addf %add3A_506, %mul3A_533 : vector<16xf32>
        %mul3A_535 = arith.mulf %gather3A_527, %gather3A_532 : vector<16xf32>
        %add3A_536 = arith.addf %add3A_534, %mul3A_535 : vector<16xf32>
        %add3A_537 = arith.constant 4 : i32
        %add3A_538 = vector.broadcast %add3A_537 : i32 to vector<16xi32>
        %add3A_539 = arith.addi %iota3A_383, %add3A_538 : vector<16xi32>
        %and3A_540 = arith.constant 31 : i32
        %and3A_541 = vector.broadcast %and3A_540 : i32 to vector<16xi32>
        %and3A_542 = arith.andi %add3A_539, %and3A_541 : vector<16xi32>
        %gather3A_543 = arith.constant 0 : i32
        %gather3A_544 = arith.constant 0 : i32
        %gather3A_545 = tpu.memref_slice %arg16[%scan3A_386, %gather3A_543, %gather3A_544] : memref<2x400x32xf32, #tpu.memory_space<vmem>> -> memref<1x400x32xf32, #tpu.memory_space<vmem>>
        %gather3A_546 = tpu.memref_squeeze %gather3A_545 : memref<1x400x32xf32, #tpu.memory_space<vmem>> -> memref<400x32xf32, #tpu.memory_space<vmem>>
        %gather3A_547 = tpu.vector_load_idx %gather3A_546[%add3A_412, %and3A_542] : memref<400x32xf32, #tpu.memory_space<vmem>>[vector<16xi32>, vector<16xi32>], vector<16xf32>,
        %gather3A_548 = arith.constant 0 : i32
        %gather3A_549 = arith.constant 0 : i32
        %gather3A_550 = tpu.memref_slice %arg17[%scan3A_387, %gather3A_548, %gather3A_549] : memref<2x400x32xf32, #tpu.memory_space<vmem>> -> memref<1x400x32xf32, #tpu.memory_space<vmem>>
        %gather3A_551 = tpu.memref_squeeze %gather3A_550 : memref<1x400x32xf32, #tpu.memory_space<vmem>> -> memref<400x32xf32, #tpu.memory_space<vmem>>
        %gather3A_552 = tpu.vector_load_idx %gather3A_551[%add3A_412, %and3A_542] : memref<400x32xf32, #tpu.memory_space<vmem>>[vector<16xi32>, vector<16xi32>], vector<16xf32>,
        %gather3A_553 = arith.constant 0 : i32
        %gather3A_554 = arith.constant 0 : i32
        %gather3A_555 = tpu.memref_slice %arg18[%scan3A_388, %gather3A_553, %gather3A_554] : memref<2x400x32xf32, #tpu.memory_space<vmem>> -> memref<1x400x32xf32, #tpu.memory_space<vmem>>
        %gather3A_556 = tpu.memref_squeeze %gather3A_555 : memref<1x400x32xf32, #tpu.memory_space<vmem>> -> memref<400x32xf32, #tpu.memory_space<vmem>>
        %gather3A_557 = tpu.vector_load_idx %gather3A_556[%add3A_412, %and3A_542] : memref<400x32xf32, #tpu.memory_space<vmem>>[vector<16xi32>, vector<16xi32>], vector<16xf32>,
        %gather3A_558 = arith.constant 0 : i32
        %gather3A_559 = arith.constant 0 : i32
        %gather3A_560 = tpu.memref_slice %arg19[%scan3A_389, %gather3A_558, %gather3A_559] : memref<2x400x32xf32, #tpu.memory_space<vmem>> -> memref<1x400x32xf32, #tpu.memory_space<vmem>>
        %gather3A_561 = tpu.memref_squeeze %gather3A_560 : memref<1x400x32xf32, #tpu.memory_space<vmem>> -> memref<400x32xf32, #tpu.memory_space<vmem>>
        %gather3A_562 = tpu.vector_load_idx %gather3A_561[%add3A_412, %and3A_542] : memref<400x32xf32, #tpu.memory_space<vmem>>[vector<16xi32>, vector<16xi32>], vector<16xf32>,
        %mul3A_563 = arith.mulf %gather3A_547, %gather3A_552 : vector<16xf32>
        %add3A_564 = arith.addf %add3A_536, %mul3A_563 : vector<16xf32>
        %mul3A_565 = arith.mulf %gather3A_557, %gather3A_562 : vector<16xf32>
        %add3A_566 = arith.addf %add3A_564, %mul3A_565 : vector<16xf32>
        %add3A_567 = arith.constant 5 : i32
        %add3A_568 = vector.broadcast %add3A_567 : i32 to vector<16xi32>
        %add3A_569 = arith.addi %iota3A_383, %add3A_568 : vector<16xi32>
        %and3A_570 = arith.constant 31 : i32
        %and3A_571 = vector.broadcast %and3A_570 : i32 to vector<16xi32>
        %and3A_572 = arith.andi %add3A_569, %and3A_571 : vector<16xi32>
        %gather3A_573 = arith.constant 0 : i32
        %gather3A_574 = arith.constant 0 : i32
        %gather3A_575 = tpu.memref_slice %arg16[%scan3A_386, %gather3A_573, %gather3A_574] : memref<2x400x32xf32, #tpu.memory_space<vmem>> -> memref<1x400x32xf32, #tpu.memory_space<vmem>>
        %gather3A_576 = tpu.memref_squeeze %gather3A_575 : memref<1x400x32xf32, #tpu.memory_space<vmem>> -> memref<400x32xf32, #tpu.memory_space<vmem>>
        %gather3A_577 = tpu.vector_load_idx %gather3A_576[%add3A_412, %and3A_572] : memref<400x32xf32, #tpu.memory_space<vmem>>[vector<16xi32>, vector<16xi32>], vector<16xf32>,
        %gather3A_578 = arith.constant 0 : i32
        %gather3A_579 = arith.constant 0 : i32
        %gather3A_580 = tpu.memref_slice %arg17[%scan3A_387, %gather3A_578, %gather3A_579] : memref<2x400x32xf32, #tpu.memory_space<vmem>> -> memref<1x400x32xf32, #tpu.memory_space<vmem>>
        %gather3A_581 = tpu.memref_squeeze %gather3A_580 : memref<1x400x32xf32, #tpu.memory_space<vmem>> -> memref<400x32xf32, #tpu.memory_space<vmem>>
        %gather3A_582 = tpu.vector_load_idx %gather3A_581[%add3A_412, %and3A_572] : memref<400x32xf32, #tpu.memory_space<vmem>>[vector<16xi32>, vector<16xi32>], vector<16xf32>,
        %gather3A_583 = arith.constant 0 : i32
        %gather3A_584 = arith.constant 0 : i32
        %gather3A_585 = tpu.memref_slice %arg18[%scan3A_388, %gather3A_583, %gather3A_584] : memref<2x400x32xf32, #tpu.memory_space<vmem>> -> memref<1x400x32xf32, #tpu.memory_space<vmem>>
        %gather3A_586 = tpu.memref_squeeze %gather3A_585 : memref<1x400x32xf32, #tpu.memory_space<vmem>> -> memref<400x32xf32, #tpu.memory_space<vmem>>
        %gather3A_587 = tpu.vector_load_idx %gather3A_586[%add3A_412, %and3A_572] : memref<400x32xf32, #tpu.memory_space<vmem>>[vector<16xi32>, vector<16xi32>], vector<16xf32>,
        %gather3A_588 = arith.constant 0 : i32
        %gather3A_589 = arith.constant 0 : i32
        %gather3A_590 = tpu.memref_slice %arg19[%scan3A_389, %gather3A_588, %gather3A_589] : memref<2x400x32xf32, #tpu.memory_space<vmem>> -> memref<1x400x32xf32, #tpu.memory_space<vmem>>
        %gather3A_591 = tpu.memref_squeeze %gather3A_590 : memref<1x400x32xf32, #tpu.memory_space<vmem>> -> memref<400x32xf32, #tpu.memory_space<vmem>>
        %gather3A_592 = tpu.vector_load_idx %gather3A_591[%add3A_412, %and3A_572] : memref<400x32xf32, #tpu.memory_space<vmem>>[vector<16xi32>, vector<16xi32>], vector<16xf32>,
        %mul3A_593 = arith.mulf %gather3A_577, %gather3A_582 : vector<16xf32>
        %add3A_594 = arith.addf %add3A_566, %mul3A_593 : vector<16xf32>
        %mul3A_595 = arith.mulf %gather3A_587, %gather3A_592 : vector<16xf32>
        %add3A_596 = arith.addf %add3A_594, %mul3A_595 : vector<16xf32>
        %add3A_597 = arith.constant 6 : i32
        %add3A_598 = vector.broadcast %add3A_597 : i32 to vector<16xi32>
        %add3A_599 = arith.addi %iota3A_383, %add3A_598 : vector<16xi32>
        %and3A_600 = arith.constant 31 : i32
        %and3A_601 = vector.broadcast %and3A_600 : i32 to vector<16xi32>
        %and3A_602 = arith.andi %add3A_599, %and3A_601 : vector<16xi32>
        %gather3A_603 = arith.constant 0 : i32
        %gather3A_604 = arith.constant 0 : i32
        %gather3A_605 = tpu.memref_slice %arg16[%scan3A_386, %gather3A_603, %gather3A_604] : memref<2x400x32xf32, #tpu.memory_space<vmem>> -> memref<1x400x32xf32, #tpu.memory_space<vmem>>
        %gather3A_606 = tpu.memref_squeeze %gather3A_605 : memref<1x400x32xf32, #tpu.memory_space<vmem>> -> memref<400x32xf32, #tpu.memory_space<vmem>>
        %gather3A_607 = tpu.vector_load_idx %gather3A_606[%add3A_412, %and3A_602] : memref<400x32xf32, #tpu.memory_space<vmem>>[vector<16xi32>, vector<16xi32>], vector<16xf32>,
        %gather3A_608 = arith.constant 0 : i32
        %gather3A_609 = arith.constant 0 : i32
        %gather3A_610 = tpu.memref_slice %arg17[%scan3A_387, %gather3A_608, %gather3A_609] : memref<2x400x32xf32, #tpu.memory_space<vmem>> -> memref<1x400x32xf32, #tpu.memory_space<vmem>>
        %gather3A_611 = tpu.memref_squeeze %gather3A_610 : memref<1x400x32xf32, #tpu.memory_space<vmem>> -> memref<400x32xf32, #tpu.memory_space<vmem>>
        %gather3A_612 = tpu.vector_load_idx %gather3A_611[%add3A_412, %and3A_602] : memref<400x32xf32, #tpu.memory_space<vmem>>[vector<16xi32>, vector<16xi32>], vector<16xf32>,
        %gather3A_613 = arith.constant 0 : i32
        %gather3A_614 = arith.constant 0 : i32
        %gather3A_615 = tpu.memref_slice %arg18[%scan3A_388, %gather3A_613, %gather3A_614] : memref<2x400x32xf32, #tpu.memory_space<vmem>> -> memref<1x400x32xf32, #tpu.memory_space<vmem>>
        %gather3A_616 = tpu.memref_squeeze %gather3A_615 : memref<1x400x32xf32, #tpu.memory_space<vmem>> -> memref<400x32xf32, #tpu.memory_space<vmem>>
        %gather3A_617 = tpu.vector_load_idx %gather3A_616[%add3A_412, %and3A_602] : memref<400x32xf32, #tpu.memory_space<vmem>>[vector<16xi32>, vector<16xi32>], vector<16xf32>,
        %gather3A_618 = arith.constant 0 : i32
        %gather3A_619 = arith.constant 0 : i32
        %gather3A_620 = tpu.memref_slice %arg19[%scan3A_389, %gather3A_618, %gather3A_619] : memref<2x400x32xf32, #tpu.memory_space<vmem>> -> memref<1x400x32xf32, #tpu.memory_space<vmem>>
        %gather3A_621 = tpu.memref_squeeze %gather3A_620 : memref<1x400x32xf32, #tpu.memory_space<vmem>> -> memref<400x32xf32, #tpu.memory_space<vmem>>
        %gather3A_622 = tpu.vector_load_idx %gather3A_621[%add3A_412, %and3A_602] : memref<400x32xf32, #tpu.memory_space<vmem>>[vector<16xi32>, vector<16xi32>], vector<16xf32>,
        %mul3A_623 = arith.mulf %gather3A_607, %gather3A_612 : vector<16xf32>
        %add3A_624 = arith.addf %add3A_596, %mul3A_623 : vector<16xf32>
        %mul3A_625 = arith.mulf %gather3A_617, %gather3A_622 : vector<16xf32>
        %add3A_626 = arith.addf %add3A_624, %mul3A_625 : vector<16xf32>
        %add3A_627 = arith.constant 7 : i32
        %add3A_628 = vector.broadcast %add3A_627 : i32 to vector<16xi32>
        %add3A_629 = arith.addi %iota3A_383, %add3A_628 : vector<16xi32>
        %and3A_630 = arith.constant 31 : i32
        %and3A_631 = vector.broadcast %and3A_630 : i32 to vector<16xi32>
        %and3A_632 = arith.andi %add3A_629, %and3A_631 : vector<16xi32>
        %gather3A_633 = arith.constant 0 : i32
        %gather3A_634 = arith.constant 0 : i32
        %gather3A_635 = tpu.memref_slice %arg16[%scan3A_386, %gather3A_633, %gather3A_634] : memref<2x400x32xf32, #tpu.memory_space<vmem>> -> memref<1x400x32xf32, #tpu.memory_space<vmem>>
        %gather3A_636 = tpu.memref_squeeze %gather3A_635 : memref<1x400x32xf32, #tpu.memory_space<vmem>> -> memref<400x32xf32, #tpu.memory_space<vmem>>
        %gather3A_637 = tpu.vector_load_idx %gather3A_636[%add3A_412, %and3A_632] : memref<400x32xf32, #tpu.memory_space<vmem>>[vector<16xi32>, vector<16xi32>], vector<16xf32>,
        %gather3A_638 = arith.constant 0 : i32
        %gather3A_639 = arith.constant 0 : i32
        %gather3A_640 = tpu.memref_slice %arg17[%scan3A_387, %gather3A_638, %gather3A_639] : memref<2x400x32xf32, #tpu.memory_space<vmem>> -> memref<1x400x32xf32, #tpu.memory_space<vmem>>
        %gather3A_641 = tpu.memref_squeeze %gather3A_640 : memref<1x400x32xf32, #tpu.memory_space<vmem>> -> memref<400x32xf32, #tpu.memory_space<vmem>>
        %gather3A_642 = tpu.vector_load_idx %gather3A_641[%add3A_412, %and3A_632] : memref<400x32xf32, #tpu.memory_space<vmem>>[vector<16xi32>, vector<16xi32>], vector<16xf32>,
        %gather3A_643 = arith.constant 0 : i32
        %gather3A_644 = arith.constant 0 : i32
        %gather3A_645 = tpu.memref_slice %arg18[%scan3A_388, %gather3A_643, %gather3A_644] : memref<2x400x32xf32, #tpu.memory_space<vmem>> -> memref<1x400x32xf32, #tpu.memory_space<vmem>>
        %gather3A_646 = tpu.memref_squeeze %gather3A_645 : memref<1x400x32xf32, #tpu.memory_space<vmem>> -> memref<400x32xf32, #tpu.memory_space<vmem>>
        %gather3A_647 = tpu.vector_load_idx %gather3A_646[%add3A_412, %and3A_632] : memref<400x32xf32, #tpu.memory_space<vmem>>[vector<16xi32>, vector<16xi32>], vector<16xf32>,
        %gather3A_648 = arith.constant 0 : i32
        %gather3A_649 = arith.constant 0 : i32
        %gather3A_650 = tpu.memref_slice %arg19[%scan3A_389, %gather3A_648, %gather3A_649] : memref<2x400x32xf32, #tpu.memory_space<vmem>> -> memref<1x400x32xf32, #tpu.memory_space<vmem>>
        %gather3A_651 = tpu.memref_squeeze %gather3A_650 : memref<1x400x32xf32, #tpu.memory_space<vmem>> -> memref<400x32xf32, #tpu.memory_space<vmem>>
        %gather3A_652 = tpu.vector_load_idx %gather3A_651[%add3A_412, %and3A_632] : memref<400x32xf32, #tpu.memory_space<vmem>>[vector<16xi32>, vector<16xi32>], vector<16xf32>,
        %mul3A_653 = arith.mulf %gather3A_637, %gather3A_642 : vector<16xf32>
        %add3A_654 = arith.addf %add3A_626, %mul3A_653 : vector<16xf32>
        %mul3A_655 = arith.mulf %gather3A_647, %gather3A_652 : vector<16xf32>
        %add3A_656 = arith.addf %add3A_654, %mul3A_655 : vector<16xf32>
        %add3A_657 = arith.constant 8 : i32
        %add3A_658 = vector.broadcast %add3A_657 : i32 to vector<16xi32>
        %add3A_659 = arith.addi %iota3A_383, %add3A_658 : vector<16xi32>
        %and3A_660 = arith.constant 31 : i32
        %and3A_661 = vector.broadcast %and3A_660 : i32 to vector<16xi32>
        %and3A_662 = arith.andi %add3A_659, %and3A_661 : vector<16xi32>
        %gather3A_663 = arith.constant 0 : i32
        %gather3A_664 = arith.constant 0 : i32
        %gather3A_665 = tpu.memref_slice %arg16[%scan3A_386, %gather3A_663, %gather3A_664] : memref<2x400x32xf32, #tpu.memory_space<vmem>> -> memref<1x400x32xf32, #tpu.memory_space<vmem>>
        %gather3A_666 = tpu.memref_squeeze %gather3A_665 : memref<1x400x32xf32, #tpu.memory_space<vmem>> -> memref<400x32xf32, #tpu.memory_space<vmem>>
        %gather3A_667 = tpu.vector_load_idx %gather3A_666[%add3A_412, %and3A_662] : memref<400x32xf32, #tpu.memory_space<vmem>>[vector<16xi32>, vector<16xi32>], vector<16xf32>,
        %gather3A_668 = arith.constant 0 : i32
        %gather3A_669 = arith.constant 0 : i32
        %gather3A_670 = tpu.memref_slice %arg17[%scan3A_387, %gather3A_668, %gather3A_669] : memref<2x400x32xf32, #tpu.memory_space<vmem>> -> memref<1x400x32xf32, #tpu.memory_space<vmem>>
        %gather3A_671 = tpu.memref_squeeze %gather3A_670 : memref<1x400x32xf32, #tpu.memory_space<vmem>> -> memref<400x32xf32, #tpu.memory_space<vmem>>
        %gather3A_672 = tpu.vector_load_idx %gather3A_671[%add3A_412, %and3A_662] : memref<400x32xf32, #tpu.memory_space<vmem>>[vector<16xi32>, vector<16xi32>], vector<16xf32>,
        %gather3A_673 = arith.constant 0 : i32
        %gather3A_674 = arith.constant 0 : i32
        %gather3A_675 = tpu.memref_slice %arg18[%scan3A_388, %gather3A_673, %gather3A_674] : memref<2x400x32xf32, #tpu.memory_space<vmem>> -> memref<1x400x32xf32, #tpu.memory_space<vmem>>
        %gather3A_676 = tpu.memref_squeeze %gather3A_675 : memref<1x400x32xf32, #tpu.memory_space<vmem>> -> memref<400x32xf32, #tpu.memory_space<vmem>>
        %gather3A_677 = tpu.vector_load_idx %gather3A_676[%add3A_412, %and3A_662] : memref<400x32xf32, #tpu.memory_space<vmem>>[vector<16xi32>, vector<16xi32>], vector<16xf32>,
        %gather3A_678 = arith.constant 0 : i32
        %gather3A_679 = arith.constant 0 : i32
        %gather3A_680 = tpu.memref_slice %arg19[%scan3A_389, %gather3A_678, %gather3A_679] : memref<2x400x32xf32, #tpu.memory_space<vmem>> -> memref<1x400x32xf32, #tpu.memory_space<vmem>>
        %gather3A_681 = tpu.memref_squeeze %gather3A_680 : memref<1x400x32xf32, #tpu.memory_space<vmem>> -> memref<400x32xf32, #tpu.memory_space<vmem>>
        %gather3A_682 = tpu.vector_load_idx %gather3A_681[%add3A_412, %and3A_662] : memref<400x32xf32, #tpu.memory_space<vmem>>[vector<16xi32>, vector<16xi32>], vector<16xf32>,
        %mul3A_683 = arith.mulf %gather3A_667, %gather3A_672 : vector<16xf32>
        %add3A_684 = arith.addf %add3A_656, %mul3A_683 : vector<16xf32>
        %mul3A_685 = arith.mulf %gather3A_677, %gather3A_682 : vector<16xf32>
        %add3A_686 = arith.addf %add3A_684, %mul3A_685 : vector<16xf32>
        %add3A_687 = arith.constant 9 : i32
        %add3A_688 = vector.broadcast %add3A_687 : i32 to vector<16xi32>
        %add3A_689 = arith.addi %iota3A_383, %add3A_688 : vector<16xi32>
        %and3A_690 = arith.constant 31 : i32
        %and3A_691 = vector.broadcast %and3A_690 : i32 to vector<16xi32>
        %and3A_692 = arith.andi %add3A_689, %and3A_691 : vector<16xi32>
        %gather3A_693 = arith.constant 0 : i32
        %gather3A_694 = arith.constant 0 : i32
        %gather3A_695 = tpu.memref_slice %arg16[%scan3A_386, %gather3A_693, %gather3A_694] : memref<2x400x32xf32, #tpu.memory_space<vmem>> -> memref<1x400x32xf32, #tpu.memory_space<vmem>>
        %gather3A_696 = tpu.memref_squeeze %gather3A_695 : memref<1x400x32xf32, #tpu.memory_space<vmem>> -> memref<400x32xf32, #tpu.memory_space<vmem>>
        %gather3A_697 = tpu.vector_load_idx %gather3A_696[%add3A_412, %and3A_692] : memref<400x32xf32, #tpu.memory_space<vmem>>[vector<16xi32>, vector<16xi32>], vector<16xf32>,
        %gather3A_698 = arith.constant 0 : i32
        %gather3A_699 = arith.constant 0 : i32
        %gather3A_700 = tpu.memref_slice %arg17[%scan3A_387, %gather3A_698, %gather3A_699] : memref<2x400x32xf32, #tpu.memory_space<vmem>> -> memref<1x400x32xf32, #tpu.memory_space<vmem>>
        %gather3A_701 = tpu.memref_squeeze %gather3A_700 : memref<1x400x32xf32, #tpu.memory_space<vmem>> -> memref<400x32xf32, #tpu.memory_space<vmem>>
        %gather3A_702 = tpu.vector_load_idx %gather3A_701[%add3A_412, %and3A_692] : memref<400x32xf32, #tpu.memory_space<vmem>>[vector<16xi32>, vector<16xi32>], vector<16xf32>,
        %gather3A_703 = arith.constant 0 : i32
        %gather3A_704 = arith.constant 0 : i32
        %gather3A_705 = tpu.memref_slice %arg18[%scan3A_388, %gather3A_703, %gather3A_704] : memref<2x400x32xf32, #tpu.memory_space<vmem>> -> memref<1x400x32xf32, #tpu.memory_space<vmem>>
        %gather3A_706 = tpu.memref_squeeze %gather3A_705 : memref<1x400x32xf32, #tpu.memory_space<vmem>> -> memref<400x32xf32, #tpu.memory_space<vmem>>
        %gather3A_707 = tpu.vector_load_idx %gather3A_706[%add3A_412, %and3A_692] : memref<400x32xf32, #tpu.memory_space<vmem>>[vector<16xi32>, vector<16xi32>], vector<16xf32>,
        %gather3A_708 = arith.constant 0 : i32
        %gather3A_709 = arith.constant 0 : i32
        %gather3A_710 = tpu.memref_slice %arg19[%scan3A_389, %gather3A_708, %gather3A_709] : memref<2x400x32xf32, #tpu.memory_space<vmem>> -> memref<1x400x32xf32, #tpu.memory_space<vmem>>
        %gather3A_711 = tpu.memref_squeeze %gather3A_710 : memref<1x400x32xf32, #tpu.memory_space<vmem>> -> memref<400x32xf32, #tpu.memory_space<vmem>>
        %gather3A_712 = tpu.vector_load_idx %gather3A_711[%add3A_412, %and3A_692] : memref<400x32xf32, #tpu.memory_space<vmem>>[vector<16xi32>, vector<16xi32>], vector<16xf32>,
        %mul3A_713 = arith.mulf %gather3A_697, %gather3A_702 : vector<16xf32>
        %add3A_714 = arith.addf %add3A_686, %mul3A_713 : vector<16xf32>
        %mul3A_715 = arith.mulf %gather3A_707, %gather3A_712 : vector<16xf32>
        %add3A_716 = arith.addf %add3A_714, %mul3A_715 : vector<16xf32>
        %add3A_717 = arith.constant 10 : i32
        %add3A_718 = vector.broadcast %add3A_717 : i32 to vector<16xi32>
        %add3A_719 = arith.addi %iota3A_383, %add3A_718 : vector<16xi32>
        %and3A_720 = arith.constant 31 : i32
        %and3A_721 = vector.broadcast %and3A_720 : i32 to vector<16xi32>
        %and3A_722 = arith.andi %add3A_719, %and3A_721 : vector<16xi32>
        %gather3A_723 = arith.constant 0 : i32
        %gather3A_724 = arith.constant 0 : i32
        %gather3A_725 = tpu.memref_slice %arg16[%scan3A_386, %gather3A_723, %gather3A_724] : memref<2x400x32xf32, #tpu.memory_space<vmem>> -> memref<1x400x32xf32, #tpu.memory_space<vmem>>
        %gather3A_726 = tpu.memref_squeeze %gather3A_725 : memref<1x400x32xf32, #tpu.memory_space<vmem>> -> memref<400x32xf32, #tpu.memory_space<vmem>>
        %gather3A_727 = tpu.vector_load_idx %gather3A_726[%add3A_412, %and3A_722] : memref<400x32xf32, #tpu.memory_space<vmem>>[vector<16xi32>, vector<16xi32>], vector<16xf32>,
        %gather3A_728 = arith.constant 0 : i32
        %gather3A_729 = arith.constant 0 : i32
        %gather3A_730 = tpu.memref_slice %arg17[%scan3A_387, %gather3A_728, %gather3A_729] : memref<2x400x32xf32, #tpu.memory_space<vmem>> -> memref<1x400x32xf32, #tpu.memory_space<vmem>>
        %gather3A_731 = tpu.memref_squeeze %gather3A_730 : memref<1x400x32xf32, #tpu.memory_space<vmem>> -> memref<400x32xf32, #tpu.memory_space<vmem>>
        %gather3A_732 = tpu.vector_load_idx %gather3A_731[%add3A_412, %and3A_722] : memref<400x32xf32, #tpu.memory_space<vmem>>[vector<16xi32>, vector<16xi32>], vector<16xf32>,
        %gather3A_733 = arith.constant 0 : i32
        %gather3A_734 = arith.constant 0 : i32
        %gather3A_735 = tpu.memref_slice %arg18[%scan3A_388, %gather3A_733, %gather3A_734] : memref<2x400x32xf32, #tpu.memory_space<vmem>> -> memref<1x400x32xf32, #tpu.memory_space<vmem>>
        %gather3A_736 = tpu.memref_squeeze %gather3A_735 : memref<1x400x32xf32, #tpu.memory_space<vmem>> -> memref<400x32xf32, #tpu.memory_space<vmem>>
        %gather3A_737 = tpu.vector_load_idx %gather3A_736[%add3A_412, %and3A_722] : memref<400x32xf32, #tpu.memory_space<vmem>>[vector<16xi32>, vector<16xi32>], vector<16xf32>,
        %gather3A_738 = arith.constant 0 : i32
        %gather3A_739 = arith.constant 0 : i32
        %gather3A_740 = tpu.memref_slice %arg19[%scan3A_389, %gather3A_738, %gather3A_739] : memref<2x400x32xf32, #tpu.memory_space<vmem>> -> memref<1x400x32xf32, #tpu.memory_space<vmem>>
        %gather3A_741 = tpu.memref_squeeze %gather3A_740 : memref<1x400x32xf32, #tpu.memory_space<vmem>> -> memref<400x32xf32, #tpu.memory_space<vmem>>
        %gather3A_742 = tpu.vector_load_idx %gather3A_741[%add3A_412, %and3A_722] : memref<400x32xf32, #tpu.memory_space<vmem>>[vector<16xi32>, vector<16xi32>], vector<16xf32>,
        %mul3A_743 = arith.mulf %gather3A_727, %gather3A_732 : vector<16xf32>
        %add3A_744 = arith.addf %add3A_716, %mul3A_743 : vector<16xf32>
        %mul3A_745 = arith.mulf %gather3A_737, %gather3A_742 : vector<16xf32>
        %add3A_746 = arith.addf %add3A_744, %mul3A_745 : vector<16xf32>
        %add3A_747 = arith.constant 11 : i32
        %add3A_748 = vector.broadcast %add3A_747 : i32 to vector<16xi32>
        %add3A_749 = arith.addi %iota3A_383, %add3A_748 : vector<16xi32>
        %and3A_750 = arith.constant 31 : i32
        %and3A_751 = vector.broadcast %and3A_750 : i32 to vector<16xi32>
        %and3A_752 = arith.andi %add3A_749, %and3A_751 : vector<16xi32>
        %gather3A_753 = arith.constant 0 : i32
        %gather3A_754 = arith.constant 0 : i32
        %gather3A_755 = tpu.memref_slice %arg16[%scan3A_386, %gather3A_753, %gather3A_754] : memref<2x400x32xf32, #tpu.memory_space<vmem>> -> memref<1x400x32xf32, #tpu.memory_space<vmem>>
        %gather3A_756 = tpu.memref_squeeze %gather3A_755 : memref<1x400x32xf32, #tpu.memory_space<vmem>> -> memref<400x32xf32, #tpu.memory_space<vmem>>
        %gather3A_757 = tpu.vector_load_idx %gather3A_756[%add3A_412, %and3A_752] : memref<400x32xf32, #tpu.memory_space<vmem>>[vector<16xi32>, vector<16xi32>], vector<16xf32>,
        %gather3A_758 = arith.constant 0 : i32
        %gather3A_759 = arith.constant 0 : i32
        %gather3A_760 = tpu.memref_slice %arg17[%scan3A_387, %gather3A_758, %gather3A_759] : memref<2x400x32xf32, #tpu.memory_space<vmem>> -> memref<1x400x32xf32, #tpu.memory_space<vmem>>
        %gather3A_761 = tpu.memref_squeeze %gather3A_760 : memref<1x400x32xf32, #tpu.memory_space<vmem>> -> memref<400x32xf32, #tpu.memory_space<vmem>>
        %gather3A_762 = tpu.vector_load_idx %gather3A_761[%add3A_412, %and3A_752] : memref<400x32xf32, #tpu.memory_space<vmem>>[vector<16xi32>, vector<16xi32>], vector<16xf32>,
        %gather3A_763 = arith.constant 0 : i32
        %gather3A_764 = arith.constant 0 : i32
        %gather3A_765 = tpu.memref_slice %arg18[%scan3A_388, %gather3A_763, %gather3A_764] : memref<2x400x32xf32, #tpu.memory_space<vmem>> -> memref<1x400x32xf32, #tpu.memory_space<vmem>>
        %gather3A_766 = tpu.memref_squeeze %gather3A_765 : memref<1x400x32xf32, #tpu.memory_space<vmem>> -> memref<400x32xf32, #tpu.memory_space<vmem>>
        %gather3A_767 = tpu.vector_load_idx %gather3A_766[%add3A_412, %and3A_752] : memref<400x32xf32, #tpu.memory_space<vmem>>[vector<16xi32>, vector<16xi32>], vector<16xf32>,
        %gather3A_768 = arith.constant 0 : i32
        %gather3A_769 = arith.constant 0 : i32
        %gather3A_770 = tpu.memref_slice %arg19[%scan3A_389, %gather3A_768, %gather3A_769] : memref<2x400x32xf32, #tpu.memory_space<vmem>> -> memref<1x400x32xf32, #tpu.memory_space<vmem>>
        %gather3A_771 = tpu.memref_squeeze %gather3A_770 : memref<1x400x32xf32, #tpu.memory_space<vmem>> -> memref<400x32xf32, #tpu.memory_space<vmem>>
        %gather3A_772 = tpu.vector_load_idx %gather3A_771[%add3A_412, %and3A_752] : memref<400x32xf32, #tpu.memory_space<vmem>>[vector<16xi32>, vector<16xi32>], vector<16xf32>,
        %mul3A_773 = arith.mulf %gather3A_757, %gather3A_762 : vector<16xf32>
        %add3A_774 = arith.addf %add3A_746, %mul3A_773 : vector<16xf32>
        %mul3A_775 = arith.mulf %gather3A_767, %gather3A_772 : vector<16xf32>
        %add3A_776 = arith.addf %add3A_774, %mul3A_775 : vector<16xf32>
        %add3A_777 = arith.constant 12 : i32
        %add3A_778 = vector.broadcast %add3A_777 : i32 to vector<16xi32>
        %add3A_779 = arith.addi %iota3A_383, %add3A_778 : vector<16xi32>
        %and3A_780 = arith.constant 31 : i32
        %and3A_781 = vector.broadcast %and3A_780 : i32 to vector<16xi32>
        %and3A_782 = arith.andi %add3A_779, %and3A_781 : vector<16xi32>
        %gather3A_783 = arith.constant 0 : i32
        %gather3A_784 = arith.constant 0 : i32
        %gather3A_785 = tpu.memref_slice %arg16[%scan3A_386, %gather3A_783, %gather3A_784] : memref<2x400x32xf32, #tpu.memory_space<vmem>> -> memref<1x400x32xf32, #tpu.memory_space<vmem>>
        %gather3A_786 = tpu.memref_squeeze %gather3A_785 : memref<1x400x32xf32, #tpu.memory_space<vmem>> -> memref<400x32xf32, #tpu.memory_space<vmem>>
        %gather3A_787 = tpu.vector_load_idx %gather3A_786[%add3A_412, %and3A_782] : memref<400x32xf32, #tpu.memory_space<vmem>>[vector<16xi32>, vector<16xi32>], vector<16xf32>,
        %gather3A_788 = arith.constant 0 : i32
        %gather3A_789 = arith.constant 0 : i32
        %gather3A_790 = tpu.memref_slice %arg17[%scan3A_387, %gather3A_788, %gather3A_789] : memref<2x400x32xf32, #tpu.memory_space<vmem>> -> memref<1x400x32xf32, #tpu.memory_space<vmem>>
        %gather3A_791 = tpu.memref_squeeze %gather3A_790 : memref<1x400x32xf32, #tpu.memory_space<vmem>> -> memref<400x32xf32, #tpu.memory_space<vmem>>
        %gather3A_792 = tpu.vector_load_idx %gather3A_791[%add3A_412, %and3A_782] : memref<400x32xf32, #tpu.memory_space<vmem>>[vector<16xi32>, vector<16xi32>], vector<16xf32>,
        %gather3A_793 = arith.constant 0 : i32
        %gather3A_794 = arith.constant 0 : i32
        %gather3A_795 = tpu.memref_slice %arg18[%scan3A_388, %gather3A_793, %gather3A_794] : memref<2x400x32xf32, #tpu.memory_space<vmem>> -> memref<1x400x32xf32, #tpu.memory_space<vmem>>
        %gather3A_796 = tpu.memref_squeeze %gather3A_795 : memref<1x400x32xf32, #tpu.memory_space<vmem>> -> memref<400x32xf32, #tpu.memory_space<vmem>>
        %gather3A_797 = tpu.vector_load_idx %gather3A_796[%add3A_412, %and3A_782] : memref<400x32xf32, #tpu.memory_space<vmem>>[vector<16xi32>, vector<16xi32>], vector<16xf32>,
        %gather3A_798 = arith.constant 0 : i32
        %gather3A_799 = arith.constant 0 : i32
        %gather3A_800 = tpu.memref_slice %arg19[%scan3A_389, %gather3A_798, %gather3A_799] : memref<2x400x32xf32, #tpu.memory_space<vmem>> -> memref<1x400x32xf32, #tpu.memory_space<vmem>>
        %gather3A_801 = tpu.memref_squeeze %gather3A_800 : memref<1x400x32xf32, #tpu.memory_space<vmem>> -> memref<400x32xf32, #tpu.memory_space<vmem>>
        %gather3A_802 = tpu.vector_load_idx %gather3A_801[%add3A_412, %and3A_782] : memref<400x32xf32, #tpu.memory_space<vmem>>[vector<16xi32>, vector<16xi32>], vector<16xf32>,
        %mul3A_803 = arith.mulf %gather3A_787, %gather3A_792 : vector<16xf32>
        %add3A_804 = arith.addf %add3A_776, %mul3A_803 : vector<16xf32>
        %mul3A_805 = arith.mulf %gather3A_797, %gather3A_802 : vector<16xf32>
        %add3A_806 = arith.addf %add3A_804, %mul3A_805 : vector<16xf32>
        %add3A_807 = arith.constant 13 : i32
        %add3A_808 = vector.broadcast %add3A_807 : i32 to vector<16xi32>
        %add3A_809 = arith.addi %iota3A_383, %add3A_808 : vector<16xi32>
        %and3A_810 = arith.constant 31 : i32
        %and3A_811 = vector.broadcast %and3A_810 : i32 to vector<16xi32>
        %and3A_812 = arith.andi %add3A_809, %and3A_811 : vector<16xi32>
        %gather3A_813 = arith.constant 0 : i32
        %gather3A_814 = arith.constant 0 : i32
        %gather3A_815 = tpu.memref_slice %arg16[%scan3A_386, %gather3A_813, %gather3A_814] : memref<2x400x32xf32, #tpu.memory_space<vmem>> -> memref<1x400x32xf32, #tpu.memory_space<vmem>>
        %gather3A_816 = tpu.memref_squeeze %gather3A_815 : memref<1x400x32xf32, #tpu.memory_space<vmem>> -> memref<400x32xf32, #tpu.memory_space<vmem>>
        %gather3A_817 = tpu.vector_load_idx %gather3A_816[%add3A_412, %and3A_812] : memref<400x32xf32, #tpu.memory_space<vmem>>[vector<16xi32>, vector<16xi32>], vector<16xf32>,
        %gather3A_818 = arith.constant 0 : i32
        %gather3A_819 = arith.constant 0 : i32
        %gather3A_820 = tpu.memref_slice %arg17[%scan3A_387, %gather3A_818, %gather3A_819] : memref<2x400x32xf32, #tpu.memory_space<vmem>> -> memref<1x400x32xf32, #tpu.memory_space<vmem>>
        %gather3A_821 = tpu.memref_squeeze %gather3A_820 : memref<1x400x32xf32, #tpu.memory_space<vmem>> -> memref<400x32xf32, #tpu.memory_space<vmem>>
        %gather3A_822 = tpu.vector_load_idx %gather3A_821[%add3A_412, %and3A_812] : memref<400x32xf32, #tpu.memory_space<vmem>>[vector<16xi32>, vector<16xi32>], vector<16xf32>,
        %gather3A_823 = arith.constant 0 : i32
        %gather3A_824 = arith.constant 0 : i32
        %gather3A_825 = tpu.memref_slice %arg18[%scan3A_388, %gather3A_823, %gather3A_824] : memref<2x400x32xf32, #tpu.memory_space<vmem>> -> memref<1x400x32xf32, #tpu.memory_space<vmem>>
        %gather3A_826 = tpu.memref_squeeze %gather3A_825 : memref<1x400x32xf32, #tpu.memory_space<vmem>> -> memref<400x32xf32, #tpu.memory_space<vmem>>
        %gather3A_827 = tpu.vector_load_idx %gather3A_826[%add3A_412, %and3A_812] : memref<400x32xf32, #tpu.memory_space<vmem>>[vector<16xi32>, vector<16xi32>], vector<16xf32>,
        %gather3A_828 = arith.constant 0 : i32
        %gather3A_829 = arith.constant 0 : i32
        %gather3A_830 = tpu.memref_slice %arg19[%scan3A_389, %gather3A_828, %gather3A_829] : memref<2x400x32xf32, #tpu.memory_space<vmem>> -> memref<1x400x32xf32, #tpu.memory_space<vmem>>
        %gather3A_831 = tpu.memref_squeeze %gather3A_830 : memref<1x400x32xf32, #tpu.memory_space<vmem>> -> memref<400x32xf32, #tpu.memory_space<vmem>>
        %gather3A_832 = tpu.vector_load_idx %gather3A_831[%add3A_412, %and3A_812] : memref<400x32xf32, #tpu.memory_space<vmem>>[vector<16xi32>, vector<16xi32>], vector<16xf32>,
        %mul3A_833 = arith.mulf %gather3A_817, %gather3A_822 : vector<16xf32>
        %add3A_834 = arith.addf %add3A_806, %mul3A_833 : vector<16xf32>
        %mul3A_835 = arith.mulf %gather3A_827, %gather3A_832 : vector<16xf32>
        %add3A_836 = arith.addf %add3A_834, %mul3A_835 : vector<16xf32>
        %add3A_837 = arith.constant 14 : i32
        %add3A_838 = vector.broadcast %add3A_837 : i32 to vector<16xi32>
        %add3A_839 = arith.addi %iota3A_383, %add3A_838 : vector<16xi32>
        %and3A_840 = arith.constant 31 : i32
        %and3A_841 = vector.broadcast %and3A_840 : i32 to vector<16xi32>
        %and3A_842 = arith.andi %add3A_839, %and3A_841 : vector<16xi32>
        %gather3A_843 = arith.constant 0 : i32
        %gather3A_844 = arith.constant 0 : i32
        %gather3A_845 = tpu.memref_slice %arg16[%scan3A_386, %gather3A_843, %gather3A_844] : memref<2x400x32xf32, #tpu.memory_space<vmem>> -> memref<1x400x32xf32, #tpu.memory_space<vmem>>
        %gather3A_846 = tpu.memref_squeeze %gather3A_845 : memref<1x400x32xf32, #tpu.memory_space<vmem>> -> memref<400x32xf32, #tpu.memory_space<vmem>>
        %gather3A_847 = tpu.vector_load_idx %gather3A_846[%add3A_412, %and3A_842] : memref<400x32xf32, #tpu.memory_space<vmem>>[vector<16xi32>, vector<16xi32>], vector<16xf32>,
        %gather3A_848 = arith.constant 0 : i32
        %gather3A_849 = arith.constant 0 : i32
        %gather3A_850 = tpu.memref_slice %arg17[%scan3A_387, %gather3A_848, %gather3A_849] : memref<2x400x32xf32, #tpu.memory_space<vmem>> -> memref<1x400x32xf32, #tpu.memory_space<vmem>>
        %gather3A_851 = tpu.memref_squeeze %gather3A_850 : memref<1x400x32xf32, #tpu.memory_space<vmem>> -> memref<400x32xf32, #tpu.memory_space<vmem>>
        %gather3A_852 = tpu.vector_load_idx %gather3A_851[%add3A_412, %and3A_842] : memref<400x32xf32, #tpu.memory_space<vmem>>[vector<16xi32>, vector<16xi32>], vector<16xf32>,
        %gather3A_853 = arith.constant 0 : i32
        %gather3A_854 = arith.constant 0 : i32
        %gather3A_855 = tpu.memref_slice %arg18[%scan3A_388, %gather3A_853, %gather3A_854] : memref<2x400x32xf32, #tpu.memory_space<vmem>> -> memref<1x400x32xf32, #tpu.memory_space<vmem>>
        %gather3A_856 = tpu.memref_squeeze %gather3A_855 : memref<1x400x32xf32, #tpu.memory_space<vmem>> -> memref<400x32xf32, #tpu.memory_space<vmem>>
        %gather3A_857 = tpu.vector_load_idx %gather3A_856[%add3A_412, %and3A_842] : memref<400x32xf32, #tpu.memory_space<vmem>>[vector<16xi32>, vector<16xi32>], vector<16xf32>,
        %gather3A_858 = arith.constant 0 : i32
        %gather3A_859 = arith.constant 0 : i32
        %gather3A_860 = tpu.memref_slice %arg19[%scan3A_389, %gather3A_858, %gather3A_859] : memref<2x400x32xf32, #tpu.memory_space<vmem>> -> memref<1x400x32xf32, #tpu.memory_space<vmem>>
        %gather3A_861 = tpu.memref_squeeze %gather3A_860 : memref<1x400x32xf32, #tpu.memory_space<vmem>> -> memref<400x32xf32, #tpu.memory_space<vmem>>
        %gather3A_862 = tpu.vector_load_idx %gather3A_861[%add3A_412, %and3A_842] : memref<400x32xf32, #tpu.memory_space<vmem>>[vector<16xi32>, vector<16xi32>], vector<16xf32>,
        %mul3A_863 = arith.mulf %gather3A_847, %gather3A_852 : vector<16xf32>
        %add3A_864 = arith.addf %add3A_836, %mul3A_863 : vector<16xf32>
        %mul3A_865 = arith.mulf %gather3A_857, %gather3A_862 : vector<16xf32>
        %add3A_866 = arith.addf %add3A_864, %mul3A_865 : vector<16xf32>
        %add3A_867 = arith.constant 15 : i32
        %add3A_868 = vector.broadcast %add3A_867 : i32 to vector<16xi32>
        %add3A_869 = arith.addi %iota3A_383, %add3A_868 : vector<16xi32>
        %and3A_870 = arith.constant 31 : i32
        %and3A_871 = vector.broadcast %and3A_870 : i32 to vector<16xi32>
        %and3A_872 = arith.andi %add3A_869, %and3A_871 : vector<16xi32>
        %gather3A_873 = arith.constant 0 : i32
        %gather3A_874 = arith.constant 0 : i32
        %gather3A_875 = tpu.memref_slice %arg16[%scan3A_386, %gather3A_873, %gather3A_874] : memref<2x400x32xf32, #tpu.memory_space<vmem>> -> memref<1x400x32xf32, #tpu.memory_space<vmem>>
        %gather3A_876 = tpu.memref_squeeze %gather3A_875 : memref<1x400x32xf32, #tpu.memory_space<vmem>> -> memref<400x32xf32, #tpu.memory_space<vmem>>
        %gather3A_877 = tpu.vector_load_idx %gather3A_876[%add3A_412, %and3A_872] : memref<400x32xf32, #tpu.memory_space<vmem>>[vector<16xi32>, vector<16xi32>], vector<16xf32>,
        %gather3A_878 = arith.constant 0 : i32
        %gather3A_879 = arith.constant 0 : i32
        %gather3A_880 = tpu.memref_slice %arg17[%scan3A_387, %gather3A_878, %gather3A_879] : memref<2x400x32xf32, #tpu.memory_space<vmem>> -> memref<1x400x32xf32, #tpu.memory_space<vmem>>
        %gather3A_881 = tpu.memref_squeeze %gather3A_880 : memref<1x400x32xf32, #tpu.memory_space<vmem>> -> memref<400x32xf32, #tpu.memory_space<vmem>>
        %gather3A_882 = tpu.vector_load_idx %gather3A_881[%add3A_412, %and3A_872] : memref<400x32xf32, #tpu.memory_space<vmem>>[vector<16xi32>, vector<16xi32>], vector<16xf32>,
        %gather3A_883 = arith.constant 0 : i32
        %gather3A_884 = arith.constant 0 : i32
        %gather3A_885 = tpu.memref_slice %arg18[%scan3A_388, %gather3A_883, %gather3A_884] : memref<2x400x32xf32, #tpu.memory_space<vmem>> -> memref<1x400x32xf32, #tpu.memory_space<vmem>>
        %gather3A_886 = tpu.memref_squeeze %gather3A_885 : memref<1x400x32xf32, #tpu.memory_space<vmem>> -> memref<400x32xf32, #tpu.memory_space<vmem>>
        %gather3A_887 = tpu.vector_load_idx %gather3A_886[%add3A_412, %and3A_872] : memref<400x32xf32, #tpu.memory_space<vmem>>[vector<16xi32>, vector<16xi32>], vector<16xf32>,
        %gather3A_888 = arith.constant 0 : i32
        %gather3A_889 = arith.constant 0 : i32
        %gather3A_890 = tpu.memref_slice %arg19[%scan3A_389, %gather3A_888, %gather3A_889] : memref<2x400x32xf32, #tpu.memory_space<vmem>> -> memref<1x400x32xf32, #tpu.memory_space<vmem>>
        %gather3A_891 = tpu.memref_squeeze %gather3A_890 : memref<1x400x32xf32, #tpu.memory_space<vmem>> -> memref<400x32xf32, #tpu.memory_space<vmem>>
        %gather3A_892 = tpu.vector_load_idx %gather3A_891[%add3A_412, %and3A_872] : memref<400x32xf32, #tpu.memory_space<vmem>>[vector<16xi32>, vector<16xi32>], vector<16xf32>,
        %mul3A_893 = arith.mulf %gather3A_877, %gather3A_882 : vector<16xf32>
        %add3A_894 = arith.addf %add3A_866, %mul3A_893 : vector<16xf32>
        %mul3A_895 = arith.mulf %gather3A_887, %gather3A_892 : vector<16xf32>
        %add3A_896 = arith.addf %add3A_894, %mul3A_895 : vector<16xf32>
        %add3A_897 = arith.constant 16 : i32
        %add3A_898 = vector.broadcast %add3A_897 : i32 to vector<16xi32>
        %add3A_899 = arith.addi %iota3A_383, %add3A_898 : vector<16xi32>
        %and3A_900 = arith.constant 31 : i32
        %and3A_901 = vector.broadcast %and3A_900 : i32 to vector<16xi32>
        %and3A_902 = arith.andi %add3A_899, %and3A_901 : vector<16xi32>
        %gather3A_903 = arith.constant 0 : i32
        %gather3A_904 = arith.constant 0 : i32
        %gather3A_905 = tpu.memref_slice %arg16[%scan3A_386, %gather3A_903, %gather3A_904] : memref<2x400x32xf32, #tpu.memory_space<vmem>> -> memref<1x400x32xf32, #tpu.memory_space<vmem>>
        %gather3A_906 = tpu.memref_squeeze %gather3A_905 : memref<1x400x32xf32, #tpu.memory_space<vmem>> -> memref<400x32xf32, #tpu.memory_space<vmem>>
        %gather3A_907 = tpu.vector_load_idx %gather3A_906[%add3A_412, %and3A_902] : memref<400x32xf32, #tpu.memory_space<vmem>>[vector<16xi32>, vector<16xi32>], vector<16xf32>,
        %gather3A_908 = arith.constant 0 : i32
        %gather3A_909 = arith.constant 0 : i32
        %gather3A_910 = tpu.memref_slice %arg17[%scan3A_387, %gather3A_908, %gather3A_909] : memref<2x400x32xf32, #tpu.memory_space<vmem>> -> memref<1x400x32xf32, #tpu.memory_space<vmem>>
        %gather3A_911 = tpu.memref_squeeze %gather3A_910 : memref<1x400x32xf32, #tpu.memory_space<vmem>> -> memref<400x32xf32, #tpu.memory_space<vmem>>
        %gather3A_912 = tpu.vector_load_idx %gather3A_911[%add3A_412, %and3A_902] : memref<400x32xf32, #tpu.memory_space<vmem>>[vector<16xi32>, vector<16xi32>], vector<16xf32>,
        %gather3A_913 = arith.constant 0 : i32
        %gather3A_914 = arith.constant 0 : i32
        %gather3A_915 = tpu.memref_slice %arg18[%scan3A_388, %gather3A_913, %gather3A_914] : memref<2x400x32xf32, #tpu.memory_space<vmem>> -> memref<1x400x32xf32, #tpu.memory_space<vmem>>
        %gather3A_916 = tpu.memref_squeeze %gather3A_915 : memref<1x400x32xf32, #tpu.memory_space<vmem>> -> memref<400x32xf32, #tpu.memory_space<vmem>>
        %gather3A_917 = tpu.vector_load_idx %gather3A_916[%add3A_412, %and3A_902] : memref<400x32xf32, #tpu.memory_space<vmem>>[vector<16xi32>, vector<16xi32>], vector<16xf32>,
        %gather3A_918 = arith.constant 0 : i32
        %gather3A_919 = arith.constant 0 : i32
        %gather3A_920 = tpu.memref_slice %arg19[%scan3A_389, %gather3A_918, %gather3A_919] : memref<2x400x32xf32, #tpu.memory_space<vmem>> -> memref<1x400x32xf32, #tpu.memory_space<vmem>>
        %gather3A_921 = tpu.memref_squeeze %gather3A_920 : memref<1x400x32xf32, #tpu.memory_space<vmem>> -> memref<400x32xf32, #tpu.memory_space<vmem>>
        %gather3A_922 = tpu.vector_load_idx %gather3A_921[%add3A_412, %and3A_902] : memref<400x32xf32, #tpu.memory_space<vmem>>[vector<16xi32>, vector<16xi32>], vector<16xf32>,
        %mul3A_923 = arith.mulf %gather3A_907, %gather3A_912 : vector<16xf32>
        %add3A_924 = arith.addf %add3A_896, %mul3A_923 : vector<16xf32>
        %mul3A_925 = arith.mulf %gather3A_917, %gather3A_922 : vector<16xf32>
        %add3A_926 = arith.addf %add3A_924, %mul3A_925 : vector<16xf32>
        %add3A_927 = arith.constant 17 : i32
        %add3A_928 = vector.broadcast %add3A_927 : i32 to vector<16xi32>
        %add3A_929 = arith.addi %iota3A_383, %add3A_928 : vector<16xi32>
        %and3A_930 = arith.constant 31 : i32
        %and3A_931 = vector.broadcast %and3A_930 : i32 to vector<16xi32>
        %and3A_932 = arith.andi %add3A_929, %and3A_931 : vector<16xi32>
        %gather3A_933 = arith.constant 0 : i32
        %gather3A_934 = arith.constant 0 : i32
        %gather3A_935 = tpu.memref_slice %arg16[%scan3A_386, %gather3A_933, %gather3A_934] : memref<2x400x32xf32, #tpu.memory_space<vmem>> -> memref<1x400x32xf32, #tpu.memory_space<vmem>>
        %gather3A_936 = tpu.memref_squeeze %gather3A_935 : memref<1x400x32xf32, #tpu.memory_space<vmem>> -> memref<400x32xf32, #tpu.memory_space<vmem>>
        %gather3A_937 = tpu.vector_load_idx %gather3A_936[%add3A_412, %and3A_932] : memref<400x32xf32, #tpu.memory_space<vmem>>[vector<16xi32>, vector<16xi32>], vector<16xf32>,
        %gather3A_938 = arith.constant 0 : i32
        %gather3A_939 = arith.constant 0 : i32
        %gather3A_940 = tpu.memref_slice %arg17[%scan3A_387, %gather3A_938, %gather3A_939] : memref<2x400x32xf32, #tpu.memory_space<vmem>> -> memref<1x400x32xf32, #tpu.memory_space<vmem>>
        %gather3A_941 = tpu.memref_squeeze %gather3A_940 : memref<1x400x32xf32, #tpu.memory_space<vmem>> -> memref<400x32xf32, #tpu.memory_space<vmem>>
        %gather3A_942 = tpu.vector_load_idx %gather3A_941[%add3A_412, %and3A_932] : memref<400x32xf32, #tpu.memory_space<vmem>>[vector<16xi32>, vector<16xi32>], vector<16xf32>,
        %gather3A_943 = arith.constant 0 : i32
        %gather3A_944 = arith.constant 0 : i32
        %gather3A_945 = tpu.memref_slice %arg18[%scan3A_388, %gather3A_943, %gather3A_944] : memref<2x400x32xf32, #tpu.memory_space<vmem>> -> memref<1x400x32xf32, #tpu.memory_space<vmem>>
        %gather3A_946 = tpu.memref_squeeze %gather3A_945 : memref<1x400x32xf32, #tpu.memory_space<vmem>> -> memref<400x32xf32, #tpu.memory_space<vmem>>
        %gather3A_947 = tpu.vector_load_idx %gather3A_946[%add3A_412, %and3A_932] : memref<400x32xf32, #tpu.memory_space<vmem>>[vector<16xi32>, vector<16xi32>], vector<16xf32>,
        %gather3A_948 = arith.constant 0 : i32
        %gather3A_949 = arith.constant 0 : i32
        %gather3A_950 = tpu.memref_slice %arg19[%scan3A_389, %gather3A_948, %gather3A_949] : memref<2x400x32xf32, #tpu.memory_space<vmem>> -> memref<1x400x32xf32, #tpu.memory_space<vmem>>
        %gather3A_951 = tpu.memref_squeeze %gather3A_950 : memref<1x400x32xf32, #tpu.memory_space<vmem>> -> memref<400x32xf32, #tpu.memory_space<vmem>>
        %gather3A_952 = tpu.vector_load_idx %gather3A_951[%add3A_412, %and3A_932] : memref<400x32xf32, #tpu.memory_space<vmem>>[vector<16xi32>, vector<16xi32>], vector<16xf32>,
        %mul3A_953 = arith.mulf %gather3A_937, %gather3A_942 : vector<16xf32>
        %add3A_954 = arith.addf %add3A_926, %mul3A_953 : vector<16xf32>
        %mul3A_955 = arith.mulf %gather3A_947, %gather3A_952 : vector<16xf32>
        %add3A_956 = arith.addf %add3A_954, %mul3A_955 : vector<16xf32>
        %add3A_957 = arith.constant 18 : i32
        %add3A_958 = vector.broadcast %add3A_957 : i32 to vector<16xi32>
        %add3A_959 = arith.addi %iota3A_383, %add3A_958 : vector<16xi32>
        %and3A_960 = arith.constant 31 : i32
        %and3A_961 = vector.broadcast %and3A_960 : i32 to vector<16xi32>
        %and3A_962 = arith.andi %add3A_959, %and3A_961 : vector<16xi32>
        %gather3A_963 = arith.constant 0 : i32
        %gather3A_964 = arith.constant 0 : i32
        %gather3A_965 = tpu.memref_slice %arg16[%scan3A_386, %gather3A_963, %gather3A_964] : memref<2x400x32xf32, #tpu.memory_space<vmem>> -> memref<1x400x32xf32, #tpu.memory_space<vmem>>
        %gather3A_966 = tpu.memref_squeeze %gather3A_965 : memref<1x400x32xf32, #tpu.memory_space<vmem>> -> memref<400x32xf32, #tpu.memory_space<vmem>>
        %gather3A_967 = tpu.vector_load_idx %gather3A_966[%add3A_412, %and3A_962] : memref<400x32xf32, #tpu.memory_space<vmem>>[vector<16xi32>, vector<16xi32>], vector<16xf32>,
        %gather3A_968 = arith.constant 0 : i32
        %gather3A_969 = arith.constant 0 : i32
        %gather3A_970 = tpu.memref_slice %arg17[%scan3A_387, %gather3A_968, %gather3A_969] : memref<2x400x32xf32, #tpu.memory_space<vmem>> -> memref<1x400x32xf32, #tpu.memory_space<vmem>>
        %gather3A_971 = tpu.memref_squeeze %gather3A_970 : memref<1x400x32xf32, #tpu.memory_space<vmem>> -> memref<400x32xf32, #tpu.memory_space<vmem>>
        %gather3A_972 = tpu.vector_load_idx %gather3A_971[%add3A_412, %and3A_962] : memref<400x32xf32, #tpu.memory_space<vmem>>[vector<16xi32>, vector<16xi32>], vector<16xf32>,
        %gather3A_973 = arith.constant 0 : i32
        %gather3A_974 = arith.constant 0 : i32
        %gather3A_975 = tpu.memref_slice %arg18[%scan3A_388, %gather3A_973, %gather3A_974] : memref<2x400x32xf32, #tpu.memory_space<vmem>> -> memref<1x400x32xf32, #tpu.memory_space<vmem>>
        %gather3A_976 = tpu.memref_squeeze %gather3A_975 : memref<1x400x32xf32, #tpu.memory_space<vmem>> -> memref<400x32xf32, #tpu.memory_space<vmem>>
        %gather3A_977 = tpu.vector_load_idx %gather3A_976[%add3A_412, %and3A_962] : memref<400x32xf32, #tpu.memory_space<vmem>>[vector<16xi32>, vector<16xi32>], vector<16xf32>,
        %gather3A_978 = arith.constant 0 : i32
        %gather3A_979 = arith.constant 0 : i32
        %gather3A_980 = tpu.memref_slice %arg19[%scan3A_389, %gather3A_978, %gather3A_979] : memref<2x400x32xf32, #tpu.memory_space<vmem>> -> memref<1x400x32xf32, #tpu.memory_space<vmem>>
        %gather3A_981 = tpu.memref_squeeze %gather3A_980 : memref<1x400x32xf32, #tpu.memory_space<vmem>> -> memref<400x32xf32, #tpu.memory_space<vmem>>
        %gather3A_982 = tpu.vector_load_idx %gather3A_981[%add3A_412, %and3A_962] : memref<400x32xf32, #tpu.memory_space<vmem>>[vector<16xi32>, vector<16xi32>], vector<16xf32>,
        %mul3A_983 = arith.mulf %gather3A_967, %gather3A_972 : vector<16xf32>
        %add3A_984 = arith.addf %add3A_956, %mul3A_983 : vector<16xf32>
        %mul3A_985 = arith.mulf %gather3A_977, %gather3A_982 : vector<16xf32>
        %add3A_986 = arith.addf %add3A_984, %mul3A_985 : vector<16xf32>
        %add3A_987 = arith.constant 19 : i32
        %add3A_988 = vector.broadcast %add3A_987 : i32 to vector<16xi32>
        %add3A_989 = arith.addi %iota3A_383, %add3A_988 : vector<16xi32>
        %and3A_990 = arith.constant 31 : i32
        %and3A_991 = vector.broadcast %and3A_990 : i32 to vector<16xi32>
        %and3A_992 = arith.andi %add3A_989, %and3A_991 : vector<16xi32>
        %gather3A_993 = arith.constant 0 : i32
        %gather3A_994 = arith.constant 0 : i32
        %gather3A_995 = tpu.memref_slice %arg16[%scan3A_386, %gather3A_993, %gather3A_994] : memref<2x400x32xf32, #tpu.memory_space<vmem>> -> memref<1x400x32xf32, #tpu.memory_space<vmem>>
        %gather3A_996 = tpu.memref_squeeze %gather3A_995 : memref<1x400x32xf32, #tpu.memory_space<vmem>> -> memref<400x32xf32, #tpu.memory_space<vmem>>
        %gather3A_997 = tpu.vector_load_idx %gather3A_996[%add3A_412, %and3A_992] : memref<400x32xf32, #tpu.memory_space<vmem>>[vector<16xi32>, vector<16xi32>], vector<16xf32>,
        %gather3A_998 = arith.constant 0 : i32
        %gather3A_999 = arith.constant 0 : i32
        %gather3A_1000 = tpu.memref_slice %arg17[%scan3A_387, %gather3A_998, %gather3A_999] : memref<2x400x32xf32, #tpu.memory_space<vmem>> -> memref<1x400x32xf32, #tpu.memory_space<vmem>>
        %gather3A_1001 = tpu.memref_squeeze %gather3A_1000 : memref<1x400x32xf32, #tpu.memory_space<vmem>> -> memref<400x32xf32, #tpu.memory_space<vmem>>
        %gather3A_1002 = tpu.vector_load_idx %gather3A_1001[%add3A_412, %and3A_992] : memref<400x32xf32, #tpu.memory_space<vmem>>[vector<16xi32>, vector<16xi32>], vector<16xf32>,
        %gather3A_1003 = arith.constant 0 : i32
        %gather3A_1004 = arith.constant 0 : i32
        %gather3A_1005 = tpu.memref_slice %arg18[%scan3A_388, %gather3A_1003, %gather3A_1004] : memref<2x400x32xf32, #tpu.memory_space<vmem>> -> memref<1x400x32xf32, #tpu.memory_space<vmem>>
        %gather3A_1006 = tpu.memref_squeeze %gather3A_1005 : memref<1x400x32xf32, #tpu.memory_space<vmem>> -> memref<400x32xf32, #tpu.memory_space<vmem>>
        %gather3A_1007 = tpu.vector_load_idx %gather3A_1006[%add3A_412, %and3A_992] : memref<400x32xf32, #tpu.memory_space<vmem>>[vector<16xi32>, vector<16xi32>], vector<16xf32>,
        %gather3A_1008 = arith.constant 0 : i32
        %gather3A_1009 = arith.constant 0 : i32
        %gather3A_1010 = tpu.memref_slice %arg19[%scan3A_389, %gather3A_1008, %gather3A_1009] : memref<2x400x32xf32, #tpu.memory_space<vmem>> -> memref<1x400x32xf32, #tpu.memory_space<vmem>>
        %gather3A_1011 = tpu.memref_squeeze %gather3A_1010 : memref<1x400x32xf32, #tpu.memory_space<vmem>> -> memref<400x32xf32, #tpu.memory_space<vmem>>
        %gather3A_1012 = tpu.vector_load_idx %gather3A_1011[%add3A_412, %and3A_992] : memref<400x32xf32, #tpu.memory_space<vmem>>[vector<16xi32>, vector<16xi32>], vector<16xf32>,
        %mul3A_1013 = arith.mulf %gather3A_997, %gather3A_1002 : vector<16xf32>
        %add3A_1014 = arith.addf %add3A_986, %mul3A_1013 : vector<16xf32>
        %mul3A_1015 = arith.mulf %gather3A_1007, %gather3A_1012 : vector<16xf32>
        %add3A_1016 = arith.addf %add3A_1014, %mul3A_1015 : vector<16xf32>
        %add3A_1017 = arith.constant 20 : i32
        %add3A_1018 = vector.broadcast %add3A_1017 : i32 to vector<16xi32>
        %add3A_1019 = arith.addi %iota3A_383, %add3A_1018 : vector<16xi32>
        %and3A_1020 = arith.constant 31 : i32
        %and3A_1021 = vector.broadcast %and3A_1020 : i32 to vector<16xi32>
        %and3A_1022 = arith.andi %add3A_1019, %and3A_1021 : vector<16xi32>
        %gather3A_1023 = arith.constant 0 : i32
        %gather3A_1024 = arith.constant 0 : i32
        %gather3A_1025 = tpu.memref_slice %arg16[%scan3A_386, %gather3A_1023, %gather3A_1024] : memref<2x400x32xf32, #tpu.memory_space<vmem>> -> memref<1x400x32xf32, #tpu.memory_space<vmem>>
        %gather3A_1026 = tpu.memref_squeeze %gather3A_1025 : memref<1x400x32xf32, #tpu.memory_space<vmem>> -> memref<400x32xf32, #tpu.memory_space<vmem>>
        %gather3A_1027 = tpu.vector_load_idx %gather3A_1026[%add3A_412, %and3A_1022] : memref<400x32xf32, #tpu.memory_space<vmem>>[vector<16xi32>, vector<16xi32>], vector<16xf32>,
        %gather3A_1028 = arith.constant 0 : i32
        %gather3A_1029 = arith.constant 0 : i32
        %gather3A_1030 = tpu.memref_slice %arg17[%scan3A_387, %gather3A_1028, %gather3A_1029] : memref<2x400x32xf32, #tpu.memory_space<vmem>> -> memref<1x400x32xf32, #tpu.memory_space<vmem>>
        %gather3A_1031 = tpu.memref_squeeze %gather3A_1030 : memref<1x400x32xf32, #tpu.memory_space<vmem>> -> memref<400x32xf32, #tpu.memory_space<vmem>>
        %gather3A_1032 = tpu.vector_load_idx %gather3A_1031[%add3A_412, %and3A_1022] : memref<400x32xf32, #tpu.memory_space<vmem>>[vector<16xi32>, vector<16xi32>], vector<16xf32>,
        %gather3A_1033 = arith.constant 0 : i32
        %gather3A_1034 = arith.constant 0 : i32
        %gather3A_1035 = tpu.memref_slice %arg18[%scan3A_388, %gather3A_1033, %gather3A_1034] : memref<2x400x32xf32, #tpu.memory_space<vmem>> -> memref<1x400x32xf32, #tpu.memory_space<vmem>>
        %gather3A_1036 = tpu.memref_squeeze %gather3A_1035 : memref<1x400x32xf32, #tpu.memory_space<vmem>> -> memref<400x32xf32, #tpu.memory_space<vmem>>
        %gather3A_1037 = tpu.vector_load_idx %gather3A_1036[%add3A_412, %and3A_1022] : memref<400x32xf32, #tpu.memory_space<vmem>>[vector<16xi32>, vector<16xi32>], vector<16xf32>,
        %gather3A_1038 = arith.constant 0 : i32
        %gather3A_1039 = arith.constant 0 : i32
        %gather3A_1040 = tpu.memref_slice %arg19[%scan3A_389, %gather3A_1038, %gather3A_1039] : memref<2x400x32xf32, #tpu.memory_space<vmem>> -> memref<1x400x32xf32, #tpu.memory_space<vmem>>
        %gather3A_1041 = tpu.memref_squeeze %gather3A_1040 : memref<1x400x32xf32, #tpu.memory_space<vmem>> -> memref<400x32xf32, #tpu.memory_space<vmem>>
        %gather3A_1042 = tpu.vector_load_idx %gather3A_1041[%add3A_412, %and3A_1022] : memref<400x32xf32, #tpu.memory_space<vmem>>[vector<16xi32>, vector<16xi32>], vector<16xf32>,
        %mul3A_1043 = arith.mulf %gather3A_1027, %gather3A_1032 : vector<16xf32>
        %add3A_1044 = arith.addf %add3A_1016, %mul3A_1043 : vector<16xf32>
        %mul3A_1045 = arith.mulf %gather3A_1037, %gather3A_1042 : vector<16xf32>
        %add3A_1046 = arith.addf %add3A_1044, %mul3A_1045 : vector<16xf32>
        %add3A_1047 = arith.constant 21 : i32
        %add3A_1048 = vector.broadcast %add3A_1047 : i32 to vector<16xi32>
        %add3A_1049 = arith.addi %iota3A_383, %add3A_1048 : vector<16xi32>
        %and3A_1050 = arith.constant 31 : i32
        %and3A_1051 = vector.broadcast %and3A_1050 : i32 to vector<16xi32>
        %and3A_1052 = arith.andi %add3A_1049, %and3A_1051 : vector<16xi32>
        %gather3A_1053 = arith.constant 0 : i32
        %gather3A_1054 = arith.constant 0 : i32
        %gather3A_1055 = tpu.memref_slice %arg16[%scan3A_386, %gather3A_1053, %gather3A_1054] : memref<2x400x32xf32, #tpu.memory_space<vmem>> -> memref<1x400x32xf32, #tpu.memory_space<vmem>>
        %gather3A_1056 = tpu.memref_squeeze %gather3A_1055 : memref<1x400x32xf32, #tpu.memory_space<vmem>> -> memref<400x32xf32, #tpu.memory_space<vmem>>
        %gather3A_1057 = tpu.vector_load_idx %gather3A_1056[%add3A_412, %and3A_1052] : memref<400x32xf32, #tpu.memory_space<vmem>>[vector<16xi32>, vector<16xi32>], vector<16xf32>,
        %gather3A_1058 = arith.constant 0 : i32
        %gather3A_1059 = arith.constant 0 : i32
        %gather3A_1060 = tpu.memref_slice %arg17[%scan3A_387, %gather3A_1058, %gather3A_1059] : memref<2x400x32xf32, #tpu.memory_space<vmem>> -> memref<1x400x32xf32, #tpu.memory_space<vmem>>
        %gather3A_1061 = tpu.memref_squeeze %gather3A_1060 : memref<1x400x32xf32, #tpu.memory_space<vmem>> -> memref<400x32xf32, #tpu.memory_space<vmem>>
        %gather3A_1062 = tpu.vector_load_idx %gather3A_1061[%add3A_412, %and3A_1052] : memref<400x32xf32, #tpu.memory_space<vmem>>[vector<16xi32>, vector<16xi32>], vector<16xf32>,
        %gather3A_1063 = arith.constant 0 : i32
        %gather3A_1064 = arith.constant 0 : i32
        %gather3A_1065 = tpu.memref_slice %arg18[%scan3A_388, %gather3A_1063, %gather3A_1064] : memref<2x400x32xf32, #tpu.memory_space<vmem>> -> memref<1x400x32xf32, #tpu.memory_space<vmem>>
        %gather3A_1066 = tpu.memref_squeeze %gather3A_1065 : memref<1x400x32xf32, #tpu.memory_space<vmem>> -> memref<400x32xf32, #tpu.memory_space<vmem>>
        %gather3A_1067 = tpu.vector_load_idx %gather3A_1066[%add3A_412, %and3A_1052] : memref<400x32xf32, #tpu.memory_space<vmem>>[vector<16xi32>, vector<16xi32>], vector<16xf32>,
        %gather3A_1068 = arith.constant 0 : i32
        %gather3A_1069 = arith.constant 0 : i32
        %gather3A_1070 = tpu.memref_slice %arg19[%scan3A_389, %gather3A_1068, %gather3A_1069] : memref<2x400x32xf32, #tpu.memory_space<vmem>> -> memref<1x400x32xf32, #tpu.memory_space<vmem>>
        %gather3A_1071 = tpu.memref_squeeze %gather3A_1070 : memref<1x400x32xf32, #tpu.memory_space<vmem>> -> memref<400x32xf32, #tpu.memory_space<vmem>>
        %gather3A_1072 = tpu.vector_load_idx %gather3A_1071[%add3A_412, %and3A_1052] : memref<400x32xf32, #tpu.memory_space<vmem>>[vector<16xi32>, vector<16xi32>], vector<16xf32>,
        %mul3A_1073 = arith.mulf %gather3A_1057, %gather3A_1062 : vector<16xf32>
        %add3A_1074 = arith.addf %add3A_1046, %mul3A_1073 : vector<16xf32>
        %mul3A_1075 = arith.mulf %gather3A_1067, %gather3A_1072 : vector<16xf32>
        %add3A_1076 = arith.addf %add3A_1074, %mul3A_1075 : vector<16xf32>
        %add3A_1077 = arith.constant 22 : i32
        %add3A_1078 = vector.broadcast %add3A_1077 : i32 to vector<16xi32>
        %add3A_1079 = arith.addi %iota3A_383, %add3A_1078 : vector<16xi32>
        %and3A_1080 = arith.constant 31 : i32
        %and3A_1081 = vector.broadcast %and3A_1080 : i32 to vector<16xi32>
        %and3A_1082 = arith.andi %add3A_1079, %and3A_1081 : vector<16xi32>
        %gather3A_1083 = arith.constant 0 : i32
        %gather3A_1084 = arith.constant 0 : i32
        %gather3A_1085 = tpu.memref_slice %arg16[%scan3A_386, %gather3A_1083, %gather3A_1084] : memref<2x400x32xf32, #tpu.memory_space<vmem>> -> memref<1x400x32xf32, #tpu.memory_space<vmem>>
        %gather3A_1086 = tpu.memref_squeeze %gather3A_1085 : memref<1x400x32xf32, #tpu.memory_space<vmem>> -> memref<400x32xf32, #tpu.memory_space<vmem>>
        %gather3A_1087 = tpu.vector_load_idx %gather3A_1086[%add3A_412, %and3A_1082] : memref<400x32xf32, #tpu.memory_space<vmem>>[vector<16xi32>, vector<16xi32>], vector<16xf32>,
        %gather3A_1088 = arith.constant 0 : i32
        %gather3A_1089 = arith.constant 0 : i32
        %gather3A_1090 = tpu.memref_slice %arg17[%scan3A_387, %gather3A_1088, %gather3A_1089] : memref<2x400x32xf32, #tpu.memory_space<vmem>> -> memref<1x400x32xf32, #tpu.memory_space<vmem>>
        %gather3A_1091 = tpu.memref_squeeze %gather3A_1090 : memref<1x400x32xf32, #tpu.memory_space<vmem>> -> memref<400x32xf32, #tpu.memory_space<vmem>>
        %gather3A_1092 = tpu.vector_load_idx %gather3A_1091[%add3A_412, %and3A_1082] : memref<400x32xf32, #tpu.memory_space<vmem>>[vector<16xi32>, vector<16xi32>], vector<16xf32>,
        %gather3A_1093 = arith.constant 0 : i32
        %gather3A_1094 = arith.constant 0 : i32
        %gather3A_1095 = tpu.memref_slice %arg18[%scan3A_388, %gather3A_1093, %gather3A_1094] : memref<2x400x32xf32, #tpu.memory_space<vmem>> -> memref<1x400x32xf32, #tpu.memory_space<vmem>>
        %gather3A_1096 = tpu.memref_squeeze %gather3A_1095 : memref<1x400x32xf32, #tpu.memory_space<vmem>> -> memref<400x32xf32, #tpu.memory_space<vmem>>
        %gather3A_1097 = tpu.vector_load_idx %gather3A_1096[%add3A_412, %and3A_1082] : memref<400x32xf32, #tpu.memory_space<vmem>>[vector<16xi32>, vector<16xi32>], vector<16xf32>,
        %gather3A_1098 = arith.constant 0 : i32
        %gather3A_1099 = arith.constant 0 : i32
        %gather3A_1100 = tpu.memref_slice %arg19[%scan3A_389, %gather3A_1098, %gather3A_1099] : memref<2x400x32xf32, #tpu.memory_space<vmem>> -> memref<1x400x32xf32, #tpu.memory_space<vmem>>
        %gather3A_1101 = tpu.memref_squeeze %gather3A_1100 : memref<1x400x32xf32, #tpu.memory_space<vmem>> -> memref<400x32xf32, #tpu.memory_space<vmem>>
        %gather3A_1102 = tpu.vector_load_idx %gather3A_1101[%add3A_412, %and3A_1082] : memref<400x32xf32, #tpu.memory_space<vmem>>[vector<16xi32>, vector<16xi32>], vector<16xf32>,
        %mul3A_1103 = arith.mulf %gather3A_1087, %gather3A_1092 : vector<16xf32>
        %add3A_1104 = arith.addf %add3A_1076, %mul3A_1103 : vector<16xf32>
        %mul3A_1105 = arith.mulf %gather3A_1097, %gather3A_1102 : vector<16xf32>
        %add3A_1106 = arith.addf %add3A_1104, %mul3A_1105 : vector<16xf32>
        %add3A_1107 = arith.constant 23 : i32
        %add3A_1108 = vector.broadcast %add3A_1107 : i32 to vector<16xi32>
        %add3A_1109 = arith.addi %iota3A_383, %add3A_1108 : vector<16xi32>
        %and3A_1110 = arith.constant 31 : i32
        %and3A_1111 = vector.broadcast %and3A_1110 : i32 to vector<16xi32>
        %and3A_1112 = arith.andi %add3A_1109, %and3A_1111 : vector<16xi32>
        %gather3A_1113 = arith.constant 0 : i32
        %gather3A_1114 = arith.constant 0 : i32
        %gather3A_1115 = tpu.memref_slice %arg16[%scan3A_386, %gather3A_1113, %gather3A_1114] : memref<2x400x32xf32, #tpu.memory_space<vmem>> -> memref<1x400x32xf32, #tpu.memory_space<vmem>>
        %gather3A_1116 = tpu.memref_squeeze %gather3A_1115 : memref<1x400x32xf32, #tpu.memory_space<vmem>> -> memref<400x32xf32, #tpu.memory_space<vmem>>
        %gather3A_1117 = tpu.vector_load_idx %gather3A_1116[%add3A_412, %and3A_1112] : memref<400x32xf32, #tpu.memory_space<vmem>>[vector<16xi32>, vector<16xi32>], vector<16xf32>,
        %gather3A_1118 = arith.constant 0 : i32
        %gather3A_1119 = arith.constant 0 : i32
        %gather3A_1120 = tpu.memref_slice %arg17[%scan3A_387, %gather3A_1118, %gather3A_1119] : memref<2x400x32xf32, #tpu.memory_space<vmem>> -> memref<1x400x32xf32, #tpu.memory_space<vmem>>
        %gather3A_1121 = tpu.memref_squeeze %gather3A_1120 : memref<1x400x32xf32, #tpu.memory_space<vmem>> -> memref<400x32xf32, #tpu.memory_space<vmem>>
        %gather3A_1122 = tpu.vector_load_idx %gather3A_1121[%add3A_412, %and3A_1112] : memref<400x32xf32, #tpu.memory_space<vmem>>[vector<16xi32>, vector<16xi32>], vector<16xf32>,
        %gather3A_1123 = arith.constant 0 : i32
        %gather3A_1124 = arith.constant 0 : i32
        %gather3A_1125 = tpu.memref_slice %arg18[%scan3A_388, %gather3A_1123, %gather3A_1124] : memref<2x400x32xf32, #tpu.memory_space<vmem>> -> memref<1x400x32xf32, #tpu.memory_space<vmem>>
        %gather3A_1126 = tpu.memref_squeeze %gather3A_1125 : memref<1x400x32xf32, #tpu.memory_space<vmem>> -> memref<400x32xf32, #tpu.memory_space<vmem>>
        %gather3A_1127 = tpu.vector_load_idx %gather3A_1126[%add3A_412, %and3A_1112] : memref<400x32xf32, #tpu.memory_space<vmem>>[vector<16xi32>, vector<16xi32>], vector<16xf32>,
        %gather3A_1128 = arith.constant 0 : i32
        %gather3A_1129 = arith.constant 0 : i32
        %gather3A_1130 = tpu.memref_slice %arg19[%scan3A_389, %gather3A_1128, %gather3A_1129] : memref<2x400x32xf32, #tpu.memory_space<vmem>> -> memref<1x400x32xf32, #tpu.memory_space<vmem>>
        %gather3A_1131 = tpu.memref_squeeze %gather3A_1130 : memref<1x400x32xf32, #tpu.memory_space<vmem>> -> memref<400x32xf32, #tpu.memory_space<vmem>>
        %gather3A_1132 = tpu.vector_load_idx %gather3A_1131[%add3A_412, %and3A_1112] : memref<400x32xf32, #tpu.memory_space<vmem>>[vector<16xi32>, vector<16xi32>], vector<16xf32>,
        %mul3A_1133 = arith.mulf %gather3A_1117, %gather3A_1122 : vector<16xf32>
        %add3A_1134 = arith.addf %add3A_1106, %mul3A_1133 : vector<16xf32>
        %mul3A_1135 = arith.mulf %gather3A_1127, %gather3A_1132 : vector<16xf32>
        %add3A_1136 = arith.addf %add3A_1134, %mul3A_1135 : vector<16xf32>
        %add3A_1137 = arith.constant 24 : i32
        %add3A_1138 = vector.broadcast %add3A_1137 : i32 to vector<16xi32>
        %add3A_1139 = arith.addi %iota3A_383, %add3A_1138 : vector<16xi32>
        %and3A_1140 = arith.constant 31 : i32
        %and3A_1141 = vector.broadcast %and3A_1140 : i32 to vector<16xi32>
        %and3A_1142 = arith.andi %add3A_1139, %and3A_1141 : vector<16xi32>
        %gather3A_1143 = arith.constant 0 : i32
        %gather3A_1144 = arith.constant 0 : i32
        %gather3A_1145 = tpu.memref_slice %arg16[%scan3A_386, %gather3A_1143, %gather3A_1144] : memref<2x400x32xf32, #tpu.memory_space<vmem>> -> memref<1x400x32xf32, #tpu.memory_space<vmem>>
        %gather3A_1146 = tpu.memref_squeeze %gather3A_1145 : memref<1x400x32xf32, #tpu.memory_space<vmem>> -> memref<400x32xf32, #tpu.memory_space<vmem>>
        %gather3A_1147 = tpu.vector_load_idx %gather3A_1146[%add3A_412, %and3A_1142] : memref<400x32xf32, #tpu.memory_space<vmem>>[vector<16xi32>, vector<16xi32>], vector<16xf32>,
        %gather3A_1148 = arith.constant 0 : i32
        %gather3A_1149 = arith.constant 0 : i32
        %gather3A_1150 = tpu.memref_slice %arg17[%scan3A_387, %gather3A_1148, %gather3A_1149] : memref<2x400x32xf32, #tpu.memory_space<vmem>> -> memref<1x400x32xf32, #tpu.memory_space<vmem>>
        %gather3A_1151 = tpu.memref_squeeze %gather3A_1150 : memref<1x400x32xf32, #tpu.memory_space<vmem>> -> memref<400x32xf32, #tpu.memory_space<vmem>>
        %gather3A_1152 = tpu.vector_load_idx %gather3A_1151[%add3A_412, %and3A_1142] : memref<400x32xf32, #tpu.memory_space<vmem>>[vector<16xi32>, vector<16xi32>], vector<16xf32>,
        %gather3A_1153 = arith.constant 0 : i32
        %gather3A_1154 = arith.constant 0 : i32
        %gather3A_1155 = tpu.memref_slice %arg18[%scan3A_388, %gather3A_1153, %gather3A_1154] : memref<2x400x32xf32, #tpu.memory_space<vmem>> -> memref<1x400x32xf32, #tpu.memory_space<vmem>>
        %gather3A_1156 = tpu.memref_squeeze %gather3A_1155 : memref<1x400x32xf32, #tpu.memory_space<vmem>> -> memref<400x32xf32, #tpu.memory_space<vmem>>
        %gather3A_1157 = tpu.vector_load_idx %gather3A_1156[%add3A_412, %and3A_1142] : memref<400x32xf32, #tpu.memory_space<vmem>>[vector<16xi32>, vector<16xi32>], vector<16xf32>,
        %gather3A_1158 = arith.constant 0 : i32
        %gather3A_1159 = arith.constant 0 : i32
        %gather3A_1160 = tpu.memref_slice %arg19[%scan3A_389, %gather3A_1158, %gather3A_1159] : memref<2x400x32xf32, #tpu.memory_space<vmem>> -> memref<1x400x32xf32, #tpu.memory_space<vmem>>
        %gather3A_1161 = tpu.memref_squeeze %gather3A_1160 : memref<1x400x32xf32, #tpu.memory_space<vmem>> -> memref<400x32xf32, #tpu.memory_space<vmem>>
        %gather3A_1162 = tpu.vector_load_idx %gather3A_1161[%add3A_412, %and3A_1142] : memref<400x32xf32, #tpu.memory_space<vmem>>[vector<16xi32>, vector<16xi32>], vector<16xf32>,
        %mul3A_1163 = arith.mulf %gather3A_1147, %gather3A_1152 : vector<16xf32>
        %add3A_1164 = arith.addf %add3A_1136, %mul3A_1163 : vector<16xf32>
        %mul3A_1165 = arith.mulf %gather3A_1157, %gather3A_1162 : vector<16xf32>
        %add3A_1166 = arith.addf %add3A_1164, %mul3A_1165 : vector<16xf32>
        %add3A_1167 = arith.constant 25 : i32
        %add3A_1168 = vector.broadcast %add3A_1167 : i32 to vector<16xi32>
        %add3A_1169 = arith.addi %iota3A_383, %add3A_1168 : vector<16xi32>
        %and3A_1170 = arith.constant 31 : i32
        %and3A_1171 = vector.broadcast %and3A_1170 : i32 to vector<16xi32>
        %and3A_1172 = arith.andi %add3A_1169, %and3A_1171 : vector<16xi32>
        %gather3A_1173 = arith.constant 0 : i32
        %gather3A_1174 = arith.constant 0 : i32
        %gather3A_1175 = tpu.memref_slice %arg16[%scan3A_386, %gather3A_1173, %gather3A_1174] : memref<2x400x32xf32, #tpu.memory_space<vmem>> -> memref<1x400x32xf32, #tpu.memory_space<vmem>>
        %gather3A_1176 = tpu.memref_squeeze %gather3A_1175 : memref<1x400x32xf32, #tpu.memory_space<vmem>> -> memref<400x32xf32, #tpu.memory_space<vmem>>
        %gather3A_1177 = tpu.vector_load_idx %gather3A_1176[%add3A_412, %and3A_1172] : memref<400x32xf32, #tpu.memory_space<vmem>>[vector<16xi32>, vector<16xi32>], vector<16xf32>,
        %gather3A_1178 = arith.constant 0 : i32
        %gather3A_1179 = arith.constant 0 : i32
        %gather3A_1180 = tpu.memref_slice %arg17[%scan3A_387, %gather3A_1178, %gather3A_1179] : memref<2x400x32xf32, #tpu.memory_space<vmem>> -> memref<1x400x32xf32, #tpu.memory_space<vmem>>
        %gather3A_1181 = tpu.memref_squeeze %gather3A_1180 : memref<1x400x32xf32, #tpu.memory_space<vmem>> -> memref<400x32xf32, #tpu.memory_space<vmem>>
        %gather3A_1182 = tpu.vector_load_idx %gather3A_1181[%add3A_412, %and3A_1172] : memref<400x32xf32, #tpu.memory_space<vmem>>[vector<16xi32>, vector<16xi32>], vector<16xf32>,
        %gather3A_1183 = arith.constant 0 : i32
        %gather3A_1184 = arith.constant 0 : i32
        %gather3A_1185 = tpu.memref_slice %arg18[%scan3A_388, %gather3A_1183, %gather3A_1184] : memref<2x400x32xf32, #tpu.memory_space<vmem>> -> memref<1x400x32xf32, #tpu.memory_space<vmem>>
        %gather3A_1186 = tpu.memref_squeeze %gather3A_1185 : memref<1x400x32xf32, #tpu.memory_space<vmem>> -> memref<400x32xf32, #tpu.memory_space<vmem>>
        %gather3A_1187 = tpu.vector_load_idx %gather3A_1186[%add3A_412, %and3A_1172] : memref<400x32xf32, #tpu.memory_space<vmem>>[vector<16xi32>, vector<16xi32>], vector<16xf32>,
        %gather3A_1188 = arith.constant 0 : i32
        %gather3A_1189 = arith.constant 0 : i32
        %gather3A_1190 = tpu.memref_slice %arg19[%scan3A_389, %gather3A_1188, %gather3A_1189] : memref<2x400x32xf32, #tpu.memory_space<vmem>> -> memref<1x400x32xf32, #tpu.memory_space<vmem>>
        %gather3A_1191 = tpu.memref_squeeze %gather3A_1190 : memref<1x400x32xf32, #tpu.memory_space<vmem>> -> memref<400x32xf32, #tpu.memory_space<vmem>>
        %gather3A_1192 = tpu.vector_load_idx %gather3A_1191[%add3A_412, %and3A_1172] : memref<400x32xf32, #tpu.memory_space<vmem>>[vector<16xi32>, vector<16xi32>], vector<16xf32>,
        %mul3A_1193 = arith.mulf %gather3A_1177, %gather3A_1182 : vector<16xf32>
        %add3A_1194 = arith.addf %add3A_1166, %mul3A_1193 : vector<16xf32>
        %mul3A_1195 = arith.mulf %gather3A_1187, %gather3A_1192 : vector<16xf32>
        %add3A_1196 = arith.addf %add3A_1194, %mul3A_1195 : vector<16xf32>
        %add3A_1197 = arith.constant 26 : i32
        %add3A_1198 = vector.broadcast %add3A_1197 : i32 to vector<16xi32>
        %add3A_1199 = arith.addi %iota3A_383, %add3A_1198 : vector<16xi32>
        %and3A_1200 = arith.constant 31 : i32
        %and3A_1201 = vector.broadcast %and3A_1200 : i32 to vector<16xi32>
        %and3A_1202 = arith.andi %add3A_1199, %and3A_1201 : vector<16xi32>
        %gather3A_1203 = arith.constant 0 : i32
        %gather3A_1204 = arith.constant 0 : i32
        %gather3A_1205 = tpu.memref_slice %arg16[%scan3A_386, %gather3A_1203, %gather3A_1204] : memref<2x400x32xf32, #tpu.memory_space<vmem>> -> memref<1x400x32xf32, #tpu.memory_space<vmem>>
        %gather3A_1206 = tpu.memref_squeeze %gather3A_1205 : memref<1x400x32xf32, #tpu.memory_space<vmem>> -> memref<400x32xf32, #tpu.memory_space<vmem>>
        %gather3A_1207 = tpu.vector_load_idx %gather3A_1206[%add3A_412, %and3A_1202] : memref<400x32xf32, #tpu.memory_space<vmem>>[vector<16xi32>, vector<16xi32>], vector<16xf32>,
        %gather3A_1208 = arith.constant 0 : i32
        %gather3A_1209 = arith.constant 0 : i32
        %gather3A_1210 = tpu.memref_slice %arg17[%scan3A_387, %gather3A_1208, %gather3A_1209] : memref<2x400x32xf32, #tpu.memory_space<vmem>> -> memref<1x400x32xf32, #tpu.memory_space<vmem>>
        %gather3A_1211 = tpu.memref_squeeze %gather3A_1210 : memref<1x400x32xf32, #tpu.memory_space<vmem>> -> memref<400x32xf32, #tpu.memory_space<vmem>>
        %gather3A_1212 = tpu.vector_load_idx %gather3A_1211[%add3A_412, %and3A_1202] : memref<400x32xf32, #tpu.memory_space<vmem>>[vector<16xi32>, vector<16xi32>], vector<16xf32>,
        %gather3A_1213 = arith.constant 0 : i32
        %gather3A_1214 = arith.constant 0 : i32
        %gather3A_1215 = tpu.memref_slice %arg18[%scan3A_388, %gather3A_1213, %gather3A_1214] : memref<2x400x32xf32, #tpu.memory_space<vmem>> -> memref<1x400x32xf32, #tpu.memory_space<vmem>>
        %gather3A_1216 = tpu.memref_squeeze %gather3A_1215 : memref<1x400x32xf32, #tpu.memory_space<vmem>> -> memref<400x32xf32, #tpu.memory_space<vmem>>
        %gather3A_1217 = tpu.vector_load_idx %gather3A_1216[%add3A_412, %and3A_1202] : memref<400x32xf32, #tpu.memory_space<vmem>>[vector<16xi32>, vector<16xi32>], vector<16xf32>,
        %gather3A_1218 = arith.constant 0 : i32
        %gather3A_1219 = arith.constant 0 : i32
        %gather3A_1220 = tpu.memref_slice %arg19[%scan3A_389, %gather3A_1218, %gather3A_1219] : memref<2x400x32xf32, #tpu.memory_space<vmem>> -> memref<1x400x32xf32, #tpu.memory_space<vmem>>
        %gather3A_1221 = tpu.memref_squeeze %gather3A_1220 : memref<1x400x32xf32, #tpu.memory_space<vmem>> -> memref<400x32xf32, #tpu.memory_space<vmem>>
        %gather3A_1222 = tpu.vector_load_idx %gather3A_1221[%add3A_412, %and3A_1202] : memref<400x32xf32, #tpu.memory_space<vmem>>[vector<16xi32>, vector<16xi32>], vector<16xf32>,
        %mul3A_1223 = arith.mulf %gather3A_1207, %gather3A_1212 : vector<16xf32>
        %add3A_1224 = arith.addf %add3A_1196, %mul3A_1223 : vector<16xf32>
        %mul3A_1225 = arith.mulf %gather3A_1217, %gather3A_1222 : vector<16xf32>
        %add3A_1226 = arith.addf %add3A_1224, %mul3A_1225 : vector<16xf32>
        %add3A_1227 = arith.constant 27 : i32
        %add3A_1228 = vector.broadcast %add3A_1227 : i32 to vector<16xi32>
        %add3A_1229 = arith.addi %iota3A_383, %add3A_1228 : vector<16xi32>
        %and3A_1230 = arith.constant 31 : i32
        %and3A_1231 = vector.broadcast %and3A_1230 : i32 to vector<16xi32>
        %and3A_1232 = arith.andi %add3A_1229, %and3A_1231 : vector<16xi32>
        %gather3A_1233 = arith.constant 0 : i32
        %gather3A_1234 = arith.constant 0 : i32
        %gather3A_1235 = tpu.memref_slice %arg16[%scan3A_386, %gather3A_1233, %gather3A_1234] : memref<2x400x32xf32, #tpu.memory_space<vmem>> -> memref<1x400x32xf32, #tpu.memory_space<vmem>>
        %gather3A_1236 = tpu.memref_squeeze %gather3A_1235 : memref<1x400x32xf32, #tpu.memory_space<vmem>> -> memref<400x32xf32, #tpu.memory_space<vmem>>
        %gather3A_1237 = tpu.vector_load_idx %gather3A_1236[%add3A_412, %and3A_1232] : memref<400x32xf32, #tpu.memory_space<vmem>>[vector<16xi32>, vector<16xi32>], vector<16xf32>,
        %gather3A_1238 = arith.constant 0 : i32
        %gather3A_1239 = arith.constant 0 : i32
        %gather3A_1240 = tpu.memref_slice %arg17[%scan3A_387, %gather3A_1238, %gather3A_1239] : memref<2x400x32xf32, #tpu.memory_space<vmem>> -> memref<1x400x32xf32, #tpu.memory_space<vmem>>
        %gather3A_1241 = tpu.memref_squeeze %gather3A_1240 : memref<1x400x32xf32, #tpu.memory_space<vmem>> -> memref<400x32xf32, #tpu.memory_space<vmem>>
        %gather3A_1242 = tpu.vector_load_idx %gather3A_1241[%add3A_412, %and3A_1232] : memref<400x32xf32, #tpu.memory_space<vmem>>[vector<16xi32>, vector<16xi32>], vector<16xf32>,
        %gather3A_1243 = arith.constant 0 : i32
        %gather3A_1244 = arith.constant 0 : i32
        %gather3A_1245 = tpu.memref_slice %arg18[%scan3A_388, %gather3A_1243, %gather3A_1244] : memref<2x400x32xf32, #tpu.memory_space<vmem>> -> memref<1x400x32xf32, #tpu.memory_space<vmem>>
        %gather3A_1246 = tpu.memref_squeeze %gather3A_1245 : memref<1x400x32xf32, #tpu.memory_space<vmem>> -> memref<400x32xf32, #tpu.memory_space<vmem>>
        %gather3A_1247 = tpu.vector_load_idx %gather3A_1246[%add3A_412, %and3A_1232] : memref<400x32xf32, #tpu.memory_space<vmem>>[vector<16xi32>, vector<16xi32>], vector<16xf32>,
        %gather3A_1248 = arith.constant 0 : i32
        %gather3A_1249 = arith.constant 0 : i32
        %gather3A_1250 = tpu.memref_slice %arg19[%scan3A_389, %gather3A_1248, %gather3A_1249] : memref<2x400x32xf32, #tpu.memory_space<vmem>> -> memref<1x400x32xf32, #tpu.memory_space<vmem>>
        %gather3A_1251 = tpu.memref_squeeze %gather3A_1250 : memref<1x400x32xf32, #tpu.memory_space<vmem>> -> memref<400x32xf32, #tpu.memory_space<vmem>>
        %gather3A_1252 = tpu.vector_load_idx %gather3A_1251[%add3A_412, %and3A_1232] : memref<400x32xf32, #tpu.memory_space<vmem>>[vector<16xi32>, vector<16xi32>], vector<16xf32>,
        %mul3A_1253 = arith.mulf %gather3A_1237, %gather3A_1242 : vector<16xf32>
        %add3A_1254 = arith.addf %add3A_1226, %mul3A_1253 : vector<16xf32>
        %mul3A_1255 = arith.mulf %gather3A_1247, %gather3A_1252 : vector<16xf32>
        %add3A_1256 = arith.addf %add3A_1254, %mul3A_1255 : vector<16xf32>
        %add3A_1257 = arith.constant 28 : i32
        %add3A_1258 = vector.broadcast %add3A_1257 : i32 to vector<16xi32>
        %add3A_1259 = arith.addi %iota3A_383, %add3A_1258 : vector<16xi32>
        %and3A_1260 = arith.constant 31 : i32
        %and3A_1261 = vector.broadcast %and3A_1260 : i32 to vector<16xi32>
        %and3A_1262 = arith.andi %add3A_1259, %and3A_1261 : vector<16xi32>
        %gather3A_1263 = arith.constant 0 : i32
        %gather3A_1264 = arith.constant 0 : i32
        %gather3A_1265 = tpu.memref_slice %arg16[%scan3A_386, %gather3A_1263, %gather3A_1264] : memref<2x400x32xf32, #tpu.memory_space<vmem>> -> memref<1x400x32xf32, #tpu.memory_space<vmem>>
        %gather3A_1266 = tpu.memref_squeeze %gather3A_1265 : memref<1x400x32xf32, #tpu.memory_space<vmem>> -> memref<400x32xf32, #tpu.memory_space<vmem>>
        %gather3A_1267 = tpu.vector_load_idx %gather3A_1266[%add3A_412, %and3A_1262] : memref<400x32xf32, #tpu.memory_space<vmem>>[vector<16xi32>, vector<16xi32>], vector<16xf32>,
        %gather3A_1268 = arith.constant 0 : i32
        %gather3A_1269 = arith.constant 0 : i32
        %gather3A_1270 = tpu.memref_slice %arg17[%scan3A_387, %gather3A_1268, %gather3A_1269] : memref<2x400x32xf32, #tpu.memory_space<vmem>> -> memref<1x400x32xf32, #tpu.memory_space<vmem>>
        %gather3A_1271 = tpu.memref_squeeze %gather3A_1270 : memref<1x400x32xf32, #tpu.memory_space<vmem>> -> memref<400x32xf32, #tpu.memory_space<vmem>>
        %gather3A_1272 = tpu.vector_load_idx %gather3A_1271[%add3A_412, %and3A_1262] : memref<400x32xf32, #tpu.memory_space<vmem>>[vector<16xi32>, vector<16xi32>], vector<16xf32>,
        %gather3A_1273 = arith.constant 0 : i32
        %gather3A_1274 = arith.constant 0 : i32
        %gather3A_1275 = tpu.memref_slice %arg18[%scan3A_388, %gather3A_1273, %gather3A_1274] : memref<2x400x32xf32, #tpu.memory_space<vmem>> -> memref<1x400x32xf32, #tpu.memory_space<vmem>>
        %gather3A_1276 = tpu.memref_squeeze %gather3A_1275 : memref<1x400x32xf32, #tpu.memory_space<vmem>> -> memref<400x32xf32, #tpu.memory_space<vmem>>
        %gather3A_1277 = tpu.vector_load_idx %gather3A_1276[%add3A_412, %and3A_1262] : memref<400x32xf32, #tpu.memory_space<vmem>>[vector<16xi32>, vector<16xi32>], vector<16xf32>,
        %gather3A_1278 = arith.constant 0 : i32
        %gather3A_1279 = arith.constant 0 : i32
        %gather3A_1280 = tpu.memref_slice %arg19[%scan3A_389, %gather3A_1278, %gather3A_1279] : memref<2x400x32xf32, #tpu.memory_space<vmem>> -> memref<1x400x32xf32, #tpu.memory_space<vmem>>
        %gather3A_1281 = tpu.memref_squeeze %gather3A_1280 : memref<1x400x32xf32, #tpu.memory_space<vmem>> -> memref<400x32xf32, #tpu.memory_space<vmem>>
        %gather3A_1282 = tpu.vector_load_idx %gather3A_1281[%add3A_412, %and3A_1262] : memref<400x32xf32, #tpu.memory_space<vmem>>[vector<16xi32>, vector<16xi32>], vector<16xf32>,
        %mul3A_1283 = arith.mulf %gather3A_1267, %gather3A_1272 : vector<16xf32>
        %add3A_1284 = arith.addf %add3A_1256, %mul3A_1283 : vector<16xf32>
        %mul3A_1285 = arith.mulf %gather3A_1277, %gather3A_1282 : vector<16xf32>
        %add3A_1286 = arith.addf %add3A_1284, %mul3A_1285 : vector<16xf32>
        %add3A_1287 = arith.constant 29 : i32
        %add3A_1288 = vector.broadcast %add3A_1287 : i32 to vector<16xi32>
        %add3A_1289 = arith.addi %iota3A_383, %add3A_1288 : vector<16xi32>
        %and3A_1290 = arith.constant 31 : i32
        %and3A_1291 = vector.broadcast %and3A_1290 : i32 to vector<16xi32>
        %and3A_1292 = arith.andi %add3A_1289, %and3A_1291 : vector<16xi32>
        %gather3A_1293 = arith.constant 0 : i32
        %gather3A_1294 = arith.constant 0 : i32
        %gather3A_1295 = tpu.memref_slice %arg16[%scan3A_386, %gather3A_1293, %gather3A_1294] : memref<2x400x32xf32, #tpu.memory_space<vmem>> -> memref<1x400x32xf32, #tpu.memory_space<vmem>>
        %gather3A_1296 = tpu.memref_squeeze %gather3A_1295 : memref<1x400x32xf32, #tpu.memory_space<vmem>> -> memref<400x32xf32, #tpu.memory_space<vmem>>
        %gather3A_1297 = tpu.vector_load_idx %gather3A_1296[%add3A_412, %and3A_1292] : memref<400x32xf32, #tpu.memory_space<vmem>>[vector<16xi32>, vector<16xi32>], vector<16xf32>,
        %gather3A_1298 = arith.constant 0 : i32
        %gather3A_1299 = arith.constant 0 : i32
        %gather3A_1300 = tpu.memref_slice %arg17[%scan3A_387, %gather3A_1298, %gather3A_1299] : memref<2x400x32xf32, #tpu.memory_space<vmem>> -> memref<1x400x32xf32, #tpu.memory_space<vmem>>
        %gather3A_1301 = tpu.memref_squeeze %gather3A_1300 : memref<1x400x32xf32, #tpu.memory_space<vmem>> -> memref<400x32xf32, #tpu.memory_space<vmem>>
        %gather3A_1302 = tpu.vector_load_idx %gather3A_1301[%add3A_412, %and3A_1292] : memref<400x32xf32, #tpu.memory_space<vmem>>[vector<16xi32>, vector<16xi32>], vector<16xf32>,
        %gather3A_1303 = arith.constant 0 : i32
        %gather3A_1304 = arith.constant 0 : i32
        %gather3A_1305 = tpu.memref_slice %arg18[%scan3A_388, %gather3A_1303, %gather3A_1304] : memref<2x400x32xf32, #tpu.memory_space<vmem>> -> memref<1x400x32xf32, #tpu.memory_space<vmem>>
        %gather3A_1306 = tpu.memref_squeeze %gather3A_1305 : memref<1x400x32xf32, #tpu.memory_space<vmem>> -> memref<400x32xf32, #tpu.memory_space<vmem>>
        %gather3A_1307 = tpu.vector_load_idx %gather3A_1306[%add3A_412, %and3A_1292] : memref<400x32xf32, #tpu.memory_space<vmem>>[vector<16xi32>, vector<16xi32>], vector<16xf32>,
        %gather3A_1308 = arith.constant 0 : i32
        %gather3A_1309 = arith.constant 0 : i32
        %gather3A_1310 = tpu.memref_slice %arg19[%scan3A_389, %gather3A_1308, %gather3A_1309] : memref<2x400x32xf32, #tpu.memory_space<vmem>> -> memref<1x400x32xf32, #tpu.memory_space<vmem>>
        %gather3A_1311 = tpu.memref_squeeze %gather3A_1310 : memref<1x400x32xf32, #tpu.memory_space<vmem>> -> memref<400x32xf32, #tpu.memory_space<vmem>>
        %gather3A_1312 = tpu.vector_load_idx %gather3A_1311[%add3A_412, %and3A_1292] : memref<400x32xf32, #tpu.memory_space<vmem>>[vector<16xi32>, vector<16xi32>], vector<16xf32>,
        %mul3A_1313 = arith.mulf %gather3A_1297, %gather3A_1302 : vector<16xf32>
        %add3A_1314 = arith.addf %add3A_1286, %mul3A_1313 : vector<16xf32>
        %mul3A_1315 = arith.mulf %gather3A_1307, %gather3A_1312 : vector<16xf32>
        %add3A_1316 = arith.addf %add3A_1314, %mul3A_1315 : vector<16xf32>
        %add3A_1317 = arith.constant 30 : i32
        %add3A_1318 = vector.broadcast %add3A_1317 : i32 to vector<16xi32>
        %add3A_1319 = arith.addi %iota3A_383, %add3A_1318 : vector<16xi32>
        %and3A_1320 = arith.constant 31 : i32
        %and3A_1321 = vector.broadcast %and3A_1320 : i32 to vector<16xi32>
        %and3A_1322 = arith.andi %add3A_1319, %and3A_1321 : vector<16xi32>
        %gather3A_1323 = arith.constant 0 : i32
        %gather3A_1324 = arith.constant 0 : i32
        %gather3A_1325 = tpu.memref_slice %arg16[%scan3A_386, %gather3A_1323, %gather3A_1324] : memref<2x400x32xf32, #tpu.memory_space<vmem>> -> memref<1x400x32xf32, #tpu.memory_space<vmem>>
        %gather3A_1326 = tpu.memref_squeeze %gather3A_1325 : memref<1x400x32xf32, #tpu.memory_space<vmem>> -> memref<400x32xf32, #tpu.memory_space<vmem>>
        %gather3A_1327 = tpu.vector_load_idx %gather3A_1326[%add3A_412, %and3A_1322] : memref<400x32xf32, #tpu.memory_space<vmem>>[vector<16xi32>, vector<16xi32>], vector<16xf32>,
        %gather3A_1328 = arith.constant 0 : i32
        %gather3A_1329 = arith.constant 0 : i32
        %gather3A_1330 = tpu.memref_slice %arg17[%scan3A_387, %gather3A_1328, %gather3A_1329] : memref<2x400x32xf32, #tpu.memory_space<vmem>> -> memref<1x400x32xf32, #tpu.memory_space<vmem>>
        %gather3A_1331 = tpu.memref_squeeze %gather3A_1330 : memref<1x400x32xf32, #tpu.memory_space<vmem>> -> memref<400x32xf32, #tpu.memory_space<vmem>>
        %gather3A_1332 = tpu.vector_load_idx %gather3A_1331[%add3A_412, %and3A_1322] : memref<400x32xf32, #tpu.memory_space<vmem>>[vector<16xi32>, vector<16xi32>], vector<16xf32>,
        %gather3A_1333 = arith.constant 0 : i32
        %gather3A_1334 = arith.constant 0 : i32
        %gather3A_1335 = tpu.memref_slice %arg18[%scan3A_388, %gather3A_1333, %gather3A_1334] : memref<2x400x32xf32, #tpu.memory_space<vmem>> -> memref<1x400x32xf32, #tpu.memory_space<vmem>>
        %gather3A_1336 = tpu.memref_squeeze %gather3A_1335 : memref<1x400x32xf32, #tpu.memory_space<vmem>> -> memref<400x32xf32, #tpu.memory_space<vmem>>
        %gather3A_1337 = tpu.vector_load_idx %gather3A_1336[%add3A_412, %and3A_1322] : memref<400x32xf32, #tpu.memory_space<vmem>>[vector<16xi32>, vector<16xi32>], vector<16xf32>,
        %gather3A_1338 = arith.constant 0 : i32
        %gather3A_1339 = arith.constant 0 : i32
        %gather3A_1340 = tpu.memref_slice %arg19[%scan3A_389, %gather3A_1338, %gather3A_1339] : memref<2x400x32xf32, #tpu.memory_space<vmem>> -> memref<1x400x32xf32, #tpu.memory_space<vmem>>
        %gather3A_1341 = tpu.memref_squeeze %gather3A_1340 : memref<1x400x32xf32, #tpu.memory_space<vmem>> -> memref<400x32xf32, #tpu.memory_space<vmem>>
        %gather3A_1342 = tpu.vector_load_idx %gather3A_1341[%add3A_412, %and3A_1322] : memref<400x32xf32, #tpu.memory_space<vmem>>[vector<16xi32>, vector<16xi32>], vector<16xf32>,
        %mul3A_1343 = arith.mulf %gather3A_1327, %gather3A_1332 : vector<16xf32>
        %add3A_1344 = arith.addf %add3A_1316, %mul3A_1343 : vector<16xf32>
        %mul3A_1345 = arith.mulf %gather3A_1337, %gather3A_1342 : vector<16xf32>
        %add3A_1346 = arith.addf %add3A_1344, %mul3A_1345 : vector<16xf32>
        %add3A_1347 = arith.constant 31 : i32
        %add3A_1348 = vector.broadcast %add3A_1347 : i32 to vector<16xi32>
        %add3A_1349 = arith.addi %iota3A_383, %add3A_1348 : vector<16xi32>
        %and3A_1350 = arith.constant 31 : i32
        %and3A_1351 = vector.broadcast %and3A_1350 : i32 to vector<16xi32>
        %and3A_1352 = arith.andi %add3A_1349, %and3A_1351 : vector<16xi32>
        %gather3A_1353 = arith.constant 0 : i32
        %gather3A_1354 = arith.constant 0 : i32
        %gather3A_1355 = tpu.memref_slice %arg16[%scan3A_386, %gather3A_1353, %gather3A_1354] : memref<2x400x32xf32, #tpu.memory_space<vmem>> -> memref<1x400x32xf32, #tpu.memory_space<vmem>>
        %gather3A_1356 = tpu.memref_squeeze %gather3A_1355 : memref<1x400x32xf32, #tpu.memory_space<vmem>> -> memref<400x32xf32, #tpu.memory_space<vmem>>
        %gather3A_1357 = tpu.vector_load_idx %gather3A_1356[%add3A_412, %and3A_1352] : memref<400x32xf32, #tpu.memory_space<vmem>>[vector<16xi32>, vector<16xi32>], vector<16xf32>,
        %gather3A_1358 = arith.constant 0 : i32
        %gather3A_1359 = arith.constant 0 : i32
        %gather3A_1360 = tpu.memref_slice %arg17[%scan3A_387, %gather3A_1358, %gather3A_1359] : memref<2x400x32xf32, #tpu.memory_space<vmem>> -> memref<1x400x32xf32, #tpu.memory_space<vmem>>
        %gather3A_1361 = tpu.memref_squeeze %gather3A_1360 : memref<1x400x32xf32, #tpu.memory_space<vmem>> -> memref<400x32xf32, #tpu.memory_space<vmem>>
        %gather3A_1362 = tpu.vector_load_idx %gather3A_1361[%add3A_412, %and3A_1352] : memref<400x32xf32, #tpu.memory_space<vmem>>[vector<16xi32>, vector<16xi32>], vector<16xf32>,
        %gather3A_1363 = arith.constant 0 : i32
        %gather3A_1364 = arith.constant 0 : i32
        %gather3A_1365 = tpu.memref_slice %arg18[%scan3A_388, %gather3A_1363, %gather3A_1364] : memref<2x400x32xf32, #tpu.memory_space<vmem>> -> memref<1x400x32xf32, #tpu.memory_space<vmem>>
        %gather3A_1366 = tpu.memref_squeeze %gather3A_1365 : memref<1x400x32xf32, #tpu.memory_space<vmem>> -> memref<400x32xf32, #tpu.memory_space<vmem>>
        %gather3A_1367 = tpu.vector_load_idx %gather3A_1366[%add3A_412, %and3A_1352] : memref<400x32xf32, #tpu.memory_space<vmem>>[vector<16xi32>, vector<16xi32>], vector<16xf32>,
        %gather3A_1368 = arith.constant 0 : i32
        %gather3A_1369 = arith.constant 0 : i32
        %gather3A_1370 = tpu.memref_slice %arg19[%scan3A_389, %gather3A_1368, %gather3A_1369] : memref<2x400x32xf32, #tpu.memory_space<vmem>> -> memref<1x400x32xf32, #tpu.memory_space<vmem>>
        %gather3A_1371 = tpu.memref_squeeze %gather3A_1370 : memref<1x400x32xf32, #tpu.memory_space<vmem>> -> memref<400x32xf32, #tpu.memory_space<vmem>>
        %gather3A_1372 = tpu.vector_load_idx %gather3A_1371[%add3A_412, %and3A_1352] : memref<400x32xf32, #tpu.memory_space<vmem>>[vector<16xi32>, vector<16xi32>], vector<16xf32>,
        %mul3A_1373 = arith.mulf %gather3A_1357, %gather3A_1362 : vector<16xf32>
        %add3A_1374 = arith.addf %add3A_1346, %mul3A_1373 : vector<16xf32>
        %mul3A_1375 = arith.mulf %gather3A_1367, %gather3A_1372 : vector<16xf32>
        %add3A_1376 = arith.addf %add3A_1374, %mul3A_1375 : vector<16xf32>
        %mul3A_1377 = arith.constant 16 : i32
        %mul3A_1378 = arith.muli %scan3A_408, %mul3A_1377 : i32
        %swap3A = arith.constant 0 : i32
        %swap3A_1379 = tpu.memref_slice %arg21[%scan3A_390, %swap3A] : memref<2x400xf32, #tpu.memory_space<vmem>> -> memref<1x400xf32, #tpu.memory_space<vmem>>
        %swap3A_1380 = tpu.memref_squeeze %swap3A_1379 : memref<1x400xf32, #tpu.memory_space<vmem>> -> memref<400xf32, #tpu.memory_space<vmem>>
        %swap3A_1381 = arith.index_cast %mul3A_1378 : i32 to index
        %swap3A_1382 = tpu.vector_load %swap3A_1380[%swap3A_1381] {strides = array<i32>} : memref<400xf32, #tpu.memory_space<vmem>>, vector<16xf32>,
        tpu.vector_store %swap3A_1380[%swap3A_1381], %add3A_1376 {strides = array<i32>} : memref<400xf32, #tpu.memory_space<vmem>>, vector<16xf32>,
      }
      %scan3A_395 = arith.constant 25 : i32
      %mul3A_396 = arith.constant 400 : i32
      %mul3A_397 = arith.muli %add3A_305, %mul3A_396 : i32
      %add3A_398 = arith.addi %mul3A_2, %mul3A_397 : i32
      %dma_start3A_399 = arith.constant 1 : i32
      %dma_start3A_400 = arith.constant 0 : i32
      %dma_start3A_401 = tpu.memref_slice %arg21[%dma_start3A_399, %dma_start3A_400] : memref<2x400xf32, #tpu.memory_space<vmem>> -> memref<1x400xf32, #tpu.memory_space<vmem>>
      %dma_start3A_402 = tpu.memref_squeeze %dma_start3A_401 : memref<1x400xf32, #tpu.memory_space<vmem>> -> memref<400xf32, #tpu.memory_space<vmem>>
      %dma_start3A_403 = tpu.memref_slice %arg11[%add3A_398] : memref<819200xf32, #tpu.memory_space<hbm>> -> memref<400xf32, #tpu.memory_space<hbm>>
      %dma_start3A_404 = tpu.memref_slice %arg11[%add3A_398] : memref<819200xf32, #tpu.memory_space<hbm>> -> memref<400xf32, #tpu.memory_space<hbm>>
      %dma_start3A_405 = arith.constant 0 : i32
      %dma_start3A_406 = tpu.memref_slice %arg21[%dma_start3A_399, %dma_start3A_405] : memref<2x400xf32, #tpu.memory_space<vmem>> -> memref<1x400xf32, #tpu.memory_space<vmem>>
      %dma_start3A_407 = tpu.memref_squeeze %dma_start3A_406 : memref<1x400xf32, #tpu.memory_space<vmem>> -> memref<400xf32, #tpu.memory_space<vmem>>
      tpu.enqueue_dma source(%dma_start3A_407 : memref<400xf32, #tpu.memory_space<vmem>>) target(%dma_start3A_404 : memref<400xf32, #tpu.memory_space<hbm>>) target_semaphore(%arg27 : memref<!tpu.dma_semaphore, #tpu.memory_space<semaphore_mem>>)
    }
    %scan3A_177 = arith.constant 32 : i32
    %add3A_178 = arith.constant 24800 : i32
    %add3A_179 = arith.addi %mul3A_2, %add3A_178 : i32
    %dma_wait3A_180 = arith.constant 0 : i32
    %dma_wait3A_181 = arith.constant 0 : i32
    %dma_wait3A_182 = tpu.memref_slice %arg21[%dma_wait3A_180, %dma_wait3A_181] : memref<2x400xf32, #tpu.memory_space<vmem>> -> memref<1x400xf32, #tpu.memory_space<vmem>>
    %dma_wait3A_183 = tpu.memref_squeeze %dma_wait3A_182 : memref<1x400xf32, #tpu.memory_space<vmem>> -> memref<400xf32, #tpu.memory_space<vmem>>
    %dma_wait3A_184 = tpu.memref_slice %arg11[%add3A_179] : memref<819200xf32, #tpu.memory_space<hbm>> -> memref<400xf32, #tpu.memory_space<hbm>>
    %dma_wait3A_185 = tpu.memref_slice %arg11[%add3A_179] : memref<819200xf32, #tpu.memory_space<hbm>> -> memref<400xf32, #tpu.memory_space<hbm>>
    %dma_wait3A_186 = arith.constant 0 : i32
    %dma_wait3A_187 = tpu.memref_slice %arg21[%dma_wait3A_180, %dma_wait3A_186] : memref<2x400xf32, #tpu.memory_space<vmem>> -> memref<1x400xf32, #tpu.memory_space<vmem>>
    %dma_wait3A_188 = tpu.memref_squeeze %dma_wait3A_187 : memref<1x400xf32, #tpu.memory_space<vmem>> -> memref<400xf32, #tpu.memory_space<vmem>>
    tpu.wait_dma2 semaphore(%arg26 : memref<!tpu.dma_semaphore, #tpu.memory_space<semaphore_mem>>) src(%dma_wait3A_188 : memref<400xf32, #tpu.memory_space<vmem>>) dst(%dma_wait3A_185 : memref<400xf32, #tpu.memory_space<hbm>>)
    %add3A_189 = arith.constant 25200 : i32
    %add3A_190 = arith.addi %mul3A_2, %add3A_189 : i32
    %dma_wait3A_191 = arith.constant 1 : i32
    %dma_wait3A_192 = arith.constant 0 : i32
    %dma_wait3A_193 = tpu.memref_slice %arg21[%dma_wait3A_191, %dma_wait3A_192] : memref<2x400xf32, #tpu.memory_space<vmem>> -> memref<1x400xf32, #tpu.memory_space<vmem>>
    %dma_wait3A_194 = tpu.memref_squeeze %dma_wait3A_193 : memref<1x400xf32, #tpu.memory_space<vmem>> -> memref<400xf32, #tpu.memory_space<vmem>>
    %dma_wait3A_195 = tpu.memref_slice %arg11[%add3A_190] : memref<819200xf32, #tpu.memory_space<hbm>> -> memref<400xf32, #tpu.memory_space<hbm>>
    %dma_wait3A_196 = tpu.memref_slice %arg11[%add3A_190] : memref<819200xf32, #tpu.memory_space<hbm>> -> memref<400xf32, #tpu.memory_space<hbm>>
    %dma_wait3A_197 = arith.constant 0 : i32
    %dma_wait3A_198 = tpu.memref_slice %arg21[%dma_wait3A_191, %dma_wait3A_197] : memref<2x400xf32, #tpu.memory_space<vmem>> -> memref<1x400xf32, #tpu.memory_space<vmem>>
    %dma_wait3A_199 = tpu.memref_squeeze %dma_wait3A_198 : memref<1x400xf32, #tpu.memory_space<vmem>> -> memref<400xf32, #tpu.memory_space<vmem>>
    tpu.wait_dma2 semaphore(%arg27 : memref<!tpu.dma_semaphore, #tpu.memory_space<semaphore_mem>>) src(%dma_wait3A_199 : memref<400xf32, #tpu.memory_space<vmem>>) dst(%dma_wait3A_196 : memref<400xf32, #tpu.memory_space<hbm>>)
    return
  }
}

module attributes {stable_mosaic.version = 14 : i64} {
  func.func @_detile_body(%arg0: i32, %arg1: memref<32x32768xf32, #tpu.memory_space<vmem>>, %arg2: memref<8192x128xf32, #tpu.memory_space<vmem>>) attributes {dimension_semantics = [#tpu.dimension_semantics<arbitrary>], iteration_bounds = array<i64: 31>, scalar_prefetch = 0 : i64, scratch_operands = 0 : i64, tpu.core_type = #tpu.core_type<tc>, window_params = [{transform_indices = @transform_0, window_bounds = array<i64: 32, 32768>}, {transform_indices = @transform_1, window_bounds = array<i64: 8192, 128>}]} {
    %get3A = arith.constant 0 : index
    %get3A_0 = arith.constant 0 : index
    %get3A_1 = vector.load %arg1[%get3A, %get3A_0] : memref<32x32768xf32, #tpu.memory_space<vmem>>, vector<32x32768xf32>
    %iota3A = tpu.iota {dimensions = array<i32: 0>} : vector<32x32xi32>
    %iota3A_2 = tpu.iota {dimensions = array<i32: 1>} : vector<32x32xi32>
    %add3A = arith.constant 0 : i32
    %add3A_3 = vector.broadcast %add3A : i32 to vector<32x32xi32>
    %add3A_4 = arith.addi %iota3A, %add3A_3 : vector<32x32xi32>
    %eq3A = arith.cmpi eq, %add3A_4, %iota3A_2 : vector<32x32xi32>
    %convert_element_type3A = arith.extui %eq3A : vector<32x32xi1> to vector<32x32xi32>
    %convert_element_type3A_5 = arith.sitofp %convert_element_type3A : vector<32x32xi32> to vector<32x32xf32>
    %slice3A = vector.extract_strided_slice %get3A_1 {offsets = [0, 0], sizes = [32, 8192], strides = [1, 1]} : vector<32x32768xf32> to vector<32x8192xf32>
    %dot_general3A = arith.constant dense<0.000000e+00> : vector<8192x32xf32>
    %dot_general3A_6 = tpu.matmul %slice3A, %convert_element_type3A_5, %dot_general3A {dimension_numbers = #tpu.dot_dimension_numbers<[0], [0], [1], [1], [0, 1, 1, 1], [], []>, transpose_lhs_hint = false} : vector<32x8192xf32>, vector<32x32xf32>, vector<8192x32xf32> -> vector<8192x32xf32>
    %slice3A_7 = vector.extract_strided_slice %get3A_1 {offsets = [0, 8192], sizes = [32, 8192], strides = [1, 1]} : vector<32x32768xf32> to vector<32x8192xf32>
    %dot_general3A_8 = arith.constant dense<0.000000e+00> : vector<8192x32xf32>
    %dot_general3A_9 = tpu.matmul %slice3A_7, %convert_element_type3A_5, %dot_general3A_8 {dimension_numbers = #tpu.dot_dimension_numbers<[0], [0], [1], [1], [0, 1, 1, 1], [], []>, transpose_lhs_hint = false} : vector<32x8192xf32>, vector<32x32xf32>, vector<8192x32xf32> -> vector<8192x32xf32>
    %slice3A_10 = vector.extract_strided_slice %get3A_1 {offsets = [0, 16384], sizes = [32, 8192], strides = [1, 1]} : vector<32x32768xf32> to vector<32x8192xf32>
    %dot_general3A_11 = arith.constant dense<0.000000e+00> : vector<8192x32xf32>
    %dot_general3A_12 = tpu.matmul %slice3A_10, %convert_element_type3A_5, %dot_general3A_11 {dimension_numbers = #tpu.dot_dimension_numbers<[0], [0], [1], [1], [0, 1, 1, 1], [], []>, transpose_lhs_hint = false} : vector<32x8192xf32>, vector<32x32xf32>, vector<8192x32xf32> -> vector<8192x32xf32>
    %slice3A_13 = vector.extract_strided_slice %get3A_1 {offsets = [0, 24576], sizes = [32, 8192], strides = [1, 1]} : vector<32x32768xf32> to vector<32x8192xf32>
    %dot_general3A_14 = arith.constant dense<0.000000e+00> : vector<8192x32xf32>
    %dot_general3A_15 = tpu.matmul %slice3A_13, %convert_element_type3A_5, %dot_general3A_14 {dimension_numbers = #tpu.dot_dimension_numbers<[0], [0], [1], [1], [0, 1, 1, 1], [], []>, transpose_lhs_hint = false} : vector<32x8192xf32>, vector<32x32xf32>, vector<8192x32xf32> -> vector<8192x32xf32>
    %concatenate3A = tpu.concatenate %dot_general3A_6, %dot_general3A_9, %dot_general3A_12, %dot_general3A_15 in 1 : vector<8192x32xf32>, vector<8192x32xf32>, vector<8192x32xf32>, vector<8192x32xf32> -> vector<8192x128xf32>
    %swap3A = arith.constant 0 : index
    %swap3A_16 = arith.constant 0 : index
    %swap3A_17 = vector.load %arg2[%swap3A, %swap3A_16] : memref<8192x128xf32, #tpu.memory_space<vmem>>, vector<8192x128xf32>
    tpu.vector_store %arg2[%swap3A, %swap3A_16], %concatenate3A {strides = array<i32>} : memref<8192x128xf32, #tpu.memory_space<vmem>>, vector<8192x128xf32>,
    return
  }
  func.func @transform_0(%arg0: i32) -> (i32, i32) {
    %c0_i32 = arith.constant 0 : i32
    %c0_i32_0 = arith.constant 0 : i32
    return %c0_i32, %arg0 : i32, i32
  }
  func.func @transform_1(%arg0: i32) -> (i32, i32) {
    %c0_i32 = arith.constant 0 : i32
    %c0_i32_0 = arith.constant 0 : i32
    return %arg0, %c0_i32 : i32, i32
  }
}

</mosaic_0001>

<sc_bundles>
// kernel: kernel.7.cloned.1.call-start
scs
__scs_entry_jumppad:
0x0: {  	(pc) =	sbr.rel $0x88, $3  }
0x1: {  	(tag) =	ssettag $0x0;
	lr =	simm.s32 $0x1  }
0x2: {  	[smem:$0x3F99] =	sst lr;
	_ =	strace $0xD0000000  }
0x3: {  	_ = 	snop  }
0x4: {  	_ = 	snop  }
0x5: {  	_ = 	snop  }
0x6: {  	_ = 	snop  }
0x7: {  	_ = 	snop  }
__scs_overlays_trampoline_lowered:
0x8: {  	[smem:$0x3FA8] =	sst s0  }
0x9: {  	[smem:$0x3FA9] =	sst s1  }
0xa: {  	[smem:$0x3FAA] =	sst s2  }
0xb: {  	[smem:$0x3FAB] =	sst s3  }
0xc: {  	[smem:$0x3FAC] =	sst s4  }
0xd: {  	[smem:$0x3FAD] =	sst s5  }
0xe: {  	[smem:$0x3FAE] =	sst s6  }
0xf: {  	[smem:$0x3FAF] =	sst s7  }
0x10: {  	[smem:$0x3FB0] =	sst s8  }
0x11: {  	[smem:$0x3FB1] =	sst s9;
	s0 =	simm.s32 @!p0 $0x0  }
0x12: {  	s1 =	sld [smem:$0x3F97];
	s0 =	simm.s32 @p0 $0x1  }
0x13: {  	[smem:$0x3FB2] =	sst s0;
	s0 =	simm.s32 @!p1 $0x0  }
0x14: {  	s2 =	sld [smem:$0x3F96];
	s0 =	simm.s32 @p1 $0x1  }
0x15: {  	[smem:$0x3FB3] =	sst s0;
	s0 =	simm.s32 @!p2 $0x0  }
0x16: {  	s3 =	sld [smem:$0x3FDB];
	s0 =	simm.s32 @p2 $0x1  }
0x17: {  	s4 =	simm.s32 $0x1BF5;
	[smem:$0x3FB5] =	sst s0  }
0x18: {  	s0 =	sld [smem:$0x3F98];
	_ =	swait.ge [sflag:s4], $0x0  }
0x19: {  	s7 =	sld [smem:$0x3F99]  }
0x1a: {  	s8 =	sadd.s32 $0xFFFFE003, lr  }
0x1b: {  	s9 =	sadd.s32 $0xFFFFFEF7, lr;
	s5 =	simm.s32 $0xFFFFFFFF;
	p2 =	slt.u32 s8, $0xFFFFF086  }
0x1c: {  	p1 =	slt.u32 s9, $0xF7A;
	s5 =	simm.s32 @!p2 $0x0  }
0x1d: {  	s5 =	simm.s32 @p1 $0x1;
	p0 =	seq.s32 s7, s2  }
0x1e: {  	s7 =	smul.u32 @!p0 $0xF7A, s2;
	p2 =	seq.s32 @!p0 s5, $0x0  }
0x1f: {  	s9 =	smul.u32 $0xF7A, s1;
	s8 =	simm.s32 @!p0 $0x1BF5;
	p2 =	por !p2, p0  }
0x20: {  	[sflag:s8] =	ssyncset.s32 @!p0 $0xFFFFF086;
	s6 =	sadd.s32 @!p0 s3, s7;
	s7 =	simm.s32 @!p0 $0x108  }
0x21: {  	s3 =	sadd.s32 s3, s9;
	s6 =	sadd.s32 @!p0 $0x88, s6;
	s7 =	simm.s32 @p2 $0x1082  }
0x22: {  	[simem:s7], [sflag:s8] =	dma.local @!p0 [hbm:s6], $0xF7A  }
0x23: {  	s9 =	sor.u32 $0xD0000000, s2;
	s6 =	simm.s32 $0x108;
	_ =	swait.ge @!p0 [sflag:s8], $0x0  }
0x24: {  	s3 =	sadd.s32 $0x88, s3;
	s6 =	simm.s32 @!p1 $0x1082;
	[sflag:s4] =	ssyncset.s32 $0xFFFFF086  }
0x25: {  	[simem:s6], [sflag:s4] =	dma.local [hbm:s3], $0xF7A  }
0x26: {  	[smem:$0x3F99] =	sst s1;
	(tag) =	ssettag s2;
	_ =	strace s9  }
0x27: {  	s1 =	sld [smem:$0x3FA9]  }
0x28: {  	s2 =	sld [smem:$0x3FAA]  }
0x29: {  	s4 =	sld [smem:$0x3FAC]  }
0x2a: {  	p0 =	seq.s32 s5, $0x0;
	s5 =	sld [smem:$0x3FAD]  }
0x2b: {  	s6 =	sld [smem:$0x3FAE]  }
0x2c: {  	s7 =	sld [smem:$0x3FAF]  }
0x2d: {  	s3 =	simm.s32 $0x108;
	s8 =	sld [smem:$0x3FB0]  }
0x2e: {  	s3 =	simm.s32 @!p0 $0x1082;
	s9 =	sld [smem:$0x3FB1]  }
0x2f: {  	lr =	sadd.s32 s0, s3;
	s0 =	sld [smem:$0x3FA8]  }
0x30: {  	s3 =	sld [smem:$0x3FAB]  }
0x31: {  	[smem:$0x3FB4] =	sst s10  }
0x32: {  	s10 =	sld [smem:$0x3FB2];
	_ =	sdelay $0x3  }
0x33: {  	p0 =	seq.s32 s10, $0x1;
	s10 =	sld [smem:$0x3FB4];
	_ =	sdelay $0x3  }
0x34: {  	[smem:$0x3FB4] =	sst s10  }
0x35: {  	s10 =	sld [smem:$0x3FB3];
	_ =	sdelay $0x3  }
0x36: {  	p1 =	seq.s32 s10, $0x1;
	s10 =	sld [smem:$0x3FB4];
	_ =	sdelay $0x3  }
0x37: {  	[smem:$0x3FB4] =	sst s10  }
0x38: {  	s10 =	sld [smem:$0x3FB5]  }
0x39: {  	_ = 	snop;
	(pc) =	sbr.ind lr, $3  }
0x3a: {  	_ = 	snop  }
0x3b: {  	_ = 	snop  }
0x3c: {  	p2 =	seq.s32 s10, $0x1;
	s10 =	sld [smem:$0x3FB4]  }
0x3d: {  	_ =	shalt  }
0x3e: {  	_ =	shalt  }
0x3f: {  	_ =	shalt  }
0x40: {  	_ =	shalt  }
0x41: {  	_ =	shalt  }
0x42: {  	_ =	shalt  }
0x43: {  	_ =	shalt  }
0x44: {  	_ =	shalt  }
0x45: {  	_ =	shalt  }
0x46: {  	_ =	shalt  }
0x47: {  	_ =	shalt  }
0x48: {  	_ =	shalt  }
0x49: {  	_ =	shalt  }
0x4a: {  	_ =	shalt  }
0x4b: {  	_ =	shalt  }
0x4c: {  	_ =	shalt  }
0x4d: {  	_ =	shalt  }
0x4e: {  	_ =	shalt  }
0x4f: {  	_ =	shalt  }
0x50: {  	_ =	shalt  }
0x51: {  	_ =	shalt  }
0x52: {  	_ =	shalt  }
0x53: {  	_ =	shalt  }
0x54: {  	_ =	shalt  }
0x55: {  	_ =	shalt  }
0x56: {  	_ =	shalt  }
0x57: {  	_ =	shalt  }
0x58: {  	_ =	shalt  }
0x59: {  	_ =	shalt  }
0x5a: {  	_ =	shalt  }
0x5b: {  	_ =	shalt  }
0x5c: {  	_ =	shalt  }
0x5d: {  	_ =	shalt  }
0x5e: {  	_ =	shalt  }
0x5f: {  	_ =	shalt  }
0x60: {  	_ =	shalt  }
0x61: {  	_ =	shalt  }
0x62: {  	_ =	shalt  }
0x63: {  	_ =	shalt  }
0x64: {  	_ =	shalt  }
0x65: {  	_ =	shalt  }
0x66: {  	_ =	shalt  }
0x67: {  	_ =	shalt  }
0x68: {  	_ =	shalt  }
0x69: {  	_ =	shalt  }
0x6a: {  	_ =	shalt  }
0x6b: {  	_ =	shalt  }
0x6c: {  	_ =	shalt  }
0x6d: {  	_ =	shalt  }
0x6e: {  	_ =	shalt  }
0x6f: {  	_ =	shalt  }
0x70: {  	_ =	shalt  }
0x71: {  	_ =	shalt  }
0x72: {  	_ =	shalt  }
0x73: {  	_ =	shalt  }
0x74: {  	_ =	shalt  }
0x75: {  	_ =	shalt  }
0x76: {  	_ =	shalt  }
0x77: {  	_ =	shalt  }
0x78: {  	_ =	shalt  }
0x79: {  	_ =	shalt  }
0x7a: {  	_ =	shalt  }
0x7b: {  	_ =	shalt  }
0x7c: {  	_ =	shalt  }
0x7d: {  	_ =	shalt  }
0x7e: {  	_ =	shalt  }
0x7f: {  	_ =	shalt  }
0x80: {  	_ =	shalt  }
0x81: {  	_ =	shalt  }
0x82: {  	_ =	shalt  }
0x83: {  	_ =	shalt  }
0x84: {  	_ =	shalt  }
0x85: {  	_ =	shalt  }
0x86: {  	_ =	shalt  }
0x87: {  	_ =	shalt  }
.Lfunc_end0:
.L_simem_size_0:
called_computation_lowered:
.L_overlay_start_0:
0x88: {  	s2 =	sld [smem:$0x3FD9]  }
0x89: {  	s3 =	sld [smem:$0x3FFE];
	_ =	sdelay $0x1  }
0x8a: {  	s1 =	srdreg.scid  }
0x8b: {  	s0 =	sand.u32 $0x1, s1  }
0x8c: {  	s17 =	sshll.u32 s0, $0xA;
	s2 =	sadd.s32 s3, s2  }
0x8d: {  	s2 =	sadd.s32 s2, s17  }
0x8e: {  	[smem:$0x3FC0] =	sst s2  }
0x8f: {  	_ = 	snop  }
0x90: {  	s2 =	sld [smem:$0x3FD0];
	(tm) =	ssettm $0x1  }
0x91: {  	s18 =	sld [smem:$0x3FFB];
	_ =	sdelay $0x3  }
0x92: {  	_ =	strace s18  }
0x93: {  	s3 =	sld [smem:$0x3FFC];
	_ =	sdelay $0x3  }
0x94: {  	_ =	strace s3  }
0x95: {  	s3 =	sld [smem:$0x3FFD];
	_ =	sdelay $0x3  }
0x96: {  	_ =	strace s3  }
0x97: {  	_ =	strace $0x8FFFFFFF  }
0x98: {  	s19 =	sld [smem:$0x3FDB];
	_ =	sdelay $0x1  }
0x99: {  	s4 =	simm.s32 $_scs_section_size  }
0x9a: {  	s5 =	simm.s32 $_size__tile_overlayer_lowered;
	s6 =	simm.s32 $_tile_overlayer_lowered  }
0x9b: {  	s22 =	simm.s32 $0x1BFF;
	s21 =	sshll.u32 s6, $0x1;
	s3 =	sadd.s32 s4, s19  }
0x9c: {  	s7 =	simm.s32 $0x0;
	s20 =	sshll.u32 s5, $0x1;
	s5 =	sadd.s32 s21, s3  }
0x9d: {  	[timem:s7], [sflag:s22] =	dma.local [hbm:s5], s20  }
0x9e: {  	_ =	swait.ge [sflag:s22], s20  }
0x9f: {  	s4 =	ssub.s32 $0x0, s20;
	[sflag:s22] =	ssyncset.done $0x0  }
0xa0: {  	[sflag:s22] =	ssyncadd.s32 s4;
	_ =	sdelay $0x1  }
0xa1: {  	s23 =	simm.s32 $0x1B8B  }
0xa2: {  	_ =	swait.ge [sflag:s23], $0x1  }
0xa3: {  	[sflag:s23] =	ssyncset.done $0x0  }
0xa4: {  	s25 =	simm.s32 $0x1B8E;
	s24 =	sld [smem:$0x3FFE];
	[sflag:s23] =	ssyncadd.s32 $0xFFFFFFFF  }
0xa5: {  	s26 =	simm.s32 $execute0_lowered;
	[smem:$0x3FD2] =	sst s25  }
0xa6: {  	s5 =	sshll.u32 s26, $0x1;
	_ =	strace $0x80000046;
	[dreg:$0x1] =	wrdreg $0xFFFFFFFF  }
0xa7: {  	s28 =	simm.s32 $_size_execute0_lowered;
	s3 =	sadd.s32 s3, s5;
	[dreg:$0x0] =	wrdreg $0x0  }
0xa8: {  	s5 =	sshll.u32 s28, $0x1;
	[dreg:$0x2] =	wrdreg s3  }
0xa9: {  	[dreg:$0x3] =	wrdreg s5  }
0xaa: {  	[dreg:$0x4] =	wrdreg $0xC0  }
0xab: {  	_ =	task [dreg:s7], $0x5FFFF  }
0xac: {  	[dreg:$0x1] =	wrdreg $0xFFFFFFFF  }
0xad: {  	[dreg:$0x0] =	wrdreg $0x60  }
0xae: {  	[dreg:$0x2] =	wrdreg s2  }
0xaf: {  	[dreg:$0x3] =	wrdreg s24  }
0xb0: {  	[dreg:$0x4] =	wrdreg $0x9  }
0xb1: {  	_ =	task.clear_ibuf [dreg:s7], $0x5FFFF;
	_ =	strace $0x90000046  }
0xb2: {  	s29 =	simm.s32 $0x9;
	_ =	strace $0x80000048  }
0xb3: {  	_ =	swait.ge [sflag:s29], $0x1  }
0xb4: {  	[sflag:s29] =	ssyncadd.s32 $0xFFFFFFFF  }
0xb5: {  	_ =	strace $0x90000048  }
0xb6: {  	_ =	sfence  }
0xb7: {  	s30 =	sld [smem:$0x0];
	_ =	sdelay $0x2  }
0xb8: {  	s31 =	sshll.u32 s1, $0xD;
	s1 =	sshrl.u32 s1, $0x2  }
0xb9: {  	s3 =	sand.u32 $0x4000, s31;
	s1 =	sadd.s32 s1, s30  }
0xba: {  	s0 =	sor.u32 s3, s0;
	s1 =	sshll.u32 s1, $0x11  }
0xbb: {  	s0 =	sor.u32 s1, s0  }
0xbc: {  	s0 =	sadd.s32 $0x8F2B, s0  }
0xbd: {  	[sflag:s0] =	ssyncadd.remote.s32 $0x1  }
0xbe: {  	_ =	sfence.sel $0xFFFF  }
0xbf: {  	[dreg:$0x0] =	wrdreg $0xFFFFFFFF;
	(pc) =	sbr.abs _section_cstart, $3  }
0xc0: {  	[dreg:$0x1] =	wrdreg $0xFFFFFFFF  }
0xc1: {  	_ =	task.clear_ibuf [dreg:s7], $0x2FFFF;
	_ =	strace $0x9FFFFFFF  }
0xc2: {  	(tm) =	ssettm $0x7FFFFFFF  }
0xc3: {  	_ =	shalt  }
tec
execute0_lowered:
.L_overlay_start_1:
0x0: {  	(tag) =	ssettag $0x1  }
0x1: {  	v0 =	vlaneseq.u32;
	v17 =	vimm.s32 $0x14131211;
	v18 =	vimm.s32 $0x18171615  }
0x2: {  	v19 =	vimm.s32 $0x1C1B1A19;
	v21 =	vimm.s32 $0x19181716;
	vm0 =	vcmask $0x1F10  }
0x3: {  	v22 =	vimm.s32 $0x1D1C1B1A;
	v24 =	vimm.s32 $0x16151413;
	v26 =	vimm.s32 $0x1A191817  }
0x4: {  	v29 =	vimm.s32 $0x201001F;
	v30 =	vimm.s32 $0x3020100;
	v31 =	vimm.s32 $0x1F1E1D1C  }
0x5: {  	v32 =	vimm.s32 $0x17161514;
	v33 =	vimm.s32 $0x1B1A1918;
	v53 =	vimm.s32 $0x4030201  }
0x6: {  	v54 =	vimm.s32 $0x5040302;
	v38 =	vimm.s32 $0x6050403;
	v55 =	vimm.s32 $0x98765432  }
0x7: {  	v56 =	vimm.s32 $0xA9876543;
	v57 =	vimm.s32 $0x32107654;
	v59 =	vimm.s32 $0x43218765  }
0x8: {  	v60 =	vimm.s32 $0x54329876;
	v61 =	vimm.s32 $0x6543A987;
	vm15 =	vcmask $0x2F10  }
0x9: {  	vm1 =	vcmask $0x3F30;
	v1 =	vmul.u32 $0x20, v0;
	v2 =	vadd.s32 $0x1, v0  }
0xa: {  	v3 =	vadd.s32 $0x2, v0;
	v4 =	vadd.s32 $0x3, v0;
	v5 =	vadd.s32 $0x4, v0  }
0xb: {  	v6 =	vadd.s32 $0x5, v0;
	v7 =	vadd.s32 $0x6, v0;
	v8 =	vadd.s32 $0x7, v0  }
0xc: {  	v9 =	vadd.s32 $0x8, v0;
	v10 =	vadd.s32 $0x9, v0;
	v11 =	vadd.s32 $0xA, v0  }
0xd: {  	v12 =	vadd.s32 $0xB, v0;
	v13 =	vadd.s32 $0xC, v0;
	v14 =	vadd.s32 $0xD, v0  }
0xe: {  	v15 =	vadd.s32 $0xE, v0;
	v17 =	vunpack.c.0.s8.s32 v17;
	v20 =	vunpack.c.0.s8.s32 v18  }
0xf: {  	v19 =	vunpack.c.0.s8.s32 v19;
	v18 =	vimm.s32 $0x1F1E1D;
	v21 =	vunpack.c.0.s8.s32 v21  }
0x10: {  	v22 =	vunpack.c.0.s8.s32 v22;
	v27 =	vunpack.c.0.s8.s32 v18;
	v18 =	vimm.s32 $0x15141312  }
0x11: {  	v29 =	vunpack.c.0.s8.s32 v29;
	v30 =	vunpack.c.0.s8.s32 v30;
	v18 =	vunpack.c.0.s8.s32 v18  }
0x12: {  	v31 =	vunpack.c.0.s8.s32 v31;
	v32 =	vunpack.c.0.s8.s32 v32;
	v33 =	vunpack.c.0.s8.s32 v33  }
0x13: {  	v17 =	vsel vm0, v20, v17;
	v23 =	vsel vm0, v21, v18;
	v18 =	vimm.s32 $0x1001F1E  }
0x14: {  	v37 =	vsel vm0, v19, v20;
	v25 =	vsel vm0, v27, v19;
	v28 =	vunpack.c.0.s8.s32 v18  }
0x15: {  	v18 =	vunpack.c.0.s8.s32 v24;
	v24 =	vunpack.c.0.s8.s32 v26;
	v26 =	vimm.s32 $0x1E1D1C1B  }
0x16: {  	v17 =	vcombine.low v17, v25;
	v26 =	vunpack.c.0.s8.s32 v26;
	v34 =	vsel vm0, v28, v22  }
0x17: {  	s0 =	rddreg [dreg:$0x1];
	v35 =	vsel vm0, v24, v18;
	v18 =	vsel vm0, v30, v31;
	v30 =	vsel vm0, v33, v32  }
0x18: {  	s2 =	simm.s32 $0x0;
	s1 =	srdreg.scid;
	s4 =	stileid.u32;
	v32 =	vunpack.c.0.s8.s32 v54;
	v22 =	vsel vm0, v22, v21;
	v36 =	vsel vm0, v29, v26  }
0x19: {  	s30 =	simm.s32 $0x190;
	s29 =	simm.s32 $0xC80;
	[smem:$0x7FF] =	sst s2;
	v18 =	vcombine.low v30, v18;
	v30 =	vunpack.c.0.s8.s32 v53;
	v19 =	vcombine.low v23, v34  }
0x1a: {  	s3 =	sadd.s32 $0xA00, s0;
	s5 =	sadd.s32 $0x19A00, s0;
	s6 =	sadd.s32 $0x32A00, s0;
	v23 =	vunpack.c.0.s8.s32 v38;
	v24 =	vsel vm0, v26, v24;
	v26 =	vimm.s32 $0x76543210  }
0x1b: {  	s1 =	sand.u32 $0x1, s1;
	s4 =	sshll.u32 s4, $0x1;
	s8 =	sadd.s32 $0x42BA00, s0;
	v20 =	vcombine.low v35, v36;
	v32 =	vsel vm0, v32, v28;
	v30 =	vsel vm0, v30, v27  }
0x1c: {  	s9 =	sadd.s32 $0x80BA00, s0;
	s11 =	sadd.s32 $0xBEBA00, s0;
	s4 =	sor.u32 s1, s4;
	v26 =	vunpack.c.l.s4.s8 v26;
	v21 =	vcombine.low v37, v30;
	v30 =	vimm.s32 $0x87654321  }
0x1d: {  	s7 =	sadd.s32 $0x4BA00, s0;
	s12 =	sadd.s32 $0xFCBA00, s0;
	s10 =	smul.u32 $0x6400, s4;
	v22 =	vcombine.low v22, v32;
	v23 =	vsel vm0, v23, v29;
	v30 =	vunpack.c.l.s4.s8 v30  }
0x1e: {  	s23 =	rddreg [dreg:$0x0];
	s13 =	sadd.s32 $0xFEA400, s0;
	_ =	strace $0x80000047;
	v32 =	vunpack.c.l.s4.s8 v55;
	v23 =	vcombine.low v24, v23;
	v26 =	vunpack.c.0.s8.s32 v26  }
0x1f: {  	s1 =	ssub.s32 $0x2, s1;
	s25 =	sor.u32 $0x320, s10;
	[dreg:$0x3] =	wrdreg s10;
	v24 =	vsel vm0, v31, v33;
	v33 =	vunpack.c.l.s4.s8 v56;
	v30 =	vunpack.c.0.s8.s32 v30  }
0x20: {  	s14 =	sshrl.u32 s1, $0x1;
	s26 =	sadd.s32 $0x4B0, s10;
	[dreg:$0xc] =	wrdreg s25;
	v35 =	vunpack.c.l.s4.s8 v61;
	v32 =	vunpack.c.0.s8.s32 v32;
	v24 =	vcombine.low v24, v26  }
0x21: {  	s15 =	ssub.s32 s1, s14;
	s31 =	sor.u32 $0x190, s10;
	[dreg:$0xd] =	wrdreg s26;
	v58 =	vunpack.c.0.s8.s32 v33;
	v26 =	vand.u32 $0xF, v30;
	v30 =	vunpack.c.l.s4.s8 v57  }
0x22: {  	s16 =	sshrl.u32 s10, $0x3;
	s0 =	smax.u32 s15, $0x1;
	[dreg:$0xe] =	wrdreg s31;
	v33 =	vunpack.c.l.s4.s8 v59;
	v25 =	vcombine.low v25, v26;
	v26 =	vand.u32 $0xF, v32  }
0x23: {  	s28 =	simm.s32 $0x4;
	s17 =	sadd.s32 s23, s16;
	[dreg:$0xf] =	wrdreg s0;
	v26 =	vcombine.low v34, v26;
	v30 =	vunpack.c.0.s8.s32 v30;
	v34 =	vunpack.c.l.s4.s8 v60  }
0x24: {  	v16 =	vadd.s32 $0xF, v0;
	s15 =	simm.s32 $0xD480;
	s18 =	sadd.s32 s3, s16;
	[dreg:$0x4] =	wrdreg s17;
	v35 =	vunpack.c.0.s8.s32 v35;
	v33 =	vunpack.c.0.s8.s32 v33  }
0x25: {  	s10 =	simm.s32 $0x0;
	s14 =	sadd.s32 s5, s16;
	[dreg:$0x5] =	wrdreg s18;
	v32 =	vand.u32 $0xF, v58;
	v30 =	vand.u32 $0xF, v30;
	v34 =	vunpack.c.0.s8.s32 v34  }
0x26: {  	s19 =	sor.u32 $0x32, s16;
	s1 =	sadd.s32 s6, s16;
	[dreg:$0x6] =	wrdreg s14;
	v33 =	vand.u32 $0xF, v33;
	v30 =	vsel vm15, v30, v31;
	v31 =	vimm.s32 $0xB0A0908  }
0x27: {  	s16 =	simm.s32 $0x13880;
	s25 =	simm.s32 $0x16A80;
	[dreg:$0x7] =	wrdreg s1;
	v33 =	vsel vm15, v33, v27;
	v31 =	vunpack.c.0.s8.s32 v31;
	v27 =	vand.u32 $0xF, v34  }
0x28: {  	s20 =	sadd.s32 s23, s19;
	s21 =	sadd.s32 s3, s19;
	s22 =	sadd.s32 s5, s19;
	v34 =	vsel vm15, v27, v28;
	v27 =	vimm.s32 $0xC0B0A09;
	v28 =	vand.u32 $0xF, v35  }
0x29: {  	s24 =	sadd.s32 s6, s19;
	s1 =	simm.s32 $0x7D0;
	[dreg:$0x8] =	wrdreg s20;
	v35 =	vsel vm15, v28, v29;
	v28 =	vimm.s32 $0xD0C0B0A;
	v29 =	vimm.s32 $0xE0D0C0B  }
0x2a: {  	s14 =	simm.s32 $0x7080;
	s17 =	simm.s32 $0x3;
	[dreg:$0x9] =	wrdreg s21;
	v62 =	vunpack.c.0.s8.s32 v27;
	v63 =	vunpack.c.0.s8.s32 v28;
	v39 =	vunpack.c.0.s8.s32 v29  }
0x2b: {  	s18 =	simm.s32 $0x2;
	s19 =	simm.s32 $0x3E80;
	[dreg:$0xa] =	wrdreg s22;
	v27 =	vcombine.low v36, v32;
	v28 =	vor.u32 $0x10, v0;
	v29 =	vsel vm1, v31, v30  }
0x2c: {  	[dreg:$0xb] =	wrdreg s24;
	s20 =	simm.s32 $0xA280;
	s21 =	simm.s32 $0x10680;
	v30 =	vsel vm1, v62, v33;
	v31 =	vsel vm1, v63, v34;
	v32 =	vsel vm1, v39, v35  }
.LBB2_1:
0x2d: {  	[dreg:$0x10] =	wrdreg s10  }
0x2e: {  	s0 =	rddreg [dreg:$0x4]  }
0x2f: {  	[tilespmem:s2], [sflag:$0x1] =	stream.linear.gather [hbm4b:s0+s2], $0x190, $0x38;
	[tilespmem:$0x1A2C0] =	vst v63  }
0x30: {  	s22 =	rddreg [dreg:$0x5];
	s4 =	simm.s32 $0x320  }
0x31: {  	[tilespmem:s4], [sflag:$0x1] =	stream.linear.gather [hbm4b:s22+s2], $0x190, $0x38;
	[tilespmem:$0x1A2C0] =	vst v63  }
0x32: {  	s24 =	rddreg [dreg:$0x6];
	s10 =	simm.s32 $0x640  }
0x33: {  	[tilespmem:s10], [sflag:$0x1] =	stream.linear.gather [hbm4b:s24+s2], $0x190, $0x38;
	[tilespmem:$0x1A2C0] =	vst v63  }
0x34: {  	s26 =	rddreg [dreg:$0x7];
	s22 =	simm.s32 $0x960  }
0x35: {  	[tilespmem:s22], [sflag:$0x1] =	stream.linear.gather [hbm4b:s26+s2], $0x190, $0x38;
	[tilespmem:$0x1A2C0] =	vst v63  }
0x36: {  	s24 =	rddreg [dreg:$0x8]  }
0x37: {  	[tilespmem:s30], [sflag:$0x2] =	stream.linear.gather [hbm4b:s24+s2], $0x190, $0x38;
	[tilespmem:$0x1A2C0] =	vst v63  }
0x38: {  	s26 =	rddreg [dreg:$0x9];
	s24 =	simm.s32 $0x4B0  }
0x39: {  	[tilespmem:s24], [sflag:$0x2] =	stream.linear.gather [hbm4b:s26+s2], $0x190, $0x38;
	[tilespmem:$0x1A2C0] =	vst v63  }
0x3a: {  	s26 =	rddreg [dreg:$0xa]  }
0x3b: {  	[tilespmem:s1], [sflag:$0x2] =	stream.linear.gather [hbm4b:s26+s2], $0x190, $0x38;
	[tilespmem:$0x1A2C0] =	vst v63  }
0x3c: {  	s24 =	rddreg [dreg:$0xb];
	s26 =	simm.s32 $0xAF0  }
0x3d: {  	[tilespmem:s26], [sflag:$0x2] =	stream.linear.gather [hbm4b:s24+s2], $0x190, $0x38;
	[tilespmem:$0x1A2C0] =	vst v63  }
0x3e: {  	s24 =	simm.s32 $0x1  }
0x3f: {  	_ =	swait.ge [sflag:s24], $0x190  }
0x40: {  	[sflag:s24] =	ssyncset.done $0x0  }
0x41: {  	[sflag:s24] =	ssyncadd.s32 $0xFFFFFE70  }
0x42: {  	_ =	swait.ge [sflag:s24], $0x190  }
0x43: {  	[sflag:s24] =	ssyncset.done $0x0  }
0x44: {  	[sflag:s24] =	ssyncadd.s32 $0xFFFFFE70  }
0x45: {  	_ =	swait.ge [sflag:s24], $0x190  }
0x46: {  	[sflag:s24] =	ssyncset.done $0x0  }
0x47: {  	[sflag:s24] =	ssyncadd.s32 $0xFFFFFE70  }
0x48: {  	_ =	swait.ge [sflag:s24], $0x190  }
0x49: {  	[sflag:s24] =	ssyncset.done $0x0  }
0x4a: {  	[sflag:s24] =	ssyncadd.s32 $0xFFFFFE70  }
0x4b: {  	[tilespmem:s29], [sflag:$0x3] =	stream.indirect.gather [hbm4b:s7+s30], $0x20, s2, s30, $0xb8;
	[tilespmem:$0x1A2C0] =	vst v63  }
0x4c: {  	_ = 	snop  }
0x4d: {  	[tilespmem:s14], [sflag:$0x3] =	stream.indirect.gather [hbm4b:s8+s30], $0x20, s10, s30, $0xb8;
	[tilespmem:$0x1A2C0] =	vst v63  }
0x4e: {  	_ = 	snop  }
0x4f: {  	[tilespmem:s15], [sflag:$0x3] =	stream.indirect.gather [hbm4b:s9+s30], $0x20, s4, s30, $0xb8;
	[tilespmem:$0x1A2C0] =	vst v63  }
0x50: {  	_ = 	snop  }
0x51: {  	[tilespmem:s16], [sflag:$0x3] =	stream.indirect.gather [hbm4b:s11+s30], $0x20, s10, s30, $0xb8;
	[tilespmem:$0x1A2C0] =	vst v63  }
0x52: {  	s31 =	simm.s32 $0x0;
	s26 =	simm.s32 $0x19C80  }
0x53: {  	[tilespmem:s26], [sflag:$0x3] =	stream.indirect.gather [hbm4b:s12+s30], $0x1, s22, s30, $0xb8;
	[tilespmem:$0x1A2C0] =	vst v63  }
.LBB2_2:
0x54: {  	_ =	swait.ge [sflag:s17], $0x3200  }
0x55: {  	[sflag:s17] =	ssyncset.done $0x0  }
0x56: {  	[sflag:s17] =	ssyncadd.s32 $0xFFFFCE00  }
0x57: {  	_ =	swait.ge [sflag:s17], $0x3200  }
0x58: {  	[sflag:s17] =	ssyncset.done $0x0  }
0x59: {  	[sflag:s17] =	ssyncadd.s32 $0xFFFFCE00  }
0x5a: {  	_ =	swait.ge [sflag:s17], $0x3200  }
0x5b: {  	[sflag:s17] =	ssyncset.done $0x0  }
0x5c: {  	[sflag:s17] =	ssyncadd.s32 $0xFFFFCE00  }
0x5d: {  	_ =	swait.ge [sflag:s17], $0x3200  }
0x5e: {  	[sflag:s17] =	ssyncset.done $0x0  }
0x5f: {  	p0 =	seq.s32 s31, $0x1F;
	[sflag:s17] =	ssyncadd.s32 $0xFFFFCE00  }
0x60: {  	s0 =	smul.u32 @!p0 $0x320, s31;
	_ =	swait.ge [sflag:s17], $0x190  }
0x61: {  	s4 =	rddreg [dreg:$0xc]  }
0x62: {  	s0 =	sadd.s32 @!p0 s0, s4  }
0x63: {  	[sflag:s17] =	ssyncset.done $0x0;
	s0 =	sshrl.u32 @!p0 s0, $0x3  }
0x64: {  	s10 =	simm.s32 @!p0 $0x0;
	[sflag:s17] =	ssyncadd.s32 $0xFFFFFE70;
	s4 =	sadd.s32 @!p0 s23, s0  }
0x65: {  	[tilespmem:s10], [sflag:$0x1] =	stream.linear.gather @!p0 [hbm4b:s4+s10], $0x190, $0x38;
	[tilespmem:$0x1A2C0] =	vst v63  }
0x66: {  	s22 =	simm.s32 @!p0 $0x320;
	s4 =	sadd.s32 @!p0 s3, s0  }
0x67: {  	[tilespmem:s22], [sflag:$0x1] =	stream.linear.gather @!p0 [hbm4b:s4+s10], $0x190, $0x38;
	[tilespmem:$0x1A2C0] =	vst v63  }
0x68: {  	s4 =	sadd.s32 @!p0 s5, s0;
	s22 =	simm.s32 @!p0 $0x640  }
0x69: {  	[tilespmem:s22], [sflag:$0x1] =	stream.linear.gather @!p0 [hbm4b:s4+s10], $0x190, $0x38;
	[tilespmem:$0x1A2C0] =	vst v63  }
0x6a: {  	s0 =	sadd.s32 @!p0 s6, s0;
	s4 =	simm.s32 @!p0 $0x960  }
0x6b: {  	[tilespmem:s4], [sflag:$0x1] =	stream.linear.gather @!p0 [hbm4b:s0+s10], $0x190, $0x38;
	[tilespmem:$0x1A2C0] =	vst v63  }
0x6c: {  	_ =	swait.ge [sflag:s18], $0x190  }
0x6d: {  	[sflag:s18] =	ssyncset.done $0x0  }
0x6e: {  	[sflag:s18] =	ssyncadd.s32 $0xFFFFFE70  }
0x6f: {  	_ =	swait.ge [sflag:s18], $0x190  }
0x70: {  	[sflag:s18] =	ssyncset.done $0x0  }
0x71: {  	[sflag:s18] =	ssyncadd.s32 $0xFFFFFE70  }
0x72: {  	_ =	swait.ge [sflag:s18], $0x190  }
0x73: {  	[sflag:s18] =	ssyncset.done $0x0  }
0x74: {  	[sflag:s18] =	ssyncadd.s32 $0xFFFFFE70  }
0x75: {  	_ =	swait.ge [sflag:s18], $0x190  }
0x76: {  	[sflag:s18] =	ssyncset.done $0x0  }
0x77: {  	[sflag:s18] =	ssyncadd.s32 $0xFFFFFE70  }
0x78: {  	[tilespmem:s19], [sflag:$0x4] =	stream.indirect.gather [hbm4b:s7+s30], $0x20, s30, s30, $0xb8;
	[tilespmem:$0x1A2C0] =	vst v63  }
0x79: {  	_ = 	snop  }
0x7a: {  	[tilespmem:s20], [sflag:$0x4] =	stream.indirect.gather [hbm4b:s8+s30], $0x20, s1, s30, $0xb8;
	[tilespmem:$0x1A2C0] =	vst v63  }
0x7b: {  	s24 =	simm.s32 $0x4B0;
	s26 =	simm.s32 $0x0  }
0x7c: {  	v33 =	vmov s26;
	[tilespmem:s21], [sflag:$0x4] =	stream.indirect.gather [hbm4b:s9+s30], $0x20, s24, s30, $0xb8;
	[tilespmem:$0x1A2C0] =	vst v63  }
0x7d: {  	p1 =	seq.s32 s31, $0x0;
	v33 =	vshll.u32 v33, $0x5  }
0x7e: {  	v33 =	vor.u32 v1, v33;
	[tilespmem:s25], [sflag:$0x4] =	stream.indirect.gather [hbm4b:s11+s30], $0x20, s1, s30, $0xb8;
	[tilespmem:$0x1A2C0] =	vst v63  }
0x7f: {  	v34 =	vor.u32 v0, v33;
	s4 =	simm.s32 $0xAF0;
	s10 =	simm.s32 $0x19E10;
	s0 =	simm.s32 @!p1 $0x5  }
0x80: {  	[tilespmem:s10], [sflag:$0x4] =	stream.indirect.gather [hbm4b:s12+s30], $0x1, s4, s30, $0xb8;
	[tilespmem:$0x1A2C0] =	vst v63  }
0x81: {  	_ =	swait.ge @!p1 [sflag:s0], $0x190  }
0x82: {  	[sflag:s0] =	ssyncset.done @!p1 $0x0  }
0x83: {  	[sflag:s0] =	ssyncadd.s32 @!p1 $0xFFFFFE70  }
0x84: {  	v35 =	vor.u32 v2, v33;
	v36 =	vld.idx.msk [tilespmem:v34+s29+$0x0], $0xffff  }
0x85: {  	v37 =	vld.idx.msk [tilespmem:v34+s14+$0x0], $0xffff  }
0x86: {  	v38 =	vld.idx.msk [tilespmem:v34+s15+$0x0], $0xffff  }
0x87: {  	s22 =	simm.s32 $0x19C80;
	v34 =	vld.idx.msk [tilespmem:v34+s16+$0x0], $0xffff  }
0x88: {  	v39 =	vor.u32 v3, v33;
	v40 =	vld [tilespmem:s22+$0x0]  }
0x89: {  	v41 =	vld.idx.msk [tilespmem:v35+s29+$0x0], $0xffff  }
0x8a: {  	v42 =	vld.idx.msk [tilespmem:v35+s14+$0x0], $0xffff  }
0x8b: {  	v43 =	vld.idx.msk [tilespmem:v35+s15+$0x0], $0xffff;
	v36 =	vmul.f32 v37, v36  }
0x8c: {  	v63 =	vor.u32 v4, v33;
	v35 =	vld.idx.msk [tilespmem:v35+s16+$0x0], $0xffff  }
0x8d: {  	v44 =	vld.idx.msk [tilespmem:v39+s29+$0x0], $0xffff;
	v34 =	vmul.f32 v34, v38;
	v36 =	vadd.f32 v36, v40  }
0x8e: {  	v47 =	vld.idx.msk [tilespmem:v39+s14+$0x0], $0xffff  }
0x8f: {  	v48 =	vld.idx.msk [tilespmem:v39+s15+$0x0], $0xffff;
	v49 =	vmul.f32 v42, v41;
	v34 =	vadd.f32 v34, v36  }
0x90: {  	v50 =	vor.u32 v5, v33;
	v39 =	vld.idx.msk [tilespmem:v39+s16+$0x0], $0xffff  }
0x91: {  	v51 =	vld.idx.msk [tilespmem:v63+s29+$0x0], $0xffff;
	v35 =	vmul.f32 v35, v43;
	v34 =	vadd.f32 v49, v34  }
0x92: {  	v52 =	vld.idx.msk [tilespmem:v63+s14+$0x0], $0xffff  }
0x93: {  	v53 =	vld.idx.msk [tilespmem:v63+s15+$0x0], $0xffff;
	v54 =	vmul.f32 v47, v44;
	v34 =	vadd.f32 v35, v34  }
0x94: {  	v55 =	vor.u32 v6, v33;
	v37 =	vld.idx.msk [tilespmem:v63+s16+$0x0], $0xffff  }
0x95: {  	v56 =	vld.idx.msk [tilespmem:v50+s29+$0x0], $0xffff;
	v57 =	vmul.f32 v39, v48;
	v34 =	vadd.f32 v54, v34  }
0x96: {  	v58 =	vld.idx.msk [tilespmem:v50+s14+$0x0], $0xffff  }
0x97: {  	v59 =	vld.idx.msk [tilespmem:v50+s15+$0x0], $0xffff;
	v60 =	vmul.f32 v52, v51;
	v34 =	vadd.f32 v57, v34  }
0x98: {  	v62 =	vor.u32 v7, v33;
	v61 =	vld.idx.msk [tilespmem:v50+s16+$0x0], $0xffff  }
0x99: {  	v63 =	vld.idx.msk [tilespmem:v55+s29+$0x0], $0xffff;
	v48 =	vmul.f32 v37, v53;
	v34 =	vadd.f32 v60, v34  }
0x9a: {  	v49 =	vld.idx.msk [tilespmem:v55+s14+$0x0], $0xffff  }
0x9b: {  	v50 =	vld.idx.msk [tilespmem:v55+s15+$0x0], $0xffff;
	v51 =	vmul.f32 v58, v56;
	v34 =	vadd.f32 v48, v34  }
0x9c: {  	v38 =	vld.idx.msk [tilespmem:v55+s16+$0x0], $0xffff;
	v52 =	vor.u32 v8, v33  }
0x9d: {  	v53 =	vld.idx.msk [tilespmem:v62+s29+$0x0], $0xffff;
	v54 =	vmul.f32 v61, v59;
	v34 =	vadd.f32 v51, v34  }
0x9e: {  	v55 =	vld.idx.msk [tilespmem:v62+s14+$0x0], $0xffff  }
0x9f: {  	v56 =	vld.idx.msk [tilespmem:v62+s15+$0x0], $0xffff;
	v57 =	vmul.f32 v49, v63;
	v34 =	vadd.f32 v54, v34  }
0xa0: {  	v58 =	vld.idx.msk [tilespmem:v62+s16+$0x0], $0xffff;
	v59 =	vor.u32 v9, v33  }
0xa1: {  	v62 =	vld.idx.msk [tilespmem:v52+s14+$0x0], $0xffff;
	v61 =	vmul.f32 v38, v50;
	v34 =	vadd.f32 v57, v34  }
0xa2: {  	v60 =	vld.idx.msk [tilespmem:v52+s29+$0x0], $0xffff  }
0xa3: {  	v63 =	vld.idx.msk [tilespmem:v52+s15+$0x0], $0xffff;
	v48 =	vmul.f32 v55, v53;
	v34 =	vadd.f32 v61, v34  }
0xa4: {  	v50 =	vor.u32 v10, v33;
	v49 =	vld.idx.msk [tilespmem:v52+s16+$0x0], $0xffff  }
0xa5: {  	v52 =	vmul.f32 v58, v56;
	v53 =	vld.idx.msk [tilespmem:v59+s14+$0x0], $0xffff;
	v34 =	vadd.f32 v48, v34  }
0xa6: {  	v51 =	vld.idx.msk [tilespmem:v59+s29+$0x0], $0xffff  }
0xa7: {  	v56 =	vld.idx.msk [tilespmem:v59+s16+$0x0], $0xffff;
	v55 =	vmul.f32 v62, v60;
	v34 =	vadd.f32 v52, v34  }
0xa8: {  	v54 =	vld.idx.msk [tilespmem:v59+s15+$0x0], $0xffff;
	v57 =	vor.u32 v11, v33  }
0xa9: {  	v58 =	vld.idx.msk [tilespmem:v50+s29+$0x0], $0xffff;
	v59 =	vmul.f32 v49, v63;
	v34 =	vadd.f32 v55, v34  }
0xaa: {  	v60 =	vld.idx.msk [tilespmem:v50+s14+$0x0], $0xffff  }
0xab: {  	v63 =	vld.idx.msk [tilespmem:v50+s16+$0x0], $0xffff;
	v62 =	vmul.f32 v53, v51;
	v34 =	vadd.f32 v59, v34  }
0xac: {  	v61 =	vld.idx.msk [tilespmem:v50+s15+$0x0], $0xffff;
	v48 =	vor.u32 v12, v33  }
0xad: {  	v50 =	vmul.f32 v56, v54;
	v49 =	vld.idx.msk [tilespmem:v57+s29+$0x0], $0xffff;
	v34 =	vadd.f32 v62, v34  }
0xae: {  	v51 =	vld.idx.msk [tilespmem:v57+s14+$0x0], $0xffff  }
0xaf: {  	v53 =	vmul.f32 v60, v58;
	v54 =	vld.idx.msk [tilespmem:v57+s16+$0x0], $0xffff;
	v34 =	vadd.f32 v50, v34  }
0xb0: {  	v52 =	vld.idx.msk [tilespmem:v57+s15+$0x0], $0xffff;
	v55 =	vor.u32 v13, v33  }
0xb1: {  	v57 =	vmul.f32 v63, v61;
	v56 =	vld.idx.msk [tilespmem:v48+s29+$0x0], $0xffff;
	v34 =	vadd.f32 v53, v34  }
0xb2: {  	v58 =	vld.idx.msk [tilespmem:v48+s14+$0x0], $0xffff  }
0xb3: {  	v61 =	vld.idx.msk [tilespmem:v48+s16+$0x0], $0xffff;
	v60 =	vmul.f32 v51, v49;
	v34 =	vadd.f32 v57, v34  }
0xb4: {  	v59 =	vld.idx.msk [tilespmem:v48+s15+$0x0], $0xffff;
	v62 =	vor.u32 v14, v33  }
0xb5: {  	v47 =	vmul.f32 v54, v52;
	v63 =	vld.idx.msk [tilespmem:v55+s29+$0x0], $0xffff;
	v34 =	vadd.f32 v60, v34  }
0xb6: {  	v48 =	vld.idx.msk [tilespmem:v55+s14+$0x0], $0xffff  }
0xb7: {  	v49 =	vld.idx.msk [tilespmem:v55+s15+$0x0], $0xffff;
	v50 =	vmul.f32 v58, v56;
	v34 =	vadd.f32 v47, v34  }
0xb8: {  	v52 =	vor.u32 v15, v33;
	v51 =	vld.idx.msk [tilespmem:v55+s16+$0x0], $0xffff  }
0xb9: {  	v54 =	vmul.f32 v61, v59;
	v53 =	vld.idx.msk [tilespmem:v62+s29+$0x0], $0xffff;
	v34 =	vadd.f32 v50, v34  }
0xba: {  	v55 =	vld.idx.msk [tilespmem:v62+s14+$0x0], $0xffff  }
0xbb: {  	v56 =	vld.idx.msk [tilespmem:v62+s15+$0x0], $0xffff;
	v57 =	vmul.f32 v48, v63;
	v34 =	vadd.f32 v54, v34  }
0xbc: {  	v59 =	vor.u32 v16, v33;
	v58 =	vld.idx.msk [tilespmem:v62+s16+$0x0], $0xffff  }
0xbd: {  	v62 =	vld.idx.msk [tilespmem:v52+s14+$0x0], $0xffff;
	v61 =	vmul.f32 v51, v49;
	v34 =	vadd.f32 v57, v34  }
0xbe: {  	v60 =	vld.idx.msk [tilespmem:v52+s29+$0x0], $0xffff  }
0xbf: {  	v63 =	vld.idx.msk [tilespmem:v52+s15+$0x0], $0xffff;
	v48 =	vmul.f32 v55, v53;
	v34 =	vadd.f32 v61, v34  }
0xc0: {  	v49 =	vld.idx.msk [tilespmem:v52+s16+$0x0], $0xffff;
	v50 =	vor.u32 v28, v33  }
0xc1: {  	v51 =	vld.idx.msk [tilespmem:v59+s29+$0x0], $0xffff;
	v52 =	vmul.f32 v58, v56;
	v34 =	vadd.f32 v48, v34  }
0xc2: {  	v53 =	vld.idx.msk [tilespmem:v59+s14+$0x0], $0xffff  }
0xc3: {  	v56 =	vld.idx.msk [tilespmem:v59+s16+$0x0], $0xffff;
	v55 =	vmul.f32 v62, v60;
	v34 =	vadd.f32 v52, v34  }
0xc4: {  	v54 =	vld.idx.msk [tilespmem:v59+s15+$0x0], $0xffff;
	v57 =	vor.u32 v17, v33  }
0xc5: {  	v59 =	vmul.f32 v49, v63;
	v58 =	vld.idx.msk [tilespmem:v50+s29+$0x0], $0xffff;
	v34 =	vadd.f32 v55, v34  }
0xc6: {  	v60 =	vld.idx.msk [tilespmem:v50+s14+$0x0], $0xffff  }
0xc7: {  	v62 =	vmul.f32 v53, v51;
	v63 =	vld.idx.msk [tilespmem:v50+s16+$0x0], $0xffff;
	v34 =	vadd.f32 v59, v34  }
0xc8: {  	v61 =	vld.idx.msk [tilespmem:v50+s15+$0x0], $0xffff;
	v48 =	vor.u32 v19, v33  }
0xc9: {  	v50 =	vmul.f32 v56, v54;
	v49 =	vld.idx.msk [tilespmem:v57+s29+$0x0], $0xffff;
	v34 =	vadd.f32 v62, v34  }
0xca: {  	v51 =	vld.idx.msk [tilespmem:v57+s14+$0x0], $0xffff  }
0xcb: {  	v54 =	vld.idx.msk [tilespmem:v57+s16+$0x0], $0xffff;
	v53 =	vmul.f32 v60, v58;
	v34 =	vadd.f32 v50, v34  }
0xcc: {  	v52 =	vld.idx.msk [tilespmem:v57+s15+$0x0], $0xffff;
	v55 =	vor.u32 v20, v33  }
0xcd: {  	v57 =	vmul.f32 v63, v61;
	v56 =	vld.idx.msk [tilespmem:v48+s29+$0x0], $0xffff;
	v34 =	vadd.f32 v53, v34  }
0xce: {  	v58 =	vld.idx.msk [tilespmem:v48+s14+$0x0], $0xffff  }
0xcf: {  	v61 =	vld.idx.msk [tilespmem:v48+s16+$0x0], $0xffff;
	v60 =	vmul.f32 v51, v49;
	v34 =	vadd.f32 v57, v34  }
0xd0: {  	v59 =	vld.idx.msk [tilespmem:v48+s15+$0x0], $0xffff;
	v62 =	vor.u32 v18, v33  }
0xd1: {  	v47 =	vmul.f32 v54, v52;
	v63 =	vld.idx.msk [tilespmem:v55+s29+$0x0], $0xffff;
	v34 =	vadd.f32 v60, v34  }
0xd2: {  	v48 =	vld.idx.msk [tilespmem:v55+s14+$0x0], $0xffff  }
0xd3: {  	v49 =	vld.idx.msk [tilespmem:v55+s15+$0x0], $0xffff;
	v50 =	vmul.f32 v58, v56;
	v34 =	vadd.f32 v47, v34  }
0xd4: {  	v52 =	vor.u32 v21, v33;
	v51 =	vld.idx.msk [tilespmem:v55+s16+$0x0], $0xffff  }
0xd5: {  	v54 =	vmul.f32 v61, v59;
	v53 =	vld.idx.msk [tilespmem:v62+s29+$0x0], $0xffff;
	v34 =	vadd.f32 v50, v34  }
0xd6: {  	v55 =	vld.idx.msk [tilespmem:v62+s14+$0x0], $0xffff  }
0xd7: {  	v56 =	vld.idx.msk [tilespmem:v62+s15+$0x0], $0xffff;
	v57 =	vmul.f32 v48, v63;
	v34 =	vadd.f32 v54, v34  }
0xd8: {  	v59 =	vor.u32 v22, v33;
	v58 =	vld.idx.msk [tilespmem:v62+s16+$0x0], $0xffff  }
0xd9: {  	v62 =	vld.idx.msk [tilespmem:v52+s14+$0x0], $0xffff;
	v61 =	vmul.f32 v51, v49;
	v34 =	vadd.f32 v57, v34  }
0xda: {  	v60 =	vld.idx.msk [tilespmem:v52+s29+$0x0], $0xffff  }
0xdb: {  	v63 =	vld.idx.msk [tilespmem:v52+s15+$0x0], $0xffff;
	v48 =	vmul.f32 v55, v53;
	v34 =	vadd.f32 v61, v34  }
0xdc: {  	v49 =	vld.idx.msk [tilespmem:v52+s16+$0x0], $0xffff;
	v50 =	vor.u32 v23, v33  }
0xdd: {  	v51 =	vld.idx.msk [tilespmem:v59+s29+$0x0], $0xffff;
	v52 =	vmul.f32 v58, v56;
	v34 =	vadd.f32 v48, v34  }
0xde: {  	v53 =	vld.idx.msk [tilespmem:v59+s14+$0x0], $0xffff  }
0xdf: {  	v56 =	vld.idx.msk [tilespmem:v59+s16+$0x0], $0xffff;
	v55 =	vmul.f32 v62, v60;
	v34 =	vadd.f32 v52, v34  }
0xe0: {  	v54 =	vld.idx.msk [tilespmem:v59+s15+$0x0], $0xffff;
	v57 =	vor.u32 v24, v33  }
0xe1: {  	v59 =	vmul.f32 v49, v63;
	v58 =	vld.idx.msk [tilespmem:v50+s29+$0x0], $0xffff;
	v34 =	vadd.f32 v55, v34  }
0xe2: {  	v60 =	vld.idx.msk [tilespmem:v50+s14+$0x0], $0xffff  }
0xe3: {  	v62 =	vmul.f32 v53, v51;
	v63 =	vld.idx.msk [tilespmem:v50+s16+$0x0], $0xffff;
	v34 =	vadd.f32 v59, v34  }
0xe4: {  	v61 =	vld.idx.msk [tilespmem:v50+s15+$0x0], $0xffff;
	v48 =	vor.u32 v25, v33  }
0xe5: {  	v50 =	vmul.f32 v56, v54;
	v49 =	vld.idx.msk [tilespmem:v57+s29+$0x0], $0xffff;
	v34 =	vadd.f32 v62, v34  }
0xe6: {  	v51 =	vld.idx.msk [tilespmem:v57+s14+$0x0], $0xffff  }
0xe7: {  	v54 =	vld.idx.msk [tilespmem:v57+s16+$0x0], $0xffff;
	v53 =	vmul.f32 v60, v58;
	v34 =	vadd.f32 v50, v34  }
0xe8: {  	v52 =	vld.idx.msk [tilespmem:v57+s15+$0x0], $0xffff;
	v55 =	vor.u32 v26, v33  }
0xe9: {  	v57 =	vmul.f32 v63, v61;
	v56 =	vld.idx.msk [tilespmem:v48+s29+$0x0], $0xffff;
	v34 =	vadd.f32 v53, v34  }
0xea: {  	v58 =	vld.idx.msk [tilespmem:v48+s14+$0x0], $0xffff  }
0xeb: {  	v61 =	vld.idx.msk [tilespmem:v48+s16+$0x0], $0xffff;
	v60 =	vmul.f32 v51, v49;
	v34 =	vadd.f32 v57, v34  }
0xec: {  	v59 =	vld.idx.msk [tilespmem:v48+s15+$0x0], $0xffff;
	v62 =	vor.u32 v27, v33  }
0xed: {  	v47 =	vmul.f32 v54, v52;
	v63 =	vld.idx.msk [tilespmem:v55+s29+$0x0], $0xffff;
	v34 =	vadd.f32 v60, v34  }
0xee: {  	v48 =	vld.idx.msk [tilespmem:v55+s14+$0x0], $0xffff  }
0xef: {  	v49 =	vld.idx.msk [tilespmem:v55+s15+$0x0], $0xffff;
	v50 =	vmul.f32 v58, v56;
	v34 =	vadd.f32 v47, v34  }
0xf0: {  	v52 =	vor.u32 v29, v33;
	v51 =	vld.idx.msk [tilespmem:v55+s16+$0x0], $0xffff  }
0xf1: {  	v54 =	vmul.f32 v61, v59;
	v53 =	vld.idx.msk [tilespmem:v62+s29+$0x0], $0xffff;
	v34 =	vadd.f32 v50, v34  }
0xf2: {  	v55 =	vld.idx.msk [tilespmem:v62+s14+$0x0], $0xffff  }
0xf3: {  	v56 =	vld.idx.msk [tilespmem:v62+s15+$0x0], $0xffff;
	v57 =	vmul.f32 v48, v63;
	v34 =	vadd.f32 v54, v34  }
0xf4: {  	v59 =	vor.u32 v30, v33;
	v58 =	vld.idx.msk [tilespmem:v62+s16+$0x0], $0xffff  }
0xf5: {  	v62 =	vld.idx.msk [tilespmem:v52+s14+$0x0], $0xffff;
	v61 =	vmul.f32 v51, v49;
	v34 =	vadd.f32 v57, v34  }
0xf6: {  	v60 =	vld.idx.msk [tilespmem:v52+s29+$0x0], $0xffff  }
0xf7: {  	v46 =	vld.idx.msk [tilespmem:v52+s16+$0x0], $0xffff;
	v45 =	vmul.f32 v55, v53;
	v34 =	vadd.f32 v61, v34  }
0xf8: {  	v63 =	vld.idx.msk [tilespmem:v52+s15+$0x0], $0xffff;
	v47 =	vor.u32 v31, v33  }
0xf9: {  	v48 =	vld.idx.msk [tilespmem:v59+s29+$0x0], $0xffff;
	v49 =	vmul.f32 v58, v56;
	v34 =	vadd.f32 v45, v34  }
0xfa: {  	v50 =	vld.idx.msk [tilespmem:v59+s14+$0x0], $0xffff  }
0xfb: {  	v51 =	vld.idx.msk [tilespmem:v59+s15+$0x0], $0xffff;
	v52 =	vmul.f32 v62, v60;
	v34 =	vadd.f32 v49, v34  }
0xfc: {  	v53 =	vld.idx.msk [tilespmem:v59+s16+$0x0], $0xffff;
	v33 =	vor.u32 v32, v33  }
0xfd: {  	v55 =	vmul.f32 v46, v63;
	v54 =	vld.idx.msk [tilespmem:v47+s29+$0x0], $0xffff;
	v34 =	vadd.f32 v52, v34  }
0xfe: {  	v56 =	vld.idx.msk [tilespmem:v47+s14+$0x0], $0xffff  }
0xff: {  	v59 =	vld.idx.msk [tilespmem:v47+s16+$0x0], $0xffff;
	v58 =	vmul.f32 v50, v48;
	v34 =	vadd.f32 v55, v34  }
0x100: {  	v57 =	vld.idx.msk [tilespmem:v47+s15+$0x0], $0xffff  }
0x101: {  	v60 =	vld.idx.msk [tilespmem:v33+s29+$0x0], $0xffff;
	v61 =	vmul.f32 v53, v51;
	v34 =	vadd.f32 v58, v34  }
0x102: {  	v62 =	vld.idx.msk [tilespmem:v33+s14+$0x0], $0xffff  }
0x103: {  	v63 =	vld.idx.msk [tilespmem:v33+s15+$0x0], $0xffff;
	v43 =	vmul.f32 v56, v54;
	v34 =	vadd.f32 v61, v34  }
0x104: {  	v44 =	vld.idx.msk [tilespmem:v33+s16+$0x0], $0xffff  }
0x105: {  	s24 =	simm.s32 $0x10;
	v46 =	vmul.f32 v59, v57;
	v45 =	vadd.f32 v43, v34  }
0x106: {  	v47 =	vmov s24  }
0x107: {  	v35 =	vshll.u32 v47, $0x5;
	v48 =	vmul.f32 v62, v60;
	v34 =	vadd.f32 v46, v45  }
0x108: {  	v33 =	vor.u32 v1, v35  }
0x109: {  	v50 =	vor.u32 v0, v33;
	v49 =	vmul.f32 v44, v63;
	v34 =	vadd.f32 v48, v34;
	_ =	sdelay $0x1  }
0x10a: {  	v34 =	vadd.f32 v49, v34  }
0x10b: {  	s4 =	simm.s32 $0x19FA0  }
0x10c: {  	[tilespmem:s4+$0x0] =	vst v34  }
0x10d: {  	v51 =	vor.u32 v2, v33;
	v52 =	vld.idx.msk [tilespmem:v50+s29+$0x0], $0xffff  }
0x10e: {  	v53 =	vld.idx.msk [tilespmem:v50+s14+$0x0], $0xffff  }
0x10f: {  	v54 =	vld.idx.msk [tilespmem:v50+s15+$0x0], $0xffff  }
0x110: {  	s0 =	simm.s32 $0x19C90;
	v36 =	vld.idx.msk [tilespmem:v50+s16+$0x0], $0xffff  }
0x111: {  	v55 =	vor.u32 v3, v33;
	v56 =	vld [tilespmem:s0+$0x0]  }
0x112: {  	v57 =	vld.idx.msk [tilespmem:v51+s29+$0x0], $0xffff  }
0x113: {  	v58 =	vld.idx.msk [tilespmem:v51+s14+$0x0], $0xffff  }
0x114: {  	v59 =	vld.idx.msk [tilespmem:v51+s15+$0x0], $0xffff;
	v35 =	vmul.f32 v53, v52  }
0x115: {  	v60 =	vor.u32 v4, v33;
	v34 =	vld.idx.msk [tilespmem:v51+s16+$0x0], $0xffff  }
0x116: {  	v61 =	vld.idx.msk [tilespmem:v55+s29+$0x0], $0xffff;
	v36 =	vmul.f32 v36, v54;
	v35 =	vadd.f32 v35, v56  }
0x117: {  	v62 =	vld.idx.msk [tilespmem:v55+s14+$0x0], $0xffff  }
0x118: {  	v63 =	vld.idx.msk [tilespmem:v55+s15+$0x0], $0xffff;
	v47 =	vmul.f32 v58, v57;
	v35 =	vadd.f32 v36, v35  }
0x119: {  	v48 =	vor.u32 v5, v33;
	v39 =	vld.idx.msk [tilespmem:v55+s16+$0x0], $0xffff  }
0x11a: {  	v49 =	vld.idx.msk [tilespmem:v60+s29+$0x0], $0xffff;
	v34 =	vmul.f32 v34, v59;
	v35 =	vadd.f32 v47, v35  }
0x11b: {  	v50 =	vld.idx.msk [tilespmem:v60+s14+$0x0], $0xffff  }
0x11c: {  	v51 =	vld.idx.msk [tilespmem:v60+s15+$0x0], $0xffff;
	v52 =	vmul.f32 v62, v61;
	v34 =	vadd.f32 v34, v35  }
0x11d: {  	v37 =	vld.idx.msk [tilespmem:v60+s16+$0x0], $0xffff;
	v53 =	vor.u32 v6, v33  }
0x11e: {  	v54 =	vld.idx.msk [tilespmem:v48+s29+$0x0], $0xffff;
	v55 =	vmul.f32 v39, v63;
	v34 =	vadd.f32 v52, v34  }
0x11f: {  	v56 =	vld.idx.msk [tilespmem:v48+s14+$0x0], $0xffff  }
0x120: {  	v57 =	vld.idx.msk [tilespmem:v48+s15+$0x0], $0xffff;
	v58 =	vmul.f32 v50, v49;
	v34 =	vadd.f32 v55, v34  }
0x121: {  	v60 =	vor.u32 v7, v33;
	v59 =	vld.idx.msk [tilespmem:v48+s16+$0x0], $0xffff  }
0x122: {  	v62 =	vmul.f32 v37, v51;
	v61 =	vld.idx.msk [tilespmem:v53+s29+$0x0], $0xffff;
	v34 =	vadd.f32 v58, v34  }
0x123: {  	v63 =	vld.idx.msk [tilespmem:v53+s14+$0x0], $0xffff  }
0x124: {  	v48 =	vld.idx.msk [tilespmem:v53+s15+$0x0], $0xffff;
	v49 =	vmul.f32 v56, v54;
	v34 =	vadd.f32 v62, v34  }
0x125: {  	v50 =	vor.u32 v8, v33;
	v38 =	vld.idx.msk [tilespmem:v53+s16+$0x0], $0xffff  }
0x126: {  	v51 =	vld.idx.msk [tilespmem:v60+s29+$0x0], $0xffff;
	v52 =	vmul.f32 v59, v57;
	v34 =	vadd.f32 v49, v34  }
0x127: {  	v53 =	vld.idx.msk [tilespmem:v60+s14+$0x0], $0xffff  }
0x128: {  	v54 =	vld.idx.msk [tilespmem:v60+s15+$0x0], $0xffff;
	v55 =	vmul.f32 v63, v61;
	v34 =	vadd.f32 v52, v34  }
0x129: {  	v56 =	vld.idx.msk [tilespmem:v60+s16+$0x0], $0xffff;
	v57 =	vor.u32 v9, v33  }
0x12a: {  	v60 =	vld.idx.msk [tilespmem:v50+s14+$0x0], $0xffff;
	v59 =	vmul.f32 v38, v48;
	v34 =	vadd.f32 v55, v34  }
0x12b: {  	v58 =	vld.idx.msk [tilespmem:v50+s29+$0x0], $0xffff  }
0x12c: {  	v61 =	vld.idx.msk [tilespmem:v50+s15+$0x0], $0xffff;
	v62 =	vmul.f32 v53, v51;
	v34 =	vadd.f32 v59, v34  }
0x12d: {  	v48 =	vor.u32 v10, v33;
	v63 =	vld.idx.msk [tilespmem:v50+s16+$0x0], $0xffff  }
0x12e: {  	v50 =	vmul.f32 v56, v54;
	v51 =	vld.idx.msk [tilespmem:v57+s14+$0x0], $0xffff;
	v34 =	vadd.f32 v62, v34  }
0x12f: {  	v49 =	vld.idx.msk [tilespmem:v57+s29+$0x0], $0xffff  }
0x130: {  	v54 =	vld.idx.msk [tilespmem:v57+s16+$0x0], $0xffff;
	v53 =	vmul.f32 v60, v58;
	v34 =	vadd.f32 v50, v34  }
0x131: {  	v52 =	vld.idx.msk [tilespmem:v57+s15+$0x0], $0xffff;
	v55 =	vor.u32 v11, v33  }
0x132: {  	v56 =	vld.idx.msk [tilespmem:v48+s29+$0x0], $0xffff;
	v57 =	vmul.f32 v63, v61;
	v34 =	vadd.f32 v53, v34  }
0x133: {  	v58 =	vld.idx.msk [tilespmem:v48+s14+$0x0], $0xffff  }
0x134: {  	v61 =	vld.idx.msk [tilespmem:v48+s16+$0x0], $0xffff;
	v60 =	vmul.f32 v51, v49;
	v34 =	vadd.f32 v57, v34  }
0x135: {  	v59 =	vld.idx.msk [tilespmem:v48+s15+$0x0], $0xffff;
	v62 =	vor.u32 v12, v33  }
0x136: {  	v47 =	vmul.f32 v54, v52;
	v63 =	vld.idx.msk [tilespmem:v55+s29+$0x0], $0xffff;
	v34 =	vadd.f32 v60, v34  }
0x137: {  	v48 =	vld.idx.msk [tilespmem:v55+s14+$0x0], $0xffff  }
0x138: {  	v49 =	vld.idx.msk [tilespmem:v55+s15+$0x0], $0xffff;
	v50 =	vmul.f32 v58, v56;
	v34 =	vadd.f32 v47, v34  }
0x139: {  	v52 =	vor.u32 v13, v33;
	v51 =	vld.idx.msk [tilespmem:v55+s16+$0x0], $0xffff  }
0x13a: {  	v54 =	vmul.f32 v61, v59;
	v53 =	vld.idx.msk [tilespmem:v62+s29+$0x0], $0xffff;
	v34 =	vadd.f32 v50, v34  }
0x13b: {  	v55 =	vld.idx.msk [tilespmem:v62+s14+$0x0], $0xffff  }
0x13c: {  	v56 =	vld.idx.msk [tilespmem:v62+s15+$0x0], $0xffff;
	v57 =	vmul.f32 v48, v63;
	v34 =	vadd.f32 v54, v34  }
0x13d: {  	v59 =	vor.u32 v14, v33;
	v58 =	vld.idx.msk [tilespmem:v62+s16+$0x0], $0xffff  }
0x13e: {  	v62 =	vld.idx.msk [tilespmem:v52+s14+$0x0], $0xffff;
	v61 =	vmul.f32 v51, v49;
	v34 =	vadd.f32 v57, v34  }
0x13f: {  	v60 =	vld.idx.msk [tilespmem:v52+s29+$0x0], $0xffff  }
0x140: {  	v63 =	vld.idx.msk [tilespmem:v52+s15+$0x0], $0xffff;
	v48 =	vmul.f32 v55, v53;
	v34 =	vadd.f32 v61, v34  }
0x141: {  	v49 =	vld.idx.msk [tilespmem:v52+s16+$0x0], $0xffff;
	v50 =	vor.u32 v15, v33  }
0x142: {  	v51 =	vld.idx.msk [tilespmem:v59+s29+$0x0], $0xffff;
	v52 =	vmul.f32 v58, v56;
	v34 =	vadd.f32 v48, v34  }
0x143: {  	v53 =	vld.idx.msk [tilespmem:v59+s14+$0x0], $0xffff  }
0x144: {  	v56 =	vld.idx.msk [tilespmem:v59+s16+$0x0], $0xffff;
	v55 =	vmul.f32 v62, v60;
	v34 =	vadd.f32 v52, v34  }
0x145: {  	v54 =	vld.idx.msk [tilespmem:v59+s15+$0x0], $0xffff;
	v57 =	vor.u32 v16, v33  }
0x146: {  	v59 =	vmul.f32 v49, v63;
	v58 =	vld.idx.msk [tilespmem:v50+s29+$0x0], $0xffff;
	v34 =	vadd.f32 v55, v34  }
0x147: {  	v60 =	vld.idx.msk [tilespmem:v50+s14+$0x0], $0xffff  }
0x148: {  	v62 =	vmul.f32 v53, v51;
	v63 =	vld.idx.msk [tilespmem:v50+s16+$0x0], $0xffff;
	v34 =	vadd.f32 v59, v34  }
0x149: {  	v61 =	vld.idx.msk [tilespmem:v50+s15+$0x0], $0xffff;
	v48 =	vor.u32 v28, v33  }
0x14a: {  	v50 =	vmul.f32 v56, v54;
	v49 =	vld.idx.msk [tilespmem:v57+s29+$0x0], $0xffff;
	v34 =	vadd.f32 v62, v34  }
0x14b: {  	v51 =	vld.idx.msk [tilespmem:v57+s14+$0x0], $0xffff  }
0x14c: {  	v54 =	vld.idx.msk [tilespmem:v57+s16+$0x0], $0xffff;
	v53 =	vmul.f32 v60, v58;
	v34 =	vadd.f32 v50, v34  }
0x14d: {  	v52 =	vld.idx.msk [tilespmem:v57+s15+$0x0], $0xffff;
	v55 =	vor.u32 v17, v33  }
0x14e: {  	v57 =	vmul.f32 v63, v61;
	v56 =	vld.idx.msk [tilespmem:v48+s29+$0x0], $0xffff;
	v34 =	vadd.f32 v53, v34  }
0x14f: {  	v58 =	vld.idx.msk [tilespmem:v48+s14+$0x0], $0xffff  }
0x150: {  	v61 =	vld.idx.msk [tilespmem:v48+s16+$0x0], $0xffff;
	v60 =	vmul.f32 v51, v49;
	v34 =	vadd.f32 v57, v34  }
0x151: {  	v59 =	vld.idx.msk [tilespmem:v48+s15+$0x0], $0xffff;
	v62 =	vor.u32 v19, v33  }
0x152: {  	v47 =	vmul.f32 v54, v52;
	v63 =	vld.idx.msk [tilespmem:v55+s29+$0x0], $0xffff;
	v34 =	vadd.f32 v60, v34  }
0x153: {  	v48 =	vld.idx.msk [tilespmem:v55+s14+$0x0], $0xffff  }
0x154: {  	v49 =	vld.idx.msk [tilespmem:v55+s15+$0x0], $0xffff;
	v50 =	vmul.f32 v58, v56;
	v34 =	vadd.f32 v47, v34  }
0x155: {  	v52 =	vor.u32 v20, v33;
	v51 =	vld.idx.msk [tilespmem:v55+s16+$0x0], $0xffff  }
0x156: {  	v54 =	vmul.f32 v61, v59;
	v53 =	vld.idx.msk [tilespmem:v62+s29+$0x0], $0xffff;
	v34 =	vadd.f32 v50, v34  }
0x157: {  	v55 =	vld.idx.msk [tilespmem:v62+s14+$0x0], $0xffff  }
0x158: {  	v56 =	vld.idx.msk [tilespmem:v62+s15+$0x0], $0xffff;
	v57 =	vmul.f32 v48, v63;
	v34 =	vadd.f32 v54, v34  }
0x159: {  	v59 =	vor.u32 v18, v33;
	v58 =	vld.idx.msk [tilespmem:v62+s16+$0x0], $0xffff  }
0x15a: {  	v62 =	vld.idx.msk [tilespmem:v52+s14+$0x0], $0xffff;
	v61 =	vmul.f32 v51, v49;
	v34 =	vadd.f32 v57, v34  }
0x15b: {  	v60 =	vld.idx.msk [tilespmem:v52+s29+$0x0], $0xffff  }
0x15c: {  	v63 =	vld.idx.msk [tilespmem:v52+s15+$0x0], $0xffff;
	v48 =	vmul.f32 v55, v53;
	v34 =	vadd.f32 v61, v34  }
0x15d: {  	v49 =	vld.idx.msk [tilespmem:v52+s16+$0x0], $0xffff;
	v50 =	vor.u32 v21, v33  }
0x15e: {  	v51 =	vld.idx.msk [tilespmem:v59+s29+$0x0], $0xffff;
	v52 =	vmul.f32 v58, v56;
	v34 =	vadd.f32 v48, v34  }
0x15f: {  	v53 =	vld.idx.msk [tilespmem:v59+s14+$0x0], $0xffff  }
0x160: {  	v56 =	vld.idx.msk [tilespmem:v59+s16+$0x0], $0xffff;
	v55 =	vmul.f32 v62, v60;
	v34 =	vadd.f32 v52, v34  }
0x161: {  	v54 =	vld.idx.msk [tilespmem:v59+s15+$0x0], $0xffff;
	v57 =	vor.u32 v22, v33  }
0x162: {  	v59 =	vmul.f32 v49, v63;
	v58 =	vld.idx.msk [tilespmem:v50+s29+$0x0], $0xffff;
	v34 =	vadd.f32 v55, v34  }
0x163: {  	v60 =	vld.idx.msk [tilespmem:v50+s14+$0x0], $0xffff  }
0x164: {  	v62 =	vmul.f32 v53, v51;
	v63 =	vld.idx.msk [tilespmem:v50+s16+$0x0], $0xffff;
	v34 =	vadd.f32 v59, v34  }
0x165: {  	v61 =	vld.idx.msk [tilespmem:v50+s15+$0x0], $0xffff;
	v48 =	vor.u32 v23, v33  }
0x166: {  	v50 =	vmul.f32 v56, v54;
	v49 =	vld.idx.msk [tilespmem:v57+s29+$0x0], $0xffff;
	v34 =	vadd.f32 v62, v34  }
0x167: {  	v51 =	vld.idx.msk [tilespmem:v57+s14+$0x0], $0xffff  }
0x168: {  	v54 =	vld.idx.msk [tilespmem:v57+s16+$0x0], $0xffff;
	v53 =	vmul.f32 v60, v58;
	v34 =	vadd.f32 v50, v34  }
0x169: {  	v52 =	vld.idx.msk [tilespmem:v57+s15+$0x0], $0xffff;
	v55 =	vor.u32 v24, v33  }
0x16a: {  	v57 =	vmul.f32 v63, v61;
	v56 =	vld.idx.msk [tilespmem:v48+s29+$0x0], $0xffff;
	v34 =	vadd.f32 v53, v34  }
0x16b: {  	v58 =	vld.idx.msk [tilespmem:v48+s14+$0x0], $0xffff  }
0x16c: {  	v61 =	vld.idx.msk [tilespmem:v48+s16+$0x0], $0xffff;
	v60 =	vmul.f32 v51, v49;
	v34 =	vadd.f32 v57, v34  }
0x16d: {  	v59 =	vld.idx.msk [tilespmem:v48+s15+$0x0], $0xffff;
	v62 =	vor.u32 v25, v33  }
0x16e: {  	v47 =	vmul.f32 v54, v52;
	v63 =	vld.idx.msk [tilespmem:v55+s29+$0x0], $0xffff;
	v34 =	vadd.f32 v60, v34  }
0x16f: {  	v48 =	vld.idx.msk [tilespmem:v55+s14+$0x0], $0xffff  }
0x170: {  	v49 =	vld.idx.msk [tilespmem:v55+s15+$0x0], $0xffff;
	v50 =	vmul.f32 v58, v56;
	v34 =	vadd.f32 v47, v34  }
0x171: {  	v52 =	vor.u32 v26, v33;
	v51 =	vld.idx.msk [tilespmem:v55+s16+$0x0], $0xffff  }
0x172: {  	v54 =	vmul.f32 v61, v59;
	v53 =	vld.idx.msk [tilespmem:v62+s29+$0x0], $0xffff;
	v34 =	vadd.f32 v50, v34  }
0x173: {  	v55 =	vld.idx.msk [tilespmem:v62+s14+$0x0], $0xffff  }
0x174: {  	v56 =	vld.idx.msk [tilespmem:v62+s15+$0x0], $0xffff;
	v57 =	vmul.f32 v48, v63;
	v34 =	vadd.f32 v54, v34  }
0x175: {  	v59 =	vor.u32 v27, v33;
	v58 =	vld.idx.msk [tilespmem:v62+s16+$0x0], $0xffff  }
0x176: {  	v62 =	vld.idx.msk [tilespmem:v52+s14+$0x0], $0xffff;
	v61 =	vmul.f32 v51, v49;
	v34 =	vadd.f32 v57, v34  }
0x177: {  	v60 =	vld.idx.msk [tilespmem:v52+s29+$0x0], $0xffff  }
0x178: {  	v63 =	vld.idx.msk [tilespmem:v52+s15+$0x0], $0xffff;
	v48 =	vmul.f32 v55, v53;
	v34 =	vadd.f32 v61, v34  }
0x179: {  	v49 =	vld.idx.msk [tilespmem:v52+s16+$0x0], $0xffff;
	v50 =	vor.u32 v29, v33  }
0x17a: {  	v51 =	vld.idx.msk [tilespmem:v59+s29+$0x0], $0xffff;
	v52 =	vmul.f32 v58, v56;
	v34 =	vadd.f32 v48, v34  }
0x17b: {  	v53 =	vld.idx.msk [tilespmem:v59+s14+$0x0], $0xffff  }
0x17c: {  	v56 =	vld.idx.msk [tilespmem:v59+s16+$0x0], $0xffff;
	v55 =	vmul.f32 v62, v60;
	v34 =	vadd.f32 v52, v34  }
0x17d: {  	v54 =	vld.idx.msk [tilespmem:v59+s15+$0x0], $0xffff;
	v57 =	vor.u32 v30, v33  }
0x17e: {  	v59 =	vmul.f32 v49, v63;
	v58 =	vld.idx.msk [tilespmem:v50+s29+$0x0], $0xffff;
	v34 =	vadd.f32 v55, v34  }
0x17f: {  	v60 =	vld.idx.msk [tilespmem:v50+s14+$0x0], $0xffff  }
0x180: {  	v62 =	vmul.f32 v53, v51;
	v63 =	vld.idx.msk [tilespmem:v50+s16+$0x0], $0xffff;
	v34 =	vadd.f32 v59, v34  }
0x181: {  	v45 =	vor.u32 v31, v33;
	v61 =	vld.idx.msk [tilespmem:v50+s15+$0x0], $0xffff  }
0x182: {  	v47 =	vmul.f32 v56, v54;
	v46 =	vld.idx.msk [tilespmem:v57+s29+$0x0], $0xffff;
	v34 =	vadd.f32 v62, v34  }
0x183: {  	v48 =	vld.idx.msk [tilespmem:v57+s14+$0x0], $0xffff  }
0x184: {  	v49 =	vld.idx.msk [tilespmem:v57+s15+$0x0], $0xffff;
	v50 =	vmul.f32 v60, v58;
	v34 =	vadd.f32 v47, v34  }
0x185: {  	v51 =	vld.idx.msk [tilespmem:v57+s16+$0x0], $0xffff  }
0x186: {  	v33 =	vor.u32 v32, v33;
	v54 =	vld.idx.msk [tilespmem:v45+s14+$0x0], $0xffff;
	v53 =	vmul.f32 v63, v61;
	v34 =	vadd.f32 v50, v34  }
0x187: {  	v52 =	vld.idx.msk [tilespmem:v45+s29+$0x0], $0xffff  }
0x188: {  	v56 =	vmul.f32 v48, v46;
	v34 =	vadd.f32 v53, v34  }
0x189: {  	v57 =	vld.idx.msk [tilespmem:v45+s16+$0x0], $0xffff  }
0x18a: {  	v55 =	vld.idx.msk [tilespmem:v45+s15+$0x0], $0xffff;
	v59 =	vmul.f32 v51, v49;
	v34 =	vadd.f32 v56, v34  }
0x18b: {  	v58 =	vld.idx.msk [tilespmem:v33+s29+$0x0], $0xffff  }
0x18c: {  	v60 =	vld.idx.msk [tilespmem:v33+s14+$0x0], $0xffff;
	v61 =	vmul.f32 v54, v52;
	v34 =	vadd.f32 v59, v34  }
0x18d: {  	v35 =	vld.idx.msk [tilespmem:v33+s16+$0x0], $0xffff  }
0x18e: {  	v36 =	vadd.f32 v61, v34;
	v34 =	vld.idx.msk [tilespmem:v33+s15+$0x0], $0xffff  }
0x18f: {  	s26 =	simm.s32 $0x20;
	v37 =	vmul.f32 v57, v55  }
0x190: {  	v62 =	vmov s26  }
0x191: {  	v63 =	vshll.u32 v62, $0x5;
	v36 =	vadd.f32 v37, v36;
	v37 =	vmul.f32 v60, v58  }
0x192: {  	s10 =	simm.s32 $0x30;
	v33 =	vor.u32 v1, v63  }
.LBB2_3:
0x193: {  	p1 =	sne.s32 s10, $0x180;
	v38 =	vor.u32 v2, v33;
	v36 =	vadd.f32 v37, v36;
	v34 =	vmul.f32 v35, v34  }
0x194: {  	v35 =	vor.u32 v0, v33  }
0x195: {  	v34 =	vadd.f32 v34, v36  }
0x196: {  	s4 =	sadd.s32 $0x10, s4  }
0x197: {  	[tilespmem:s4+$0x0] =	vst v34  }
0x198: {  	v34 =	vld.idx.msk [tilespmem:v38+s29+$0x0], $0xffff  }
0x199: {  	v36 =	vld.idx.msk [tilespmem:v35+s29+$0x0], $0xffff  }
0x19a: {  	v37 =	vld.idx.msk [tilespmem:v35+s14+$0x0], $0xffff  }
0x19b: {  	v39 =	vld.idx.msk [tilespmem:v35+s15+$0x0], $0xffff  }
0x19c: {  	v40 =	vor.u32 v3, v33;
	s0 =	sadd.s32 $0x10, s0;
	v35 =	vld.idx.msk [tilespmem:v35+s16+$0x0], $0xffff  }
0x19d: {  	v41 =	vld [tilespmem:s0+$0x0]  }
0x19e: {  	v42 =	vld.idx.msk [tilespmem:v38+s14+$0x0], $0xffff  }
0x19f: {  	v43 =	vld.idx.msk [tilespmem:v38+s15+$0x0], $0xffff  }
0x1a0: {  	v36 =	vmul.f32 v37, v36;
	v37 =	vld.idx.msk [tilespmem:v38+s16+$0x0], $0xffff;
	v38 =	vor.u32 v4, v33  }
0x1a1: {  	v44 =	vld.idx.msk [tilespmem:v40+s29+$0x0], $0xffff  }
0x1a2: {  	v35 =	vmul.f32 v35, v39;
	v36 =	vadd.f32 v36, v41;
	v39 =	vld.idx.msk [tilespmem:v40+s14+$0x0], $0xffff  }
0x1a3: {  	v41 =	vld.idx.msk [tilespmem:v40+s15+$0x0], $0xffff  }
0x1a4: {  	v34 =	vmul.f32 v42, v34;
	v35 =	vadd.f32 v35, v36;
	v36 =	vld.idx.msk [tilespmem:v40+s16+$0x0], $0xffff;
	v40 =	vor.u32 v5, v33  }
0x1a5: {  	v42 =	vld.idx.msk [tilespmem:v38+s29+$0x0], $0xffff  }
0x1a6: {  	v34 =	vadd.f32 v34, v35;
	v35 =	vmul.f32 v37, v43;
	v37 =	vld.idx.msk [tilespmem:v38+s14+$0x0], $0xffff  }
0x1a7: {  	v43 =	vld.idx.msk [tilespmem:v38+s15+$0x0], $0xffff  }
0x1a8: {  	v34 =	vadd.f32 v35, v34;
	v35 =	vmul.f32 v39, v44;
	v38 =	vld.idx.msk [tilespmem:v38+s16+$0x0], $0xffff;
	v39 =	vor.u32 v6, v33  }
0x1a9: {  	v44 =	vld.idx.msk [tilespmem:v40+s29+$0x0], $0xffff  }
0x1aa: {  	v34 =	vadd.f32 v35, v34;
	v35 =	vmul.f32 v36, v41;
	v36 =	vld.idx.msk [tilespmem:v40+s14+$0x0], $0xffff  }
0x1ab: {  	v41 =	vld.idx.msk [tilespmem:v40+s15+$0x0], $0xffff  }
0x1ac: {  	v34 =	vadd.f32 v35, v34;
	v35 =	vmul.f32 v37, v42;
	v37 =	vld.idx.msk [tilespmem:v40+s16+$0x0], $0xffff;
	v40 =	vor.u32 v7, v33  }
0x1ad: {  	v42 =	vld.idx.msk [tilespmem:v39+s29+$0x0], $0xffff  }
0x1ae: {  	v34 =	vadd.f32 v35, v34;
	v35 =	vmul.f32 v38, v43;
	v38 =	vld.idx.msk [tilespmem:v39+s14+$0x0], $0xffff  }
0x1af: {  	v43 =	vld.idx.msk [tilespmem:v39+s15+$0x0], $0xffff  }
0x1b0: {  	v34 =	vadd.f32 v35, v34;
	v35 =	vmul.f32 v36, v44;
	v36 =	vld.idx.msk [tilespmem:v39+s16+$0x0], $0xffff;
	v39 =	vor.u32 v8, v33  }
0x1b1: {  	v44 =	vld.idx.msk [tilespmem:v40+s29+$0x0], $0xffff  }
0x1b2: {  	v34 =	vadd.f32 v35, v34;
	v35 =	vmul.f32 v37, v41;
	v37 =	vld.idx.msk [tilespmem:v40+s14+$0x0], $0xffff  }
0x1b3: {  	v41 =	vld.idx.msk [tilespmem:v40+s15+$0x0], $0xffff  }
0x1b4: {  	v34 =	vadd.f32 v35, v34;
	v35 =	vmul.f32 v38, v42;
	v38 =	vld.idx.msk [tilespmem:v40+s16+$0x0], $0xffff;
	v40 =	vor.u32 v9, v33  }
0x1b5: {  	v42 =	vld.idx.msk [tilespmem:v39+s29+$0x0], $0xffff  }
0x1b6: {  	v34 =	vadd.f32 v35, v34;
	v35 =	vmul.f32 v36, v43;
	v36 =	vld.idx.msk [tilespmem:v39+s14+$0x0], $0xffff  }
0x1b7: {  	v43 =	vld.idx.msk [tilespmem:v39+s15+$0x0], $0xffff  }
0x1b8: {  	v34 =	vadd.f32 v35, v34;
	v35 =	vmul.f32 v37, v44;
	v37 =	vld.idx.msk [tilespmem:v39+s16+$0x0], $0xffff;
	v39 =	vor.u32 v10, v33  }
0x1b9: {  	v44 =	vld.idx.msk [tilespmem:v40+s29+$0x0], $0xffff  }
0x1ba: {  	v34 =	vadd.f32 v35, v34;
	v35 =	vmul.f32 v38, v41;
	v38 =	vld.idx.msk [tilespmem:v40+s14+$0x0], $0xffff  }
0x1bb: {  	v41 =	vld.idx.msk [tilespmem:v40+s15+$0x0], $0xffff  }
0x1bc: {  	v34 =	vadd.f32 v35, v34;
	v35 =	vmul.f32 v36, v42;
	v36 =	vld.idx.msk [tilespmem:v40+s16+$0x0], $0xffff;
	v40 =	vor.u32 v11, v33  }
0x1bd: {  	v42 =	vld.idx.msk [tilespmem:v39+s29+$0x0], $0xffff  }
0x1be: {  	v34 =	vadd.f32 v35, v34;
	v35 =	vmul.f32 v37, v43;
	v37 =	vld.idx.msk [tilespmem:v39+s14+$0x0], $0xffff  }
0x1bf: {  	v43 =	vld.idx.msk [tilespmem:v39+s15+$0x0], $0xffff  }
0x1c0: {  	v34 =	vadd.f32 v35, v34;
	v35 =	vmul.f32 v38, v44;
	v38 =	vld.idx.msk [tilespmem:v39+s16+$0x0], $0xffff;
	v39 =	vor.u32 v12, v33  }
0x1c1: {  	v44 =	vld.idx.msk [tilespmem:v40+s29+$0x0], $0xffff  }
0x1c2: {  	v34 =	vadd.f32 v35, v34;
	v35 =	vmul.f32 v36, v41;
	v36 =	vld.idx.msk [tilespmem:v40+s14+$0x0], $0xffff  }
0x1c3: {  	v41 =	vld.idx.msk [tilespmem:v40+s15+$0x0], $0xffff  }
0x1c4: {  	v34 =	vadd.f32 v35, v34;
	v35 =	vmul.f32 v37, v42;
	v37 =	vld.idx.msk [tilespmem:v40+s16+$0x0], $0xffff;
	v40 =	vor.u32 v13, v33  }
0x1c5: {  	v42 =	vld.idx.msk [tilespmem:v39+s29+$0x0], $0xffff  }
0x1c6: {  	v34 =	vadd.f32 v35, v34;
	v35 =	vmul.f32 v38, v43;
	v38 =	vld.idx.msk [tilespmem:v39+s14+$0x0], $0xffff  }
0x1c7: {  	v43 =	vld.idx.msk [tilespmem:v39+s15+$0x0], $0xffff  }
0x1c8: {  	v34 =	vadd.f32 v35, v34;
	v35 =	vmul.f32 v36, v44;
	v36 =	vld.idx.msk [tilespmem:v39+s16+$0x0], $0xffff;
	v39 =	vor.u32 v14, v33  }
0x1c9: {  	v44 =	vld.idx.msk [tilespmem:v40+s29+$0x0], $0xffff  }
0x1ca: {  	v34 =	vadd.f32 v35, v34;
	v35 =	vmul.f32 v37, v41;
	v37 =	vld.idx.msk [tilespmem:v40+s14+$0x0], $0xffff  }
0x1cb: {  	v41 =	vld.idx.msk [tilespmem:v40+s15+$0x0], $0xffff  }
0x1cc: {  	v34 =	vadd.f32 v35, v34;
	v35 =	vmul.f32 v38, v42;
	v38 =	vld.idx.msk [tilespmem:v40+s16+$0x0], $0xffff;
	v40 =	vor.u32 v15, v33  }
0x1cd: {  	v42 =	vld.idx.msk [tilespmem:v39+s29+$0x0], $0xffff  }
0x1ce: {  	v34 =	vadd.f32 v35, v34;
	v35 =	vmul.f32 v36, v43;
	v36 =	vld.idx.msk [tilespmem:v39+s14+$0x0], $0xffff  }
0x1cf: {  	v43 =	vld.idx.msk [tilespmem:v39+s15+$0x0], $0xffff  }
0x1d0: {  	v34 =	vadd.f32 v35, v34;
	v35 =	vmul.f32 v37, v44;
	v37 =	vld.idx.msk [tilespmem:v39+s16+$0x0], $0xffff;
	v39 =	vor.u32 v16, v33  }
0x1d1: {  	v44 =	vld.idx.msk [tilespmem:v40+s29+$0x0], $0xffff  }
0x1d2: {  	v34 =	vadd.f32 v35, v34;
	v35 =	vmul.f32 v38, v41;
	v38 =	vld.idx.msk [tilespmem:v40+s14+$0x0], $0xffff  }
0x1d3: {  	v41 =	vld.idx.msk [tilespmem:v40+s15+$0x0], $0xffff  }
0x1d4: {  	v34 =	vadd.f32 v35, v34;
	v35 =	vmul.f32 v36, v42;
	v36 =	vld.idx.msk [tilespmem:v40+s16+$0x0], $0xffff;
	v40 =	vor.u32 v28, v33  }
0x1d5: {  	v42 =	vld.idx.msk [tilespmem:v39+s29+$0x0], $0xffff  }
0x1d6: {  	v34 =	vadd.f32 v35, v34;
	v35 =	vmul.f32 v37, v43;
	v37 =	vld.idx.msk [tilespmem:v39+s14+$0x0], $0xffff  }
0x1d7: {  	v43 =	vld.idx.msk [tilespmem:v39+s15+$0x0], $0xffff  }
0x1d8: {  	v34 =	vadd.f32 v35, v34;
	v35 =	vmul.f32 v38, v44;
	v38 =	vld.idx.msk [tilespmem:v39+s16+$0x0], $0xffff;
	v39 =	vor.u32 v17, v33  }
0x1d9: {  	v44 =	vld.idx.msk [tilespmem:v40+s29+$0x0], $0xffff  }
0x1da: {  	v34 =	vadd.f32 v35, v34;
	v35 =	vmul.f32 v36, v41;
	v36 =	vld.idx.msk [tilespmem:v40+s14+$0x0], $0xffff  }
0x1db: {  	v41 =	vld.idx.msk [tilespmem:v40+s15+$0x0], $0xffff  }
0x1dc: {  	v34 =	vadd.f32 v35, v34;
	v35 =	vmul.f32 v37, v42;
	v37 =	vld.idx.msk [tilespmem:v40+s16+$0x0], $0xffff;
	v40 =	vor.u32 v19, v33  }
0x1dd: {  	v42 =	vld.idx.msk [tilespmem:v39+s29+$0x0], $0xffff  }
0x1de: {  	v34 =	vadd.f32 v35, v34;
	v35 =	vmul.f32 v38, v43;
	v38 =	vld.idx.msk [tilespmem:v39+s14+$0x0], $0xffff  }
0x1df: {  	v43 =	vld.idx.msk [tilespmem:v39+s15+$0x0], $0xffff  }
0x1e0: {  	v34 =	vadd.f32 v35, v34;
	v35 =	vmul.f32 v36, v44;
	v36 =	vld.idx.msk [tilespmem:v39+s16+$0x0], $0xffff;
	v39 =	vor.u32 v20, v33  }
0x1e1: {  	v44 =	vld.idx.msk [tilespmem:v40+s29+$0x0], $0xffff  }
0x1e2: {  	v34 =	vadd.f32 v35, v34;
	v35 =	vmul.f32 v37, v41;
	v37 =	vld.idx.msk [tilespmem:v40+s14+$0x0], $0xffff  }
0x1e3: {  	v41 =	vld.idx.msk [tilespmem:v40+s15+$0x0], $0xffff  }
0x1e4: {  	v34 =	vadd.f32 v35, v34;
	v35 =	vmul.f32 v38, v42;
	v38 =	vld.idx.msk [tilespmem:v40+s16+$0x0], $0xffff;
	v40 =	vor.u32 v18, v33  }
0x1e5: {  	v42 =	vld.idx.msk [tilespmem:v39+s29+$0x0], $0xffff  }
0x1e6: {  	v34 =	vadd.f32 v35, v34;
	v35 =	vmul.f32 v36, v43;
	v36 =	vld.idx.msk [tilespmem:v39+s14+$0x0], $0xffff  }
0x1e7: {  	v43 =	vld.idx.msk [tilespmem:v39+s15+$0x0], $0xffff  }
0x1e8: {  	v34 =	vadd.f32 v35, v34;
	v35 =	vmul.f32 v37, v44;
	v37 =	vld.idx.msk [tilespmem:v39+s16+$0x0], $0xffff;
	v39 =	vor.u32 v21, v33  }
0x1e9: {  	v44 =	vld.idx.msk [tilespmem:v40+s29+$0x0], $0xffff  }
0x1ea: {  	v34 =	vadd.f32 v35, v34;
	v35 =	vmul.f32 v38, v41;
	v38 =	vld.idx.msk [tilespmem:v40+s14+$0x0], $0xffff  }
0x1eb: {  	v41 =	vld.idx.msk [tilespmem:v40+s15+$0x0], $0xffff  }
0x1ec: {  	v34 =	vadd.f32 v35, v34;
	v35 =	vmul.f32 v36, v42;
	v36 =	vld.idx.msk [tilespmem:v40+s16+$0x0], $0xffff;
	v40 =	vor.u32 v22, v33  }
0x1ed: {  	v42 =	vld.idx.msk [tilespmem:v39+s29+$0x0], $0xffff  }
0x1ee: {  	v34 =	vadd.f32 v35, v34;
	v35 =	vmul.f32 v37, v43;
	v37 =	vld.idx.msk [tilespmem:v39+s14+$0x0], $0xffff  }
0x1ef: {  	v43 =	vld.idx.msk [tilespmem:v39+s15+$0x0], $0xffff  }
0x1f0: {  	v34 =	vadd.f32 v35, v34;
	v35 =	vmul.f32 v38, v44;
	v38 =	vld.idx.msk [tilespmem:v39+s16+$0x0], $0xffff;
	v39 =	vor.u32 v23, v33  }
0x1f1: {  	v44 =	vld.idx.msk [tilespmem:v40+s29+$0x0], $0xffff  }
0x1f2: {  	v34 =	vadd.f32 v35, v34;
	v35 =	vmul.f32 v36, v41;
	v36 =	vld.idx.msk [tilespmem:v40+s14+$0x0], $0xffff  }
0x1f3: {  	v41 =	vld.idx.msk [tilespmem:v40+s15+$0x0], $0xffff  }
0x1f4: {  	v34 =	vadd.f32 v35, v34;
	v35 =	vmul.f32 v37, v42;
	v37 =	vld.idx.msk [tilespmem:v40+s16+$0x0], $0xffff;
	v40 =	vor.u32 v24, v33  }
0x1f5: {  	v42 =	vld.idx.msk [tilespmem:v39+s29+$0x0], $0xffff  }
0x1f6: {  	v34 =	vadd.f32 v35, v34;
	v35 =	vmul.f32 v38, v43;
	v38 =	vld.idx.msk [tilespmem:v39+s14+$0x0], $0xffff  }
0x1f7: {  	v43 =	vld.idx.msk [tilespmem:v39+s15+$0x0], $0xffff  }
0x1f8: {  	v34 =	vadd.f32 v35, v34;
	v35 =	vmul.f32 v36, v44;
	v36 =	vld.idx.msk [tilespmem:v39+s16+$0x0], $0xffff;
	v39 =	vor.u32 v25, v33  }
0x1f9: {  	v44 =	vld.idx.msk [tilespmem:v40+s29+$0x0], $0xffff  }
0x1fa: {  	v34 =	vadd.f32 v35, v34;
	v35 =	vmul.f32 v37, v41;
	v37 =	vld.idx.msk [tilespmem:v40+s14+$0x0], $0xffff  }
0x1fb: {  	v41 =	vld.idx.msk [tilespmem:v40+s15+$0x0], $0xffff  }
0x1fc: {  	v34 =	vadd.f32 v35, v34;
	v35 =	vmul.f32 v38, v42;
	v38 =	vld.idx.msk [tilespmem:v40+s16+$0x0], $0xffff;
	v40 =	vor.u32 v26, v33  }
0x1fd: {  	v42 =	vld.idx.msk [tilespmem:v39+s29+$0x0], $0xffff  }
0x1fe: {  	v34 =	vadd.f32 v35, v34;
	v35 =	vmul.f32 v36, v43;
	v36 =	vld.idx.msk [tilespmem:v39+s14+$0x0], $0xffff  }
0x1ff: {  	v43 =	vld.idx.msk [tilespmem:v39+s15+$0x0], $0xffff  }
0x200: {  	v34 =	vadd.f32 v35, v34;
	v35 =	vmul.f32 v37, v44;
	v37 =	vld.idx.msk [tilespmem:v39+s16+$0x0], $0xffff;
	v39 =	vor.u32 v27, v33  }
0x201: {  	v44 =	vld.idx.msk [tilespmem:v40+s29+$0x0], $0xffff  }
0x202: {  	v34 =	vadd.f32 v35, v34;
	v35 =	vmul.f32 v38, v41;
	v38 =	vld.idx.msk [tilespmem:v40+s14+$0x0], $0xffff  }
0x203: {  	v41 =	vld.idx.msk [tilespmem:v40+s15+$0x0], $0xffff  }
0x204: {  	v34 =	vadd.f32 v35, v34;
	v35 =	vmul.f32 v36, v42;
	v36 =	vld.idx.msk [tilespmem:v40+s16+$0x0], $0xffff;
	v40 =	vor.u32 v29, v33  }
0x205: {  	v42 =	vld.idx.msk [tilespmem:v39+s29+$0x0], $0xffff  }
0x206: {  	v34 =	vadd.f32 v35, v34;
	v35 =	vmul.f32 v37, v43;
	v37 =	vld.idx.msk [tilespmem:v39+s14+$0x0], $0xffff  }
0x207: {  	v43 =	vld.idx.msk [tilespmem:v39+s15+$0x0], $0xffff  }
0x208: {  	v34 =	vadd.f32 v35, v34;
	v35 =	vmul.f32 v38, v44;
	v38 =	vld.idx.msk [tilespmem:v39+s16+$0x0], $0xffff;
	v39 =	vor.u32 v30, v33  }
0x209: {  	v44 =	vld.idx.msk [tilespmem:v40+s29+$0x0], $0xffff  }
0x20a: {  	v34 =	vadd.f32 v35, v34;
	v35 =	vmul.f32 v36, v41;
	v36 =	vld.idx.msk [tilespmem:v40+s14+$0x0], $0xffff  }
0x20b: {  	v41 =	vld.idx.msk [tilespmem:v40+s15+$0x0], $0xffff  }
0x20c: {  	v34 =	vadd.f32 v35, v34;
	v35 =	vmul.f32 v37, v42;
	v37 =	vld.idx.msk [tilespmem:v40+s16+$0x0], $0xffff;
	v40 =	vor.u32 v31, v33  }
0x20d: {  	v42 =	vld.idx.msk [tilespmem:v39+s29+$0x0], $0xffff  }
0x20e: {  	v34 =	vadd.f32 v35, v34;
	v35 =	vmul.f32 v38, v43;
	v38 =	vld.idx.msk [tilespmem:v39+s14+$0x0], $0xffff  }
0x20f: {  	v43 =	vld.idx.msk [tilespmem:v39+s15+$0x0], $0xffff  }
0x210: {  	v33 =	vor.u32 v32, v33;
	v34 =	vadd.f32 v35, v34;
	v35 =	vmul.f32 v36, v44;
	v36 =	vld.idx.msk [tilespmem:v39+s16+$0x0], $0xffff  }
0x211: {  	v39 =	vld.idx.msk [tilespmem:v40+s29+$0x0], $0xffff  }
0x212: {  	v34 =	vadd.f32 v35, v34;
	v35 =	vmul.f32 v37, v41;
	v37 =	vld.idx.msk [tilespmem:v40+s14+$0x0], $0xffff  }
0x213: {  	v41 =	vld.idx.msk [tilespmem:v40+s15+$0x0], $0xffff  }
0x214: {  	v34 =	vadd.f32 v35, v34;
	v35 =	vmul.f32 v38, v42;
	v38 =	vld.idx.msk [tilespmem:v40+s16+$0x0], $0xffff  }
0x215: {  	v40 =	vld.idx.msk [tilespmem:v33+s29+$0x0], $0xffff  }
0x216: {  	v36 =	vmul.f32 v36, v43;
	v35 =	vadd.f32 v35, v34;
	v42 =	vld.idx.msk [tilespmem:v33+s14+$0x0], $0xffff  }
0x217: {  	v34 =	vld.idx.msk [tilespmem:v33+s15+$0x0], $0xffff  }
0x218: {  	v37 =	vmul.f32 v37, v39;
	v36 =	vadd.f32 v36, v35;
	v35 =	vld.idx.msk [tilespmem:v33+s16+$0x0], $0xffff  }
.Ltmp0:
0x219: {  	(pc) =	sbr.rel @p1 .LBB2_3-.Ltmp0, $4  }
0x21a: {  	v33 =	vadd.f32 v37, v36;
	v36 =	vmul.f32 v38, v41  }
0x21b: {  	v37 =	vmov s10  }
0x21c: {  	v38 =	vshll.u32 v37, $0x5;
	v37 =	vmul.f32 v42, v40;
	v36 =	vadd.f32 v36, v33  }
0x21d: {  	s10 =	sadd.s32 $0x10, s10;
	v33 =	vor.u32 v1, v38  }
0x21e: {  	v36 =	vadd.f32 v37, v36;
	v34 =	vmul.f32 v35, v34;
	v59 =	vor.u32 v0, v33;
	_ =	sdelay $0x1  }
0x21f: {  	v34 =	vadd.f32 v34, v36  }
0x220: {  	s10 =	sadd.s32 $0x10, s4  }
0x221: {  	[tilespmem:s10+$0x0] =	vst v34  }
0x222: {  	v60 =	vor.u32 v2, v33;
	v61 =	vld.idx.msk [tilespmem:v59+s29+$0x0], $0xffff  }
0x223: {  	v62 =	vld.idx.msk [tilespmem:v59+s14+$0x0], $0xffff  }
0x224: {  	v38 =	vld.idx.msk [tilespmem:v59+s15+$0x0], $0xffff  }
0x225: {  	s0 =	sadd.s32 $0x10, s0;
	v35 =	vld.idx.msk [tilespmem:v59+s16+$0x0], $0xffff  }
0x226: {  	v39 =	vor.u32 v3, v33;
	v40 =	vld [tilespmem:s0+$0x0]  }
0x227: {  	v41 =	vld.idx.msk [tilespmem:v60+s29+$0x0], $0xffff  }
0x228: {  	v42 =	vld.idx.msk [tilespmem:v60+s14+$0x0], $0xffff  }
0x229: {  	v43 =	vld.idx.msk [tilespmem:v60+s15+$0x0], $0xffff;
	v36 =	vmul.f32 v62, v61  }
0x22a: {  	v63 =	vor.u32 v4, v33;
	v34 =	vld.idx.msk [tilespmem:v60+s16+$0x0], $0xffff  }
0x22b: {  	v44 =	vld.idx.msk [tilespmem:v39+s29+$0x0], $0xffff;
	v35 =	vmul.f32 v35, v38;
	v36 =	vadd.f32 v36, v40  }
0x22c: {  	v47 =	vld.idx.msk [tilespmem:v39+s14+$0x0], $0xffff  }
0x22d: {  	v48 =	vld.idx.msk [tilespmem:v39+s15+$0x0], $0xffff;
	v49 =	vmul.f32 v42, v41;
	v35 =	vadd.f32 v35, v36  }
0x22e: {  	v50 =	vor.u32 v5, v33;
	v39 =	vld.idx.msk [tilespmem:v39+s16+$0x0], $0xffff  }
0x22f: {  	v51 =	vld.idx.msk [tilespmem:v63+s29+$0x0], $0xffff;
	v34 =	vmul.f32 v34, v43;
	v35 =	vadd.f32 v49, v35  }
0x230: {  	v52 =	vld.idx.msk [tilespmem:v63+s14+$0x0], $0xffff  }
0x231: {  	v53 =	vld.idx.msk [tilespmem:v63+s15+$0x0], $0xffff;
	v54 =	vmul.f32 v47, v44;
	v34 =	vadd.f32 v34, v35  }
0x232: {  	v55 =	vor.u32 v6, v33;
	v37 =	vld.idx.msk [tilespmem:v63+s16+$0x0], $0xffff  }
0x233: {  	v56 =	vld.idx.msk [tilespmem:v50+s29+$0x0], $0xffff;
	v57 =	vmul.f32 v39, v48;
	v34 =	vadd.f32 v54, v34  }
0x234: {  	v58 =	vld.idx.msk [tilespmem:v50+s14+$0x0], $0xffff  }
0x235: {  	v59 =	vld.idx.msk [tilespmem:v50+s15+$0x0], $0xffff;
	v60 =	vmul.f32 v52, v51;
	v34 =	vadd.f32 v57, v34  }
0x236: {  	v61 =	vld.idx.msk [tilespmem:v50+s16+$0x0], $0xffff;
	v62 =	vor.u32 v7, v33  }
0x237: {  	v63 =	vld.idx.msk [tilespmem:v55+s29+$0x0], $0xffff;
	v48 =	vmul.f32 v37, v53;
	v34 =	vadd.f32 v60, v34  }
0x238: {  	v49 =	vld.idx.msk [tilespmem:v55+s14+$0x0], $0xffff  }
0x239: {  	v50 =	vld.idx.msk [tilespmem:v55+s15+$0x0], $0xffff;
	v51 =	vmul.f32 v58, v56;
	v34 =	vadd.f32 v48, v34  }
0x23a: {  	v38 =	vld.idx.msk [tilespmem:v55+s16+$0x0], $0xffff;
	v52 =	vor.u32 v8, v33  }
0x23b: {  	v53 =	vld.idx.msk [tilespmem:v62+s29+$0x0], $0xffff;
	v54 =	vmul.f32 v61, v59;
	v34 =	vadd.f32 v51, v34  }
0x23c: {  	v55 =	vld.idx.msk [tilespmem:v62+s14+$0x0], $0xffff  }
0x23d: {  	v56 =	vld.idx.msk [tilespmem:v62+s15+$0x0], $0xffff;
	v57 =	vmul.f32 v49, v63;
	v34 =	vadd.f32 v54, v34  }
0x23e: {  	v58 =	vld.idx.msk [tilespmem:v62+s16+$0x0], $0xffff;
	v59 =	vor.u32 v9, v33  }
0x23f: {  	v62 =	vld.idx.msk [tilespmem:v52+s14+$0x0], $0xffff;
	v61 =	vmul.f32 v38, v50;
	v34 =	vadd.f32 v57, v34  }
0x240: {  	v60 =	vld.idx.msk [tilespmem:v52+s29+$0x0], $0xffff  }
0x241: {  	v63 =	vld.idx.msk [tilespmem:v52+s15+$0x0], $0xffff;
	v48 =	vmul.f32 v55, v53;
	v34 =	vadd.f32 v61, v34  }
0x242: {  	v50 =	vor.u32 v10, v33;
	v49 =	vld.idx.msk [tilespmem:v52+s16+$0x0], $0xffff  }
0x243: {  	v52 =	vmul.f32 v58, v56;
	v53 =	vld.idx.msk [tilespmem:v59+s14+$0x0], $0xffff;
	v34 =	vadd.f32 v48, v34  }
0x244: {  	v51 =	vld.idx.msk [tilespmem:v59+s29+$0x0], $0xffff  }
0x245: {  	v56 =	vld.idx.msk [tilespmem:v59+s16+$0x0], $0xffff;
	v55 =	vmul.f32 v62, v60;
	v34 =	vadd.f32 v52, v34  }
0x246: {  	v54 =	vld.idx.msk [tilespmem:v59+s15+$0x0], $0xffff;
	v57 =	vor.u32 v11, v33  }
0x247: {  	v58 =	vld.idx.msk [tilespmem:v50+s29+$0x0], $0xffff;
	v59 =	vmul.f32 v49, v63;
	v34 =	vadd.f32 v55, v34  }
0x248: {  	v60 =	vld.idx.msk [tilespmem:v50+s14+$0x0], $0xffff  }
0x249: {  	v63 =	vld.idx.msk [tilespmem:v50+s16+$0x0], $0xffff;
	v62 =	vmul.f32 v53, v51;
	v34 =	vadd.f32 v59, v34  }
0x24a: {  	v61 =	vld.idx.msk [tilespmem:v50+s15+$0x0], $0xffff;
	v48 =	vor.u32 v12, v33  }
0x24b: {  	v50 =	vmul.f32 v56, v54;
	v49 =	vld.idx.msk [tilespmem:v57+s29+$0x0], $0xffff;
	v34 =	vadd.f32 v62, v34  }
0x24c: {  	v51 =	vld.idx.msk [tilespmem:v57+s14+$0x0], $0xffff  }
0x24d: {  	v53 =	vmul.f32 v60, v58;
	v54 =	vld.idx.msk [tilespmem:v57+s16+$0x0], $0xffff;
	v34 =	vadd.f32 v50, v34  }
0x24e: {  	v52 =	vld.idx.msk [tilespmem:v57+s15+$0x0], $0xffff;
	v55 =	vor.u32 v13, v33  }
0x24f: {  	v57 =	vmul.f32 v63, v61;
	v56 =	vld.idx.msk [tilespmem:v48+s29+$0x0], $0xffff;
	v34 =	vadd.f32 v53, v34  }
0x250: {  	v58 =	vld.idx.msk [tilespmem:v48+s14+$0x0], $0xffff  }
0x251: {  	v61 =	vld.idx.msk [tilespmem:v48+s16+$0x0], $0xffff;
	v60 =	vmul.f32 v51, v49;
	v34 =	vadd.f32 v57, v34  }
0x252: {  	v59 =	vld.idx.msk [tilespmem:v48+s15+$0x0], $0xffff;
	v62 =	vor.u32 v14, v33  }
0x253: {  	v47 =	vmul.f32 v54, v52;
	v63 =	vld.idx.msk [tilespmem:v55+s29+$0x0], $0xffff;
	v34 =	vadd.f32 v60, v34  }
0x254: {  	v48 =	vld.idx.msk [tilespmem:v55+s14+$0x0], $0xffff  }
0x255: {  	v49 =	vld.idx.msk [tilespmem:v55+s15+$0x0], $0xffff;
	v50 =	vmul.f32 v58, v56;
	v34 =	vadd.f32 v47, v34  }
0x256: {  	v52 =	vor.u32 v15, v33;
	v51 =	vld.idx.msk [tilespmem:v55+s16+$0x0], $0xffff  }
0x257: {  	v54 =	vmul.f32 v61, v59;
	v53 =	vld.idx.msk [tilespmem:v62+s29+$0x0], $0xffff;
	v34 =	vadd.f32 v50, v34  }
0x258: {  	v55 =	vld.idx.msk [tilespmem:v62+s14+$0x0], $0xffff  }
0x259: {  	v56 =	vld.idx.msk [tilespmem:v62+s15+$0x0], $0xffff;
	v57 =	vmul.f32 v48, v63;
	v34 =	vadd.f32 v54, v34  }
0x25a: {  	v59 =	vor.u32 v16, v33;
	v58 =	vld.idx.msk [tilespmem:v62+s16+$0x0], $0xffff  }
0x25b: {  	v62 =	vld.idx.msk [tilespmem:v52+s14+$0x0], $0xffff;
	v61 =	vmul.f32 v51, v49;
	v34 =	vadd.f32 v57, v34  }
0x25c: {  	v60 =	vld.idx.msk [tilespmem:v52+s29+$0x0], $0xffff  }
0x25d: {  	v63 =	vld.idx.msk [tilespmem:v52+s15+$0x0], $0xffff;
	v48 =	vmul.f32 v55, v53;
	v34 =	vadd.f32 v61, v34  }
0x25e: {  	v49 =	vld.idx.msk [tilespmem:v52+s16+$0x0], $0xffff;
	v50 =	vor.u32 v28, v33  }
0x25f: {  	v51 =	vld.idx.msk [tilespmem:v59+s29+$0x0], $0xffff;
	v52 =	vmul.f32 v58, v56;
	v34 =	vadd.f32 v48, v34  }
0x260: {  	v53 =	vld.idx.msk [tilespmem:v59+s14+$0x0], $0xffff  }
0x261: {  	v56 =	vld.idx.msk [tilespmem:v59+s16+$0x0], $0xffff;
	v55 =	vmul.f32 v62, v60;
	v34 =	vadd.f32 v52, v34  }
0x262: {  	v54 =	vld.idx.msk [tilespmem:v59+s15+$0x0], $0xffff;
	v57 =	vor.u32 v17, v33  }
0x263: {  	v59 =	vmul.f32 v49, v63;
	v58 =	vld.idx.msk [tilespmem:v50+s29+$0x0], $0xffff;
	v34 =	vadd.f32 v55, v34  }
0x264: {  	v60 =	vld.idx.msk [tilespmem:v50+s14+$0x0], $0xffff  }
0x265: {  	v62 =	vmul.f32 v53, v51;
	v63 =	vld.idx.msk [tilespmem:v50+s16+$0x0], $0xffff;
	v34 =	vadd.f32 v59, v34  }
0x266: {  	v61 =	vld.idx.msk [tilespmem:v50+s15+$0x0], $0xffff;
	v48 =	vor.u32 v19, v33  }
0x267: {  	v50 =	vmul.f32 v56, v54;
	v49 =	vld.idx.msk [tilespmem:v57+s29+$0x0], $0xffff;
	v34 =	vadd.f32 v62, v34  }
0x268: {  	v51 =	vld.idx.msk [tilespmem:v57+s14+$0x0], $0xffff  }
0x269: {  	v54 =	vld.idx.msk [tilespmem:v57+s16+$0x0], $0xffff;
	v53 =	vmul.f32 v60, v58;
	v34 =	vadd.f32 v50, v34  }
0x26a: {  	v52 =	vld.idx.msk [tilespmem:v57+s15+$0x0], $0xffff;
	v55 =	vor.u32 v20, v33  }
0x26b: {  	v57 =	vmul.f32 v63, v61;
	v56 =	vld.idx.msk [tilespmem:v48+s29+$0x0], $0xffff;
	v34 =	vadd.f32 v53, v34  }
0x26c: {  	v58 =	vld.idx.msk [tilespmem:v48+s14+$0x0], $0xffff  }
0x26d: {  	v61 =	vld.idx.msk [tilespmem:v48+s16+$0x0], $0xffff;
	v60 =	vmul.f32 v51, v49;
	v34 =	vadd.f32 v57, v34  }
0x26e: {  	v59 =	vld.idx.msk [tilespmem:v48+s15+$0x0], $0xffff;
	v62 =	vor.u32 v18, v33  }
0x26f: {  	v48 =	vmul.f32 v54, v52;
	v63 =	vld.idx.msk [tilespmem:v55+s29+$0x0], $0xffff;
	v34 =	vadd.f32 v60, v34  }
0x270: {  	v49 =	vld.idx.msk [tilespmem:v55+s14+$0x0], $0xffff  }
0x271: {  	v52 =	vld.idx.msk [tilespmem:v55+s16+$0x0], $0xffff;
	v51 =	vmul.f32 v58, v56;
	v34 =	vadd.f32 v48, v34  }
0x272: {  	v50 =	vld.idx.msk [tilespmem:v55+s15+$0x0], $0xffff;
	v53 =	vor.u32 v21, v33  }
0x273: {  	v55 =	vmul.f32 v61, v59;
	v54 =	vld.idx.msk [tilespmem:v62+s29+$0x0], $0xffff;
	v34 =	vadd.f32 v51, v34  }
0x274: {  	v56 =	vld.idx.msk [tilespmem:v62+s14+$0x0], $0xffff  }
0x275: {  	v59 =	vld.idx.msk [tilespmem:v62+s16+$0x0], $0xffff;
	v58 =	vmul.f32 v49, v63;
	v34 =	vadd.f32 v55, v34  }
0x276: {  	v57 =	vld.idx.msk [tilespmem:v62+s15+$0x0], $0xffff;
	v60 =	vor.u32 v22, v33  }
0x277: {  	v62 =	vmul.f32 v52, v50;
	v61 =	vld.idx.msk [tilespmem:v53+s29+$0x0], $0xffff;
	v34 =	vadd.f32 v58, v34  }
0x278: {  	v63 =	vld.idx.msk [tilespmem:v53+s14+$0x0], $0xffff  }
0x279: {  	v50 =	vld.idx.msk [tilespmem:v53+s16+$0x0], $0xffff;
	v49 =	vmul.f32 v56, v54;
	v34 =	vadd.f32 v62, v34  }
0x27a: {  	v48 =	vld.idx.msk [tilespmem:v53+s15+$0x0], $0xffff;
	v51 =	vor.u32 v23, v33  }
0x27b: {  	v53 =	vmul.f32 v59, v57;
	v52 =	vld.idx.msk [tilespmem:v60+s29+$0x0], $0xffff;
	v34 =	vadd.f32 v49, v34  }
0x27c: {  	v54 =	vld.idx.msk [tilespmem:v60+s14+$0x0], $0xffff  }
0x27d: {  	v57 =	vld.idx.msk [tilespmem:v60+s16+$0x0], $0xffff;
	v56 =	vmul.f32 v63, v61;
	v34 =	vadd.f32 v53, v34  }
0x27e: {  	v55 =	vld.idx.msk [tilespmem:v60+s15+$0x0], $0xffff;
	v58 =	vor.u32 v24, v33  }
0x27f: {  	v60 =	vmul.f32 v50, v48;
	v59 =	vld.idx.msk [tilespmem:v51+s29+$0x0], $0xffff;
	v34 =	vadd.f32 v56, v34  }
0x280: {  	v61 =	vld.idx.msk [tilespmem:v51+s14+$0x0], $0xffff  }
0x281: {  	v48 =	vld.idx.msk [tilespmem:v51+s16+$0x0], $0xffff;
	v63 =	vmul.f32 v54, v52;
	v34 =	vadd.f32 v60, v34  }
0x282: {  	v62 =	vld.idx.msk [tilespmem:v51+s15+$0x0], $0xffff;
	v49 =	vor.u32 v25, v33  }
0x283: {  	v51 =	vmul.f32 v57, v55;
	v50 =	vld.idx.msk [tilespmem:v58+s29+$0x0], $0xffff;
	v34 =	vadd.f32 v63, v34  }
0x284: {  	v52 =	vld.idx.msk [tilespmem:v58+s14+$0x0], $0xffff  }
0x285: {  	v55 =	vld.idx.msk [tilespmem:v58+s16+$0x0], $0xffff;
	v54 =	vmul.f32 v61, v59;
	v34 =	vadd.f32 v51, v34  }
0x286: {  	v53 =	vld.idx.msk [tilespmem:v58+s15+$0x0], $0xffff;
	v56 =	vor.u32 v26, v33  }
0x287: {  	v58 =	vmul.f32 v48, v62;
	v57 =	vld.idx.msk [tilespmem:v49+s29+$0x0], $0xffff;
	v34 =	vadd.f32 v54, v34  }
0x288: {  	v59 =	vld.idx.msk [tilespmem:v49+s14+$0x0], $0xffff  }
0x289: {  	v62 =	vld.idx.msk [tilespmem:v49+s16+$0x0], $0xffff;
	v61 =	vmul.f32 v52, v50;
	v34 =	vadd.f32 v58, v34  }
0x28a: {  	v60 =	vld.idx.msk [tilespmem:v49+s15+$0x0], $0xffff;
	v63 =	vor.u32 v27, v33  }
0x28b: {  	v49 =	vmul.f32 v55, v53;
	v48 =	vld.idx.msk [tilespmem:v56+s29+$0x0], $0xffff;
	v34 =	vadd.f32 v61, v34  }
0x28c: {  	v50 =	vld.idx.msk [tilespmem:v56+s14+$0x0], $0xffff  }
0x28d: {  	v53 =	vld.idx.msk [tilespmem:v56+s16+$0x0], $0xffff;
	v52 =	vmul.f32 v59, v57;
	v34 =	vadd.f32 v49, v34  }
0x28e: {  	v51 =	vld.idx.msk [tilespmem:v56+s15+$0x0], $0xffff;
	v54 =	vor.u32 v29, v33  }
0x28f: {  	v56 =	vmul.f32 v62, v60;
	v55 =	vld.idx.msk [tilespmem:v63+s29+$0x0], $0xffff;
	v34 =	vadd.f32 v52, v34  }
0x290: {  	v57 =	vld.idx.msk [tilespmem:v63+s14+$0x0], $0xffff  }
0x291: {  	v60 =	vld.idx.msk [tilespmem:v63+s16+$0x0], $0xffff;
	v59 =	vmul.f32 v50, v48;
	v34 =	vadd.f32 v56, v34  }
0x292: {  	v58 =	vld.idx.msk [tilespmem:v63+s15+$0x0], $0xffff;
	v61 =	vor.u32 v30, v33  }
0x293: {  	v63 =	vmul.f32 v53, v51;
	v62 =	vld.idx.msk [tilespmem:v54+s29+$0x0], $0xffff;
	v34 =	vadd.f32 v59, v34  }
0x294: {  	v45 =	vld.idx.msk [tilespmem:v54+s14+$0x0], $0xffff  }
0x295: {  	v46 =	vld.idx.msk [tilespmem:v54+s15+$0x0], $0xffff;
	v47 =	vmul.f32 v57, v55;
	v34 =	vadd.f32 v63, v34  }
0x296: {  	v48 =	vld.idx.msk [tilespmem:v54+s16+$0x0], $0xffff;
	v49 =	vor.u32 v31, v33  }
0x297: {  	v51 =	vmul.f32 v60, v58;
	v50 =	vld.idx.msk [tilespmem:v61+s29+$0x0], $0xffff;
	v34 =	vadd.f32 v47, v34  }
0x298: {  	v52 =	vld.idx.msk [tilespmem:v61+s14+$0x0], $0xffff  }
0x299: {  	v53 =	vld.idx.msk [tilespmem:v61+s15+$0x0], $0xffff;
	v54 =	vmul.f32 v45, v62;
	v34 =	vadd.f32 v51, v34  }
0x29a: {  	v55 =	vld.idx.msk [tilespmem:v61+s16+$0x0], $0xffff;
	v56 =	vor.u32 v32, v33  }
0x29b: {  	v58 =	vmul.f32 v48, v46;
	v57 =	vld.idx.msk [tilespmem:v49+s29+$0x0], $0xffff;
	v34 =	vadd.f32 v54, v34  }
0x29c: {  	v59 =	vld.idx.msk [tilespmem:v49+s14+$0x0], $0xffff  }
0x29d: {  	v60 =	vld.idx.msk [tilespmem:v49+s15+$0x0], $0xffff;
	v61 =	vmul.f32 v52, v50;
	v34 =	vadd.f32 v58, v34  }
0x29e: {  	v62 =	vld.idx.msk [tilespmem:v49+s16+$0x0], $0xffff  }
0x29f: {  	v45 =	vmul.f32 v55, v53;
	v63 =	vld.idx.msk [tilespmem:v56+s29+$0x0], $0xffff;
	v34 =	vadd.f32 v61, v34  }
0x2a0: {  	v46 =	vld.idx.msk [tilespmem:v56+s14+$0x0], $0xffff  }
0x2a1: {  	v33 =	vld.idx.msk [tilespmem:v56+s16+$0x0], $0xffff;
	v48 =	vmul.f32 v59, v57;
	v34 =	vadd.f32 v45, v34  }
0x2a2: {  	v47 =	vld.idx.msk [tilespmem:v56+s15+$0x0], $0xffff  }
0x2a3: {  	v49 =	vmul.f32 v62, v60;
	v34 =	vadd.f32 v48, v34;
	_ =	sdelay $0x1  }
0x2a4: {  	v50 =	vmul.f32 v46, v63;
	v34 =	vadd.f32 v49, v34;
	_ =	sdelay $0x1  }
0x2a5: {  	s4 =	smul.u32 $0x320, s31;
	v33 =	vmul.f32 v33, v47;
	v34 =	vadd.f32 v50, v34  }
0x2a6: {  	s24 =	rddreg [dreg:$0x3]  }
0x2a7: {  	s0 =	sadd.s32 s24, s4;
	v33 =	vadd.f32 v33, v34  }
0x2a8: {  	s10 =	sadd.s32 $0x10, s10;
	s0 =	sshrl.u32 s0, $0x3  }
0x2a9: {  	s26 =	simm.s32 $0x19FA0;
	s0 =	sadd.s32 s13, s0;
	[tilespmem:s10+$0x0] =	vst v33  }
0x2aa: {  	[hbm4b:s0+s2] =	stream.linear.scatter [tilespmem:s26], [sflag:$0x5], $0x190, $0x38;
	[tilespmem:$0x1A2C0] =	vst v63  }
0x2ab: {  	_ =	swait.ge [sflag:s28], $0x3200  }
0x2ac: {  	[sflag:s28] =	ssyncset.done $0x0  }
0x2ad: {  	[sflag:s28] =	ssyncadd.s32 $0xFFFFCE00  }
0x2ae: {  	_ =	swait.ge [sflag:s28], $0x3200  }
0x2af: {  	[sflag:s28] =	ssyncset.done $0x0  }
0x2b0: {  	[sflag:s28] =	ssyncadd.s32 $0xFFFFCE00  }
0x2b1: {  	_ =	swait.ge [sflag:s28], $0x3200  }
0x2b2: {  	[sflag:s28] =	ssyncset.done $0x0  }
0x2b3: {  	[sflag:s28] =	ssyncadd.s32 $0xFFFFCE00  }
0x2b4: {  	_ =	swait.ge [sflag:s28], $0x3200  }
0x2b5: {  	[sflag:s28] =	ssyncset.done $0x0  }
0x2b6: {  	[sflag:s28] =	ssyncadd.s32 $0xFFFFCE00  }
0x2b7: {  	_ =	swait.ge [sflag:s28], $0x190  }
0x2b8: {  	s0 =	rddreg [dreg:$0xd]  }
0x2b9: {  	s22 =	simm.s32 @!p0 $0x0;
	s0 =	sadd.s32 @!p0 s4, s0  }
0x2ba: {  	s26 =	smov.u32 s23;
	[sflag:s28] =	ssyncset.done $0x0;
	s0 =	sshrl.u32 @!p0 s0, $0x3  }
0x2bb: {  	[sflag:s28] =	ssyncadd.s32 $0xFFFFFE70;
	s10 =	sadd.s32 @!p0 s23, s0;
	s23 =	simm.s32 @!p0 $0x190  }
0x2bc: {  	[tilespmem:s23], [sflag:$0x2] =	stream.linear.gather @!p0 [hbm4b:s10+s22], $0x190, $0x38;
	[tilespmem:$0x1A2C0] =	vst v63  }
0x2bd: {  	s24 =	simm.s32 @!p0 $0x4B0;
	s10 =	sadd.s32 @!p0 s3, s0  }
0x2be: {  	[tilespmem:s24], [sflag:$0x2] =	stream.linear.gather @!p0 [hbm4b:s10+s22], $0x190, $0x38;
	[tilespmem:$0x1A2C0] =	vst v63  }
0x2bf: {  	s10 =	sadd.s32 @!p0 s5, s0;
	s24 =	simm.s32 @!p0 $0x7D0  }
0x2c0: {  	[tilespmem:s24], [sflag:$0x2] =	stream.linear.gather @!p0 [hbm4b:s10+s22], $0x190, $0x38;
	[tilespmem:$0x1A2C0] =	vst v63  }
0x2c1: {  	s0 =	sadd.s32 @!p0 s6, s0;
	s10 =	simm.s32 @!p0 $0xAF0  }
0x2c2: {  	[tilespmem:s10], [sflag:$0x2] =	stream.linear.gather @!p0 [hbm4b:s0+s22], $0x190, $0x38;
	[tilespmem:$0x1A2C0] =	vst v63  }
0x2c3: {  	s0 =	simm.s32 @!p0 $0x1  }
0x2c4: {  	_ =	swait.ge @!p0 [sflag:s0], $0x190  }
0x2c5: {  	[sflag:s0] =	ssyncset.done @!p0 $0x0  }
0x2c6: {  	[sflag:s0] =	ssyncadd.s32 @!p0 $0xFFFFFE70  }
0x2c7: {  	_ =	swait.ge @!p0 [sflag:s0], $0x190  }
0x2c8: {  	[sflag:s0] =	ssyncset.done @!p0 $0x0  }
0x2c9: {  	[sflag:s0] =	ssyncadd.s32 @!p0 $0xFFFFFE70  }
0x2ca: {  	_ =	swait.ge @!p0 [sflag:s0], $0x190  }
0x2cb: {  	[sflag:s0] =	ssyncset.done @!p0 $0x0  }
0x2cc: {  	[sflag:s0] =	ssyncadd.s32 @!p0 $0xFFFFFE70  }
0x2cd: {  	_ =	swait.ge @!p0 [sflag:s0], $0x190  }
0x2ce: {  	[sflag:s0] =	ssyncset.done @!p0 $0x0  }
0x2cf: {  	[sflag:s0] =	ssyncadd.s32 @!p0 $0xFFFFFE70;
	s0 =	simm.s32 @!p0 $0xC80  }
0x2d0: {  	[tilespmem:s0], [sflag:$0x3] =	stream.indirect.gather @!p0 [hbm4b:s7+s23], $0x20, s22, s23, $0xb8;
	[tilespmem:$0x1A2C0] =	vst v63  }
0x2d1: {  	s10 =	simm.s32 @!p0 $0x7080;
	s0 =	simm.s32 @!p0 $0x640  }
0x2d2: {  	[tilespmem:s10], [sflag:$0x3] =	stream.indirect.gather @!p0 [hbm4b:s8+s23], $0x20, s0, s23, $0xb8;
	[tilespmem:$0x1A2C0] =	vst v63  }
0x2d3: {  	s22 =	simm.s32 @!p0 $0xD480;
	s10 =	simm.s32 @!p0 $0x320  }
0x2d4: {  	[tilespmem:s22], [sflag:$0x3] =	stream.indirect.gather @!p0 [hbm4b:s9+s23], $0x20, s10, s23, $0xb8;
	[tilespmem:$0x1A2C0] =	vst v63  }
0x2d5: {  	s10 =	simm.s32 @!p0 $0x13880  }
0x2d6: {  	[tilespmem:s10], [sflag:$0x3] =	stream.indirect.gather @!p0 [hbm4b:s11+s23], $0x20, s0, s23, $0xb8;
	[tilespmem:$0x1A2C0] =	vst v63  }
0x2d7: {  	s0 =	simm.s32 @!p0 $0x960;
	s10 =	simm.s32 @!p0 $0x19C80  }
0x2d8: {  	[tilespmem:s10], [sflag:$0x3] =	stream.indirect.gather @!p0 [hbm4b:s12+s23], $0x1, s0, s23, $0xb8;
	[tilespmem:$0x1A2C0] =	vst v63  }
0x2d9: {  	s10 =	simm.s32 $0x0  }
0x2da: {  	v51 =	vmov s10  }
0x2db: {  	p1 =	seq.s32 @!p0 s31, $0x0;
	v33 =	vshll.u32 v51, $0x5  }
0x2dc: {  	p0 =	por p0, !p1;
	v33 =	vor.u32 v1, v33  }
0x2dd: {  	s0 =	simm.s32 @p0 $0x6;
	v52 =	vor.u32 v0, v33  }
0x2de: {  	_ =	swait.ge @p0 [sflag:s0], $0x190  }
0x2df: {  	[sflag:s0] =	ssyncset.done @p0 $0x0  }
0x2e0: {  	s22 =	simm.s32 $0x19E10;
	[sflag:s0] =	ssyncadd.s32 @p0 $0xFFFFFE70  }
0x2e1: {  	v53 =	vor.u32 v2, v33;
	v58 =	vld [tilespmem:s22+$0x0]  }
0x2e2: {  	v54 =	vld.idx.msk [tilespmem:v52+s19+$0x0], $0xffff  }
0x2e3: {  	v55 =	vld.idx.msk [tilespmem:v52+s20+$0x0], $0xffff  }
0x2e4: {  	v56 =	vld.idx.msk [tilespmem:v52+s21+$0x0], $0xffff  }
0x2e5: {  	v57 =	vor.u32 v3, v33;
	v34 =	vld.idx.msk [tilespmem:v52+s25+$0x0], $0xffff  }
0x2e6: {  	v59 =	vld.idx.msk [tilespmem:v53+s19+$0x0], $0xffff  }
0x2e7: {  	v60 =	vld.idx.msk [tilespmem:v53+s20+$0x0], $0xffff  }
0x2e8: {  	v61 =	vld.idx.msk [tilespmem:v53+s21+$0x0], $0xffff;
	v36 =	vmul.f32 v55, v54  }
0x2e9: {  	v62 =	vor.u32 v4, v33;
	v35 =	vld.idx.msk [tilespmem:v53+s25+$0x0], $0xffff  }
0x2ea: {  	v63 =	vld.idx.msk [tilespmem:v57+s19+$0x0], $0xffff;
	v34 =	vmul.f32 v34, v56;
	v36 =	vadd.f32 v36, v58  }
0x2eb: {  	v47 =	vld.idx.msk [tilespmem:v57+s20+$0x0], $0xffff  }
0x2ec: {  	v48 =	vld.idx.msk [tilespmem:v57+s21+$0x0], $0xffff;
	v49 =	vmul.f32 v60, v59;
	v34 =	vadd.f32 v34, v36  }
0x2ed: {  	v50 =	vor.u32 v5, v33;
	v39 =	vld.idx.msk [tilespmem:v57+s25+$0x0], $0xffff  }
0x2ee: {  	v51 =	vld.idx.msk [tilespmem:v62+s19+$0x0], $0xffff;
	v35 =	vmul.f32 v35, v61;
	v34 =	vadd.f32 v49, v34  }
0x2ef: {  	v52 =	vld.idx.msk [tilespmem:v62+s20+$0x0], $0xffff  }
0x2f0: {  	v53 =	vld.idx.msk [tilespmem:v62+s21+$0x0], $0xffff;
	v54 =	vmul.f32 v47, v63;
	v34 =	vadd.f32 v35, v34  }
0x2f1: {  	v37 =	vld.idx.msk [tilespmem:v62+s25+$0x0], $0xffff;
	v55 =	vor.u32 v6, v33  }
0x2f2: {  	v56 =	vld.idx.msk [tilespmem:v50+s19+$0x0], $0xffff;
	v57 =	vmul.f32 v39, v48;
	v34 =	vadd.f32 v54, v34  }
0x2f3: {  	v58 =	vld.idx.msk [tilespmem:v50+s20+$0x0], $0xffff  }
0x2f4: {  	v59 =	vld.idx.msk [tilespmem:v50+s21+$0x0], $0xffff;
	v60 =	vmul.f32 v52, v51;
	v34 =	vadd.f32 v57, v34  }
0x2f5: {  	v62 =	vor.u32 v7, v33;
	v61 =	vld.idx.msk [tilespmem:v50+s25+$0x0], $0xffff  }
0x2f6: {  	v48 =	vmul.f32 v37, v53;
	v63 =	vld.idx.msk [tilespmem:v55+s19+$0x0], $0xffff;
	v34 =	vadd.f32 v60, v34  }
0x2f7: {  	v49 =	vld.idx.msk [tilespmem:v55+s20+$0x0], $0xffff  }
0x2f8: {  	v50 =	vld.idx.msk [tilespmem:v55+s21+$0x0], $0xffff;
	v51 =	vmul.f32 v58, v56;
	v34 =	vadd.f32 v48, v34  }
0x2f9: {  	v52 =	vor.u32 v8, v33;
	v38 =	vld.idx.msk [tilespmem:v55+s25+$0x0], $0xffff  }
0x2fa: {  	v53 =	vld.idx.msk [tilespmem:v62+s19+$0x0], $0xffff;
	v54 =	vmul.f32 v61, v59;
	v34 =	vadd.f32 v51, v34  }
0x2fb: {  	v55 =	vld.idx.msk [tilespmem:v62+s20+$0x0], $0xffff  }
0x2fc: {  	v56 =	vld.idx.msk [tilespmem:v62+s21+$0x0], $0xffff;
	v57 =	vmul.f32 v49, v63;
	v34 =	vadd.f32 v54, v34  }
0x2fd: {  	v58 =	vld.idx.msk [tilespmem:v62+s25+$0x0], $0xffff;
	v59 =	vor.u32 v9, v33  }
0x2fe: {  	v62 =	vld.idx.msk [tilespmem:v52+s20+$0x0], $0xffff;
	v61 =	vmul.f32 v38, v50;
	v34 =	vadd.f32 v57, v34  }
0x2ff: {  	v60 =	vld.idx.msk [tilespmem:v52+s19+$0x0], $0xffff  }
0x300: {  	v63 =	vld.idx.msk [tilespmem:v52+s21+$0x0], $0xffff;
	v48 =	vmul.f32 v55, v53;
	v34 =	vadd.f32 v61, v34  }
0x301: {  	v50 =	vor.u32 v10, v33;
	v49 =	vld.idx.msk [tilespmem:v52+s25+$0x0], $0xffff  }
0x302: {  	v52 =	vmul.f32 v58, v56;
	v53 =	vld.idx.msk [tilespmem:v59+s20+$0x0], $0xffff;
	v34 =	vadd.f32 v48, v34  }
0x303: {  	v51 =	vld.idx.msk [tilespmem:v59+s19+$0x0], $0xffff  }
0x304: {  	v56 =	vld.idx.msk [tilespmem:v59+s25+$0x0], $0xffff;
	v55 =	vmul.f32 v62, v60;
	v34 =	vadd.f32 v52, v34  }
0x305: {  	v54 =	vld.idx.msk [tilespmem:v59+s21+$0x0], $0xffff;
	v57 =	vor.u32 v11, v33  }
0x306: {  	v58 =	vld.idx.msk [tilespmem:v50+s19+$0x0], $0xffff;
	v59 =	vmul.f32 v49, v63;
	v34 =	vadd.f32 v55, v34  }
0x307: {  	v60 =	vld.idx.msk [tilespmem:v50+s20+$0x0], $0xffff  }
0x308: {  	v63 =	vld.idx.msk [tilespmem:v50+s25+$0x0], $0xffff;
	v62 =	vmul.f32 v53, v51;
	v34 =	vadd.f32 v59, v34  }
0x309: {  	v61 =	vld.idx.msk [tilespmem:v50+s21+$0x0], $0xffff;
	v48 =	vor.u32 v12, v33  }
0x30a: {  	v50 =	vmul.f32 v56, v54;
	v49 =	vld.idx.msk [tilespmem:v57+s19+$0x0], $0xffff;
	v34 =	vadd.f32 v62, v34  }
0x30b: {  	v51 =	vld.idx.msk [tilespmem:v57+s20+$0x0], $0xffff  }
0x30c: {  	v53 =	vmul.f32 v60, v58;
	v54 =	vld.idx.msk [tilespmem:v57+s25+$0x0], $0xffff;
	v34 =	vadd.f32 v50, v34  }
0x30d: {  	v52 =	vld.idx.msk [tilespmem:v57+s21+$0x0], $0xffff;
	v55 =	vor.u32 v13, v33  }
0x30e: {  	v57 =	vmul.f32 v63, v61;
	v56 =	vld.idx.msk [tilespmem:v48+s19+$0x0], $0xffff;
	v34 =	vadd.f32 v53, v34  }
0x30f: {  	v58 =	vld.idx.msk [tilespmem:v48+s20+$0x0], $0xffff  }
0x310: {  	v61 =	vld.idx.msk [tilespmem:v48+s25+$0x0], $0xffff;
	v60 =	vmul.f32 v51, v49;
	v34 =	vadd.f32 v57, v34  }
0x311: {  	v59 =	vld.idx.msk [tilespmem:v48+s21+$0x0], $0xffff;
	v62 =	vor.u32 v14, v33  }
0x312: {  	v47 =	vmul.f32 v54, v52;
	v63 =	vld.idx.msk [tilespmem:v55+s19+$0x0], $0xffff;
	v34 =	vadd.f32 v60, v34  }
0x313: {  	v48 =	vld.idx.msk [tilespmem:v55+s20+$0x0], $0xffff  }
0x314: {  	v49 =	vld.idx.msk [tilespmem:v55+s21+$0x0], $0xffff;
	v50 =	vmul.f32 v58, v56;
	v34 =	vadd.f32 v47, v34  }
0x315: {  	v52 =	vor.u32 v15, v33;
	v51 =	vld.idx.msk [tilespmem:v55+s25+$0x0], $0xffff  }
0x316: {  	v54 =	vmul.f32 v61, v59;
	v53 =	vld.idx.msk [tilespmem:v62+s19+$0x0], $0xffff;
	v34 =	vadd.f32 v50, v34  }
0x317: {  	v55 =	vld.idx.msk [tilespmem:v62+s20+$0x0], $0xffff  }
0x318: {  	v56 =	vld.idx.msk [tilespmem:v62+s21+$0x0], $0xffff;
	v57 =	vmul.f32 v48, v63;
	v34 =	vadd.f32 v54, v34  }
0x319: {  	v59 =	vor.u32 v16, v33;
	v58 =	vld.idx.msk [tilespmem:v62+s25+$0x0], $0xffff  }
0x31a: {  	v62 =	vld.idx.msk [tilespmem:v52+s20+$0x0], $0xffff;
	v61 =	vmul.f32 v51, v49;
	v34 =	vadd.f32 v57, v34  }
0x31b: {  	v60 =	vld.idx.msk [tilespmem:v52+s19+$0x0], $0xffff  }
0x31c: {  	v63 =	vld.idx.msk [tilespmem:v52+s21+$0x0], $0xffff;
	v48 =	vmul.f32 v55, v53;
	v34 =	vadd.f32 v61, v34  }
0x31d: {  	v49 =	vld.idx.msk [tilespmem:v52+s25+$0x0], $0xffff;
	v50 =	vor.u32 v28, v33  }
0x31e: {  	v51 =	vld.idx.msk [tilespmem:v59+s19+$0x0], $0xffff;
	v52 =	vmul.f32 v58, v56;
	v34 =	vadd.f32 v48, v34  }
0x31f: {  	v53 =	vld.idx.msk [tilespmem:v59+s20+$0x0], $0xffff  }
0x320: {  	v56 =	vld.idx.msk [tilespmem:v59+s25+$0x0], $0xffff;
	v55 =	vmul.f32 v62, v60;
	v34 =	vadd.f32 v52, v34  }
0x321: {  	v54 =	vld.idx.msk [tilespmem:v59+s21+$0x0], $0xffff;
	v57 =	vor.u32 v17, v33  }
0x322: {  	v59 =	vmul.f32 v49, v63;
	v58 =	vld.idx.msk [tilespmem:v50+s19+$0x0], $0xffff;
	v34 =	vadd.f32 v55, v34  }
0x323: {  	v60 =	vld.idx.msk [tilespmem:v50+s20+$0x0], $0xffff  }
0x324: {  	v62 =	vmul.f32 v53, v51;
	v63 =	vld.idx.msk [tilespmem:v50+s25+$0x0], $0xffff;
	v34 =	vadd.f32 v59, v34  }
0x325: {  	v61 =	vld.idx.msk [tilespmem:v50+s21+$0x0], $0xffff;
	v48 =	vor.u32 v19, v33  }
0x326: {  	v50 =	vmul.f32 v56, v54;
	v49 =	vld.idx.msk [tilespmem:v57+s19+$0x0], $0xffff;
	v34 =	vadd.f32 v62, v34  }
0x327: {  	v51 =	vld.idx.msk [tilespmem:v57+s20+$0x0], $0xffff  }
0x328: {  	v54 =	vld.idx.msk [tilespmem:v57+s25+$0x0], $0xffff;
	v53 =	vmul.f32 v60, v58;
	v34 =	vadd.f32 v50, v34  }
0x329: {  	v52 =	vld.idx.msk [tilespmem:v57+s21+$0x0], $0xffff;
	v55 =	vor.u32 v20, v33  }
0x32a: {  	v57 =	vmul.f32 v63, v61;
	v56 =	vld.idx.msk [tilespmem:v48+s19+$0x0], $0xffff;
	v34 =	vadd.f32 v53, v34  }
0x32b: {  	v58 =	vld.idx.msk [tilespmem:v48+s20+$0x0], $0xffff  }
0x32c: {  	v61 =	vld.idx.msk [tilespmem:v48+s25+$0x0], $0xffff;
	v60 =	vmul.f32 v51, v49;
	v34 =	vadd.f32 v57, v34  }
0x32d: {  	v59 =	vld.idx.msk [tilespmem:v48+s21+$0x0], $0xffff;
	v62 =	vor.u32 v18, v33  }
0x32e: {  	v47 =	vmul.f32 v54, v52;
	v63 =	vld.idx.msk [tilespmem:v55+s19+$0x0], $0xffff;
	v34 =	vadd.f32 v60, v34  }
0x32f: {  	v48 =	vld.idx.msk [tilespmem:v55+s20+$0x0], $0xffff  }
0x330: {  	v49 =	vld.idx.msk [tilespmem:v55+s21+$0x0], $0xffff;
	v50 =	vmul.f32 v58, v56;
	v34 =	vadd.f32 v47, v34  }
0x331: {  	v52 =	vor.u32 v21, v33;
	v51 =	vld.idx.msk [tilespmem:v55+s25+$0x0], $0xffff  }
0x332: {  	v54 =	vmul.f32 v61, v59;
	v53 =	vld.idx.msk [tilespmem:v62+s19+$0x0], $0xffff;
	v34 =	vadd.f32 v50, v34  }
0x333: {  	v55 =	vld.idx.msk [tilespmem:v62+s20+$0x0], $0xffff  }
0x334: {  	v56 =	vld.idx.msk [tilespmem:v62+s21+$0x0], $0xffff;
	v57 =	vmul.f32 v48, v63;
	v34 =	vadd.f32 v54, v34  }
0x335: {  	v59 =	vor.u32 v22, v33;
	v58 =	vld.idx.msk [tilespmem:v62+s25+$0x0], $0xffff  }
0x336: {  	v62 =	vld.idx.msk [tilespmem:v52+s20+$0x0], $0xffff;
	v61 =	vmul.f32 v51, v49;
	v34 =	vadd.f32 v57, v34  }
0x337: {  	v60 =	vld.idx.msk [tilespmem:v52+s19+$0x0], $0xffff  }
0x338: {  	v63 =	vld.idx.msk [tilespmem:v52+s21+$0x0], $0xffff;
	v48 =	vmul.f32 v55, v53;
	v34 =	vadd.f32 v61, v34  }
0x339: {  	v49 =	vld.idx.msk [tilespmem:v52+s25+$0x0], $0xffff;
	v50 =	vor.u32 v23, v33  }
0x33a: {  	v51 =	vld.idx.msk [tilespmem:v59+s19+$0x0], $0xffff;
	v52 =	vmul.f32 v58, v56;
	v34 =	vadd.f32 v48, v34  }
0x33b: {  	v53 =	vld.idx.msk [tilespmem:v59+s20+$0x0], $0xffff  }
0x33c: {  	v56 =	vld.idx.msk [tilespmem:v59+s25+$0x0], $0xffff;
	v55 =	vmul.f32 v62, v60;
	v34 =	vadd.f32 v52, v34  }
0x33d: {  	v54 =	vld.idx.msk [tilespmem:v59+s21+$0x0], $0xffff;
	v57 =	vor.u32 v24, v33  }
0x33e: {  	v59 =	vmul.f32 v49, v63;
	v58 =	vld.idx.msk [tilespmem:v50+s19+$0x0], $0xffff;
	v34 =	vadd.f32 v55, v34  }
0x33f: {  	v60 =	vld.idx.msk [tilespmem:v50+s20+$0x0], $0xffff  }
0x340: {  	v62 =	vmul.f32 v53, v51;
	v63 =	vld.idx.msk [tilespmem:v50+s25+$0x0], $0xffff;
	v34 =	vadd.f32 v59, v34  }
0x341: {  	v61 =	vld.idx.msk [tilespmem:v50+s21+$0x0], $0xffff;
	v48 =	vor.u32 v25, v33  }
0x342: {  	v50 =	vmul.f32 v56, v54;
	v49 =	vld.idx.msk [tilespmem:v57+s19+$0x0], $0xffff;
	v34 =	vadd.f32 v62, v34  }
0x343: {  	v51 =	vld.idx.msk [tilespmem:v57+s20+$0x0], $0xffff  }
0x344: {  	v54 =	vld.idx.msk [tilespmem:v57+s25+$0x0], $0xffff;
	v53 =	vmul.f32 v60, v58;
	v34 =	vadd.f32 v50, v34  }
0x345: {  	v52 =	vld.idx.msk [tilespmem:v57+s21+$0x0], $0xffff;
	v55 =	vor.u32 v26, v33  }
0x346: {  	v57 =	vmul.f32 v63, v61;
	v56 =	vld.idx.msk [tilespmem:v48+s19+$0x0], $0xffff;
	v34 =	vadd.f32 v53, v34  }
0x347: {  	v58 =	vld.idx.msk [tilespmem:v48+s20+$0x0], $0xffff  }
0x348: {  	v61 =	vld.idx.msk [tilespmem:v48+s25+$0x0], $0xffff;
	v60 =	vmul.f32 v51, v49;
	v34 =	vadd.f32 v57, v34  }
0x349: {  	v59 =	vld.idx.msk [tilespmem:v48+s21+$0x0], $0xffff;
	v62 =	vor.u32 v27, v33  }
0x34a: {  	v47 =	vmul.f32 v54, v52;
	v63 =	vld.idx.msk [tilespmem:v55+s19+$0x0], $0xffff;
	v34 =	vadd.f32 v60, v34  }
0x34b: {  	v48 =	vld.idx.msk [tilespmem:v55+s20+$0x0], $0xffff  }
0x34c: {  	v49 =	vld.idx.msk [tilespmem:v55+s21+$0x0], $0xffff;
	v50 =	vmul.f32 v58, v56;
	v34 =	vadd.f32 v47, v34  }
0x34d: {  	v52 =	vor.u32 v29, v33;
	v51 =	vld.idx.msk [tilespmem:v55+s25+$0x0], $0xffff  }
0x34e: {  	v54 =	vmul.f32 v61, v59;
	v53 =	vld.idx.msk [tilespmem:v62+s19+$0x0], $0xffff;
	v34 =	vadd.f32 v50, v34  }
0x34f: {  	v55 =	vld.idx.msk [tilespmem:v62+s20+$0x0], $0xffff  }
0x350: {  	v56 =	vld.idx.msk [tilespmem:v62+s21+$0x0], $0xffff;
	v57 =	vmul.f32 v48, v63;
	v34 =	vadd.f32 v54, v34  }
0x351: {  	v59 =	vor.u32 v30, v33;
	v58 =	vld.idx.msk [tilespmem:v62+s25+$0x0], $0xffff  }
0x352: {  	v62 =	vld.idx.msk [tilespmem:v52+s20+$0x0], $0xffff;
	v61 =	vmul.f32 v51, v49;
	v34 =	vadd.f32 v57, v34  }
0x353: {  	v60 =	vld.idx.msk [tilespmem:v52+s19+$0x0], $0xffff  }
0x354: {  	v46 =	vld.idx.msk [tilespmem:v52+s25+$0x0], $0xffff;
	v45 =	vmul.f32 v55, v53;
	v34 =	vadd.f32 v61, v34  }
0x355: {  	v63 =	vld.idx.msk [tilespmem:v52+s21+$0x0], $0xffff;
	v47 =	vor.u32 v31, v33  }
0x356: {  	v48 =	vld.idx.msk [tilespmem:v59+s19+$0x0], $0xffff;
	v49 =	vmul.f32 v58, v56;
	v34 =	vadd.f32 v45, v34  }
0x357: {  	v50 =	vld.idx.msk [tilespmem:v59+s20+$0x0], $0xffff  }
0x358: {  	v51 =	vld.idx.msk [tilespmem:v59+s21+$0x0], $0xffff;
	v52 =	vmul.f32 v62, v60;
	v34 =	vadd.f32 v49, v34  }
0x359: {  	v53 =	vld.idx.msk [tilespmem:v59+s25+$0x0], $0xffff;
	v33 =	vor.u32 v32, v33  }
0x35a: {  	v55 =	vmul.f32 v46, v63;
	v54 =	vld.idx.msk [tilespmem:v47+s19+$0x0], $0xffff;
	v34 =	vadd.f32 v52, v34  }
0x35b: {  	v56 =	vld.idx.msk [tilespmem:v47+s20+$0x0], $0xffff  }
0x35c: {  	v59 =	vld.idx.msk [tilespmem:v47+s25+$0x0], $0xffff;
	v58 =	vmul.f32 v50, v48;
	v34 =	vadd.f32 v55, v34  }
0x35d: {  	v57 =	vld.idx.msk [tilespmem:v47+s21+$0x0], $0xffff  }
0x35e: {  	v60 =	vld.idx.msk [tilespmem:v33+s19+$0x0], $0xffff;
	v61 =	vmul.f32 v53, v51;
	v34 =	vadd.f32 v58, v34  }
0x35f: {  	v62 =	vld.idx.msk [tilespmem:v33+s20+$0x0], $0xffff  }
0x360: {  	v63 =	vld.idx.msk [tilespmem:v33+s21+$0x0], $0xffff;
	v43 =	vmul.f32 v56, v54;
	v34 =	vadd.f32 v61, v34  }
0x361: {  	v44 =	vld.idx.msk [tilespmem:v33+s25+$0x0], $0xffff  }
0x362: {  	s23 =	simm.s32 $0x10;
	v46 =	vmul.f32 v59, v57;
	v45 =	vadd.f32 v43, v34  }
0x363: {  	v47 =	vmov s23  }
0x364: {  	v35 =	vshll.u32 v47, $0x5;
	v48 =	vmul.f32 v62, v60;
	v34 =	vadd.f32 v46, v45  }
0x365: {  	v33 =	vor.u32 v1, v35  }
0x366: {  	v50 =	vor.u32 v0, v33;
	v49 =	vmul.f32 v44, v63;
	v34 =	vadd.f32 v48, v34;
	_ =	sdelay $0x1  }
0x367: {  	v34 =	vadd.f32 v49, v34  }
0x368: {  	s0 =	simm.s32 $0x1A130  }
0x369: {  	[tilespmem:s0+$0x0] =	vst v34  }
0x36a: {  	v51 =	vor.u32 v2, v33;
	v52 =	vld.idx.msk [tilespmem:v50+s19+$0x0], $0xffff  }
0x36b: {  	v53 =	vld.idx.msk [tilespmem:v50+s20+$0x0], $0xffff  }
0x36c: {  	v54 =	vld.idx.msk [tilespmem:v50+s21+$0x0], $0xffff  }
0x36d: {  	s10 =	simm.s32 $0x19E20;
	v36 =	vld.idx.msk [tilespmem:v50+s25+$0x0], $0xffff  }
0x36e: {  	v55 =	vor.u32 v3, v33;
	v56 =	vld [tilespmem:s10+$0x0]  }
0x36f: {  	v57 =	vld.idx.msk [tilespmem:v51+s19+$0x0], $0xffff  }
0x370: {  	v58 =	vld.idx.msk [tilespmem:v51+s20+$0x0], $0xffff  }
0x371: {  	v59 =	vld.idx.msk [tilespmem:v51+s21+$0x0], $0xffff;
	v35 =	vmul.f32 v53, v52  }
0x372: {  	v60 =	vor.u32 v4, v33;
	v34 =	vld.idx.msk [tilespmem:v51+s25+$0x0], $0xffff  }
0x373: {  	v61 =	vld.idx.msk [tilespmem:v55+s19+$0x0], $0xffff;
	v36 =	vmul.f32 v36, v54;
	v35 =	vadd.f32 v35, v56  }
0x374: {  	v62 =	vld.idx.msk [tilespmem:v55+s20+$0x0], $0xffff  }
0x375: {  	v63 =	vld.idx.msk [tilespmem:v55+s21+$0x0], $0xffff;
	v47 =	vmul.f32 v58, v57;
	v35 =	vadd.f32 v36, v35  }
0x376: {  	v48 =	vor.u32 v5, v33;
	v39 =	vld.idx.msk [tilespmem:v55+s25+$0x0], $0xffff  }
0x377: {  	v49 =	vld.idx.msk [tilespmem:v60+s19+$0x0], $0xffff;
	v34 =	vmul.f32 v34, v59;
	v35 =	vadd.f32 v47, v35  }
0x378: {  	v50 =	vld.idx.msk [tilespmem:v60+s20+$0x0], $0xffff  }
0x379: {  	v51 =	vld.idx.msk [tilespmem:v60+s21+$0x0], $0xffff;
	v52 =	vmul.f32 v62, v61;
	v34 =	vadd.f32 v34, v35  }
0x37a: {  	v37 =	vld.idx.msk [tilespmem:v60+s25+$0x0], $0xffff;
	v53 =	vor.u32 v6, v33  }
0x37b: {  	v54 =	vld.idx.msk [tilespmem:v48+s19+$0x0], $0xffff;
	v55 =	vmul.f32 v39, v63;
	v34 =	vadd.f32 v52, v34  }
0x37c: {  	v56 =	vld.idx.msk [tilespmem:v48+s20+$0x0], $0xffff  }
0x37d: {  	v57 =	vld.idx.msk [tilespmem:v48+s21+$0x0], $0xffff;
	v58 =	vmul.f32 v50, v49;
	v34 =	vadd.f32 v55, v34  }
0x37e: {  	v60 =	vor.u32 v7, v33;
	v59 =	vld.idx.msk [tilespmem:v48+s25+$0x0], $0xffff  }
0x37f: {  	v62 =	vmul.f32 v37, v51;
	v61 =	vld.idx.msk [tilespmem:v53+s19+$0x0], $0xffff;
	v34 =	vadd.f32 v58, v34  }
0x380: {  	v63 =	vld.idx.msk [tilespmem:v53+s20+$0x0], $0xffff  }
0x381: {  	v48 =	vld.idx.msk [tilespmem:v53+s21+$0x0], $0xffff;
	v49 =	vmul.f32 v56, v54;
	v34 =	vadd.f32 v62, v34  }
0x382: {  	v50 =	vor.u32 v8, v33;
	v38 =	vld.idx.msk [tilespmem:v53+s25+$0x0], $0xffff  }
0x383: {  	v51 =	vld.idx.msk [tilespmem:v60+s19+$0x0], $0xffff;
	v52 =	vmul.f32 v59, v57;
	v34 =	vadd.f32 v49, v34  }
0x384: {  	v53 =	vld.idx.msk [tilespmem:v60+s20+$0x0], $0xffff  }
0x385: {  	v54 =	vld.idx.msk [tilespmem:v60+s21+$0x0], $0xffff;
	v55 =	vmul.f32 v63, v61;
	v34 =	vadd.f32 v52, v34  }
0x386: {  	v56 =	vld.idx.msk [tilespmem:v60+s25+$0x0], $0xffff;
	v57 =	vor.u32 v9, v33  }
0x387: {  	v60 =	vld.idx.msk [tilespmem:v50+s20+$0x0], $0xffff;
	v59 =	vmul.f32 v38, v48;
	v34 =	vadd.f32 v55, v34  }
0x388: {  	v58 =	vld.idx.msk [tilespmem:v50+s19+$0x0], $0xffff  }
0x389: {  	v61 =	vld.idx.msk [tilespmem:v50+s21+$0x0], $0xffff;
	v62 =	vmul.f32 v53, v51;
	v34 =	vadd.f32 v59, v34  }
0x38a: {  	v48 =	vor.u32 v10, v33;
	v63 =	vld.idx.msk [tilespmem:v50+s25+$0x0], $0xffff  }
0x38b: {  	v50 =	vmul.f32 v56, v54;
	v51 =	vld.idx.msk [tilespmem:v57+s20+$0x0], $0xffff;
	v34 =	vadd.f32 v62, v34  }
0x38c: {  	v49 =	vld.idx.msk [tilespmem:v57+s19+$0x0], $0xffff  }
0x38d: {  	v54 =	vld.idx.msk [tilespmem:v57+s25+$0x0], $0xffff;
	v53 =	vmul.f32 v60, v58;
	v34 =	vadd.f32 v50, v34  }
0x38e: {  	v52 =	vld.idx.msk [tilespmem:v57+s21+$0x0], $0xffff;
	v55 =	vor.u32 v11, v33  }
0x38f: {  	v56 =	vld.idx.msk [tilespmem:v48+s19+$0x0], $0xffff;
	v57 =	vmul.f32 v63, v61;
	v34 =	vadd.f32 v53, v34  }
0x390: {  	v58 =	vld.idx.msk [tilespmem:v48+s20+$0x0], $0xffff  }
0x391: {  	v61 =	vld.idx.msk [tilespmem:v48+s25+$0x0], $0xffff;
	v60 =	vmul.f32 v51, v49;
	v34 =	vadd.f32 v57, v34  }
0x392: {  	v59 =	vld.idx.msk [tilespmem:v48+s21+$0x0], $0xffff;
	v62 =	vor.u32 v12, v33  }
0x393: {  	v47 =	vmul.f32 v54, v52;
	v63 =	vld.idx.msk [tilespmem:v55+s19+$0x0], $0xffff;
	v34 =	vadd.f32 v60, v34  }
0x394: {  	v48 =	vld.idx.msk [tilespmem:v55+s20+$0x0], $0xffff  }
0x395: {  	v49 =	vld.idx.msk [tilespmem:v55+s21+$0x0], $0xffff;
	v50 =	vmul.f32 v58, v56;
	v34 =	vadd.f32 v47, v34  }
0x396: {  	v52 =	vor.u32 v13, v33;
	v51 =	vld.idx.msk [tilespmem:v55+s25+$0x0], $0xffff  }
0x397: {  	v54 =	vmul.f32 v61, v59;
	v53 =	vld.idx.msk [tilespmem:v62+s19+$0x0], $0xffff;
	v34 =	vadd.f32 v50, v34  }
0x398: {  	v55 =	vld.idx.msk [tilespmem:v62+s20+$0x0], $0xffff  }
0x399: {  	v56 =	vld.idx.msk [tilespmem:v62+s21+$0x0], $0xffff;
	v57 =	vmul.f32 v48, v63;
	v34 =	vadd.f32 v54, v34  }
0x39a: {  	v59 =	vor.u32 v14, v33;
	v58 =	vld.idx.msk [tilespmem:v62+s25+$0x0], $0xffff  }
0x39b: {  	v62 =	vld.idx.msk [tilespmem:v52+s20+$0x0], $0xffff;
	v61 =	vmul.f32 v51, v49;
	v34 =	vadd.f32 v57, v34  }
0x39c: {  	v60 =	vld.idx.msk [tilespmem:v52+s19+$0x0], $0xffff  }
0x39d: {  	v63 =	vld.idx.msk [tilespmem:v52+s21+$0x0], $0xffff;
	v48 =	vmul.f32 v55, v53;
	v34 =	vadd.f32 v61, v34  }
0x39e: {  	v49 =	vld.idx.msk [tilespmem:v52+s25+$0x0], $0xffff;
	v50 =	vor.u32 v15, v33  }
0x39f: {  	v51 =	vld.idx.msk [tilespmem:v59+s19+$0x0], $0xffff;
	v52 =	vmul.f32 v58, v56;
	v34 =	vadd.f32 v48, v34  }
0x3a0: {  	v53 =	vld.idx.msk [tilespmem:v59+s20+$0x0], $0xffff  }
0x3a1: {  	v56 =	vld.idx.msk [tilespmem:v59+s25+$0x0], $0xffff;
	v55 =	vmul.f32 v62, v60;
	v34 =	vadd.f32 v52, v34  }
0x3a2: {  	v54 =	vld.idx.msk [tilespmem:v59+s21+$0x0], $0xffff;
	v57 =	vor.u32 v16, v33  }
0x3a3: {  	v59 =	vmul.f32 v49, v63;
	v58 =	vld.idx.msk [tilespmem:v50+s19+$0x0], $0xffff;
	v34 =	vadd.f32 v55, v34  }
0x3a4: {  	v60 =	vld.idx.msk [tilespmem:v50+s20+$0x0], $0xffff  }
0x3a5: {  	v62 =	vmul.f32 v53, v51;
	v63 =	vld.idx.msk [tilespmem:v50+s25+$0x0], $0xffff;
	v34 =	vadd.f32 v59, v34  }
0x3a6: {  	v61 =	vld.idx.msk [tilespmem:v50+s21+$0x0], $0xffff;
	v48 =	vor.u32 v28, v33  }
0x3a7: {  	v50 =	vmul.f32 v56, v54;
	v49 =	vld.idx.msk [tilespmem:v57+s19+$0x0], $0xffff;
	v34 =	vadd.f32 v62, v34  }
0x3a8: {  	v51 =	vld.idx.msk [tilespmem:v57+s20+$0x0], $0xffff  }
0x3a9: {  	v54 =	vld.idx.msk [tilespmem:v57+s25+$0x0], $0xffff;
	v53 =	vmul.f32 v60, v58;
	v34 =	vadd.f32 v50, v34  }
0x3aa: {  	v52 =	vld.idx.msk [tilespmem:v57+s21+$0x0], $0xffff;
	v55 =	vor.u32 v17, v33  }
0x3ab: {  	v57 =	vmul.f32 v63, v61;
	v56 =	vld.idx.msk [tilespmem:v48+s19+$0x0], $0xffff;
	v34 =	vadd.f32 v53, v34  }
0x3ac: {  	v58 =	vld.idx.msk [tilespmem:v48+s20+$0x0], $0xffff  }
0x3ad: {  	v61 =	vld.idx.msk [tilespmem:v48+s25+$0x0], $0xffff;
	v60 =	vmul.f32 v51, v49;
	v34 =	vadd.f32 v57, v34  }
0x3ae: {  	v59 =	vld.idx.msk [tilespmem:v48+s21+$0x0], $0xffff;
	v62 =	vor.u32 v19, v33  }
0x3af: {  	v47 =	vmul.f32 v54, v52;
	v63 =	vld.idx.msk [tilespmem:v55+s19+$0x0], $0xffff;
	v34 =	vadd.f32 v60, v34  }
0x3b0: {  	v48 =	vld.idx.msk [tilespmem:v55+s20+$0x0], $0xffff  }
0x3b1: {  	v49 =	vld.idx.msk [tilespmem:v55+s21+$0x0], $0xffff;
	v50 =	vmul.f32 v58, v56;
	v34 =	vadd.f32 v47, v34  }
0x3b2: {  	v52 =	vor.u32 v20, v33;
	v51 =	vld.idx.msk [tilespmem:v55+s25+$0x0], $0xffff  }
0x3b3: {  	v54 =	vmul.f32 v61, v59;
	v53 =	vld.idx.msk [tilespmem:v62+s19+$0x0], $0xffff;
	v34 =	vadd.f32 v50, v34  }
0x3b4: {  	v55 =	vld.idx.msk [tilespmem:v62+s20+$0x0], $0xffff  }
0x3b5: {  	v56 =	vld.idx.msk [tilespmem:v62+s21+$0x0], $0xffff;
	v57 =	vmul.f32 v48, v63;
	v34 =	vadd.f32 v54, v34  }
0x3b6: {  	v59 =	vor.u32 v18, v33;
	v58 =	vld.idx.msk [tilespmem:v62+s25+$0x0], $0xffff  }
0x3b7: {  	v62 =	vld.idx.msk [tilespmem:v52+s20+$0x0], $0xffff;
	v61 =	vmul.f32 v51, v49;
	v34 =	vadd.f32 v57, v34  }
0x3b8: {  	v60 =	vld.idx.msk [tilespmem:v52+s19+$0x0], $0xffff  }
0x3b9: {  	v63 =	vld.idx.msk [tilespmem:v52+s21+$0x0], $0xffff;
	v48 =	vmul.f32 v55, v53;
	v34 =	vadd.f32 v61, v34  }
0x3ba: {  	v49 =	vld.idx.msk [tilespmem:v52+s25+$0x0], $0xffff;
	v50 =	vor.u32 v21, v33  }
0x3bb: {  	v51 =	vld.idx.msk [tilespmem:v59+s19+$0x0], $0xffff;
	v52 =	vmul.f32 v58, v56;
	v34 =	vadd.f32 v48, v34  }
0x3bc: {  	v53 =	vld.idx.msk [tilespmem:v59+s20+$0x0], $0xffff  }
0x3bd: {  	v56 =	vld.idx.msk [tilespmem:v59+s25+$0x0], $0xffff;
	v55 =	vmul.f32 v62, v60;
	v34 =	vadd.f32 v52, v34  }
0x3be: {  	v54 =	vld.idx.msk [tilespmem:v59+s21+$0x0], $0xffff;
	v57 =	vor.u32 v22, v33  }
0x3bf: {  	v59 =	vmul.f32 v49, v63;
	v58 =	vld.idx.msk [tilespmem:v50+s19+$0x0], $0xffff;
	v34 =	vadd.f32 v55, v34  }
0x3c0: {  	v60 =	vld.idx.msk [tilespmem:v50+s20+$0x0], $0xffff  }
0x3c1: {  	v62 =	vmul.f32 v53, v51;
	v63 =	vld.idx.msk [tilespmem:v50+s25+$0x0], $0xffff;
	v34 =	vadd.f32 v59, v34  }
0x3c2: {  	v61 =	vld.idx.msk [tilespmem:v50+s21+$0x0], $0xffff;
	v48 =	vor.u32 v23, v33  }
0x3c3: {  	v50 =	vmul.f32 v56, v54;
	v49 =	vld.idx.msk [tilespmem:v57+s19+$0x0], $0xffff;
	v34 =	vadd.f32 v62, v34  }
0x3c4: {  	v51 =	vld.idx.msk [tilespmem:v57+s20+$0x0], $0xffff  }
0x3c5: {  	v54 =	vld.idx.msk [tilespmem:v57+s25+$0x0], $0xffff;
	v53 =	vmul.f32 v60, v58;
	v34 =	vadd.f32 v50, v34  }
0x3c6: {  	v52 =	vld.idx.msk [tilespmem:v57+s21+$0x0], $0xffff;
	v55 =	vor.u32 v24, v33  }
0x3c7: {  	v57 =	vmul.f32 v63, v61;
	v56 =	vld.idx.msk [tilespmem:v48+s19+$0x0], $0xffff;
	v34 =	vadd.f32 v53, v34  }
0x3c8: {  	v58 =	vld.idx.msk [tilespmem:v48+s20+$0x0], $0xffff  }
0x3c9: {  	v61 =	vld.idx.msk [tilespmem:v48+s25+$0x0], $0xffff;
	v60 =	vmul.f32 v51, v49;
	v34 =	vadd.f32 v57, v34  }
0x3ca: {  	v59 =	vld.idx.msk [tilespmem:v48+s21+$0x0], $0xffff;
	v62 =	vor.u32 v25, v33  }
0x3cb: {  	v47 =	vmul.f32 v54, v52;
	v63 =	vld.idx.msk [tilespmem:v55+s19+$0x0], $0xffff;
	v34 =	vadd.f32 v60, v34  }
0x3cc: {  	v48 =	vld.idx.msk [tilespmem:v55+s20+$0x0], $0xffff  }
0x3cd: {  	v49 =	vld.idx.msk [tilespmem:v55+s21+$0x0], $0xffff;
	v50 =	vmul.f32 v58, v56;
	v34 =	vadd.f32 v47, v34  }
0x3ce: {  	v52 =	vor.u32 v26, v33;
	v51 =	vld.idx.msk [tilespmem:v55+s25+$0x0], $0xffff  }
0x3cf: {  	v54 =	vmul.f32 v61, v59;
	v53 =	vld.idx.msk [tilespmem:v62+s19+$0x0], $0xffff;
	v34 =	vadd.f32 v50, v34  }
0x3d0: {  	v55 =	vld.idx.msk [tilespmem:v62+s20+$0x0], $0xffff  }
0x3d1: {  	v56 =	vld.idx.msk [tilespmem:v62+s21+$0x0], $0xffff;
	v57 =	vmul.f32 v48, v63;
	v34 =	vadd.f32 v54, v34  }
0x3d2: {  	v59 =	vor.u32 v27, v33;
	v58 =	vld.idx.msk [tilespmem:v62+s25+$0x0], $0xffff  }
0x3d3: {  	v62 =	vld.idx.msk [tilespmem:v52+s20+$0x0], $0xffff;
	v61 =	vmul.f32 v51, v49;
	v34 =	vadd.f32 v57, v34  }
0x3d4: {  	v60 =	vld.idx.msk [tilespmem:v52+s19+$0x0], $0xffff  }
0x3d5: {  	v63 =	vld.idx.msk [tilespmem:v52+s21+$0x0], $0xffff;
	v48 =	vmul.f32 v55, v53;
	v34 =	vadd.f32 v61, v34  }
0x3d6: {  	v49 =	vld.idx.msk [tilespmem:v52+s25+$0x0], $0xffff;
	v50 =	vor.u32 v29, v33  }
0x3d7: {  	v51 =	vld.idx.msk [tilespmem:v59+s19+$0x0], $0xffff;
	v52 =	vmul.f32 v58, v56;
	v34 =	vadd.f32 v48, v34  }
0x3d8: {  	v53 =	vld.idx.msk [tilespmem:v59+s20+$0x0], $0xffff  }
0x3d9: {  	v56 =	vld.idx.msk [tilespmem:v59+s25+$0x0], $0xffff;
	v55 =	vmul.f32 v62, v60;
	v34 =	vadd.f32 v52, v34  }
0x3da: {  	v54 =	vld.idx.msk [tilespmem:v59+s21+$0x0], $0xffff;
	v57 =	vor.u32 v30, v33  }
0x3db: {  	v59 =	vmul.f32 v49, v63;
	v58 =	vld.idx.msk [tilespmem:v50+s19+$0x0], $0xffff;
	v34 =	vadd.f32 v55, v34  }
0x3dc: {  	v60 =	vld.idx.msk [tilespmem:v50+s20+$0x0], $0xffff  }
0x3dd: {  	v62 =	vmul.f32 v53, v51;
	v63 =	vld.idx.msk [tilespmem:v50+s25+$0x0], $0xffff;
	v34 =	vadd.f32 v59, v34  }
0x3de: {  	v45 =	vor.u32 v31, v33;
	v61 =	vld.idx.msk [tilespmem:v50+s21+$0x0], $0xffff  }
0x3df: {  	v47 =	vmul.f32 v56, v54;
	v46 =	vld.idx.msk [tilespmem:v57+s19+$0x0], $0xffff;
	v34 =	vadd.f32 v62, v34  }
0x3e0: {  	v48 =	vld.idx.msk [tilespmem:v57+s20+$0x0], $0xffff  }
0x3e1: {  	v49 =	vld.idx.msk [tilespmem:v57+s21+$0x0], $0xffff;
	v50 =	vmul.f32 v60, v58;
	v34 =	vadd.f32 v47, v34  }
0x3e2: {  	v51 =	vld.idx.msk [tilespmem:v57+s25+$0x0], $0xffff  }
0x3e3: {  	v33 =	vor.u32 v32, v33;
	v54 =	vld.idx.msk [tilespmem:v45+s20+$0x0], $0xffff;
	v53 =	vmul.f32 v63, v61;
	v34 =	vadd.f32 v50, v34  }
0x3e4: {  	v52 =	vld.idx.msk [tilespmem:v45+s19+$0x0], $0xffff  }
0x3e5: {  	v56 =	vmul.f32 v48, v46;
	v34 =	vadd.f32 v53, v34  }
0x3e6: {  	v57 =	vld.idx.msk [tilespmem:v45+s25+$0x0], $0xffff  }
0x3e7: {  	v55 =	vld.idx.msk [tilespmem:v45+s21+$0x0], $0xffff;
	v59 =	vmul.f32 v51, v49;
	v34 =	vadd.f32 v56, v34  }
0x3e8: {  	v58 =	vld.idx.msk [tilespmem:v33+s19+$0x0], $0xffff  }
0x3e9: {  	v60 =	vld.idx.msk [tilespmem:v33+s20+$0x0], $0xffff;
	v61 =	vmul.f32 v54, v52;
	v34 =	vadd.f32 v59, v34  }
0x3ea: {  	v35 =	vld.idx.msk [tilespmem:v33+s25+$0x0], $0xffff  }
0x3eb: {  	v36 =	vadd.f32 v61, v34;
	v34 =	vld.idx.msk [tilespmem:v33+s21+$0x0], $0xffff  }
0x3ec: {  	s24 =	simm.s32 $0x20;
	v37 =	vmul.f32 v57, v55  }
0x3ed: {  	v62 =	vmov s24  }
0x3ee: {  	v63 =	vshll.u32 v62, $0x5;
	v36 =	vadd.f32 v37, v36;
	v37 =	vmul.f32 v60, v58  }
0x3ef: {  	s22 =	simm.s32 $0x30;
	v33 =	vor.u32 v1, v63  }
.LBB2_5:
0x3f0: {  	p0 =	sne.s32 s22, $0x180;
	v38 =	vor.u32 v2, v33;
	v36 =	vadd.f32 v37, v36;
	v34 =	vmul.f32 v35, v34  }
0x3f1: {  	v35 =	vor.u32 v0, v33  }
0x3f2: {  	v34 =	vadd.f32 v34, v36  }
0x3f3: {  	s0 =	sadd.s32 $0x10, s0  }
0x3f4: {  	[tilespmem:s0+$0x0] =	vst v34  }
0x3f5: {  	v34 =	vld.idx.msk [tilespmem:v38+s19+$0x0], $0xffff  }
0x3f6: {  	v36 =	vld.idx.msk [tilespmem:v35+s19+$0x0], $0xffff  }
0x3f7: {  	v37 =	vld.idx.msk [tilespmem:v35+s20+$0x0], $0xffff  }
0x3f8: {  	v39 =	vld.idx.msk [tilespmem:v35+s21+$0x0], $0xffff  }
0x3f9: {  	v40 =	vor.u32 v3, v33;
	s10 =	sadd.s32 $0x10, s10;
	v35 =	vld.idx.msk [tilespmem:v35+s25+$0x0], $0xffff  }
0x3fa: {  	v41 =	vld [tilespmem:s10+$0x0]  }
0x3fb: {  	v42 =	vld.idx.msk [tilespmem:v38+s20+$0x0], $0xffff  }
0x3fc: {  	v43 =	vld.idx.msk [tilespmem:v38+s21+$0x0], $0xffff  }
0x3fd: {  	v36 =	vmul.f32 v37, v36;
	v37 =	vld.idx.msk [tilespmem:v38+s25+$0x0], $0xffff;
	v38 =	vor.u32 v4, v33  }
0x3fe: {  	v44 =	vld.idx.msk [tilespmem:v40+s19+$0x0], $0xffff  }
0x3ff: {  	v35 =	vmul.f32 v35, v39;
	v36 =	vadd.f32 v36, v41;
	v39 =	vld.idx.msk [tilespmem:v40+s20+$0x0], $0xffff  }
0x400: {  	v41 =	vld.idx.msk [tilespmem:v40+s21+$0x0], $0xffff  }
0x401: {  	v34 =	vmul.f32 v42, v34;
	v35 =	vadd.f32 v35, v36;
	v36 =	vld.idx.msk [tilespmem:v40+s25+$0x0], $0xffff;
	v40 =	vor.u32 v5, v33  }
0x402: {  	v42 =	vld.idx.msk [tilespmem:v38+s19+$0x0], $0xffff  }
0x403: {  	v34 =	vadd.f32 v34, v35;
	v35 =	vmul.f32 v37, v43;
	v37 =	vld.idx.msk [tilespmem:v38+s20+$0x0], $0xffff  }
0x404: {  	v43 =	vld.idx.msk [tilespmem:v38+s21+$0x0], $0xffff  }
0x405: {  	v34 =	vadd.f32 v35, v34;
	v35 =	vmul.f32 v39, v44;
	v38 =	vld.idx.msk [tilespmem:v38+s25+$0x0], $0xffff;
	v39 =	vor.u32 v6, v33  }
0x406: {  	v44 =	vld.idx.msk [tilespmem:v40+s19+$0x0], $0xffff  }
0x407: {  	v34 =	vadd.f32 v35, v34;
	v35 =	vmul.f32 v36, v41;
	v36 =	vld.idx.msk [tilespmem:v40+s20+$0x0], $0xffff  }
0x408: {  	v41 =	vld.idx.msk [tilespmem:v40+s21+$0x0], $0xffff  }
0x409: {  	v34 =	vadd.f32 v35, v34;
	v35 =	vmul.f32 v37, v42;
	v37 =	vld.idx.msk [tilespmem:v40+s25+$0x0], $0xffff;
	v40 =	vor.u32 v7, v33  }
0x40a: {  	v42 =	vld.idx.msk [tilespmem:v39+s19+$0x0], $0xffff  }
0x40b: {  	v34 =	vadd.f32 v35, v34;
	v35 =	vmul.f32 v38, v43;
	v38 =	vld.idx.msk [tilespmem:v39+s20+$0x0], $0xffff  }
0x40c: {  	v43 =	vld.idx.msk [tilespmem:v39+s21+$0x0], $0xffff  }
0x40d: {  	v34 =	vadd.f32 v35, v34;
	v35 =	vmul.f32 v36, v44;
	v36 =	vld.idx.msk [tilespmem:v39+s25+$0x0], $0xffff;
	v39 =	vor.u32 v8, v33  }
0x40e: {  	v44 =	vld.idx.msk [tilespmem:v40+s19+$0x0], $0xffff  }
0x40f: {  	v34 =	vadd.f32 v35, v34;
	v35 =	vmul.f32 v37, v41;
	v37 =	vld.idx.msk [tilespmem:v40+s20+$0x0], $0xffff  }
0x410: {  	v41 =	vld.idx.msk [tilespmem:v40+s21+$0x0], $0xffff  }
0x411: {  	v34 =	vadd.f32 v35, v34;
	v35 =	vmul.f32 v38, v42;
	v38 =	vld.idx.msk [tilespmem:v40+s25+$0x0], $0xffff;
	v40 =	vor.u32 v9, v33  }
0x412: {  	v42 =	vld.idx.msk [tilespmem:v39+s19+$0x0], $0xffff  }
0x413: {  	v34 =	vadd.f32 v35, v34;
	v35 =	vmul.f32 v36, v43;
	v36 =	vld.idx.msk [tilespmem:v39+s20+$0x0], $0xffff  }
0x414: {  	v43 =	vld.idx.msk [tilespmem:v39+s21+$0x0], $0xffff  }
0x415: {  	v34 =	vadd.f32 v35, v34;
	v35 =	vmul.f32 v37, v44;
	v37 =	vld.idx.msk [tilespmem:v39+s25+$0x0], $0xffff;
	v39 =	vor.u32 v10, v33  }
0x416: {  	v44 =	vld.idx.msk [tilespmem:v40+s19+$0x0], $0xffff  }
0x417: {  	v34 =	vadd.f32 v35, v34;
	v35 =	vmul.f32 v38, v41;
	v38 =	vld.idx.msk [tilespmem:v40+s20+$0x0], $0xffff  }
0x418: {  	v41 =	vld.idx.msk [tilespmem:v40+s21+$0x0], $0xffff  }
0x419: {  	v34 =	vadd.f32 v35, v34;
	v35 =	vmul.f32 v36, v42;
	v36 =	vld.idx.msk [tilespmem:v40+s25+$0x0], $0xffff;
	v40 =	vor.u32 v11, v33  }
0x41a: {  	v42 =	vld.idx.msk [tilespmem:v39+s19+$0x0], $0xffff  }
0x41b: {  	v34 =	vadd.f32 v35, v34;
	v35 =	vmul.f32 v37, v43;
	v37 =	vld.idx.msk [tilespmem:v39+s20+$0x0], $0xffff  }
0x41c: {  	v43 =	vld.idx.msk [tilespmem:v39+s21+$0x0], $0xffff  }
0x41d: {  	v34 =	vadd.f32 v35, v34;
	v35 =	vmul.f32 v38, v44;
	v38 =	vld.idx.msk [tilespmem:v39+s25+$0x0], $0xffff;
	v39 =	vor.u32 v12, v33  }
0x41e: {  	v44 =	vld.idx.msk [tilespmem:v40+s19+$0x0], $0xffff  }
0x41f: {  	v34 =	vadd.f32 v35, v34;
	v35 =	vmul.f32 v36, v41;
	v36 =	vld.idx.msk [tilespmem:v40+s20+$0x0], $0xffff  }
0x420: {  	v41 =	vld.idx.msk [tilespmem:v40+s21+$0x0], $0xffff  }
0x421: {  	v34 =	vadd.f32 v35, v34;
	v35 =	vmul.f32 v37, v42;
	v37 =	vld.idx.msk [tilespmem:v40+s25+$0x0], $0xffff;
	v40 =	vor.u32 v13, v33  }
0x422: {  	v42 =	vld.idx.msk [tilespmem:v39+s19+$0x0], $0xffff  }
0x423: {  	v34 =	vadd.f32 v35, v34;
	v35 =	vmul.f32 v38, v43;
	v38 =	vld.idx.msk [tilespmem:v39+s20+$0x0], $0xffff  }
0x424: {  	v43 =	vld.idx.msk [tilespmem:v39+s21+$0x0], $0xffff  }
0x425: {  	v34 =	vadd.f32 v35, v34;
	v35 =	vmul.f32 v36, v44;
	v36 =	vld.idx.msk [tilespmem:v39+s25+$0x0], $0xffff;
	v39 =	vor.u32 v14, v33  }
0x426: {  	v44 =	vld.idx.msk [tilespmem:v40+s19+$0x0], $0xffff  }
0x427: {  	v34 =	vadd.f32 v35, v34;
	v35 =	vmul.f32 v37, v41;
	v37 =	vld.idx.msk [tilespmem:v40+s20+$0x0], $0xffff  }
0x428: {  	v41 =	vld.idx.msk [tilespmem:v40+s21+$0x0], $0xffff  }
0x429: {  	v34 =	vadd.f32 v35, v34;
	v35 =	vmul.f32 v38, v42;
	v38 =	vld.idx.msk [tilespmem:v40+s25+$0x0], $0xffff;
	v40 =	vor.u32 v15, v33  }
0x42a: {  	v42 =	vld.idx.msk [tilespmem:v39+s19+$0x0], $0xffff  }
0x42b: {  	v34 =	vadd.f32 v35, v34;
	v35 =	vmul.f32 v36, v43;
	v36 =	vld.idx.msk [tilespmem:v39+s20+$0x0], $0xffff  }
0x42c: {  	v43 =	vld.idx.msk [tilespmem:v39+s21+$0x0], $0xffff  }
0x42d: {  	v34 =	vadd.f32 v35, v34;
	v35 =	vmul.f32 v37, v44;
	v37 =	vld.idx.msk [tilespmem:v39+s25+$0x0], $0xffff;
	v39 =	vor.u32 v16, v33  }
0x42e: {  	v44 =	vld.idx.msk [tilespmem:v40+s19+$0x0], $0xffff  }
0x42f: {  	v34 =	vadd.f32 v35, v34;
	v35 =	vmul.f32 v38, v41;
	v38 =	vld.idx.msk [tilespmem:v40+s20+$0x0], $0xffff  }
0x430: {  	v41 =	vld.idx.msk [tilespmem:v40+s21+$0x0], $0xffff  }
0x431: {  	v34 =	vadd.f32 v35, v34;
	v35 =	vmul.f32 v36, v42;
	v36 =	vld.idx.msk [tilespmem:v40+s25+$0x0], $0xffff;
	v40 =	vor.u32 v28, v33  }
0x432: {  	v42 =	vld.idx.msk [tilespmem:v39+s19+$0x0], $0xffff  }
0x433: {  	v34 =	vadd.f32 v35, v34;
	v35 =	vmul.f32 v37, v43;
	v37 =	vld.idx.msk [tilespmem:v39+s20+$0x0], $0xffff  }
0x434: {  	v43 =	vld.idx.msk [tilespmem:v39+s21+$0x0], $0xffff  }
0x435: {  	v34 =	vadd.f32 v35, v34;
	v35 =	vmul.f32 v38, v44;
	v38 =	vld.idx.msk [tilespmem:v39+s25+$0x0], $0xffff;
	v39 =	vor.u32 v17, v33  }
0x436: {  	v44 =	vld.idx.msk [tilespmem:v40+s19+$0x0], $0xffff  }
0x437: {  	v34 =	vadd.f32 v35, v34;
	v35 =	vmul.f32 v36, v41;
	v36 =	vld.idx.msk [tilespmem:v40+s20+$0x0], $0xffff  }
0x438: {  	v41 =	vld.idx.msk [tilespmem:v40+s21+$0x0], $0xffff  }
0x439: {  	v34 =	vadd.f32 v35, v34;
	v35 =	vmul.f32 v37, v42;
	v37 =	vld.idx.msk [tilespmem:v40+s25+$0x0], $0xffff;
	v40 =	vor.u32 v19, v33  }
0x43a: {  	v42 =	vld.idx.msk [tilespmem:v39+s19+$0x0], $0xffff  }
0x43b: {  	v34 =	vadd.f32 v35, v34;
	v35 =	vmul.f32 v38, v43;
	v38 =	vld.idx.msk [tilespmem:v39+s20+$0x0], $0xffff  }
0x43c: {  	v43 =	vld.idx.msk [tilespmem:v39+s21+$0x0], $0xffff  }
0x43d: {  	v34 =	vadd.f32 v35, v34;
	v35 =	vmul.f32 v36, v44;
	v36 =	vld.idx.msk [tilespmem:v39+s25+$0x0], $0xffff;
	v39 =	vor.u32 v20, v33  }
0x43e: {  	v44 =	vld.idx.msk [tilespmem:v40+s19+$0x0], $0xffff  }
0x43f: {  	v34 =	vadd.f32 v35, v34;
	v35 =	vmul.f32 v37, v41;
	v37 =	vld.idx.msk [tilespmem:v40+s20+$0x0], $0xffff  }
0x440: {  	v41 =	vld.idx.msk [tilespmem:v40+s21+$0x0], $0xffff  }
0x441: {  	v34 =	vadd.f32 v35, v34;
	v35 =	vmul.f32 v38, v42;
	v38 =	vld.idx.msk [tilespmem:v40+s25+$0x0], $0xffff;
	v40 =	vor.u32 v18, v33  }
0x442: {  	v42 =	vld.idx.msk [tilespmem:v39+s19+$0x0], $0xffff  }
0x443: {  	v34 =	vadd.f32 v35, v34;
	v35 =	vmul.f32 v36, v43;
	v36 =	vld.idx.msk [tilespmem:v39+s20+$0x0], $0xffff  }
0x444: {  	v43 =	vld.idx.msk [tilespmem:v39+s21+$0x0], $0xffff  }
0x445: {  	v34 =	vadd.f32 v35, v34;
	v35 =	vmul.f32 v37, v44;
	v37 =	vld.idx.msk [tilespmem:v39+s25+$0x0], $0xffff;
	v39 =	vor.u32 v21, v33  }
0x446: {  	v44 =	vld.idx.msk [tilespmem:v40+s19+$0x0], $0xffff  }
0x447: {  	v34 =	vadd.f32 v35, v34;
	v35 =	vmul.f32 v38, v41;
	v38 =	vld.idx.msk [tilespmem:v40+s20+$0x0], $0xffff  }
0x448: {  	v41 =	vld.idx.msk [tilespmem:v40+s21+$0x0], $0xffff  }
0x449: {  	v34 =	vadd.f32 v35, v34;
	v35 =	vmul.f32 v36, v42;
	v36 =	vld.idx.msk [tilespmem:v40+s25+$0x0], $0xffff;
	v40 =	vor.u32 v22, v33  }
0x44a: {  	v42 =	vld.idx.msk [tilespmem:v39+s19+$0x0], $0xffff  }
0x44b: {  	v34 =	vadd.f32 v35, v34;
	v35 =	vmul.f32 v37, v43;
	v37 =	vld.idx.msk [tilespmem:v39+s20+$0x0], $0xffff  }
0x44c: {  	v43 =	vld.idx.msk [tilespmem:v39+s21+$0x0], $0xffff  }
0x44d: {  	v34 =	vadd.f32 v35, v34;
	v35 =	vmul.f32 v38, v44;
	v38 =	vld.idx.msk [tilespmem:v39+s25+$0x0], $0xffff;
	v39 =	vor.u32 v23, v33  }
0x44e: {  	v44 =	vld.idx.msk [tilespmem:v40+s19+$0x0], $0xffff  }
0x44f: {  	v34 =	vadd.f32 v35, v34;
	v35 =	vmul.f32 v36, v41;
	v36 =	vld.idx.msk [tilespmem:v40+s20+$0x0], $0xffff  }
0x450: {  	v41 =	vld.idx.msk [tilespmem:v40+s21+$0x0], $0xffff  }
0x451: {  	v34 =	vadd.f32 v35, v34;
	v35 =	vmul.f32 v37, v42;
	v37 =	vld.idx.msk [tilespmem:v40+s25+$0x0], $0xffff;
	v40 =	vor.u32 v24, v33  }
0x452: {  	v42 =	vld.idx.msk [tilespmem:v39+s19+$0x0], $0xffff  }
0x453: {  	v34 =	vadd.f32 v35, v34;
	v35 =	vmul.f32 v38, v43;
	v38 =	vld.idx.msk [tilespmem:v39+s20+$0x0], $0xffff  }
0x454: {  	v43 =	vld.idx.msk [tilespmem:v39+s21+$0x0], $0xffff  }
0x455: {  	v34 =	vadd.f32 v35, v34;
	v35 =	vmul.f32 v36, v44;
	v36 =	vld.idx.msk [tilespmem:v39+s25+$0x0], $0xffff;
	v39 =	vor.u32 v25, v33  }
0x456: {  	v44 =	vld.idx.msk [tilespmem:v40+s19+$0x0], $0xffff  }
0x457: {  	v34 =	vadd.f32 v35, v34;
	v35 =	vmul.f32 v37, v41;
	v37 =	vld.idx.msk [tilespmem:v40+s20+$0x0], $0xffff  }
0x458: {  	v41 =	vld.idx.msk [tilespmem:v40+s21+$0x0], $0xffff  }
0x459: {  	v34 =	vadd.f32 v35, v34;
	v35 =	vmul.f32 v38, v42;
	v38 =	vld.idx.msk [tilespmem:v40+s25+$0x0], $0xffff;
	v40 =	vor.u32 v26, v33  }
0x45a: {  	v42 =	vld.idx.msk [tilespmem:v39+s19+$0x0], $0xffff  }
0x45b: {  	v34 =	vadd.f32 v35, v34;
	v35 =	vmul.f32 v36, v43;
	v36 =	vld.idx.msk [tilespmem:v39+s20+$0x0], $0xffff  }
0x45c: {  	v43 =	vld.idx.msk [tilespmem:v39+s21+$0x0], $0xffff  }
0x45d: {  	v34 =	vadd.f32 v35, v34;
	v35 =	vmul.f32 v37, v44;
	v37 =	vld.idx.msk [tilespmem:v39+s25+$0x0], $0xffff;
	v39 =	vor.u32 v27, v33  }
0x45e: {  	v44 =	vld.idx.msk [tilespmem:v40+s19+$0x0], $0xffff  }
0x45f: {  	v34 =	vadd.f32 v35, v34;
	v35 =	vmul.f32 v38, v41;
	v38 =	vld.idx.msk [tilespmem:v40+s20+$0x0], $0xffff  }
0x460: {  	v41 =	vld.idx.msk [tilespmem:v40+s21+$0x0], $0xffff  }
0x461: {  	v34 =	vadd.f32 v35, v34;
	v35 =	vmul.f32 v36, v42;
	v36 =	vld.idx.msk [tilespmem:v40+s25+$0x0], $0xffff;
	v40 =	vor.u32 v29, v33  }
0x462: {  	v42 =	vld.idx.msk [tilespmem:v39+s19+$0x0], $0xffff  }
0x463: {  	v34 =	vadd.f32 v35, v34;
	v35 =	vmul.f32 v37, v43;
	v37 =	vld.idx.msk [tilespmem:v39+s20+$0x0], $0xffff  }
0x464: {  	v43 =	vld.idx.msk [tilespmem:v39+s21+$0x0], $0xffff  }
0x465: {  	v34 =	vadd.f32 v35, v34;
	v35 =	vmul.f32 v38, v44;
	v38 =	vld.idx.msk [tilespmem:v39+s25+$0x0], $0xffff;
	v39 =	vor.u32 v30, v33  }
0x466: {  	v44 =	vld.idx.msk [tilespmem:v40+s19+$0x0], $0xffff  }
0x467: {  	v34 =	vadd.f32 v35, v34;
	v35 =	vmul.f32 v36, v41;
	v36 =	vld.idx.msk [tilespmem:v40+s20+$0x0], $0xffff  }
0x468: {  	v41 =	vld.idx.msk [tilespmem:v40+s21+$0x0], $0xffff  }
0x469: {  	v34 =	vadd.f32 v35, v34;
	v35 =	vmul.f32 v37, v42;
	v37 =	vld.idx.msk [tilespmem:v40+s25+$0x0], $0xffff;
	v40 =	vor.u32 v31, v33  }
0x46a: {  	v42 =	vld.idx.msk [tilespmem:v39+s19+$0x0], $0xffff  }
0x46b: {  	v34 =	vadd.f32 v35, v34;
	v35 =	vmul.f32 v38, v43;
	v38 =	vld.idx.msk [tilespmem:v39+s20+$0x0], $0xffff  }
0x46c: {  	v43 =	vld.idx.msk [tilespmem:v39+s21+$0x0], $0xffff  }
0x46d: {  	v33 =	vor.u32 v32, v33;
	v34 =	vadd.f32 v35, v34;
	v35 =	vmul.f32 v36, v44;
	v36 =	vld.idx.msk [tilespmem:v39+s25+$0x0], $0xffff  }
0x46e: {  	v39 =	vld.idx.msk [tilespmem:v40+s19+$0x0], $0xffff  }
0x46f: {  	v34 =	vadd.f32 v35, v34;
	v35 =	vmul.f32 v37, v41;
	v37 =	vld.idx.msk [tilespmem:v40+s20+$0x0], $0xffff  }
0x470: {  	v41 =	vld.idx.msk [tilespmem:v40+s21+$0x0], $0xffff  }
0x471: {  	v34 =	vadd.f32 v35, v34;
	v35 =	vmul.f32 v38, v42;
	v38 =	vld.idx.msk [tilespmem:v40+s25+$0x0], $0xffff  }
0x472: {  	v40 =	vld.idx.msk [tilespmem:v33+s19+$0x0], $0xffff  }
0x473: {  	v36 =	vmul.f32 v36, v43;
	v35 =	vadd.f32 v35, v34;
	v42 =	vld.idx.msk [tilespmem:v33+s20+$0x0], $0xffff  }
0x474: {  	v34 =	vld.idx.msk [tilespmem:v33+s21+$0x0], $0xffff  }
0x475: {  	v37 =	vmul.f32 v37, v39;
	v36 =	vadd.f32 v36, v35;
	v35 =	vld.idx.msk [tilespmem:v33+s25+$0x0], $0xffff  }
.Ltmp1:
0x476: {  	(pc) =	sbr.rel @p0 .LBB2_5-.Ltmp1, $4  }
0x477: {  	v33 =	vadd.f32 v37, v36;
	v36 =	vmul.f32 v38, v41  }
0x478: {  	v37 =	vmov s22  }
0x479: {  	v38 =	vshll.u32 v37, $0x5;
	v37 =	vmul.f32 v42, v40;
	v36 =	vadd.f32 v36, v33  }
0x47a: {  	s22 =	sadd.s32 $0x10, s22;
	v33 =	vor.u32 v1, v38  }
0x47b: {  	v36 =	vadd.f32 v37, v36;
	v34 =	vmul.f32 v35, v34;
	v54 =	vor.u32 v0, v33;
	_ =	sdelay $0x1  }
0x47c: {  	v34 =	vadd.f32 v34, v36  }
0x47d: {  	s0 =	sadd.s32 $0x10, s0  }
0x47e: {  	[tilespmem:s0+$0x0] =	vst v34  }
0x47f: {  	v55 =	vor.u32 v2, v33;
	v56 =	vld.idx.msk [tilespmem:v54+s19+$0x0], $0xffff  }
0x480: {  	v57 =	vld.idx.msk [tilespmem:v54+s20+$0x0], $0xffff  }
0x481: {  	v38 =	vld.idx.msk [tilespmem:v54+s21+$0x0], $0xffff  }
0x482: {  	s10 =	sadd.s32 $0x10, s10;
	v35 =	vld.idx.msk [tilespmem:v54+s25+$0x0], $0xffff  }
0x483: {  	v39 =	vor.u32 v3, v33;
	v40 =	vld [tilespmem:s10+$0x0]  }
0x484: {  	v41 =	vld.idx.msk [tilespmem:v55+s19+$0x0], $0xffff  }
0x485: {  	v42 =	vld.idx.msk [tilespmem:v55+s20+$0x0], $0xffff  }
0x486: {  	v43 =	vld.idx.msk [tilespmem:v55+s21+$0x0], $0xffff;
	v36 =	vmul.f32 v57, v56  }
0x487: {  	v58 =	vor.u32 v4, v33;
	v34 =	vld.idx.msk [tilespmem:v55+s25+$0x0], $0xffff  }
0x488: {  	v44 =	vld.idx.msk [tilespmem:v39+s19+$0x0], $0xffff;
	v35 =	vmul.f32 v35, v38;
	v36 =	vadd.f32 v36, v40  }
0x489: {  	v59 =	vld.idx.msk [tilespmem:v39+s20+$0x0], $0xffff  }
0x48a: {  	v60 =	vld.idx.msk [tilespmem:v39+s21+$0x0], $0xffff;
	v61 =	vmul.f32 v42, v41;
	v35 =	vadd.f32 v35, v36  }
0x48b: {  	v62 =	vor.u32 v5, v33;
	v39 =	vld.idx.msk [tilespmem:v39+s25+$0x0], $0xffff  }
0x48c: {  	v63 =	vld.idx.msk [tilespmem:v58+s19+$0x0], $0xffff;
	v34 =	vmul.f32 v34, v43;
	v35 =	vadd.f32 v61, v35  }
0x48d: {  	v48 =	vld.idx.msk [tilespmem:v58+s20+$0x0], $0xffff  }
0x48e: {  	v49 =	vld.idx.msk [tilespmem:v58+s21+$0x0], $0xffff;
	v50 =	vmul.f32 v59, v44;
	v34 =	vadd.f32 v34, v35  }
0x48f: {  	v51 =	vor.u32 v6, v33;
	v37 =	vld.idx.msk [tilespmem:v58+s25+$0x0], $0xffff  }
0x490: {  	v52 =	vld.idx.msk [tilespmem:v62+s19+$0x0], $0xffff;
	v53 =	vmul.f32 v39, v60;
	v34 =	vadd.f32 v50, v34  }
0x491: {  	v54 =	vld.idx.msk [tilespmem:v62+s20+$0x0], $0xffff  }
0x492: {  	v55 =	vld.idx.msk [tilespmem:v62+s21+$0x0], $0xffff;
	v56 =	vmul.f32 v48, v63;
	v34 =	vadd.f32 v53, v34  }
0x493: {  	v58 =	vor.u32 v7, v33;
	v57 =	vld.idx.msk [tilespmem:v62+s25+$0x0], $0xffff  }
0x494: {  	v59 =	vld.idx.msk [tilespmem:v51+s19+$0x0], $0xffff;
	v60 =	vmul.f32 v37, v49;
	v34 =	vadd.f32 v56, v34  }
0x495: {  	v61 =	vld.idx.msk [tilespmem:v51+s20+$0x0], $0xffff  }
0x496: {  	v62 =	vld.idx.msk [tilespmem:v51+s21+$0x0], $0xffff;
	v63 =	vmul.f32 v54, v52;
	v34 =	vadd.f32 v60, v34  }
0x497: {  	v38 =	vld.idx.msk [tilespmem:v51+s25+$0x0], $0xffff;
	v48 =	vor.u32 v8, v33  }
0x498: {  	v49 =	vld.idx.msk [tilespmem:v58+s19+$0x0], $0xffff;
	v50 =	vmul.f32 v57, v55;
	v34 =	vadd.f32 v63, v34  }
0x499: {  	v51 =	vld.idx.msk [tilespmem:v58+s20+$0x0], $0xffff  }
0x49a: {  	v52 =	vld.idx.msk [tilespmem:v58+s21+$0x0], $0xffff;
	v53 =	vmul.f32 v61, v59;
	v34 =	vadd.f32 v50, v34  }
0x49b: {  	v54 =	vld.idx.msk [tilespmem:v58+s25+$0x0], $0xffff;
	v55 =	vor.u32 v9, v33  }
0x49c: {  	v58 =	vld.idx.msk [tilespmem:v48+s20+$0x0], $0xffff;
	v57 =	vmul.f32 v38, v62;
	v34 =	vadd.f32 v53, v34  }
0x49d: {  	v56 =	vld.idx.msk [tilespmem:v48+s19+$0x0], $0xffff  }
0x49e: {  	v59 =	vld.idx.msk [tilespmem:v48+s21+$0x0], $0xffff;
	v60 =	vmul.f32 v51, v49;
	v34 =	vadd.f32 v57, v34  }
0x49f: {  	v62 =	vor.u32 v10, v33;
	v61 =	vld.idx.msk [tilespmem:v48+s25+$0x0], $0xffff  }
0x4a0: {  	v47 =	vmul.f32 v54, v52;
	v48 =	vld.idx.msk [tilespmem:v55+s20+$0x0], $0xffff;
	v34 =	vadd.f32 v60, v34  }
0x4a1: {  	v63 =	vld.idx.msk [tilespmem:v55+s19+$0x0], $0xffff  }
0x4a2: {  	v49 =	vld.idx.msk [tilespmem:v55+s21+$0x0], $0xffff;
	v50 =	vmul.f32 v58, v56;
	v34 =	vadd.f32 v47, v34  }
0x4a3: {  	v52 =	vor.u32 v11, v33;
	v51 =	vld.idx.msk [tilespmem:v55+s25+$0x0], $0xffff  }
0x4a4: {  	v54 =	vmul.f32 v61, v59;
	v55 =	vld.idx.msk [tilespmem:v62+s20+$0x0], $0xffff;
	v34 =	vadd.f32 v50, v34  }
0x4a5: {  	v53 =	vld.idx.msk [tilespmem:v62+s19+$0x0], $0xffff  }
0x4a6: {  	v56 =	vld.idx.msk [tilespmem:v62+s21+$0x0], $0xffff;
	v57 =	vmul.f32 v48, v63;
	v34 =	vadd.f32 v54, v34  }
0x4a7: {  	v59 =	vor.u32 v12, v33;
	v58 =	vld.idx.msk [tilespmem:v62+s25+$0x0], $0xffff  }
0x4a8: {  	v61 =	vmul.f32 v51, v49;
	v62 =	vld.idx.msk [tilespmem:v52+s20+$0x0], $0xffff;
	v34 =	vadd.f32 v57, v34  }
0x4a9: {  	v60 =	vld.idx.msk [tilespmem:v52+s19+$0x0], $0xffff  }
0x4aa: {  	v49 =	vld.idx.msk [tilespmem:v52+s25+$0x0], $0xffff;
	v48 =	vmul.f32 v55, v53;
	v34 =	vadd.f32 v61, v34  }
0x4ab: {  	v63 =	vld.idx.msk [tilespmem:v52+s21+$0x0], $0xffff;
	v50 =	vor.u32 v13, v33  }
0x4ac: {  	v51 =	vld.idx.msk [tilespmem:v59+s19+$0x0], $0xffff;
	v52 =	vmul.f32 v58, v56;
	v34 =	vadd.f32 v48, v34  }
0x4ad: {  	v53 =	vld.idx.msk [tilespmem:v59+s20+$0x0], $0xffff  }
0x4ae: {  	v56 =	vld.idx.msk [tilespmem:v59+s25+$0x0], $0xffff;
	v55 =	vmul.f32 v62, v60;
	v34 =	vadd.f32 v52, v34  }
0x4af: {  	v54 =	vld.idx.msk [tilespmem:v59+s21+$0x0], $0xffff;
	v57 =	vor.u32 v14, v33  }
0x4b0: {  	v59 =	vmul.f32 v49, v63;
	v58 =	vld.idx.msk [tilespmem:v50+s19+$0x0], $0xffff;
	v34 =	vadd.f32 v55, v34  }
0x4b1: {  	v60 =	vld.idx.msk [tilespmem:v50+s20+$0x0], $0xffff  }
0x4b2: {  	v62 =	vmul.f32 v53, v51;
	v63 =	vld.idx.msk [tilespmem:v50+s25+$0x0], $0xffff;
	v34 =	vadd.f32 v59, v34  }
0x4b3: {  	v61 =	vld.idx.msk [tilespmem:v50+s21+$0x0], $0xffff;
	v48 =	vor.u32 v15, v33  }
0x4b4: {  	v50 =	vmul.f32 v56, v54;
	v49 =	vld.idx.msk [tilespmem:v57+s19+$0x0], $0xffff;
	v34 =	vadd.f32 v62, v34  }
0x4b5: {  	v51 =	vld.idx.msk [tilespmem:v57+s20+$0x0], $0xffff  }
0x4b6: {  	v54 =	vld.idx.msk [tilespmem:v57+s25+$0x0], $0xffff;
	v53 =	vmul.f32 v60, v58;
	v34 =	vadd.f32 v50, v34  }
0x4b7: {  	v52 =	vld.idx.msk [tilespmem:v57+s21+$0x0], $0xffff;
	v55 =	vor.u32 v16, v33  }
0x4b8: {  	v57 =	vmul.f32 v63, v61;
	v56 =	vld.idx.msk [tilespmem:v48+s19+$0x0], $0xffff;
	v34 =	vadd.f32 v53, v34  }
0x4b9: {  	v58 =	vld.idx.msk [tilespmem:v48+s20+$0x0], $0xffff  }
0x4ba: {  	v61 =	vld.idx.msk [tilespmem:v48+s25+$0x0], $0xffff;
	v60 =	vmul.f32 v51, v49;
	v34 =	vadd.f32 v57, v34  }
0x4bb: {  	v59 =	vld.idx.msk [tilespmem:v48+s21+$0x0], $0xffff;
	v62 =	vor.u32 v28, v33  }
0x4bc: {  	v47 =	vmul.f32 v54, v52;
	v63 =	vld.idx.msk [tilespmem:v55+s19+$0x0], $0xffff;
	v34 =	vadd.f32 v60, v34  }
0x4bd: {  	v48 =	vld.idx.msk [tilespmem:v55+s20+$0x0], $0xffff  }
0x4be: {  	v49 =	vld.idx.msk [tilespmem:v55+s21+$0x0], $0xffff;
	v50 =	vmul.f32 v58, v56;
	v34 =	vadd.f32 v47, v34  }
0x4bf: {  	v52 =	vor.u32 v17, v33;
	v51 =	vld.idx.msk [tilespmem:v55+s25+$0x0], $0xffff  }
0x4c0: {  	v54 =	vmul.f32 v61, v59;
	v53 =	vld.idx.msk [tilespmem:v62+s19+$0x0], $0xffff;
	v34 =	vadd.f32 v50, v34  }
0x4c1: {  	v55 =	vld.idx.msk [tilespmem:v62+s20+$0x0], $0xffff  }
0x4c2: {  	v56 =	vld.idx.msk [tilespmem:v62+s21+$0x0], $0xffff;
	v57 =	vmul.f32 v48, v63;
	v34 =	vadd.f32 v54, v34  }
0x4c3: {  	v59 =	vor.u32 v19, v33;
	v58 =	vld.idx.msk [tilespmem:v62+s25+$0x0], $0xffff  }
0x4c4: {  	v62 =	vld.idx.msk [tilespmem:v52+s20+$0x0], $0xffff;
	v61 =	vmul.f32 v51, v49;
	v34 =	vadd.f32 v57, v34  }
0x4c5: {  	v60 =	vld.idx.msk [tilespmem:v52+s19+$0x0], $0xffff  }
0x4c6: {  	v63 =	vld.idx.msk [tilespmem:v52+s21+$0x0], $0xffff;
	v48 =	vmul.f32 v55, v53;
	v34 =	vadd.f32 v61, v34  }
0x4c7: {  	v49 =	vld.idx.msk [tilespmem:v52+s25+$0x0], $0xffff;
	v50 =	vor.u32 v20, v33  }
0x4c8: {  	v51 =	vld.idx.msk [tilespmem:v59+s19+$0x0], $0xffff;
	v52 =	vmul.f32 v58, v56;
	v34 =	vadd.f32 v48, v34  }
0x4c9: {  	v53 =	vld.idx.msk [tilespmem:v59+s20+$0x0], $0xffff  }
0x4ca: {  	v56 =	vld.idx.msk [tilespmem:v59+s25+$0x0], $0xffff;
	v55 =	vmul.f32 v62, v60;
	v34 =	vadd.f32 v52, v34  }
0x4cb: {  	v54 =	vld.idx.msk [tilespmem:v59+s21+$0x0], $0xffff;
	v57 =	vor.u32 v18, v33  }
0x4cc: {  	v59 =	vmul.f32 v49, v63;
	v58 =	vld.idx.msk [tilespmem:v50+s19+$0x0], $0xffff;
	v34 =	vadd.f32 v55, v34  }
0x4cd: {  	v60 =	vld.idx.msk [tilespmem:v50+s20+$0x0], $0xffff  }
0x4ce: {  	v62 =	vmul.f32 v53, v51;
	v63 =	vld.idx.msk [tilespmem:v50+s25+$0x0], $0xffff;
	v34 =	vadd.f32 v59, v34  }
0x4cf: {  	v61 =	vld.idx.msk [tilespmem:v50+s21+$0x0], $0xffff;
	v48 =	vor.u32 v21, v33  }
0x4d0: {  	v50 =	vmul.f32 v56, v54;
	v49 =	vld.idx.msk [tilespmem:v57+s19+$0x0], $0xffff;
	v34 =	vadd.f32 v62, v34  }
0x4d1: {  	v51 =	vld.idx.msk [tilespmem:v57+s20+$0x0], $0xffff  }
0x4d2: {  	v54 =	vld.idx.msk [tilespmem:v57+s25+$0x0], $0xffff;
	v53 =	vmul.f32 v60, v58;
	v34 =	vadd.f32 v50, v34  }
0x4d3: {  	v52 =	vld.idx.msk [tilespmem:v57+s21+$0x0], $0xffff;
	v55 =	vor.u32 v22, v33  }
0x4d4: {  	v57 =	vmul.f32 v63, v61;
	v56 =	vld.idx.msk [tilespmem:v48+s19+$0x0], $0xffff;
	v34 =	vadd.f32 v53, v34  }
0x4d5: {  	v58 =	vld.idx.msk [tilespmem:v48+s20+$0x0], $0xffff  }
0x4d6: {  	v61 =	vld.idx.msk [tilespmem:v48+s25+$0x0], $0xffff;
	v60 =	vmul.f32 v51, v49;
	v34 =	vadd.f32 v57, v34  }
0x4d7: {  	v59 =	vld.idx.msk [tilespmem:v48+s21+$0x0], $0xffff;
	v62 =	vor.u32 v23, v33  }
0x4d8: {  	v47 =	vmul.f32 v54, v52;
	v63 =	vld.idx.msk [tilespmem:v55+s19+$0x0], $0xffff;
	v34 =	vadd.f32 v60, v34  }
0x4d9: {  	v48 =	vld.idx.msk [tilespmem:v55+s20+$0x0], $0xffff  }
0x4da: {  	v49 =	vld.idx.msk [tilespmem:v55+s21+$0x0], $0xffff;
	v50 =	vmul.f32 v58, v56;
	v34 =	vadd.f32 v47, v34  }
0x4db: {  	v52 =	vor.u32 v24, v33;
	v51 =	vld.idx.msk [tilespmem:v55+s25+$0x0], $0xffff  }
0x4dc: {  	v54 =	vmul.f32 v61, v59;
	v53 =	vld.idx.msk [tilespmem:v62+s19+$0x0], $0xffff;
	v34 =	vadd.f32 v50, v34  }
0x4dd: {  	v55 =	vld.idx.msk [tilespmem:v62+s20+$0x0], $0xffff  }
0x4de: {  	v56 =	vld.idx.msk [tilespmem:v62+s21+$0x0], $0xffff;
	v57 =	vmul.f32 v48, v63;
	v34 =	vadd.f32 v54, v34  }
0x4df: {  	v59 =	vor.u32 v25, v33;
	v58 =	vld.idx.msk [tilespmem:v62+s25+$0x0], $0xffff  }
0x4e0: {  	v62 =	vld.idx.msk [tilespmem:v52+s20+$0x0], $0xffff;
	v61 =	vmul.f32 v51, v49;
	v34 =	vadd.f32 v57, v34  }
0x4e1: {  	v60 =	vld.idx.msk [tilespmem:v52+s19+$0x0], $0xffff  }
0x4e2: {  	v63 =	vld.idx.msk [tilespmem:v52+s21+$0x0], $0xffff;
	v48 =	vmul.f32 v55, v53;
	v34 =	vadd.f32 v61, v34  }
0x4e3: {  	v49 =	vld.idx.msk [tilespmem:v52+s25+$0x0], $0xffff;
	v50 =	vor.u32 v26, v33  }
0x4e4: {  	v51 =	vld.idx.msk [tilespmem:v59+s19+$0x0], $0xffff;
	v52 =	vmul.f32 v58, v56;
	v34 =	vadd.f32 v48, v34  }
0x4e5: {  	v53 =	vld.idx.msk [tilespmem:v59+s20+$0x0], $0xffff  }
0x4e6: {  	v56 =	vld.idx.msk [tilespmem:v59+s25+$0x0], $0xffff;
	v55 =	vmul.f32 v62, v60;
	v34 =	vadd.f32 v52, v34  }
0x4e7: {  	v54 =	vld.idx.msk [tilespmem:v59+s21+$0x0], $0xffff;
	v57 =	vor.u32 v27, v33  }
0x4e8: {  	v59 =	vmul.f32 v49, v63;
	v58 =	vld.idx.msk [tilespmem:v50+s19+$0x0], $0xffff;
	v34 =	vadd.f32 v55, v34  }
0x4e9: {  	v60 =	vld.idx.msk [tilespmem:v50+s20+$0x0], $0xffff  }
0x4ea: {  	v62 =	vmul.f32 v53, v51;
	v63 =	vld.idx.msk [tilespmem:v50+s25+$0x0], $0xffff;
	v34 =	vadd.f32 v59, v34  }
0x4eb: {  	v61 =	vld.idx.msk [tilespmem:v50+s21+$0x0], $0xffff;
	v48 =	vor.u32 v29, v33  }
0x4ec: {  	v50 =	vmul.f32 v56, v54;
	v49 =	vld.idx.msk [tilespmem:v57+s19+$0x0], $0xffff;
	v34 =	vadd.f32 v62, v34  }
0x4ed: {  	v51 =	vld.idx.msk [tilespmem:v57+s20+$0x0], $0xffff  }
0x4ee: {  	v54 =	vld.idx.msk [tilespmem:v57+s25+$0x0], $0xffff;
	v53 =	vmul.f32 v60, v58;
	v34 =	vadd.f32 v50, v34  }
0x4ef: {  	v52 =	vld.idx.msk [tilespmem:v57+s21+$0x0], $0xffff;
	v55 =	vor.u32 v30, v33  }
0x4f0: {  	v57 =	vmul.f32 v63, v61;
	v56 =	vld.idx.msk [tilespmem:v48+s19+$0x0], $0xffff;
	v34 =	vadd.f32 v53, v34  }
0x4f1: {  	v58 =	vld.idx.msk [tilespmem:v48+s20+$0x0], $0xffff  }
0x4f2: {  	v61 =	vld.idx.msk [tilespmem:v48+s25+$0x0], $0xffff;
	v60 =	vmul.f32 v51, v49;
	v34 =	vadd.f32 v57, v34  }
0x4f3: {  	v59 =	vld.idx.msk [tilespmem:v48+s21+$0x0], $0xffff;
	v62 =	vor.u32 v31, v33  }
0x4f4: {  	v45 =	vmul.f32 v54, v52;
	v63 =	vld.idx.msk [tilespmem:v55+s19+$0x0], $0xffff;
	v34 =	vadd.f32 v60, v34  }
0x4f5: {  	v46 =	vld.idx.msk [tilespmem:v55+s20+$0x0], $0xffff  }
0x4f6: {  	v47 =	vld.idx.msk [tilespmem:v55+s21+$0x0], $0xffff;
	v48 =	vmul.f32 v58, v56;
	v34 =	vadd.f32 v45, v34  }
0x4f7: {  	v49 =	vld.idx.msk [tilespmem:v55+s25+$0x0], $0xffff;
	v50 =	vor.u32 v32, v33  }
0x4f8: {  	v52 =	vmul.f32 v61, v59;
	v51 =	vld.idx.msk [tilespmem:v62+s19+$0x0], $0xffff;
	v34 =	vadd.f32 v48, v34  }
0x4f9: {  	v53 =	vld.idx.msk [tilespmem:v62+s20+$0x0], $0xffff  }
0x4fa: {  	v54 =	vld.idx.msk [tilespmem:v62+s21+$0x0], $0xffff;
	v55 =	vmul.f32 v46, v63;
	v34 =	vadd.f32 v52, v34  }
0x4fb: {  	v56 =	vld.idx.msk [tilespmem:v62+s25+$0x0], $0xffff  }
0x4fc: {  	v58 =	vmul.f32 v49, v47;
	v57 =	vld.idx.msk [tilespmem:v50+s19+$0x0], $0xffff;
	v34 =	vadd.f32 v55, v34  }
0x4fd: {  	v59 =	vld.idx.msk [tilespmem:v50+s20+$0x0], $0xffff  }
0x4fe: {  	v33 =	vld.idx.msk [tilespmem:v50+s25+$0x0], $0xffff;
	v61 =	vmul.f32 v53, v51;
	v34 =	vadd.f32 v58, v34  }
0x4ff: {  	v60 =	vld.idx.msk [tilespmem:v50+s21+$0x0], $0xffff  }
0x500: {  	v62 =	vmul.f32 v56, v54;
	v34 =	vadd.f32 v61, v34;
	_ =	sdelay $0x1  }
0x501: {  	v63 =	vmul.f32 v59, v57;
	v34 =	vadd.f32 v62, v34;
	_ =	sdelay $0x1  }
0x502: {  	s31 =	sadd.s32 $0x1, s31;
	v33 =	vmul.f32 v33, v60;
	v34 =	vadd.f32 v63, v34  }
0x503: {  	s22 =	rddreg [dreg:$0xe];
	p0 =	sne.s32 s31, $0x20  }
.Ltmp2:
0x504: {  	s4 =	sadd.s32 s4, s22;
	v33 =	vadd.f32 v33, v34;
	(pc) =	sbr.rel @p0 .LBB2_2-.Ltmp2, $4  }
0x505: {  	s4 =	sshrl.u32 s4, $0x3;
	s0 =	sadd.s32 $0x10, s0  }
0x506: {  	s24 =	simm.s32 $0x1A130;
	s23 =	sadd.s32 s13, s4;
	[tilespmem:s0+$0x0] =	vst v33  }
0x507: {  	[hbm4b:s23+s2] =	stream.linear.scatter [tilespmem:s24], [sflag:$0x6], $0x190, $0x38;
	[tilespmem:$0x1A2C0] =	vst v63  }
0x508: {  	s23 =	smov.u32 s26  }
0x509: {  	s0 =	simm.s32 $0x5  }
0x50a: {  	_ =	swait.ge [sflag:s0], $0x190  }
0x50b: {  	[sflag:s0] =	ssyncset.done $0x0  }
0x50c: {  	s4 =	simm.s32 $0x6;
	[sflag:s0] =	ssyncadd.s32 $0xFFFFFE70  }
0x50d: {  	_ =	swait.ge [sflag:s4], $0x190  }
0x50e: {  	s10 =	rddreg [dreg:$0x10]  }
0x50f: {  	s31 =	rddreg [dreg:$0xf];
	s10 =	sadd.s32 $0x1, s10  }
0x510: {  	p0 =	sne.s32 s10, s31  }
.Ltmp3:
0x511: {  	_ = 	snop;
	(pc) =	sbr.rel @p0 .LBB2_1-.Ltmp3, $3  }
0x512: {  	_ =	sdelay $0x1  }
0x513: {  	[sflag:s4] =	ssyncset.done $0x0  }
0x514: {  	[sflag:s4] =	ssyncadd.s32 $0xFFFFFE70  }
0x515: {  	_ =	sfence.sel $0x180000  }
0x516: {  	[bflag:$0x0] =	sbarrier.arrive $0xFFFF  }
0x517: {  	_ =	strace $0x90000047  }
0x518: {  	s0 =	stileid.u32;
	[bflag:$0x2] =	sbarrier.arrive $0xFFFF  }
0x519: {  	p0 =	sne.s32 s0, $0x0;
	s0 =	rddreg [dreg:$0x2]  }
0x51a: {  	s0 =	sadd.s32 @!p0 $0x100000, s0  }
0x51b: {  	[sflag:s0] =	ssyncadd.tile.s32 @!p0 $0x1;
	_ =	shalt  }
.Lfunc_end2:
_tile_overlayer_lowered:
.L_overlay_start_2:
0x51c: {  	(tag) =	ssettag $0x2  }
0x51d: {  	s0 =	rddreg [dreg:$0x0];
	s2 =	stileid.u32  }
0x51e: {  	s1 =	rddreg [dreg:$0x1];
	p0 =	sne.s32 s2, $0x0  }
0x51f: {  	s3 =	rddreg [dreg:$0x2];
	[bflag:$0x3] =	sbarrier.arrive $0xFFFF;
	s2 =	simm.s32 @!p0 $0x1C07  }
0x520: {  	[timem:s3], [sflag:s2] =	dma.local @!p0 [hbm:s0], s1  }
0x521: {  	s0 =	simm.s32 @!p0 $0x7  }
0x522: {  	_ =	swait.ge @!p0 [sflag:s0], s1  }
0x523: {  	s1 =	ssub.s32 @!p0 $0x0, s1;
	[sflag:s0] =	ssyncset.done @!p0 $0x0  }
0x524: {  	[sflag:s0] =	ssyncadd.s32 @!p0 s1  }
0x525: {  	[bflag:$0x3] =	sbarrier.arrive $0xFFFF  }
0x526: {  	_ =	shalt  }

</sc_bundles>
